<compile_context>
chip_gen: v7x
topology: tpu7x:2x2x1
jax: 0.10.2.dev20260603
libtpu: 0.0.44.dev20260713+nightly
codegen_flags: <defaults>
</compile_context>

<pallas_src>
import functools

import jax
import jax.numpy as jnp
from jax import lax
from jax.experimental import pallas as pl
from jax.experimental.pallas import tpu as pltpu
from jax.experimental.pallas import tpu_sc as plsc

N = 4096
D = 128
E = 262144
TAU = 0.5
K_CLU = 10

NC = 2
NS = 16
NW = NC * NS
CH = 128
EW = E // NW
NCHUNK = EW // CH
NBUF = 2
BI = 512
NI = N // BI

_f32 = jnp.float32



def _make_sc_prop(k_in: int, dw: int, nbuf: int):
    assert NCHUNK % nbuf == 0
    mesh = plsc.VectorSubcoreMesh(core_axis_name="c", subcore_axis_name="s")

    scratch = [
        pltpu.VMEM((NCHUNK, CH), jnp.int32),
        pltpu.VMEM((NCHUNK, CH), jnp.int32),
    ]
    scratch += [pltpu.VMEM((CH, dw), _f32) for _ in range(nbuf)]
    scratch += [pltpu.VMEM_SHARED((N, dw), _f32)]
    scratch += [pltpu.SemaphoreType.DMA for _ in range(nbuf)]
    scratch += [pltpu.SemaphoreType.DMA for _ in range(nbuf)]

    @functools.partial(
        pl.kernel,
        out_type=jax.ShapeDtypeStruct((k_in, 2, N, dw), _f32),
        mesh=mesh, scratch_types=scratch)
    def sc_prop(*refs):
        hs = refs[:k_in]
        src_hbm, dst_hbm, zeros_hbm, out_hbm = refs[k_in:k_in + 4]
        pos = k_in + 4
        idx_s, idx_d = refs[pos:pos + 2]; pos += 2
        rows = refs[pos:pos + nbuf]; pos += nbuf
        acc = refs[pos]; pos += 1
        gsem = refs[pos:pos + nbuf]; pos += nbuf
        ssem = refs[pos:pos + nbuf]

        c = lax.axis_index("c")
        s = lax.axis_index("s")
        w = s * NC + c
        rs = N // NS

        pltpu.sync_copy(src_hbm.at[pl.ds(w * NCHUNK, NCHUNK)], idx_s)
        pltpu.sync_copy(dst_hbm.at[pl.ds(w * NCHUNK, NCHUNK)], idx_d)

        for k in range(k_in):
            pltpu.sync_copy(zeros_hbm.at[pl.ds(s * rs, rs)],
                            acc.at[pl.ds(s * rs, rs)])
            plsc.subcore_barrier()

            h_ref = hs[k]
            for b in range(nbuf):
                pltpu.async_copy(h_ref.at[idx_s.at[b]], rows[b], gsem[b])

            rounds = NCHUNK // nbuf

            def body(r, carry):
                for b in range(nbuf):
                    j = r * nbuf + b
                    pltpu.make_async_copy(h_ref.at[idx_s.at[j]], rows[b],
                                          gsem[b]).wait()
                    pltpu.async_copy(rows[b], acc.at[idx_d.at[j]], ssem[b],
                                     add=True)

                    @pl.when(r + 1 < rounds)
                    def _():
                        pltpu.make_async_copy(rows[b], acc.at[idx_d.at[j]],
                                              ssem[b]).wait()
                        pltpu.async_copy(h_ref.at[idx_s.at[j + nbuf]],
                                         rows[b], gsem[b])
                return carry

            lax.fori_loop(0, rounds, body, 0)
            for b in range(nbuf):
                pltpu.make_async_copy(
                    rows[b], acc.at[idx_d.at[NCHUNK - nbuf + b]],
                    ssem[b]).wait()
            plsc.subcore_barrier()
            pltpu.sync_copy(acc.at[pl.ds(s * rs, rs)],
                            out_hbm.at[k, c, pl.ds(s * rs, rs)])
            plsc.subcore_barrier()


    return sc_prop


def _make_sc_cnt():
    mesh = plsc.VectorSubcoreMesh(core_axis_name="c", subcore_axis_name="s")

    scratch = [
        pltpu.VMEM((NCHUNK, CH), jnp.int32),
        pltpu.VMEM((CH, 128), _f32),
        pltpu.VMEM_SHARED((N, 128), _f32),
    ]

    @functools.partial(
        pl.kernel,
        out_type=jax.ShapeDtypeStruct((2, N, 128), _f32),
        mesh=mesh, scratch_types=scratch)
    def sc_cnt(dst_hbm, zeros_hbm, ones_hbm, cnt_hbm, idx_d, ones_v, cacc):
        c = lax.axis_index("c")
        s = lax.axis_index("s")
        w = s * NC + c
        rs = N // NS

        pltpu.sync_copy(dst_hbm.at[pl.ds(w * NCHUNK, NCHUNK)], idx_d)
        pltpu.sync_copy(ones_hbm, ones_v)
        pltpu.sync_copy(zeros_hbm.at[pl.ds(s * rs, rs)],
                        cacc.at[pl.ds(s * rs, rs)])
        plsc.subcore_barrier()

        def body(j, carry):
            pltpu.sync_copy(ones_v, cacc.at[idx_d.at[j]], add=True)
            return carry

        lax.fori_loop(0, NCHUNK, body, 0)
        plsc.subcore_barrier()
        pltpu.sync_copy(cacc.at[pl.ds(s * rs, rs)],
                        cnt_hbm.at[c, pl.ds(s * rs, rs)])

    return sc_cnt


def _sc_prop_call(h, src2d, dst2d):
    dw = h.shape[1]
    out = _make_sc_prop(1, dw, 4)(h, src2d, dst2d, jnp.zeros((N, dw), _f32))
    return out[0]


def _sc_cnt_call(dst2d):
    ones = jnp.zeros((CH, 128), _f32).at[:, 0].set(1.0)
    return _make_sc_cnt()(dst2d, jnp.zeros((N, 128), _f32), ones)



def _dotf(a, b):
    return jnp.dot(a, b, preferred_element_type=_f32)


def _elu(x):
    return jnp.where(x > 0, x, jnp.exp(jnp.minimum(x, 0.0)) - 1.0)


def _k_pre(f0, f1, Wp0, bp0, Wp1, bp1):
    def body(f0r, f1r, w0r, b0r, w1r, b1r, zr):
        zr[:, :D] = jnp.maximum(_dotf(f0r[...], w0r[...]) + b0r[...], 0.0)
        zr[:, D:] = jnp.maximum(_dotf(f1r[...], w1r[...]) + b1r[...], 0.0)

    return pl.pallas_call(
        body,
        out_shape=jax.ShapeDtypeStruct((N, 2 * D), _f32),
    )(f0, f1, Wp0, bp0.reshape(1, D), Wp1, bp1.reshape(1, D))


def _k_layer1(z01, P1, cnt, We0, be0):
    def body(zr, P1r, cntr, Wr, br, lpr, hpr):
        inv = 1.0 / jnp.maximum(cntr[0, :, 0:1] + cntr[1, :, 0:1], 1.0)
        W = Wr[...]
        b = br[...]
        ag = (P1r[0, 0] + P1r[0, 1]) * inv
        z = zr[...]
        lpr[:, :D] = jnp.maximum(_dotf(ag[:, :D], W) + b, 0.0)
        lpr[:, D:] = jnp.maximum(_dotf(ag[:, D:], W) + b, 0.0)
        hpr[:, :D] = jnp.maximum(_dotf(z[:, :D] - ag[:, :D], W) + b, 0.0)
        hpr[:, D:] = jnp.maximum(_dotf(z[:, D:] - ag[:, D:], W) + b, 0.0)

    return pl.pallas_call(
        body,
        out_shape=[jax.ShapeDtypeStruct((N, 2 * D), _f32)] * 2,
    )(z01, P1, cnt, We0, be0.reshape(1, D))


def _k_enc2(P2, Hhp, cnt, We1, be1, Wa, ba, qa):
    def body(P2r, hpr, cntr, Wr, br, War, bar, qar, Zsr, zr):
        deg = jnp.maximum(cntr[0, :, 0:1] + cntr[1, :, 0:1], 1.0)
        inv = 1.0 / deg
        W = Wr[...]
        b = br[...]
        aglp = (P2r[0, 0] + P2r[0, 1]) * inv
        aghp = (P2r[1, 0] + P2r[1, 1]) * inv
        hp = hpr[...]
        outs = []
        ags = (aglp[:, :D], aglp[:, D:],
               hp[:, :D] - aghp[:, :D], hp[:, D:] - aghp[:, D:])
        for k, ag in enumerate(ags):
            o = jnp.maximum(_dotf(ag, W) + b, 0.0)
            Zsr[k] = o
            outs.append(o)
        zml = (outs[0] + outs[1]) * 0.5
        zmh = (outs[2] + outs[3]) * 0.5
        qv = qar[...]
        tl = jnp.tanh(_dotf(zml, War[...]) + bar[...])
        th = jnp.tanh(_dotf(zmh, War[...]) + bar[...])
        sl = jnp.mean(jnp.sum(tl * qv, axis=1))
        sh = jnp.mean(jnp.sum(th * qv, axis=1))
        m = jnp.maximum(sl, sh)
        el = jnp.exp(sl - m)
        eh = jnp.exp(sh - m)
        bl = el / (el + eh)
        bh = eh / (el + eh)
        zr[...] = bl * zml + bh * zmh

    return pl.pallas_call(
        body,
        out_shape=[jax.ShapeDtypeStruct((4, N, D), _f32),
                   jax.ShapeDtypeStruct((N, D), _f32)],
    )(P2, Hhp, cnt, We1, be1.reshape(1, D), Wa, ba.reshape(1, D),
      qa.reshape(1, D))


def _k_proj(Zs, z, Wcl1, bcl1, Wcl2, bcl2, Wch1, bch1, Wch2, bch2):
    def body(Zsr, zr, W1lr, b1lr, W2lr, b2lr, W1hr, b1hr, W2hr, b2hr, Hr):
        def proj(t, W1, b1, W2, b2):
            h = _dotf(_elu(_dotf(t, W1) + b1), W2) + b2
            nrm = jnp.sqrt(jnp.sum(h * h, axis=1, keepdims=True)) + 1e-8
            return h / nrm

        W1l, b1l, W2l, b2l = W1lr[...], b1lr[...], W2lr[...], b2lr[...]
        W1h, b1h, W2h, b2h = W1hr[...], b1hr[...], W2hr[...], b2hr[...]
        zz = zr[...]
        Hr[0] = proj(Zsr[0], W1l, b1l, W2l, b2l)
        Hr[1] = proj(Zsr[1], W1l, b1l, W2l, b2l)
        Hr[2] = proj(zz, W1l, b1l, W2l, b2l)
        Hr[3] = proj(Zsr[2], W1h, b1h, W2h, b2h)
        Hr[4] = proj(Zsr[3], W1h, b1h, W2h, b2h)
        Hr[5] = proj(zz, W1h, b1h, W2h, b2h)

    return pl.pallas_call(
        body,
        out_shape=jax.ShapeDtypeStruct((6, N, D), _f32),
    )(Zs, z, Wcl1, bcl1.reshape(1, D), Wcl2, bcl2.reshape(1, D),
      Wch1, bch1.reshape(1, D), Wch2, bch2.reshape(1, D))


def _k_sim(H):
    def body(ha_ref, hb_ref, R_ref, C_ref, Dg_ref):
        i = pl.program_id(1)
        ha = ha_ref[0]
        hb = hb_ref[0]
        logits = lax.dot_general(ha.astype(jnp.bfloat16),
                                 hb.astype(jnp.bfloat16),
                                 (((1,), (1,)), ((), ())),
                                 preferred_element_type=_f32) * (1.0 / TAU)
        sim = jnp.exp(logits)
        R_ref[0, 0] = jnp.sum(sim, axis=1)

        @pl.when(i == 0)
        def _():
            C_ref[...] = jnp.zeros((1, 1, N), _f32)

        C_ref[0, 0] += jnp.sum(sim, axis=0)
        hbd = hb_ref[0, pl.ds(i * BI, BI), :]
        Dg_ref[0, 0] = jnp.exp(jnp.sum(ha * hbd, axis=1) * (1.0 / TAU))

    return pl.pallas_call(
        body,
        grid=(4, NI),
        in_specs=[
            pl.BlockSpec((1, BI, D), lambda p, i: (p + p // 2, i, 0)),
            pl.BlockSpec((1, N, D), lambda p, i: (2 + 3 * (p // 2), 0, 0)),
        ],
        out_specs=[
            pl.BlockSpec((1, 1, BI), lambda p, i: (p, 0, i)),
            pl.BlockSpec((1, 1, N), lambda p, i: (p, 0, 0)),
            pl.BlockSpec((1, 1, BI), lambda p, i: (p, 0, i)),
        ],
        out_shape=[jax.ShapeDtypeStruct((4, 1, N), _f32)] * 3,
    )(H, H)


def _k_final(z, Zs, R, C, Dg, f0, f1, Wd1, bd1, Wd2, bd2):
    def body(zr, Zsr, Rr, Cr, Dgr, f0r, f1r, W1ar, W1br, b1r, W2r, b2r,
             loss_ref, lab_ref):
        W1a, W1b, b1 = W1ar[...], W1br[...], b1r[...]
        W2, b2 = W2r[...], b2r[...]
        loss_rec = 0.0
        for v, fr in ((0, f0r), (1, f1r)):
            t = _elu(_dotf(Zsr[v], W1a) + _dotf(Zsr[2 + v], W1b) + b1)
            rec = _dotf(t, W2) + b2
            f = fr[...]
            xn = rec / (jnp.sqrt(jnp.sum(rec * rec, axis=1,
                                         keepdims=True)) + 1e-8)
            yn = f / (jnp.sqrt(jnp.sum(f * f, axis=1, keepdims=True)) + 1e-8)
            cos = jnp.sum(xn * yn, axis=1)
            loss_rec = loss_rec + jnp.mean((1.0 - cos) ** 2)
        loss_rec = loss_rec * 0.5

        Rv, Cv, Dv = Rr[...], Cr[...], Dgr[...]
        l_ab = -jnp.mean(jnp.log(Dv / Rv + 1e-8), axis=1)
        l_ba = -jnp.mean(jnp.log(Dv / Cv + 1e-8), axis=1)
        loss_l = jnp.sum(0.5 * (l_ab + l_ba))

        zz = zr[...]
        cols = []
        for k in range(K_CLU):
            ck = zz[k:k + 1, :]
            d2 = jnp.sum((zz - ck) ** 2, axis=1, keepdims=True)
            cols.append(1.0 / (1.0 + d2))
        cols.append(jnp.zeros((N, 128 - K_CLU), _f32))
        q = jnp.concatenate(cols, axis=1)
        qn = q / jnp.sum(q, axis=1, keepdims=True)
        colmask = (lax.broadcasted_iota(jnp.int32, (1, 128), 1) < K_CLU)
        qcol = jnp.sum(qn, axis=0, keepdims=True)
        fq = jnp.where(colmask, qn * qn / qcol, 0.0)
        p = fq / jnp.sum(fq, axis=1, keepdims=True)
        kl = jnp.sum(p * jnp.log((p + 1e-8) / (qn + 1e-8)), axis=1)
        loss_clu = jnp.mean(kl)

        maxq = jnp.max(qn, axis=1, keepdims=True)
        ii = lax.broadcasted_iota(jnp.int32, (N, 128), 1)
        lab = jnp.min(jnp.where(qn >= maxq, ii, 128), axis=1)
        lab_ref[...] = lab.reshape(1, N)

        loss_ref[...] = jnp.reshape(loss_rec + loss_clu + loss_l, (1, 1))

    return pl.pallas_call(
        body,
        out_shape=[jax.ShapeDtypeStruct((1, 1), _f32),
                   jax.ShapeDtypeStruct((1, N), jnp.int32)],
    )(z, Zs, R, C, Dg, f0, f1, Wd1[:D], Wd1[D:], bd1.reshape(1, D),
      Wd2, bd2.reshape(1, D))



def kernel(f0, f1, Wp0, bp0, Wp1, bp1, We0, be0, We1, be1, Wa, ba, qa,
           Wcl1, bcl1, Wcl2, bcl2, Wch1, bch1, Wch2, bch2, Wd1, bd1, Wd2, bd2,
           edge_index):
    src2d = edge_index[0].reshape(E // CH, CH)
    dst2d = edge_index[1].reshape(E // CH, CH)

    z01 = _k_pre(f0, f1, Wp0, bp0, Wp1, bp1)

    cnt = _sc_cnt_call(dst2d)

    def prop_cat(hcat):
        pa = _sc_prop_call(hcat[:, :D], src2d, dst2d)
        pb = _sc_prop_call(hcat[:, D:], src2d, dst2d)
        return jnp.concatenate([pa, pb], axis=-1)

    P1 = prop_cat(z01)[None]

    Hlp, Hhp = _k_layer1(z01, P1, cnt, We0, be0)

    P2 = jnp.stack([prop_cat(Hlp), prop_cat(Hhp)])

    Zs, z = _k_enc2(P2, Hhp, cnt, We1, be1, Wa, ba, qa)

    H = _k_proj(Zs, z, Wcl1, bcl1, Wcl2, bcl2, Wch1, bch1, Wch2, bch2)

    R, C, Dg = _k_sim(H)
    R, C, Dg = R.reshape(4, N), C.reshape(4, N), Dg.reshape(4, N)

    loss2d, lab2d = _k_final(z, Zs, R, C, Dg, f0, f1, Wd1, bd1, Wd2, bd2)

    return loss2d.reshape(()), lab2d.reshape(N)

# --- scband reference (transcript-rebuilt; emitter-appended) ---
"""Pipeline reference for scband-model-35974646072071 (READ-ONLY COPY).

The authoritative reference and input builder live on the scoring server;
editing this copy changes nothing except your own understanding.
"""

import jax, jax.numpy as jnp
import numpy as np

N = 4096
E = 262144
D_FEAT = 128
HID = 128
EMB = 128
K_CLU = 10
TAU = 0.5


def setup_inputs(seed: int = 0):
    key = jax.random.key(seed)
    ks = jax.random.split(key, 32)

    def w(k, shape, fan_in):
        return (jax.random.normal(k, shape, dtype=jnp.float32) / np.sqrt(fan_in)).astype(jnp.float32)

    inp = {}
    inp['f0'] = jax.random.normal(ks[0], (N, D_FEAT), dtype=jnp.float32)
    inp['f1'] = jax.random.normal(ks[1], (N, D_FEAT), dtype=jnp.float32)
    inp['Wp0'] = w(ks[3], (D_FEAT, HID), D_FEAT); inp['bp0'] = jnp.zeros((HID,), jnp.float32)
    inp['Wp1'] = w(ks[4], (D_FEAT, HID), D_FEAT); inp['bp1'] = jnp.zeros((HID,), jnp.float32)
    inp['We0'] = w(ks[5], (HID, HID), HID); inp['be0'] = jnp.zeros((HID,), jnp.float32)
    inp['We1'] = w(ks[6], (HID, HID), HID); inp['be1'] = jnp.zeros((HID,), jnp.float32)
    inp['Wa'] = w(ks[7], (HID, HID), HID); inp['ba'] = jnp.zeros((HID,), jnp.float32)
    inp['qa'] = w(ks[8], (HID,), HID)
    inp['Wcl1'] = w(ks[9], (HID, HID), HID); inp['bcl1'] = jnp.zeros((HID,), jnp.float32)
    inp['Wcl2'] = w(ks[10], (HID, HID), HID); inp['bcl2'] = jnp.zeros((HID,), jnp.float32)
    inp['Wch1'] = w(ks[11], (HID, HID), HID); inp['bch1'] = jnp.zeros((HID,), jnp.float32)
    inp['Wch2'] = w(ks[12], (HID, HID), HID); inp['bch2'] = jnp.zeros((HID,), jnp.float32)
    inp['Wd1'] = w(ks[13], (2 * HID, EMB), 2 * HID); inp['bd1'] = jnp.zeros((EMB,), jnp.float32)
    inp['Wd2'] = w(ks[14], (EMB, D_FEAT), EMB); inp['bd2'] = jnp.zeros((D_FEAT,), jnp.float32)
    inp['edge_index'] = jax.random.randint(ks[2], (2, E), 0, N, dtype=jnp.int32)
    return inp


def _forward(f0, f1, Wp0, bp0, Wp1, bp1, We0, be0, We1, be1, Wa, ba, qa,
             Wcl1, bcl1, Wcl2, bcl2, Wch1, bch1, Wch2, bch2, Wd1, bd1, Wd2, bd2,
             edge_index):
    src = edge_index[0]
    dst = edge_index[1]
    deg = jax.ops.segment_sum(jnp.ones((E,), jnp.float32), dst, num_segments=N)
    deg = jnp.clip(deg, 1.0, None)

    def prop(h):
        # sparse adjacency matmul: gather from src nodes, scatter-add to dst nodes
        return jax.ops.segment_sum(h[src], dst, num_segments=N) / deg[:, None]

    def encode(h, highpass):
        # GraphEncoder with nlayer=2; low-pass uses A_hat x, high-pass uses L x = x - A_hat x
        for W, b in ((We0, be0), (We1, be1)):
            ag = prop(h)
            if highpass:
                ag = h - ag
            h = jax.nn.relu(ag @ W + b)
        return h

    # per-view projections (dropout=0.0 -> identity)
    z0 = jax.nn.relu(f0 @ Wp0 + bp0)
    z1 = jax.nn.relu(f1 @ Wp1 + bp1)
    z_list = [z0, z1]
    f_list = [f0, f1]

    z_lps = [encode(z, False) for z in z_list]
    z_hps = [encode(z, True) for z in z_list]
    z_mean_l = (z_lps[0] + z_lps[1]) / 2.0
    z_mean_h = (z_hps[0] + z_hps[1]) / 2.0

    # Attention_shared: semantic attention over low/high-pass mean embeddings
    def att_score(zz):
        return jnp.mean(jnp.tanh(zz @ Wa + ba) @ qa)

    s = jnp.stack([att_score(z_mean_l), att_score(z_mean_h)])
    beta = jax.nn.softmax(s)
    z = beta[0] * z_mean_l + beta[1] * z_mean_h

    # Contrast: shared 2-layer projection, exp(cos/tau) similarity, identity positives
    # (pos = eye(N); (sim*pos).sum(1) == diag(sim), extracted directly to avoid NxN mask)
    def contrast(za, zb, W1, b1, W2, b2):
        def proj(t):
            return jax.nn.elu(t @ W1 + b1) @ W2 + b2
        ha = proj(za)
        hb = proj(zb)
        ha = ha / (jnp.linalg.norm(ha, axis=1, keepdims=True) + 1e-8)
        hb = hb / (jnp.linalg.norm(hb, axis=1, keepdims=True) + 1e-8)
        sim = jnp.exp(ha @ hb.T / TAU)
        d = jnp.diagonal(sim)
        l_ab = -jnp.log(d / sim.sum(axis=1) + 1e-8).mean()
        l_ba = -jnp.log(d / sim.sum(axis=0) + 1e-8).mean()
        return 0.5 * (l_ab + l_ba)

    # sce_loss: scaled cosine error
    def sce(x, y, alpha=2.0):
        xn = x / (jnp.linalg.norm(x, axis=1, keepdims=True) + 1e-8)
        yn = y / (jnp.linalg.norm(y, axis=1, keepdims=True) + 1e-8)
        return jnp.mean((1.0 - jnp.sum(xn * yn, axis=1)) ** alpha)

    loss_rec = 0.0
    for i in range(2):
        rec_in = jnp.concatenate([z_lps[i], z_hps[i]], axis=-1)
        fea_rec = jax.nn.elu(rec_in @ Wd1 + bd1) @ Wd2 + bd2
        loss_rec = loss_rec + sce(fea_rec, f_list[i])
    loss_rec = loss_rec / 2.0

    loss_l = 0.0
    for i in range(2):
        loss_l = loss_l + contrast(z_lps[i], z, Wcl1, bcl1, Wcl2, bcl2)
        loss_l = loss_l + contrast(z_hps[i], z, Wch1, bch1, Wch2, bch2)

    # KL_clustering: DEC-style student-t soft assignment with stop-gradient centers
    centers = jax.lax.stop_gradient(z[:K_CLU])
    d2 = jnp.sum((z[:, None, :] - centers[None, :, :]) ** 2, axis=-1)
    q = 1.0 / (1.0 + d2)
    q = q / q.sum(axis=1, keepdims=True)
    p = (q ** 2) / q.sum(axis=0, keepdims=True)
    p = p / p.sum(axis=1, keepdims=True)
    loss_clu = jnp.mean(jnp.sum(p * jnp.log((p + 1e-8) / (q + 1e-8)), axis=1))
    pseudo_label = jnp.argmax(q, axis=1)

    loss = loss_rec + loss_clu + loss_l
    return loss, pseudo_label


def reference(f0, f1, Wp0, bp0, Wp1, bp1, We0, be0, We1, be1, Wa, ba, qa,
              Wcl1, bcl1, Wcl2, bcl2, Wch1, bch1, Wch2, bch2, Wd1, bd1, Wd2, bd2,
              edge_index):
    return _forward(f0, f1, Wp0, bp0, Wp1, bp1, We0, be0, We1, be1, Wa, ba, qa,
                    Wcl1, bcl1, Wcl2, bcl2, Wch1, bch1, Wch2, bch2, Wd1, bd1, Wd2, bd2,
                    edge_index)


if False:  # reference __main__ guard neutralized (emitter)
    out = reference(**setup_inputs())
    print(out[0], out[1].shape)

if __name__ == "__main__":
    import jax
    _d = setup_inputs()
    print(jax.jit(kernel)(*tuple(_d.values())))

</pallas_src>

<mosaic_0001>
#map = affine_map<(d0, d1) -> (0, 0)>
#map1 = affine_map<(d0, d1) -> (0, 0, 0)>
module attributes {stable_mosaic.version = 14 : i64} {
  func.func @sc_cnt(%arg0: i32, %arg1: i32, %arg2: memref<2048x128xi32, #tpu.memory_space<hbm>>, %arg3: memref<4096x128xf32, #tpu.memory_space<hbm>>, %arg4: memref<128x128xf32, #tpu.memory_space<hbm>>, %arg5: memref<2x4096x128xf32, #tpu.memory_space<hbm>>, %arg6: memref<64x128xi32, #tpu.memory_space<vmem>>, %arg7: memref<128x128xf32, #tpu.memory_space<vmem>>, %arg8: memref<4096x128xf32, #tpu.memory_space<vmem_shared>>) attributes {dimension_semantics = [#tpu.dimension_semantics<core_parallel>, #tpu.dimension_semantics<subcore_parallel>], iteration_bounds = array<i64: 2, 16>, scalar_prefetch = 0 : i64, scratch_operands = 3 : i64, tpu.core_type = #tpu.core_type<sc_vector_subcore>, window_params = [{transform_indices = #map}, {transform_indices = #map}, {transform_indices = #map}, {transform_indices = #map1}]} {
    %mul3A = arith.constant 2 : i32
    %mul3A_0 = arith.muli %arg1, %mul3A : i32
    %add3A = arith.addi %mul3A_0, %arg0 : i32
    %mul3A_1 = arith.constant 64 : i32
    %mul3A_2 = arith.muli %add3A, %mul3A_1 : i32
    "tpu.region"() ({
      %run_scoped3A = tpu.sem_alloc : memref<!tpu.dma_semaphore, #tpu.memory_space<semaphore_mem>>
      %dma_start3A = arith.constant 0 : i32
      %dma_start3A_17 = tpu.memref_slice %arg2[%mul3A_2, %dma_start3A] : memref<2048x128xi32, #tpu.memory_space<hbm>> -> memref<64x128xi32, #tpu.memory_space<hbm>>
      %dma_start3A_18 = arith.constant 0 : i32
      %dma_start3A_19 = tpu.memref_slice %arg2[%mul3A_2, %dma_start3A_18] : memref<2048x128xi32, #tpu.memory_space<hbm>> -> memref<64x128xi32, #tpu.memory_space<hbm>>
      tpu.enqueue_dma source(%dma_start3A_19 : memref<64x128xi32, #tpu.memory_space<hbm>>) target(%arg6 : memref<64x128xi32, #tpu.memory_space<vmem>>) target_semaphore(%run_scoped3A : memref<!tpu.dma_semaphore, #tpu.memory_space<semaphore_mem>>)
      %dma_wait3A = arith.constant 0 : i32
      %dma_wait3A_20 = tpu.memref_slice %arg2[%mul3A_2, %dma_wait3A] : memref<2048x128xi32, #tpu.memory_space<hbm>> -> memref<64x128xi32, #tpu.memory_space<hbm>>
      %dma_wait3A_21 = arith.constant 0 : i32
      %dma_wait3A_22 = tpu.memref_slice %arg2[%mul3A_2, %dma_wait3A_21] : memref<2048x128xi32, #tpu.memory_space<hbm>> -> memref<64x128xi32, #tpu.memory_space<hbm>>
      tpu.wait_dma2 semaphore(%run_scoped3A : memref<!tpu.dma_semaphore, #tpu.memory_space<semaphore_mem>>) src(%dma_wait3A_22 : memref<64x128xi32, #tpu.memory_space<hbm>>) dst(%arg6 : memref<64x128xi32, #tpu.memory_space<vmem>>)
      tpu.yield
    }) : () -> ()
    "tpu.region"() ({
      %run_scoped3A = tpu.sem_alloc : memref<!tpu.dma_semaphore, #tpu.memory_space<semaphore_mem>>
      tpu.enqueue_dma source(%arg4 : memref<128x128xf32, #tpu.memory_space<hbm>>) target(%arg7 : memref<128x128xf32, #tpu.memory_space<vmem>>) target_semaphore(%run_scoped3A : memref<!tpu.dma_semaphore, #tpu.memory_space<semaphore_mem>>)
      tpu.wait_dma2 semaphore(%run_scoped3A : memref<!tpu.dma_semaphore, #tpu.memory_space<semaphore_mem>>) src(%arg4 : memref<128x128xf32, #tpu.memory_space<hbm>>) dst(%arg7 : memref<128x128xf32, #tpu.memory_space<vmem>>)
      tpu.yield
    }) : () -> ()
    %mul3A_3 = arith.constant 256 : i32
    %mul3A_4 = arith.muli %arg1, %mul3A_3 : i32
    %mul3A_5 = arith.constant 256 : i32
    %mul3A_6 = arith.muli %arg1, %mul3A_5 : i32
    "tpu.region"() ({
      %run_scoped3A = tpu.sem_alloc : memref<!tpu.dma_semaphore, #tpu.memory_space<semaphore_mem>>
      %dma_start3A = arith.constant 0 : i32
      %dma_start3A_17 = tpu.memref_slice %arg8[%mul3A_6, %dma_start3A] : memref<4096x128xf32, #tpu.memory_space<vmem_shared>> -> memref<256x128xf32, #tpu.memory_space<vmem_shared>>
      %dma_start3A_18 = arith.constant 0 : i32
      %dma_start3A_19 = tpu.memref_slice %arg3[%mul3A_4, %dma_start3A_18] : memref<4096x128xf32, #tpu.memory_space<hbm>> -> memref<256x128xf32, #tpu.memory_space<hbm>>
      tpu.enqueue_dma source(%dma_start3A_19 : memref<256x128xf32, #tpu.memory_space<hbm>>) target(%dma_start3A_17 : memref<256x128xf32, #tpu.memory_space<vmem_shared>>) target_semaphore(%run_scoped3A : memref<!tpu.dma_semaphore, #tpu.memory_space<semaphore_mem>>)
      %dma_wait3A = arith.constant 0 : i32
      %dma_wait3A_20 = tpu.memref_slice %arg8[%mul3A_6, %dma_wait3A] : memref<4096x128xf32, #tpu.memory_space<vmem_shared>> -> memref<256x128xf32, #tpu.memory_space<vmem_shared>>
      %dma_wait3A_21 = arith.constant 0 : i32
      %dma_wait3A_22 = tpu.memref_slice %arg3[%mul3A_4, %dma_wait3A_21] : memref<4096x128xf32, #tpu.memory_space<hbm>> -> memref<256x128xf32, #tpu.memory_space<hbm>>
      tpu.wait_dma2 semaphore(%run_scoped3A : memref<!tpu.dma_semaphore, #tpu.memory_space<semaphore_mem>>) src(%dma_wait3A_22 : memref<256x128xf32, #tpu.memory_space<hbm>>) dst(%dma_wait3A_20 : memref<256x128xf32, #tpu.memory_space<vmem_shared>>)
      tpu.yield
    }) : () -> ()
    %barrier3A = arith.constant 0 : index
    tpu.barrier barrier_id(%barrier3A)
    %scan3A = arith.constant 0 : i32
    %scan3A_7 = arith.constant 0 : i32
    %scan3A_8 = arith.constant 64 : i32
    %scan3A_9 = arith.addi %scan3A_7, %scan3A_8 : i32
    %scan3A_10 = arith.constant 1 : i32
    scf.for %scan3A_17 = %scan3A_7 to %scan3A_9 step %scan3A_10  : i32 {
      "tpu.region"() ({
        %run_scoped3A = tpu.sem_alloc : memref<!tpu.dma_semaphore, #tpu.memory_space<semaphore_mem>>
        %dma_start3A = arith.constant 0 : i32
        %dma_start3A_18 = tpu.memref_slice %arg6[%scan3A_17, %dma_start3A] : memref<64x128xi32, #tpu.memory_space<vmem>> -> memref<1x128xi32, #tpu.memory_space<vmem>>
        %dma_start3A_19 = tpu.memref_squeeze %dma_start3A_18 : memref<1x128xi32, #tpu.memory_space<vmem>> -> memref<128xi32, #tpu.memory_space<vmem>>
        %dma_start3A_20 = arith.constant 0 : i32
        %dma_start3A_21 = arith.constant 0 : i32
        %dma_start3A_22 = tpu.memref_slice %arg8[%dma_start3A_20, %dma_start3A_21] : memref<4096x128xf32, #tpu.memory_space<vmem_shared>> -> memref<4096x128xf32, #tpu.memory_space<vmem_shared>>
        tpu.enqueue_indirect_dma source(%arg7 : memref<128x128xf32, #tpu.memory_space<vmem>>) target(%dma_start3A_22 : memref<4096x128xf32, #tpu.memory_space<vmem_shared>>) offsets(%dma_start3A_19 : memref<128xi32, #tpu.memory_space<vmem>>) semaphore(%run_scoped3A : memref<!tpu.dma_semaphore, #tpu.memory_space<semaphore_mem>>) {add = true}
        %dma_wait3A = arith.constant 0 : i32
        %dma_wait3A_23 = tpu.memref_slice %arg6[%scan3A_17, %dma_wait3A] : memref<64x128xi32, #tpu.memory_space<vmem>> -> memref<1x128xi32, #tpu.memory_space<vmem>>
        %dma_wait3A_24 = tpu.memref_squeeze %dma_wait3A_23 : memref<1x128xi32, #tpu.memory_space<vmem>> -> memref<128xi32, #tpu.memory_space<vmem>>
        %dma_wait3A_25 = arith.constant 0 : i32
        %dma_wait3A_26 = arith.constant 0 : i32
        %dma_wait3A_27 = tpu.memref_slice %arg8[%dma_wait3A_25, %dma_wait3A_26] : memref<4096x128xf32, #tpu.memory_space<vmem_shared>> -> memref<4096x128xf32, #tpu.memory_space<vmem_shared>>
        tpu.wait_indirect_dma semaphore(%run_scoped3A : memref<!tpu.dma_semaphore, #tpu.memory_space<semaphore_mem>>) src(%arg7 : memref<128x128xf32, #tpu.memory_space<vmem>>) dst(%dma_wait3A_27 : memref<4096x128xf32, #tpu.memory_space<vmem_shared>>)
        tpu.yield
      }) : () -> ()
    }
    %scan3A_11 = arith.constant 64 : i32
    %barrier3A_12 = arith.constant 0 : index
    tpu.barrier barrier_id(%barrier3A_12)
    %mul3A_13 = arith.constant 256 : i32
    %mul3A_14 = arith.muli %arg1, %mul3A_13 : i32
    %mul3A_15 = arith.constant 256 : i32
    %mul3A_16 = arith.muli %arg1, %mul3A_15 : i32
    "tpu.region"() ({
      %run_scoped3A = tpu.sem_alloc : memref<!tpu.dma_semaphore, #tpu.memory_space<semaphore_mem>>
      %dma_start3A = arith.constant 0 : i32
      %dma_start3A_17 = tpu.memref_slice %arg5[%arg0, %mul3A_16, %dma_start3A] : memref<2x4096x128xf32, #tpu.memory_space<hbm>> -> memref<1x256x128xf32, #tpu.memory_space<hbm>>
      %dma_start3A_18 = tpu.memref_squeeze %dma_start3A_17 : memref<1x256x128xf32, #tpu.memory_space<hbm>> -> memref<256x128xf32, #tpu.memory_space<hbm>>
      %dma_start3A_19 = arith.constant 0 : i32
      %dma_start3A_20 = tpu.memref_slice %arg8[%mul3A_14, %dma_start3A_19] : memref<4096x128xf32, #tpu.memory_space<vmem_shared>> -> memref<256x128xf32, #tpu.memory_space<vmem_shared>>
      tpu.enqueue_dma source(%dma_start3A_20 : memref<256x128xf32, #tpu.memory_space<vmem_shared>>) target(%dma_start3A_18 : memref<256x128xf32, #tpu.memory_space<hbm>>) target_semaphore(%run_scoped3A : memref<!tpu.dma_semaphore, #tpu.memory_space<semaphore_mem>>)
      %dma_wait3A = arith.constant 0 : i32
      %dma_wait3A_21 = tpu.memref_slice %arg5[%arg0, %mul3A_16, %dma_wait3A] : memref<2x4096x128xf32, #tpu.memory_space<hbm>> -> memref<1x256x128xf32, #tpu.memory_space<hbm>>
      %dma_wait3A_22 = tpu.memref_squeeze %dma_wait3A_21 : memref<1x256x128xf32, #tpu.memory_space<hbm>> -> memref<256x128xf32, #tpu.memory_space<hbm>>
      %dma_wait3A_23 = arith.constant 0 : i32
      %dma_wait3A_24 = tpu.memref_slice %arg8[%mul3A_14, %dma_wait3A_23] : memref<4096x128xf32, #tpu.memory_space<vmem_shared>> -> memref<256x128xf32, #tpu.memory_space<vmem_shared>>
      tpu.wait_dma2 semaphore(%run_scoped3A : memref<!tpu.dma_semaphore, #tpu.memory_space<semaphore_mem>>) src(%dma_wait3A_24 : memref<256x128xf32, #tpu.memory_space<vmem_shared>>) dst(%dma_wait3A_22 : memref<256x128xf32, #tpu.memory_space<hbm>>)
      tpu.yield
    }) : () -> ()
    return
  }
}

#map = affine_map<(d0, d1) -> (0, 0)>
#map1 = affine_map<(d0, d1) -> (0, 0, 0, 0)>
module attributes {stable_mosaic.version = 14 : i64} {
  func.func @sc_prop(%arg0: i32, %arg1: i32, %arg2: memref<4096x128xf32, #tpu.memory_space<hbm>>, %arg3: memref<2048x128xi32, #tpu.memory_space<hbm>>, %arg4: memref<2048x128xi32, #tpu.memory_space<hbm>>, %arg5: memref<4096x128xf32, #tpu.memory_space<hbm>>, %arg6: memref<1x2x4096x128xf32, #tpu.memory_space<hbm>>, %arg7: memref<64x128xi32, #tpu.memory_space<vmem>>, %arg8: memref<64x128xi32, #tpu.memory_space<vmem>>, %arg9: memref<128x128xf32, #tpu.memory_space<vmem>>, %arg10: memref<128x128xf32, #tpu.memory_space<vmem>>, %arg11: memref<128x128xf32, #tpu.memory_space<vmem>>, %arg12: memref<128x128xf32, #tpu.memory_space<vmem>>, %arg13: memref<4096x128xf32, #tpu.memory_space<vmem_shared>>, %arg14: memref<!tpu.dma_semaphore, #tpu.memory_space<semaphore_mem>>, %arg15: memref<!tpu.dma_semaphore, #tpu.memory_space<semaphore_mem>>, %arg16: memref<!tpu.dma_semaphore, #tpu.memory_space<semaphore_mem>>, %arg17: memref<!tpu.dma_semaphore, #tpu.memory_space<semaphore_mem>>, %arg18: memref<!tpu.dma_semaphore, #tpu.memory_space<semaphore_mem>>, %arg19: memref<!tpu.dma_semaphore, #tpu.memory_space<semaphore_mem>>, %arg20: memref<!tpu.dma_semaphore, #tpu.memory_space<semaphore_mem>>, %arg21: memref<!tpu.dma_semaphore, #tpu.memory_space<semaphore_mem>>) attributes {dimension_semantics = [#tpu.dimension_semantics<core_parallel>, #tpu.dimension_semantics<subcore_parallel>], iteration_bounds = array<i64: 2, 16>, scalar_prefetch = 0 : i64, scratch_operands = 15 : i64, tpu.core_type = #tpu.core_type<sc_vector_subcore>, window_params = [{transform_indices = #map}, {transform_indices = #map}, {transform_indices = #map}, {transform_indices = #map}, {transform_indices = #map1}]} {
    %mul3A = arith.constant 2 : i32
    %mul3A_0 = arith.muli %arg1, %mul3A : i32
    %add3A = arith.addi %mul3A_0, %arg0 : i32
    %mul3A_1 = arith.constant 64 : i32
    %mul3A_2 = arith.muli %add3A, %mul3A_1 : i32
    "tpu.region"() ({
      %run_scoped3A_74 = tpu.sem_alloc : memref<!tpu.dma_semaphore, #tpu.memory_space<semaphore_mem>>
      %dma_start3A_75 = arith.constant 0 : i32
      %dma_start3A_76 = tpu.memref_slice %arg3[%mul3A_2, %dma_start3A_75] : memref<2048x128xi32, #tpu.memory_space<hbm>> -> memref<64x128xi32, #tpu.memory_space<hbm>>
      %dma_start3A_77 = arith.constant 0 : i32
      %dma_start3A_78 = tpu.memref_slice %arg3[%mul3A_2, %dma_start3A_77] : memref<2048x128xi32, #tpu.memory_space<hbm>> -> memref<64x128xi32, #tpu.memory_space<hbm>>
      tpu.enqueue_dma source(%dma_start3A_78 : memref<64x128xi32, #tpu.memory_space<hbm>>) target(%arg7 : memref<64x128xi32, #tpu.memory_space<vmem>>) target_semaphore(%run_scoped3A_74 : memref<!tpu.dma_semaphore, #tpu.memory_space<semaphore_mem>>)
      %dma_wait3A_79 = arith.constant 0 : i32
      %dma_wait3A_80 = tpu.memref_slice %arg3[%mul3A_2, %dma_wait3A_79] : memref<2048x128xi32, #tpu.memory_space<hbm>> -> memref<64x128xi32, #tpu.memory_space<hbm>>
      %dma_wait3A_81 = arith.constant 0 : i32
      %dma_wait3A_82 = tpu.memref_slice %arg3[%mul3A_2, %dma_wait3A_81] : memref<2048x128xi32, #tpu.memory_space<hbm>> -> memref<64x128xi32, #tpu.memory_space<hbm>>
      tpu.wait_dma2 semaphore(%run_scoped3A_74 : memref<!tpu.dma_semaphore, #tpu.memory_space<semaphore_mem>>) src(%dma_wait3A_82 : memref<64x128xi32, #tpu.memory_space<hbm>>) dst(%arg7 : memref<64x128xi32, #tpu.memory_space<vmem>>)
      tpu.yield
    }) : () -> ()
    %mul3A_3 = arith.constant 64 : i32
    %mul3A_4 = arith.muli %add3A, %mul3A_3 : i32
    "tpu.region"() ({
      %run_scoped3A_74 = tpu.sem_alloc : memref<!tpu.dma_semaphore, #tpu.memory_space<semaphore_mem>>
      %dma_start3A_75 = arith.constant 0 : i32
      %dma_start3A_76 = tpu.memref_slice %arg4[%mul3A_4, %dma_start3A_75] : memref<2048x128xi32, #tpu.memory_space<hbm>> -> memref<64x128xi32, #tpu.memory_space<hbm>>
      %dma_start3A_77 = arith.constant 0 : i32
      %dma_start3A_78 = tpu.memref_slice %arg4[%mul3A_4, %dma_start3A_77] : memref<2048x128xi32, #tpu.memory_space<hbm>> -> memref<64x128xi32, #tpu.memory_space<hbm>>
      tpu.enqueue_dma source(%dma_start3A_78 : memref<64x128xi32, #tpu.memory_space<hbm>>) target(%arg8 : memref<64x128xi32, #tpu.memory_space<vmem>>) target_semaphore(%run_scoped3A_74 : memref<!tpu.dma_semaphore, #tpu.memory_space<semaphore_mem>>)
      %dma_wait3A_79 = arith.constant 0 : i32
      %dma_wait3A_80 = tpu.memref_slice %arg4[%mul3A_4, %dma_wait3A_79] : memref<2048x128xi32, #tpu.memory_space<hbm>> -> memref<64x128xi32, #tpu.memory_space<hbm>>
      %dma_wait3A_81 = arith.constant 0 : i32
      %dma_wait3A_82 = tpu.memref_slice %arg4[%mul3A_4, %dma_wait3A_81] : memref<2048x128xi32, #tpu.memory_space<hbm>> -> memref<64x128xi32, #tpu.memory_space<hbm>>
      tpu.wait_dma2 semaphore(%run_scoped3A_74 : memref<!tpu.dma_semaphore, #tpu.memory_space<semaphore_mem>>) src(%dma_wait3A_82 : memref<64x128xi32, #tpu.memory_space<hbm>>) dst(%arg8 : memref<64x128xi32, #tpu.memory_space<vmem>>)
      tpu.yield
    }) : () -> ()
    %mul3A_5 = arith.constant 256 : i32
    %mul3A_6 = arith.muli %arg1, %mul3A_5 : i32
    %mul3A_7 = arith.constant 256 : i32
    %mul3A_8 = arith.muli %arg1, %mul3A_7 : i32
    "tpu.region"() ({
      %run_scoped3A_74 = tpu.sem_alloc : memref<!tpu.dma_semaphore, #tpu.memory_space<semaphore_mem>>
      %dma_start3A_75 = arith.constant 0 : i32
      %dma_start3A_76 = tpu.memref_slice %arg13[%mul3A_8, %dma_start3A_75] : memref<4096x128xf32, #tpu.memory_space<vmem_shared>> -> memref<256x128xf32, #tpu.memory_space<vmem_shared>>
      %dma_start3A_77 = arith.constant 0 : i32
      %dma_start3A_78 = tpu.memref_slice %arg5[%mul3A_6, %dma_start3A_77] : memref<4096x128xf32, #tpu.memory_space<hbm>> -> memref<256x128xf32, #tpu.memory_space<hbm>>
      tpu.enqueue_dma source(%dma_start3A_78 : memref<256x128xf32, #tpu.memory_space<hbm>>) target(%dma_start3A_76 : memref<256x128xf32, #tpu.memory_space<vmem_shared>>) target_semaphore(%run_scoped3A_74 : memref<!tpu.dma_semaphore, #tpu.memory_space<semaphore_mem>>)
      %dma_wait3A_79 = arith.constant 0 : i32
      %dma_wait3A_80 = tpu.memref_slice %arg13[%mul3A_8, %dma_wait3A_79] : memref<4096x128xf32, #tpu.memory_space<vmem_shared>> -> memref<256x128xf32, #tpu.memory_space<vmem_shared>>
      %dma_wait3A_81 = arith.constant 0 : i32
      %dma_wait3A_82 = tpu.memref_slice %arg5[%mul3A_6, %dma_wait3A_81] : memref<4096x128xf32, #tpu.memory_space<hbm>> -> memref<256x128xf32, #tpu.memory_space<hbm>>
      tpu.wait_dma2 semaphore(%run_scoped3A_74 : memref<!tpu.dma_semaphore, #tpu.memory_space<semaphore_mem>>) src(%dma_wait3A_82 : memref<256x128xf32, #tpu.memory_space<hbm>>) dst(%dma_wait3A_80 : memref<256x128xf32, #tpu.memory_space<vmem_shared>>)
      tpu.yield
    }) : () -> ()
    %barrier3A = arith.constant 0 : index
    tpu.barrier barrier_id(%barrier3A)
    %dma_start3A = arith.constant 0 : i32
    %dma_start3A_9 = arith.constant 0 : i32
    %dma_start3A_10 = tpu.memref_slice %arg7[%dma_start3A, %dma_start3A_9] : memref<64x128xi32, #tpu.memory_space<vmem>> -> memref<1x128xi32, #tpu.memory_space<vmem>>
    %dma_start3A_11 = tpu.memref_squeeze %dma_start3A_10 : memref<1x128xi32, #tpu.memory_space<vmem>> -> memref<128xi32, #tpu.memory_space<vmem>>
    %dma_start3A_12 = arith.constant 0 : i32
    %dma_start3A_13 = arith.constant 0 : i32
    %dma_start3A_14 = tpu.memref_slice %arg2[%dma_start3A_12, %dma_start3A_13] : memref<4096x128xf32, #tpu.memory_space<hbm>> -> memref<4096x128xf32, #tpu.memory_space<hbm>>
    tpu.enqueue_indirect_dma source(%dma_start3A_14 : memref<4096x128xf32, #tpu.memory_space<hbm>>) target(%arg9 : memref<128x128xf32, #tpu.memory_space<vmem>>) offsets(%dma_start3A_11 : memref<128xi32, #tpu.memory_space<vmem>>) semaphore(%arg14 : memref<!tpu.dma_semaphore, #tpu.memory_space<semaphore_mem>>)
    %dma_start3A_15 = arith.constant 1 : i32
    %dma_start3A_16 = arith.constant 0 : i32
    %dma_start3A_17 = tpu.memref_slice %arg7[%dma_start3A_15, %dma_start3A_16] : memref<64x128xi32, #tpu.memory_space<vmem>> -> memref<1x128xi32, #tpu.memory_space<vmem>>
    %dma_start3A_18 = tpu.memref_squeeze %dma_start3A_17 : memref<1x128xi32, #tpu.memory_space<vmem>> -> memref<128xi32, #tpu.memory_space<vmem>>
    %dma_start3A_19 = arith.constant 0 : i32
    %dma_start3A_20 = arith.constant 0 : i32
    %dma_start3A_21 = tpu.memref_slice %arg2[%dma_start3A_19, %dma_start3A_20] : memref<4096x128xf32, #tpu.memory_space<hbm>> -> memref<4096x128xf32, #tpu.memory_space<hbm>>
    tpu.enqueue_indirect_dma source(%dma_start3A_21 : memref<4096x128xf32, #tpu.memory_space<hbm>>) target(%arg10 : memref<128x128xf32, #tpu.memory_space<vmem>>) offsets(%dma_start3A_18 : memref<128xi32, #tpu.memory_space<vmem>>) semaphore(%arg15 : memref<!tpu.dma_semaphore, #tpu.memory_space<semaphore_mem>>)
    %dma_start3A_22 = arith.constant 2 : i32
    %dma_start3A_23 = arith.constant 0 : i32
    %dma_start3A_24 = tpu.memref_slice %arg7[%dma_start3A_22, %dma_start3A_23] : memref<64x128xi32, #tpu.memory_space<vmem>> -> memref<1x128xi32, #tpu.memory_space<vmem>>
    %dma_start3A_25 = tpu.memref_squeeze %dma_start3A_24 : memref<1x128xi32, #tpu.memory_space<vmem>> -> memref<128xi32, #tpu.memory_space<vmem>>
    %dma_start3A_26 = arith.constant 0 : i32
    %dma_start3A_27 = arith.constant 0 : i32
    %dma_start3A_28 = tpu.memref_slice %arg2[%dma_start3A_26, %dma_start3A_27] : memref<4096x128xf32, #tpu.memory_space<hbm>> -> memref<4096x128xf32, #tpu.memory_space<hbm>>
    tpu.enqueue_indirect_dma source(%dma_start3A_28 : memref<4096x128xf32, #tpu.memory_space<hbm>>) target(%arg11 : memref<128x128xf32, #tpu.memory_space<vmem>>) offsets(%dma_start3A_25 : memref<128xi32, #tpu.memory_space<vmem>>) semaphore(%arg16 : memref<!tpu.dma_semaphore, #tpu.memory_space<semaphore_mem>>)
    %dma_start3A_29 = arith.constant 3 : i32
    %dma_start3A_30 = arith.constant 0 : i32
    %dma_start3A_31 = tpu.memref_slice %arg7[%dma_start3A_29, %dma_start3A_30] : memref<64x128xi32, #tpu.memory_space<vmem>> -> memref<1x128xi32, #tpu.memory_space<vmem>>
    %dma_start3A_32 = tpu.memref_squeeze %dma_start3A_31 : memref<1x128xi32, #tpu.memory_space<vmem>> -> memref<128xi32, #tpu.memory_space<vmem>>
    %dma_start3A_33 = arith.constant 0 : i32
    %dma_start3A_34 = arith.constant 0 : i32
    %dma_start3A_35 = tpu.memref_slice %arg2[%dma_start3A_33, %dma_start3A_34] : memref<4096x128xf32, #tpu.memory_space<hbm>> -> memref<4096x128xf32, #tpu.memory_space<hbm>>
    tpu.enqueue_indirect_dma source(%dma_start3A_35 : memref<4096x128xf32, #tpu.memory_space<hbm>>) target(%arg12 : memref<128x128xf32, #tpu.memory_space<vmem>>) offsets(%dma_start3A_32 : memref<128xi32, #tpu.memory_space<vmem>>) semaphore(%arg17 : memref<!tpu.dma_semaphore, #tpu.memory_space<semaphore_mem>>)
    %scan3A = arith.constant 0 : i32
    %scan3A_36 = arith.constant 0 : i32
    %scan3A_37 = arith.constant 16 : i32
    %scan3A_38 = arith.addi %scan3A_36, %scan3A_37 : i32
    %scan3A_39 = arith.constant 1 : i32
    scf.for %scan3A_74 = %scan3A_36 to %scan3A_38 step %scan3A_39  : i32 {
      %mul3A_75 = arith.constant 4 : i32
      %mul3A_76 = arith.muli %scan3A_74, %mul3A_75 : i32
      %add3A_77 = arith.constant 0 : i32
      %add3A_78 = arith.addi %mul3A_76, %add3A_77 : i32
      %dma_wait3A_79 = arith.constant 0 : i32
      %dma_wait3A_80 = tpu.memref_slice %arg7[%add3A_78, %dma_wait3A_79] : memref<64x128xi32, #tpu.memory_space<vmem>> -> memref<1x128xi32, #tpu.memory_space<vmem>>
      %dma_wait3A_81 = tpu.memref_squeeze %dma_wait3A_80 : memref<1x128xi32, #tpu.memory_space<vmem>> -> memref<128xi32, #tpu.memory_space<vmem>>
      %dma_wait3A_82 = arith.constant 0 : i32
      %dma_wait3A_83 = arith.constant 0 : i32
      %dma_wait3A_84 = tpu.memref_slice %arg2[%dma_wait3A_82, %dma_wait3A_83] : memref<4096x128xf32, #tpu.memory_space<hbm>> -> memref<4096x128xf32, #tpu.memory_space<hbm>>
      tpu.wait_indirect_dma semaphore(%arg14 : memref<!tpu.dma_semaphore, #tpu.memory_space<semaphore_mem>>) src(%dma_wait3A_84 : memref<4096x128xf32, #tpu.memory_space<hbm>>) dst(%arg9 : memref<128x128xf32, #tpu.memory_space<vmem>>)
      %dma_start3A_85 = arith.constant 0 : i32
      %dma_start3A_86 = tpu.memref_slice %arg8[%add3A_78, %dma_start3A_85] : memref<64x128xi32, #tpu.memory_space<vmem>> -> memref<1x128xi32, #tpu.memory_space<vmem>>
      %dma_start3A_87 = tpu.memref_squeeze %dma_start3A_86 : memref<1x128xi32, #tpu.memory_space<vmem>> -> memref<128xi32, #tpu.memory_space<vmem>>
      %dma_start3A_88 = arith.constant 0 : i32
      %dma_start3A_89 = arith.constant 0 : i32
      %dma_start3A_90 = tpu.memref_slice %arg13[%dma_start3A_88, %dma_start3A_89] : memref<4096x128xf32, #tpu.memory_space<vmem_shared>> -> memref<4096x128xf32, #tpu.memory_space<vmem_shared>>
      tpu.enqueue_indirect_dma source(%arg9 : memref<128x128xf32, #tpu.memory_space<vmem>>) target(%dma_start3A_90 : memref<4096x128xf32, #tpu.memory_space<vmem_shared>>) offsets(%dma_start3A_87 : memref<128xi32, #tpu.memory_space<vmem>>) semaphore(%arg18 : memref<!tpu.dma_semaphore, #tpu.memory_space<semaphore_mem>>) {add = true}
      %add3A_91 = arith.constant 1 : i32
      %add3A_92 = arith.addi %scan3A_74, %add3A_91 : i32
      %lt3A = arith.constant 16 : i32
      %lt3A_93 = arith.cmpi slt, %add3A_92, %lt3A : i32
      %convert_element_type3A = arith.extui %lt3A_93 : i1 to i32
      %cond3A = arith.constant 0 : i32
      %cond3A_94 = arith.cmpi ne, %convert_element_type3A, %cond3A : i32
      scf.if %cond3A_94 {
        %dma_wait3A_164 = arith.constant 0 : i32
        %dma_wait3A_165 = tpu.memref_slice %arg8[%add3A_78, %dma_wait3A_164] : memref<64x128xi32, #tpu.memory_space<vmem>> -> memref<1x128xi32, #tpu.memory_space<vmem>>
        %dma_wait3A_166 = tpu.memref_squeeze %dma_wait3A_165 : memref<1x128xi32, #tpu.memory_space<vmem>> -> memref<128xi32, #tpu.memory_space<vmem>>
        %dma_wait3A_167 = arith.constant 0 : i32
        %dma_wait3A_168 = arith.constant 0 : i32
        %dma_wait3A_169 = tpu.memref_slice %arg13[%dma_wait3A_167, %dma_wait3A_168] : memref<4096x128xf32, #tpu.memory_space<vmem_shared>> -> memref<4096x128xf32, #tpu.memory_space<vmem_shared>>
        tpu.wait_indirect_dma semaphore(%arg18 : memref<!tpu.dma_semaphore, #tpu.memory_space<semaphore_mem>>) src(%arg9 : memref<128x128xf32, #tpu.memory_space<vmem>>) dst(%dma_wait3A_169 : memref<4096x128xf32, #tpu.memory_space<vmem_shared>>)
        %add3A_170 = arith.constant 4 : i32
        %add3A_171 = arith.addi %add3A_78, %add3A_170 : i32
        %dma_start3A_172 = arith.constant 0 : i32
        %dma_start3A_173 = tpu.memref_slice %arg7[%add3A_171, %dma_start3A_172] : memref<64x128xi32, #tpu.memory_space<vmem>> -> memref<1x128xi32, #tpu.memory_space<vmem>>
        %dma_start3A_174 = tpu.memref_squeeze %dma_start3A_173 : memref<1x128xi32, #tpu.memory_space<vmem>> -> memref<128xi32, #tpu.memory_space<vmem>>
        %dma_start3A_175 = arith.constant 0 : i32
        %dma_start3A_176 = arith.constant 0 : i32
        %dma_start3A_177 = tpu.memref_slice %arg2[%dma_start3A_175, %dma_start3A_176] : memref<4096x128xf32, #tpu.memory_space<hbm>> -> memref<4096x128xf32, #tpu.memory_space<hbm>>
        tpu.enqueue_indirect_dma source(%dma_start3A_177 : memref<4096x128xf32, #tpu.memory_space<hbm>>) target(%arg9 : memref<128x128xf32, #tpu.memory_space<vmem>>) offsets(%dma_start3A_174 : memref<128xi32, #tpu.memory_space<vmem>>) semaphore(%arg14 : memref<!tpu.dma_semaphore, #tpu.memory_space<semaphore_mem>>)
      } else {
      }
      %mul3A_95 = arith.constant 4 : i32
      %mul3A_96 = arith.muli %scan3A_74, %mul3A_95 : i32
      %add3A_97 = arith.constant 1 : i32
      %add3A_98 = arith.addi %mul3A_96, %add3A_97 : i32
      %dma_wait3A_99 = arith.constant 0 : i32
      %dma_wait3A_100 = tpu.memref_slice %arg7[%add3A_98, %dma_wait3A_99] : memref<64x128xi32, #tpu.memory_space<vmem>> -> memref<1x128xi32, #tpu.memory_space<vmem>>
      %dma_wait3A_101 = tpu.memref_squeeze %dma_wait3A_100 : memref<1x128xi32, #tpu.memory_space<vmem>> -> memref<128xi32, #tpu.memory_space<vmem>>
      %dma_wait3A_102 = arith.constant 0 : i32
      %dma_wait3A_103 = arith.constant 0 : i32
      %dma_wait3A_104 = tpu.memref_slice %arg2[%dma_wait3A_102, %dma_wait3A_103] : memref<4096x128xf32, #tpu.memory_space<hbm>> -> memref<4096x128xf32, #tpu.memory_space<hbm>>
      tpu.wait_indirect_dma semaphore(%arg15 : memref<!tpu.dma_semaphore, #tpu.memory_space<semaphore_mem>>) src(%dma_wait3A_104 : memref<4096x128xf32, #tpu.memory_space<hbm>>) dst(%arg10 : memref<128x128xf32, #tpu.memory_space<vmem>>)
      %dma_start3A_105 = arith.constant 0 : i32
      %dma_start3A_106 = tpu.memref_slice %arg8[%add3A_98, %dma_start3A_105] : memref<64x128xi32, #tpu.memory_space<vmem>> -> memref<1x128xi32, #tpu.memory_space<vmem>>
      %dma_start3A_107 = tpu.memref_squeeze %dma_start3A_106 : memref<1x128xi32, #tpu.memory_space<vmem>> -> memref<128xi32, #tpu.memory_space<vmem>>
      %dma_start3A_108 = arith.constant 0 : i32
      %dma_start3A_109 = arith.constant 0 : i32
      %dma_start3A_110 = tpu.memref_slice %arg13[%dma_start3A_108, %dma_start3A_109] : memref<4096x128xf32, #tpu.memory_space<vmem_shared>> -> memref<4096x128xf32, #tpu.memory_space<vmem_shared>>
      tpu.enqueue_indirect_dma source(%arg10 : memref<128x128xf32, #tpu.memory_space<vmem>>) target(%dma_start3A_110 : memref<4096x128xf32, #tpu.memory_space<vmem_shared>>) offsets(%dma_start3A_107 : memref<128xi32, #tpu.memory_space<vmem>>) semaphore(%arg19 : memref<!tpu.dma_semaphore, #tpu.memory_space<semaphore_mem>>) {add = true}
      %add3A_111 = arith.constant 1 : i32
      %add3A_112 = arith.addi %scan3A_74, %add3A_111 : i32
      %lt3A_113 = arith.constant 16 : i32
      %lt3A_114 = arith.cmpi slt, %add3A_112, %lt3A_113 : i32
      %convert_element_type3A_115 = arith.extui %lt3A_114 : i1 to i32
      %cond3A_116 = arith.constant 0 : i32
      %cond3A_117 = arith.cmpi ne, %convert_element_type3A_115, %cond3A_116 : i32
      scf.if %cond3A_117 {
        %dma_wait3A_164 = arith.constant 0 : i32
        %dma_wait3A_165 = tpu.memref_slice %arg8[%add3A_98, %dma_wait3A_164] : memref<64x128xi32, #tpu.memory_space<vmem>> -> memref<1x128xi32, #tpu.memory_space<vmem>>
        %dma_wait3A_166 = tpu.memref_squeeze %dma_wait3A_165 : memref<1x128xi32, #tpu.memory_space<vmem>> -> memref<128xi32, #tpu.memory_space<vmem>>
        %dma_wait3A_167 = arith.constant 0 : i32
        %dma_wait3A_168 = arith.constant 0 : i32
        %dma_wait3A_169 = tpu.memref_slice %arg13[%dma_wait3A_167, %dma_wait3A_168] : memref<4096x128xf32, #tpu.memory_space<vmem_shared>> -> memref<4096x128xf32, #tpu.memory_space<vmem_shared>>
        tpu.wait_indirect_dma semaphore(%arg19 : memref<!tpu.dma_semaphore, #tpu.memory_space<semaphore_mem>>) src(%arg10 : memref<128x128xf32, #tpu.memory_space<vmem>>) dst(%dma_wait3A_169 : memref<4096x128xf32, #tpu.memory_space<vmem_shared>>)
        %add3A_170 = arith.constant 4 : i32
        %add3A_171 = arith.addi %add3A_98, %add3A_170 : i32
        %dma_start3A_172 = arith.constant 0 : i32
        %dma_start3A_173 = tpu.memref_slice %arg7[%add3A_171, %dma_start3A_172] : memref<64x128xi32, #tpu.memory_space<vmem>> -> memref<1x128xi32, #tpu.memory_space<vmem>>
        %dma_start3A_174 = tpu.memref_squeeze %dma_start3A_173 : memref<1x128xi32, #tpu.memory_space<vmem>> -> memref<128xi32, #tpu.memory_space<vmem>>
        %dma_start3A_175 = arith.constant 0 : i32
        %dma_start3A_176 = arith.constant 0 : i32
        %dma_start3A_177 = tpu.memref_slice %arg2[%dma_start3A_175, %dma_start3A_176] : memref<4096x128xf32, #tpu.memory_space<hbm>> -> memref<4096x128xf32, #tpu.memory_space<hbm>>
        tpu.enqueue_indirect_dma source(%dma_start3A_177 : memref<4096x128xf32, #tpu.memory_space<hbm>>) target(%arg10 : memref<128x128xf32, #tpu.memory_space<vmem>>) offsets(%dma_start3A_174 : memref<128xi32, #tpu.memory_space<vmem>>) semaphore(%arg15 : memref<!tpu.dma_semaphore, #tpu.memory_space<semaphore_mem>>)
      } else {
      }
      %mul3A_118 = arith.constant 4 : i32
      %mul3A_119 = arith.muli %scan3A_74, %mul3A_118 : i32
      %add3A_120 = arith.constant 2 : i32
      %add3A_121 = arith.addi %mul3A_119, %add3A_120 : i32
      %dma_wait3A_122 = arith.constant 0 : i32
      %dma_wait3A_123 = tpu.memref_slice %arg7[%add3A_121, %dma_wait3A_122] : memref<64x128xi32, #tpu.memory_space<vmem>> -> memref<1x128xi32, #tpu.memory_space<vmem>>
      %dma_wait3A_124 = tpu.memref_squeeze %dma_wait3A_123 : memref<1x128xi32, #tpu.memory_space<vmem>> -> memref<128xi32, #tpu.memory_space<vmem>>
      %dma_wait3A_125 = arith.constant 0 : i32
      %dma_wait3A_126 = arith.constant 0 : i32
      %dma_wait3A_127 = tpu.memref_slice %arg2[%dma_wait3A_125, %dma_wait3A_126] : memref<4096x128xf32, #tpu.memory_space<hbm>> -> memref<4096x128xf32, #tpu.memory_space<hbm>>
      tpu.wait_indirect_dma semaphore(%arg16 : memref<!tpu.dma_semaphore, #tpu.memory_space<semaphore_mem>>) src(%dma_wait3A_127 : memref<4096x128xf32, #tpu.memory_space<hbm>>) dst(%arg11 : memref<128x128xf32, #tpu.memory_space<vmem>>)
      %dma_start3A_128 = arith.constant 0 : i32
      %dma_start3A_129 = tpu.memref_slice %arg8[%add3A_121, %dma_start3A_128] : memref<64x128xi32, #tpu.memory_space<vmem>> -> memref<1x128xi32, #tpu.memory_space<vmem>>
      %dma_start3A_130 = tpu.memref_squeeze %dma_start3A_129 : memref<1x128xi32, #tpu.memory_space<vmem>> -> memref<128xi32, #tpu.memory_space<vmem>>
      %dma_start3A_131 = arith.constant 0 : i32
      %dma_start3A_132 = arith.constant 0 : i32
      %dma_start3A_133 = tpu.memref_slice %arg13[%dma_start3A_131, %dma_start3A_132] : memref<4096x128xf32, #tpu.memory_space<vmem_shared>> -> memref<4096x128xf32, #tpu.memory_space<vmem_shared>>
      tpu.enqueue_indirect_dma source(%arg11 : memref<128x128xf32, #tpu.memory_space<vmem>>) target(%dma_start3A_133 : memref<4096x128xf32, #tpu.memory_space<vmem_shared>>) offsets(%dma_start3A_130 : memref<128xi32, #tpu.memory_space<vmem>>) semaphore(%arg20 : memref<!tpu.dma_semaphore, #tpu.memory_space<semaphore_mem>>) {add = true}
      %add3A_134 = arith.constant 1 : i32
      %add3A_135 = arith.addi %scan3A_74, %add3A_134 : i32
      %lt3A_136 = arith.constant 16 : i32
      %lt3A_137 = arith.cmpi slt, %add3A_135, %lt3A_136 : i32
      %convert_element_type3A_138 = arith.extui %lt3A_137 : i1 to i32
      %cond3A_139 = arith.constant 0 : i32
      %cond3A_140 = arith.cmpi ne, %convert_element_type3A_138, %cond3A_139 : i32
      scf.if %cond3A_140 {
        %dma_wait3A_164 = arith.constant 0 : i32
        %dma_wait3A_165 = tpu.memref_slice %arg8[%add3A_121, %dma_wait3A_164] : memref<64x128xi32, #tpu.memory_space<vmem>> -> memref<1x128xi32, #tpu.memory_space<vmem>>
        %dma_wait3A_166 = tpu.memref_squeeze %dma_wait3A_165 : memref<1x128xi32, #tpu.memory_space<vmem>> -> memref<128xi32, #tpu.memory_space<vmem>>
        %dma_wait3A_167 = arith.constant 0 : i32
        %dma_wait3A_168 = arith.constant 0 : i32
        %dma_wait3A_169 = tpu.memref_slice %arg13[%dma_wait3A_167, %dma_wait3A_168] : memref<4096x128xf32, #tpu.memory_space<vmem_shared>> -> memref<4096x128xf32, #tpu.memory_space<vmem_shared>>
        tpu.wait_indirect_dma semaphore(%arg20 : memref<!tpu.dma_semaphore, #tpu.memory_space<semaphore_mem>>) src(%arg11 : memref<128x128xf32, #tpu.memory_space<vmem>>) dst(%dma_wait3A_169 : memref<4096x128xf32, #tpu.memory_space<vmem_shared>>)
        %add3A_170 = arith.constant 4 : i32
        %add3A_171 = arith.addi %add3A_121, %add3A_170 : i32
        %dma_start3A_172 = arith.constant 0 : i32
        %dma_start3A_173 = tpu.memref_slice %arg7[%add3A_171, %dma_start3A_172] : memref<64x128xi32, #tpu.memory_space<vmem>> -> memref<1x128xi32, #tpu.memory_space<vmem>>
        %dma_start3A_174 = tpu.memref_squeeze %dma_start3A_173 : memref<1x128xi32, #tpu.memory_space<vmem>> -> memref<128xi32, #tpu.memory_space<vmem>>
        %dma_start3A_175 = arith.constant 0 : i32
        %dma_start3A_176 = arith.constant 0 : i32
        %dma_start3A_177 = tpu.memref_slice %arg2[%dma_start3A_175, %dma_start3A_176] : memref<4096x128xf32, #tpu.memory_space<hbm>> -> memref<4096x128xf32, #tpu.memory_space<hbm>>
        tpu.enqueue_indirect_dma source(%dma_start3A_177 : memref<4096x128xf32, #tpu.memory_space<hbm>>) target(%arg11 : memref<128x128xf32, #tpu.memory_space<vmem>>) offsets(%dma_start3A_174 : memref<128xi32, #tpu.memory_space<vmem>>) semaphore(%arg16 : memref<!tpu.dma_semaphore, #tpu.memory_space<semaphore_mem>>)
      } else {
      }
      %mul3A_141 = arith.constant 4 : i32
      %mul3A_142 = arith.muli %scan3A_74, %mul3A_141 : i32
      %add3A_143 = arith.constant 3 : i32
      %add3A_144 = arith.addi %mul3A_142, %add3A_143 : i32
      %dma_wait3A_145 = arith.constant 0 : i32
      %dma_wait3A_146 = tpu.memref_slice %arg7[%add3A_144, %dma_wait3A_145] : memref<64x128xi32, #tpu.memory_space<vmem>> -> memref<1x128xi32, #tpu.memory_space<vmem>>
      %dma_wait3A_147 = tpu.memref_squeeze %dma_wait3A_146 : memref<1x128xi32, #tpu.memory_space<vmem>> -> memref<128xi32, #tpu.memory_space<vmem>>
      %dma_wait3A_148 = arith.constant 0 : i32
      %dma_wait3A_149 = arith.constant 0 : i32
      %dma_wait3A_150 = tpu.memref_slice %arg2[%dma_wait3A_148, %dma_wait3A_149] : memref<4096x128xf32, #tpu.memory_space<hbm>> -> memref<4096x128xf32, #tpu.memory_space<hbm>>
      tpu.wait_indirect_dma semaphore(%arg17 : memref<!tpu.dma_semaphore, #tpu.memory_space<semaphore_mem>>) src(%dma_wait3A_150 : memref<4096x128xf32, #tpu.memory_space<hbm>>) dst(%arg12 : memref<128x128xf32, #tpu.memory_space<vmem>>)
      %dma_start3A_151 = arith.constant 0 : i32
      %dma_start3A_152 = tpu.memref_slice %arg8[%add3A_144, %dma_start3A_151] : memref<64x128xi32, #tpu.memory_space<vmem>> -> memref<1x128xi32, #tpu.memory_space<vmem>>
      %dma_start3A_153 = tpu.memref_squeeze %dma_start3A_152 : memref<1x128xi32, #tpu.memory_space<vmem>> -> memref<128xi32, #tpu.memory_space<vmem>>
      %dma_start3A_154 = arith.constant 0 : i32
      %dma_start3A_155 = arith.constant 0 : i32
      %dma_start3A_156 = tpu.memref_slice %arg13[%dma_start3A_154, %dma_start3A_155] : memref<4096x128xf32, #tpu.memory_space<vmem_shared>> -> memref<4096x128xf32, #tpu.memory_space<vmem_shared>>
      tpu.enqueue_indirect_dma source(%arg12 : memref<128x128xf32, #tpu.memory_space<vmem>>) target(%dma_start3A_156 : memref<4096x128xf32, #tpu.memory_space<vmem_shared>>) offsets(%dma_start3A_153 : memref<128xi32, #tpu.memory_space<vmem>>) semaphore(%arg21 : memref<!tpu.dma_semaphore, #tpu.memory_space<semaphore_mem>>) {add = true}
      %add3A_157 = arith.constant 1 : i32
      %add3A_158 = arith.addi %scan3A_74, %add3A_157 : i32
      %lt3A_159 = arith.constant 16 : i32
      %lt3A_160 = arith.cmpi slt, %add3A_158, %lt3A_159 : i32
      %convert_element_type3A_161 = arith.extui %lt3A_160 : i1 to i32
      %cond3A_162 = arith.constant 0 : i32
      %cond3A_163 = arith.cmpi ne, %convert_element_type3A_161, %cond3A_162 : i32
      scf.if %cond3A_163 {
        %dma_wait3A_164 = arith.constant 0 : i32
        %dma_wait3A_165 = tpu.memref_slice %arg8[%add3A_144, %dma_wait3A_164] : memref<64x128xi32, #tpu.memory_space<vmem>> -> memref<1x128xi32, #tpu.memory_space<vmem>>
        %dma_wait3A_166 = tpu.memref_squeeze %dma_wait3A_165 : memref<1x128xi32, #tpu.memory_space<vmem>> -> memref<128xi32, #tpu.memory_space<vmem>>
        %dma_wait3A_167 = arith.constant 0 : i32
        %dma_wait3A_168 = arith.constant 0 : i32
        %dma_wait3A_169 = tpu.memref_slice %arg13[%dma_wait3A_167, %dma_wait3A_168] : memref<4096x128xf32, #tpu.memory_space<vmem_shared>> -> memref<4096x128xf32, #tpu.memory_space<vmem_shared>>
        tpu.wait_indirect_dma semaphore(%arg21 : memref<!tpu.dma_semaphore, #tpu.memory_space<semaphore_mem>>) src(%arg12 : memref<128x128xf32, #tpu.memory_space<vmem>>) dst(%dma_wait3A_169 : memref<4096x128xf32, #tpu.memory_space<vmem_shared>>)
        %add3A_170 = arith.constant 4 : i32
        %add3A_171 = arith.addi %add3A_144, %add3A_170 : i32
        %dma_start3A_172 = arith.constant 0 : i32
        %dma_start3A_173 = tpu.memref_slice %arg7[%add3A_171, %dma_start3A_172] : memref<64x128xi32, #tpu.memory_space<vmem>> -> memref<1x128xi32, #tpu.memory_space<vmem>>
        %dma_start3A_174 = tpu.memref_squeeze %dma_start3A_173 : memref<1x128xi32, #tpu.memory_space<vmem>> -> memref<128xi32, #tpu.memory_space<vmem>>
        %dma_start3A_175 = arith.constant 0 : i32
        %dma_start3A_176 = arith.constant 0 : i32
        %dma_start3A_177 = tpu.memref_slice %arg2[%dma_start3A_175, %dma_start3A_176] : memref<4096x128xf32, #tpu.memory_space<hbm>> -> memref<4096x128xf32, #tpu.memory_space<hbm>>
        tpu.enqueue_indirect_dma source(%dma_start3A_177 : memref<4096x128xf32, #tpu.memory_space<hbm>>) target(%arg12 : memref<128x128xf32, #tpu.memory_space<vmem>>) offsets(%dma_start3A_174 : memref<128xi32, #tpu.memory_space<vmem>>) semaphore(%arg17 : memref<!tpu.dma_semaphore, #tpu.memory_space<semaphore_mem>>)
      } else {
      }
    }
    %scan3A_40 = arith.constant 16 : i32
    %dma_wait3A = arith.constant 60 : i32
    %dma_wait3A_41 = arith.constant 0 : i32
    %dma_wait3A_42 = tpu.memref_slice %arg8[%dma_wait3A, %dma_wait3A_41] : memref<64x128xi32, #tpu.memory_space<vmem>> -> memref<1x128xi32, #tpu.memory_space<vmem>>
    %dma_wait3A_43 = tpu.memref_squeeze %dma_wait3A_42 : memref<1x128xi32, #tpu.memory_space<vmem>> -> memref<128xi32, #tpu.memory_space<vmem>>
    %dma_wait3A_44 = arith.constant 0 : i32
    %dma_wait3A_45 = arith.constant 0 : i32
    %dma_wait3A_46 = tpu.memref_slice %arg13[%dma_wait3A_44, %dma_wait3A_45] : memref<4096x128xf32, #tpu.memory_space<vmem_shared>> -> memref<4096x128xf32, #tpu.memory_space<vmem_shared>>
    tpu.wait_indirect_dma semaphore(%arg18 : memref<!tpu.dma_semaphore, #tpu.memory_space<semaphore_mem>>) src(%arg9 : memref<128x128xf32, #tpu.memory_space<vmem>>) dst(%dma_wait3A_46 : memref<4096x128xf32, #tpu.memory_space<vmem_shared>>)
    %dma_wait3A_47 = arith.constant 61 : i32
    %dma_wait3A_48 = arith.constant 0 : i32
    %dma_wait3A_49 = tpu.memref_slice %arg8[%dma_wait3A_47, %dma_wait3A_48] : memref<64x128xi32, #tpu.memory_space<vmem>> -> memref<1x128xi32, #tpu.memory_space<vmem>>
    %dma_wait3A_50 = tpu.memref_squeeze %dma_wait3A_49 : memref<1x128xi32, #tpu.memory_space<vmem>> -> memref<128xi32, #tpu.memory_space<vmem>>
    %dma_wait3A_51 = arith.constant 0 : i32
    %dma_wait3A_52 = arith.constant 0 : i32
    %dma_wait3A_53 = tpu.memref_slice %arg13[%dma_wait3A_51, %dma_wait3A_52] : memref<4096x128xf32, #tpu.memory_space<vmem_shared>> -> memref<4096x128xf32, #tpu.memory_space<vmem_shared>>
    tpu.wait_indirect_dma semaphore(%arg19 : memref<!tpu.dma_semaphore, #tpu.memory_space<semaphore_mem>>) src(%arg10 : memref<128x128xf32, #tpu.memory_space<vmem>>) dst(%dma_wait3A_53 : memref<4096x128xf32, #tpu.memory_space<vmem_shared>>)
    %dma_wait3A_54 = arith.constant 62 : i32
    %dma_wait3A_55 = arith.constant 0 : i32
    %dma_wait3A_56 = tpu.memref_slice %arg8[%dma_wait3A_54, %dma_wait3A_55] : memref<64x128xi32, #tpu.memory_space<vmem>> -> memref<1x128xi32, #tpu.memory_space<vmem>>
    %dma_wait3A_57 = tpu.memref_squeeze %dma_wait3A_56 : memref<1x128xi32, #tpu.memory_space<vmem>> -> memref<128xi32, #tpu.memory_space<vmem>>
    %dma_wait3A_58 = arith.constant 0 : i32
    %dma_wait3A_59 = arith.constant 0 : i32
    %dma_wait3A_60 = tpu.memref_slice %arg13[%dma_wait3A_58, %dma_wait3A_59] : memref<4096x128xf32, #tpu.memory_space<vmem_shared>> -> memref<4096x128xf32, #tpu.memory_space<vmem_shared>>
    tpu.wait_indirect_dma semaphore(%arg20 : memref<!tpu.dma_semaphore, #tpu.memory_space<semaphore_mem>>) src(%arg11 : memref<128x128xf32, #tpu.memory_space<vmem>>) dst(%dma_wait3A_60 : memref<4096x128xf32, #tpu.memory_space<vmem_shared>>)
    %dma_wait3A_61 = arith.constant 63 : i32
    %dma_wait3A_62 = arith.constant 0 : i32
    %dma_wait3A_63 = tpu.memref_slice %arg8[%dma_wait3A_61, %dma_wait3A_62] : memref<64x128xi32, #tpu.memory_space<vmem>> -> memref<1x128xi32, #tpu.memory_space<vmem>>
    %dma_wait3A_64 = tpu.memref_squeeze %dma_wait3A_63 : memref<1x128xi32, #tpu.memory_space<vmem>> -> memref<128xi32, #tpu.memory_space<vmem>>
    %dma_wait3A_65 = arith.constant 0 : i32
    %dma_wait3A_66 = arith.constant 0 : i32
    %dma_wait3A_67 = tpu.memref_slice %arg13[%dma_wait3A_65, %dma_wait3A_66] : memref<4096x128xf32, #tpu.memory_space<vmem_shared>> -> memref<4096x128xf32, #tpu.memory_space<vmem_shared>>
    tpu.wait_indirect_dma semaphore(%arg21 : memref<!tpu.dma_semaphore, #tpu.memory_space<semaphore_mem>>) src(%arg12 : memref<128x128xf32, #tpu.memory_space<vmem>>) dst(%dma_wait3A_67 : memref<4096x128xf32, #tpu.memory_space<vmem_shared>>)
    %barrier3A_68 = arith.constant 0 : index
    tpu.barrier barrier_id(%barrier3A_68)
    %mul3A_69 = arith.constant 256 : i32
    %mul3A_70 = arith.muli %arg1, %mul3A_69 : i32
    %mul3A_71 = arith.constant 256 : i32
    %mul3A_72 = arith.muli %arg1, %mul3A_71 : i32
    %run_scoped3A = arith.constant 0 : i32
    "tpu.region"() ({
      %run_scoped3A_74 = tpu.sem_alloc : memref<!tpu.dma_semaphore, #tpu.memory_space<semaphore_mem>>
      %dma_start3A_75 = arith.constant 0 : i32
      %dma_start3A_76 = tpu.memref_slice %arg6[%run_scoped3A, %arg0, %mul3A_72, %dma_start3A_75] : memref<1x2x4096x128xf32, #tpu.memory_space<hbm>> -> memref<1x1x256x128xf32, #tpu.memory_space<hbm>>
      %dma_start3A_77 = tpu.memref_squeeze %dma_start3A_76 : memref<1x1x256x128xf32, #tpu.memory_space<hbm>> -> memref<256x128xf32, #tpu.memory_space<hbm>>
      %dma_start3A_78 = arith.constant 0 : i32
      %dma_start3A_79 = tpu.memref_slice %arg13[%mul3A_70, %dma_start3A_78] : memref<4096x128xf32, #tpu.memory_space<vmem_shared>> -> memref<256x128xf32, #tpu.memory_space<vmem_shared>>
      tpu.enqueue_dma source(%dma_start3A_79 : memref<256x128xf32, #tpu.memory_space<vmem_shared>>) target(%dma_start3A_77 : memref<256x128xf32, #tpu.memory_space<hbm>>) target_semaphore(%run_scoped3A_74 : memref<!tpu.dma_semaphore, #tpu.memory_space<semaphore_mem>>)
      %dma_wait3A_80 = arith.constant 0 : i32
      %dma_wait3A_81 = tpu.memref_slice %arg6[%run_scoped3A, %arg0, %mul3A_72, %dma_wait3A_80] : memref<1x2x4096x128xf32, #tpu.memory_space<hbm>> -> memref<1x1x256x128xf32, #tpu.memory_space<hbm>>
      %dma_wait3A_82 = tpu.memref_squeeze %dma_wait3A_81 : memref<1x1x256x128xf32, #tpu.memory_space<hbm>> -> memref<256x128xf32, #tpu.memory_space<hbm>>
      %dma_wait3A_83 = arith.constant 0 : i32
      %dma_wait3A_84 = tpu.memref_slice %arg13[%mul3A_70, %dma_wait3A_83] : memref<4096x128xf32, #tpu.memory_space<vmem_shared>> -> memref<256x128xf32, #tpu.memory_space<vmem_shared>>
      tpu.wait_dma2 semaphore(%run_scoped3A_74 : memref<!tpu.dma_semaphore, #tpu.memory_space<semaphore_mem>>) src(%dma_wait3A_84 : memref<256x128xf32, #tpu.memory_space<vmem_shared>>) dst(%dma_wait3A_82 : memref<256x128xf32, #tpu.memory_space<hbm>>)
      tpu.yield
    }) : () -> ()
    %barrier3A_73 = arith.constant 0 : index
    tpu.barrier barrier_id(%barrier3A_73)
    return
  }
}

#map = affine_map<(d0, d1) -> (0, 0)>
#map1 = affine_map<(d0, d1) -> (0, 0, 0, 0)>
module attributes {stable_mosaic.version = 14 : i64} {
  func.func @sc_prop(%arg0: i32, %arg1: i32, %arg2: memref<4096x128xf32, #tpu.memory_space<hbm>>, %arg3: memref<2048x128xi32, #tpu.memory_space<hbm>>, %arg4: memref<2048x128xi32, #tpu.memory_space<hbm>>, %arg5: memref<4096x128xf32, #tpu.memory_space<hbm>>, %arg6: memref<1x2x4096x128xf32, #tpu.memory_space<hbm>>, %arg7: memref<64x128xi32, #tpu.memory_space<vmem>>, %arg8: memref<64x128xi32, #tpu.memory_space<vmem>>, %arg9: memref<128x128xf32, #tpu.memory_space<vmem>>, %arg10: memref<128x128xf32, #tpu.memory_space<vmem>>, %arg11: memref<128x128xf32, #tpu.memory_space<vmem>>, %arg12: memref<128x128xf32, #tpu.memory_space<vmem>>, %arg13: memref<4096x128xf32, #tpu.memory_space<vmem_shared>>, %arg14: memref<!tpu.dma_semaphore, #tpu.memory_space<semaphore_mem>>, %arg15: memref<!tpu.dma_semaphore, #tpu.memory_space<semaphore_mem>>, %arg16: memref<!tpu.dma_semaphore, #tpu.memory_space<semaphore_mem>>, %arg17: memref<!tpu.dma_semaphore, #tpu.memory_space<semaphore_mem>>, %arg18: memref<!tpu.dma_semaphore, #tpu.memory_space<semaphore_mem>>, %arg19: memref<!tpu.dma_semaphore, #tpu.memory_space<semaphore_mem>>, %arg20: memref<!tpu.dma_semaphore, #tpu.memory_space<semaphore_mem>>, %arg21: memref<!tpu.dma_semaphore, #tpu.memory_space<semaphore_mem>>) attributes {dimension_semantics = [#tpu.dimension_semantics<core_parallel>, #tpu.dimension_semantics<subcore_parallel>], iteration_bounds = array<i64: 2, 16>, scalar_prefetch = 0 : i64, scratch_operands = 15 : i64, tpu.core_type = #tpu.core_type<sc_vector_subcore>, window_params = [{transform_indices = #map}, {transform_indices = #map}, {transform_indices = #map}, {transform_indices = #map}, {transform_indices = #map1}]} {
    %mul3A = arith.constant 2 : i32
    %mul3A_0 = arith.muli %arg1, %mul3A : i32
    %add3A = arith.addi %mul3A_0, %arg0 : i32
    %mul3A_1 = arith.constant 64 : i32
    %mul3A_2 = arith.muli %add3A, %mul3A_1 : i32
    "tpu.region"() ({
      %run_scoped3A_74 = tpu.sem_alloc : memref<!tpu.dma_semaphore, #tpu.memory_space<semaphore_mem>>
      %dma_start3A_75 = arith.constant 0 : i32
      %dma_start3A_76 = tpu.memref_slice %arg3[%mul3A_2, %dma_start3A_75] : memref<2048x128xi32, #tpu.memory_space<hbm>> -> memref<64x128xi32, #tpu.memory_space<hbm>>
      %dma_start3A_77 = arith.constant 0 : i32
      %dma_start3A_78 = tpu.memref_slice %arg3[%mul3A_2, %dma_start3A_77] : memref<2048x128xi32, #tpu.memory_space<hbm>> -> memref<64x128xi32, #tpu.memory_space<hbm>>
      tpu.enqueue_dma source(%dma_start3A_78 : memref<64x128xi32, #tpu.memory_space<hbm>>) target(%arg7 : memref<64x128xi32, #tpu.memory_space<vmem>>) target_semaphore(%run_scoped3A_74 : memref<!tpu.dma_semaphore, #tpu.memory_space<semaphore_mem>>)
      %dma_wait3A_79 = arith.constant 0 : i32
      %dma_wait3A_80 = tpu.memref_slice %arg3[%mul3A_2, %dma_wait3A_79] : memref<2048x128xi32, #tpu.memory_space<hbm>> -> memref<64x128xi32, #tpu.memory_space<hbm>>
      %dma_wait3A_81 = arith.constant 0 : i32
      %dma_wait3A_82 = tpu.memref_slice %arg3[%mul3A_2, %dma_wait3A_81] : memref<2048x128xi32, #tpu.memory_space<hbm>> -> memref<64x128xi32, #tpu.memory_space<hbm>>
      tpu.wait_dma2 semaphore(%run_scoped3A_74 : memref<!tpu.dma_semaphore, #tpu.memory_space<semaphore_mem>>) src(%dma_wait3A_82 : memref<64x128xi32, #tpu.memory_space<hbm>>) dst(%arg7 : memref<64x128xi32, #tpu.memory_space<vmem>>)
      tpu.yield
    }) : () -> ()
    %mul3A_3 = arith.constant 64 : i32
    %mul3A_4 = arith.muli %add3A, %mul3A_3 : i32
    "tpu.region"() ({
      %run_scoped3A_74 = tpu.sem_alloc : memref<!tpu.dma_semaphore, #tpu.memory_space<semaphore_mem>>
      %dma_start3A_75 = arith.constant 0 : i32
      %dma_start3A_76 = tpu.memref_slice %arg4[%mul3A_4, %dma_start3A_75] : memref<2048x128xi32, #tpu.memory_space<hbm>> -> memref<64x128xi32, #tpu.memory_space<hbm>>
      %dma_start3A_77 = arith.constant 0 : i32
      %dma_start3A_78 = tpu.memref_slice %arg4[%mul3A_4, %dma_start3A_77] : memref<2048x128xi32, #tpu.memory_space<hbm>> -> memref<64x128xi32, #tpu.memory_space<hbm>>
      tpu.enqueue_dma source(%dma_start3A_78 : memref<64x128xi32, #tpu.memory_space<hbm>>) target(%arg8 : memref<64x128xi32, #tpu.memory_space<vmem>>) target_semaphore(%run_scoped3A_74 : memref<!tpu.dma_semaphore, #tpu.memory_space<semaphore_mem>>)
      %dma_wait3A_79 = arith.constant 0 : i32
      %dma_wait3A_80 = tpu.memref_slice %arg4[%mul3A_4, %dma_wait3A_79] : memref<2048x128xi32, #tpu.memory_space<hbm>> -> memref<64x128xi32, #tpu.memory_space<hbm>>
      %dma_wait3A_81 = arith.constant 0 : i32
      %dma_wait3A_82 = tpu.memref_slice %arg4[%mul3A_4, %dma_wait3A_81] : memref<2048x128xi32, #tpu.memory_space<hbm>> -> memref<64x128xi32, #tpu.memory_space<hbm>>
      tpu.wait_dma2 semaphore(%run_scoped3A_74 : memref<!tpu.dma_semaphore, #tpu.memory_space<semaphore_mem>>) src(%dma_wait3A_82 : memref<64x128xi32, #tpu.memory_space<hbm>>) dst(%arg8 : memref<64x128xi32, #tpu.memory_space<vmem>>)
      tpu.yield
    }) : () -> ()
    %mul3A_5 = arith.constant 256 : i32
    %mul3A_6 = arith.muli %arg1, %mul3A_5 : i32
    %mul3A_7 = arith.constant 256 : i32
    %mul3A_8 = arith.muli %arg1, %mul3A_7 : i32
    "tpu.region"() ({
      %run_scoped3A_74 = tpu.sem_alloc : memref<!tpu.dma_semaphore, #tpu.memory_space<semaphore_mem>>
      %dma_start3A_75 = arith.constant 0 : i32
      %dma_start3A_76 = tpu.memref_slice %arg13[%mul3A_8, %dma_start3A_75] : memref<4096x128xf32, #tpu.memory_space<vmem_shared>> -> memref<256x128xf32, #tpu.memory_space<vmem_shared>>
      %dma_start3A_77 = arith.constant 0 : i32
      %dma_start3A_78 = tpu.memref_slice %arg5[%mul3A_6, %dma_start3A_77] : memref<4096x128xf32, #tpu.memory_space<hbm>> -> memref<256x128xf32, #tpu.memory_space<hbm>>
      tpu.enqueue_dma source(%dma_start3A_78 : memref<256x128xf32, #tpu.memory_space<hbm>>) target(%dma_start3A_76 : memref<256x128xf32, #tpu.memory_space<vmem_shared>>) target_semaphore(%run_scoped3A_74 : memref<!tpu.dma_semaphore, #tpu.memory_space<semaphore_mem>>)
      %dma_wait3A_79 = arith.constant 0 : i32
      %dma_wait3A_80 = tpu.memref_slice %arg13[%mul3A_8, %dma_wait3A_79] : memref<4096x128xf32, #tpu.memory_space<vmem_shared>> -> memref<256x128xf32, #tpu.memory_space<vmem_shared>>
      %dma_wait3A_81 = arith.constant 0 : i32
      %dma_wait3A_82 = tpu.memref_slice %arg5[%mul3A_6, %dma_wait3A_81] : memref<4096x128xf32, #tpu.memory_space<hbm>> -> memref<256x128xf32, #tpu.memory_space<hbm>>
      tpu.wait_dma2 semaphore(%run_scoped3A_74 : memref<!tpu.dma_semaphore, #tpu.memory_space<semaphore_mem>>) src(%dma_wait3A_82 : memref<256x128xf32, #tpu.memory_space<hbm>>) dst(%dma_wait3A_80 : memref<256x128xf32, #tpu.memory_space<vmem_shared>>)
      tpu.yield
    }) : () -> ()
    %barrier3A = arith.constant 0 : index
    tpu.barrier barrier_id(%barrier3A)
    %dma_start3A = arith.constant 0 : i32
    %dma_start3A_9 = arith.constant 0 : i32
    %dma_start3A_10 = tpu.memref_slice %arg7[%dma_start3A, %dma_start3A_9] : memref<64x128xi32, #tpu.memory_space<vmem>> -> memref<1x128xi32, #tpu.memory_space<vmem>>
    %dma_start3A_11 = tpu.memref_squeeze %dma_start3A_10 : memref<1x128xi32, #tpu.memory_space<vmem>> -> memref<128xi32, #tpu.memory_space<vmem>>
    %dma_start3A_12 = arith.constant 0 : i32
    %dma_start3A_13 = arith.constant 0 : i32
    %dma_start3A_14 = tpu.memref_slice %arg2[%dma_start3A_12, %dma_start3A_13] : memref<4096x128xf32, #tpu.memory_space<hbm>> -> memref<4096x128xf32, #tpu.memory_space<hbm>>
    tpu.enqueue_indirect_dma source(%dma_start3A_14 : memref<4096x128xf32, #tpu.memory_space<hbm>>) target(%arg9 : memref<128x128xf32, #tpu.memory_space<vmem>>) offsets(%dma_start3A_11 : memref<128xi32, #tpu.memory_space<vmem>>) semaphore(%arg14 : memref<!tpu.dma_semaphore, #tpu.memory_space<semaphore_mem>>)
    %dma_start3A_15 = arith.constant 1 : i32
    %dma_start3A_16 = arith.constant 0 : i32
    %dma_start3A_17 = tpu.memref_slice %arg7[%dma_start3A_15, %dma_start3A_16] : memref<64x128xi32, #tpu.memory_space<vmem>> -> memref<1x128xi32, #tpu.memory_space<vmem>>
    %dma_start3A_18 = tpu.memref_squeeze %dma_start3A_17 : memref<1x128xi32, #tpu.memory_space<vmem>> -> memref<128xi32, #tpu.memory_space<vmem>>
    %dma_start3A_19 = arith.constant 0 : i32
    %dma_start3A_20 = arith.constant 0 : i32
    %dma_start3A_21 = tpu.memref_slice %arg2[%dma_start3A_19, %dma_start3A_20] : memref<4096x128xf32, #tpu.memory_space<hbm>> -> memref<4096x128xf32, #tpu.memory_space<hbm>>
    tpu.enqueue_indirect_dma source(%dma_start3A_21 : memref<4096x128xf32, #tpu.memory_space<hbm>>) target(%arg10 : memref<128x128xf32, #tpu.memory_space<vmem>>) offsets(%dma_start3A_18 : memref<128xi32, #tpu.memory_space<vmem>>) semaphore(%arg15 : memref<!tpu.dma_semaphore, #tpu.memory_space<semaphore_mem>>)
    %dma_start3A_22 = arith.constant 2 : i32
    %dma_start3A_23 = arith.constant 0 : i32
    %dma_start3A_24 = tpu.memref_slice %arg7[%dma_start3A_22, %dma_start3A_23] : memref<64x128xi32, #tpu.memory_space<vmem>> -> memref<1x128xi32, #tpu.memory_space<vmem>>
    %dma_start3A_25 = tpu.memref_squeeze %dma_start3A_24 : memref<1x128xi32, #tpu.memory_space<vmem>> -> memref<128xi32, #tpu.memory_space<vmem>>
    %dma_start3A_26 = arith.constant 0 : i32
    %dma_start3A_27 = arith.constant 0 : i32
    %dma_start3A_28 = tpu.memref_slice %arg2[%dma_start3A_26, %dma_start3A_27] : memref<4096x128xf32, #tpu.memory_space<hbm>> -> memref<4096x128xf32, #tpu.memory_space<hbm>>
    tpu.enqueue_indirect_dma source(%dma_start3A_28 : memref<4096x128xf32, #tpu.memory_space<hbm>>) target(%arg11 : memref<128x128xf32, #tpu.memory_space<vmem>>) offsets(%dma_start3A_25 : memref<128xi32, #tpu.memory_space<vmem>>) semaphore(%arg16 : memref<!tpu.dma_semaphore, #tpu.memory_space<semaphore_mem>>)
    %dma_start3A_29 = arith.constant 3 : i32
    %dma_start3A_30 = arith.constant 0 : i32
    %dma_start3A_31 = tpu.memref_slice %arg7[%dma_start3A_29, %dma_start3A_30] : memref<64x128xi32, #tpu.memory_space<vmem>> -> memref<1x128xi32, #tpu.memory_space<vmem>>
    %dma_start3A_32 = tpu.memref_squeeze %dma_start3A_31 : memref<1x128xi32, #tpu.memory_space<vmem>> -> memref<128xi32, #tpu.memory_space<vmem>>
    %dma_start3A_33 = arith.constant 0 : i32
    %dma_start3A_34 = arith.constant 0 : i32
    %dma_start3A_35 = tpu.memref_slice %arg2[%dma_start3A_33, %dma_start3A_34] : memref<4096x128xf32, #tpu.memory_space<hbm>> -> memref<4096x128xf32, #tpu.memory_space<hbm>>
    tpu.enqueue_indirect_dma source(%dma_start3A_35 : memref<4096x128xf32, #tpu.memory_space<hbm>>) target(%arg12 : memref<128x128xf32, #tpu.memory_space<vmem>>) offsets(%dma_start3A_32 : memref<128xi32, #tpu.memory_space<vmem>>) semaphore(%arg17 : memref<!tpu.dma_semaphore, #tpu.memory_space<semaphore_mem>>)
    %scan3A = arith.constant 0 : i32
    %scan3A_36 = arith.constant 0 : i32
    %scan3A_37 = arith.constant 16 : i32
    %scan3A_38 = arith.addi %scan3A_36, %scan3A_37 : i32
    %scan3A_39 = arith.constant 1 : i32
    scf.for %scan3A_74 = %scan3A_36 to %scan3A_38 step %scan3A_39  : i32 {
      %mul3A_75 = arith.constant 4 : i32
      %mul3A_76 = arith.muli %scan3A_74, %mul3A_75 : i32
      %add3A_77 = arith.constant 0 : i32
      %add3A_78 = arith.addi %mul3A_76, %add3A_77 : i32
      %dma_wait3A_79 = arith.constant 0 : i32
      %dma_wait3A_80 = tpu.memref_slice %arg7[%add3A_78, %dma_wait3A_79] : memref<64x128xi32, #tpu.memory_space<vmem>> -> memref<1x128xi32, #tpu.memory_space<vmem>>
      %dma_wait3A_81 = tpu.memref_squeeze %dma_wait3A_80 : memref<1x128xi32, #tpu.memory_space<vmem>> -> memref<128xi32, #tpu.memory_space<vmem>>
      %dma_wait3A_82 = arith.constant 0 : i32
      %dma_wait3A_83 = arith.constant 0 : i32
      %dma_wait3A_84 = tpu.memref_slice %arg2[%dma_wait3A_82, %dma_wait3A_83] : memref<4096x128xf32, #tpu.memory_space<hbm>> -> memref<4096x128xf32, #tpu.memory_space<hbm>>
      tpu.wait_indirect_dma semaphore(%arg14 : memref<!tpu.dma_semaphore, #tpu.memory_space<semaphore_mem>>) src(%dma_wait3A_84 : memref<4096x128xf32, #tpu.memory_space<hbm>>) dst(%arg9 : memref<128x128xf32, #tpu.memory_space<vmem>>)
      %dma_start3A_85 = arith.constant 0 : i32
      %dma_start3A_86 = tpu.memref_slice %arg8[%add3A_78, %dma_start3A_85] : memref<64x128xi32, #tpu.memory_space<vmem>> -> memref<1x128xi32, #tpu.memory_space<vmem>>
      %dma_start3A_87 = tpu.memref_squeeze %dma_start3A_86 : memref<1x128xi32, #tpu.memory_space<vmem>> -> memref<128xi32, #tpu.memory_space<vmem>>
      %dma_start3A_88 = arith.constant 0 : i32
      %dma_start3A_89 = arith.constant 0 : i32
      %dma_start3A_90 = tpu.memref_slice %arg13[%dma_start3A_88, %dma_start3A_89] : memref<4096x128xf32, #tpu.memory_space<vmem_shared>> -> memref<4096x128xf32, #tpu.memory_space<vmem_shared>>
      tpu.enqueue_indirect_dma source(%arg9 : memref<128x128xf32, #tpu.memory_space<vmem>>) target(%dma_start3A_90 : memref<4096x128xf32, #tpu.memory_space<vmem_shared>>) offsets(%dma_start3A_87 : memref<128xi32, #tpu.memory_space<vmem>>) semaphore(%arg18 : memref<!tpu.dma_semaphore, #tpu.memory_space<semaphore_mem>>) {add = true}
      %add3A_91 = arith.constant 1 : i32
      %add3A_92 = arith.addi %scan3A_74, %add3A_91 : i32
      %lt3A = arith.constant 16 : i32
      %lt3A_93 = arith.cmpi slt, %add3A_92, %lt3A : i32
      %convert_element_type3A = arith.extui %lt3A_93 : i1 to i32
      %cond3A = arith.constant 0 : i32
      %cond3A_94 = arith.cmpi ne, %convert_element_type3A, %cond3A : i32
      scf.if %cond3A_94 {
        %dma_wait3A_164 = arith.constant 0 : i32
        %dma_wait3A_165 = tpu.memref_slice %arg8[%add3A_78, %dma_wait3A_164] : memref<64x128xi32, #tpu.memory_space<vmem>> -> memref<1x128xi32, #tpu.memory_space<vmem>>
        %dma_wait3A_166 = tpu.memref_squeeze %dma_wait3A_165 : memref<1x128xi32, #tpu.memory_space<vmem>> -> memref<128xi32, #tpu.memory_space<vmem>>
        %dma_wait3A_167 = arith.constant 0 : i32
        %dma_wait3A_168 = arith.constant 0 : i32
        %dma_wait3A_169 = tpu.memref_slice %arg13[%dma_wait3A_167, %dma_wait3A_168] : memref<4096x128xf32, #tpu.memory_space<vmem_shared>> -> memref<4096x128xf32, #tpu.memory_space<vmem_shared>>
        tpu.wait_indirect_dma semaphore(%arg18 : memref<!tpu.dma_semaphore, #tpu.memory_space<semaphore_mem>>) src(%arg9 : memref<128x128xf32, #tpu.memory_space<vmem>>) dst(%dma_wait3A_169 : memref<4096x128xf32, #tpu.memory_space<vmem_shared>>)
        %add3A_170 = arith.constant 4 : i32
        %add3A_171 = arith.addi %add3A_78, %add3A_170 : i32
        %dma_start3A_172 = arith.constant 0 : i32
        %dma_start3A_173 = tpu.memref_slice %arg7[%add3A_171, %dma_start3A_172] : memref<64x128xi32, #tpu.memory_space<vmem>> -> memref<1x128xi32, #tpu.memory_space<vmem>>
        %dma_start3A_174 = tpu.memref_squeeze %dma_start3A_173 : memref<1x128xi32, #tpu.memory_space<vmem>> -> memref<128xi32, #tpu.memory_space<vmem>>
        %dma_start3A_175 = arith.constant 0 : i32
        %dma_start3A_176 = arith.constant 0 : i32
        %dma_start3A_177 = tpu.memref_slice %arg2[%dma_start3A_175, %dma_start3A_176] : memref<4096x128xf32, #tpu.memory_space<hbm>> -> memref<4096x128xf32, #tpu.memory_space<hbm>>
        tpu.enqueue_indirect_dma source(%dma_start3A_177 : memref<4096x128xf32, #tpu.memory_space<hbm>>) target(%arg9 : memref<128x128xf32, #tpu.memory_space<vmem>>) offsets(%dma_start3A_174 : memref<128xi32, #tpu.memory_space<vmem>>) semaphore(%arg14 : memref<!tpu.dma_semaphore, #tpu.memory_space<semaphore_mem>>)
      } else {
      }
      %mul3A_95 = arith.constant 4 : i32
      %mul3A_96 = arith.muli %scan3A_74, %mul3A_95 : i32
      %add3A_97 = arith.constant 1 : i32
      %add3A_98 = arith.addi %mul3A_96, %add3A_97 : i32
      %dma_wait3A_99 = arith.constant 0 : i32
      %dma_wait3A_100 = tpu.memref_slice %arg7[%add3A_98, %dma_wait3A_99] : memref<64x128xi32, #tpu.memory_space<vmem>> -> memref<1x128xi32, #tpu.memory_space<vmem>>
      %dma_wait3A_101 = tpu.memref_squeeze %dma_wait3A_100 : memref<1x128xi32, #tpu.memory_space<vmem>> -> memref<128xi32, #tpu.memory_space<vmem>>
      %dma_wait3A_102 = arith.constant 0 : i32
      %dma_wait3A_103 = arith.constant 0 : i32
      %dma_wait3A_104 = tpu.memref_slice %arg2[%dma_wait3A_102, %dma_wait3A_103] : memref<4096x128xf32, #tpu.memory_space<hbm>> -> memref<4096x128xf32, #tpu.memory_space<hbm>>
      tpu.wait_indirect_dma semaphore(%arg15 : memref<!tpu.dma_semaphore, #tpu.memory_space<semaphore_mem>>) src(%dma_wait3A_104 : memref<4096x128xf32, #tpu.memory_space<hbm>>) dst(%arg10 : memref<128x128xf32, #tpu.memory_space<vmem>>)
      %dma_start3A_105 = arith.constant 0 : i32
      %dma_start3A_106 = tpu.memref_slice %arg8[%add3A_98, %dma_start3A_105] : memref<64x128xi32, #tpu.memory_space<vmem>> -> memref<1x128xi32, #tpu.memory_space<vmem>>
      %dma_start3A_107 = tpu.memref_squeeze %dma_start3A_106 : memref<1x128xi32, #tpu.memory_space<vmem>> -> memref<128xi32, #tpu.memory_space<vmem>>
      %dma_start3A_108 = arith.constant 0 : i32
      %dma_start3A_109 = arith.constant 0 : i32
      %dma_start3A_110 = tpu.memref_slice %arg13[%dma_start3A_108, %dma_start3A_109] : memref<4096x128xf32, #tpu.memory_space<vmem_shared>> -> memref<4096x128xf32, #tpu.memory_space<vmem_shared>>
      tpu.enqueue_indirect_dma source(%arg10 : memref<128x128xf32, #tpu.memory_space<vmem>>) target(%dma_start3A_110 : memref<4096x128xf32, #tpu.memory_space<vmem_shared>>) offsets(%dma_start3A_107 : memref<128xi32, #tpu.memory_space<vmem>>) semaphore(%arg19 : memref<!tpu.dma_semaphore, #tpu.memory_space<semaphore_mem>>) {add = true}
      %add3A_111 = arith.constant 1 : i32
      %add3A_112 = arith.addi %scan3A_74, %add3A_111 : i32
      %lt3A_113 = arith.constant 16 : i32
      %lt3A_114 = arith.cmpi slt, %add3A_112, %lt3A_113 : i32
      %convert_element_type3A_115 = arith.extui %lt3A_114 : i1 to i32
      %cond3A_116 = arith.constant 0 : i32
      %cond3A_117 = arith.cmpi ne, %convert_element_type3A_115, %cond3A_116 : i32
      scf.if %cond3A_117 {
        %dma_wait3A_164 = arith.constant 0 : i32
        %dma_wait3A_165 = tpu.memref_slice %arg8[%add3A_98, %dma_wait3A_164] : memref<64x128xi32, #tpu.memory_space<vmem>> -> memref<1x128xi32, #tpu.memory_space<vmem>>
        %dma_wait3A_166 = tpu.memref_squeeze %dma_wait3A_165 : memref<1x128xi32, #tpu.memory_space<vmem>> -> memref<128xi32, #tpu.memory_space<vmem>>
        %dma_wait3A_167 = arith.constant 0 : i32
        %dma_wait3A_168 = arith.constant 0 : i32
        %dma_wait3A_169 = tpu.memref_slice %arg13[%dma_wait3A_167, %dma_wait3A_168] : memref<4096x128xf32, #tpu.memory_space<vmem_shared>> -> memref<4096x128xf32, #tpu.memory_space<vmem_shared>>
        tpu.wait_indirect_dma semaphore(%arg19 : memref<!tpu.dma_semaphore, #tpu.memory_space<semaphore_mem>>) src(%arg10 : memref<128x128xf32, #tpu.memory_space<vmem>>) dst(%dma_wait3A_169 : memref<4096x128xf32, #tpu.memory_space<vmem_shared>>)
        %add3A_170 = arith.constant 4 : i32
        %add3A_171 = arith.addi %add3A_98, %add3A_170 : i32
        %dma_start3A_172 = arith.constant 0 : i32
        %dma_start3A_173 = tpu.memref_slice %arg7[%add3A_171, %dma_start3A_172] : memref<64x128xi32, #tpu.memory_space<vmem>> -> memref<1x128xi32, #tpu.memory_space<vmem>>
        %dma_start3A_174 = tpu.memref_squeeze %dma_start3A_173 : memref<1x128xi32, #tpu.memory_space<vmem>> -> memref<128xi32, #tpu.memory_space<vmem>>
        %dma_start3A_175 = arith.constant 0 : i32
        %dma_start3A_176 = arith.constant 0 : i32
        %dma_start3A_177 = tpu.memref_slice %arg2[%dma_start3A_175, %dma_start3A_176] : memref<4096x128xf32, #tpu.memory_space<hbm>> -> memref<4096x128xf32, #tpu.memory_space<hbm>>
        tpu.enqueue_indirect_dma source(%dma_start3A_177 : memref<4096x128xf32, #tpu.memory_space<hbm>>) target(%arg10 : memref<128x128xf32, #tpu.memory_space<vmem>>) offsets(%dma_start3A_174 : memref<128xi32, #tpu.memory_space<vmem>>) semaphore(%arg15 : memref<!tpu.dma_semaphore, #tpu.memory_space<semaphore_mem>>)
      } else {
      }
      %mul3A_118 = arith.constant 4 : i32
      %mul3A_119 = arith.muli %scan3A_74, %mul3A_118 : i32
      %add3A_120 = arith.constant 2 : i32
      %add3A_121 = arith.addi %mul3A_119, %add3A_120 : i32
      %dma_wait3A_122 = arith.constant 0 : i32
      %dma_wait3A_123 = tpu.memref_slice %arg7[%add3A_121, %dma_wait3A_122] : memref<64x128xi32, #tpu.memory_space<vmem>> -> memref<1x128xi32, #tpu.memory_space<vmem>>
      %dma_wait3A_124 = tpu.memref_squeeze %dma_wait3A_123 : memref<1x128xi32, #tpu.memory_space<vmem>> -> memref<128xi32, #tpu.memory_space<vmem>>
      %dma_wait3A_125 = arith.constant 0 : i32
      %dma_wait3A_126 = arith.constant 0 : i32
      %dma_wait3A_127 = tpu.memref_slice %arg2[%dma_wait3A_125, %dma_wait3A_126] : memref<4096x128xf32, #tpu.memory_space<hbm>> -> memref<4096x128xf32, #tpu.memory_space<hbm>>
      tpu.wait_indirect_dma semaphore(%arg16 : memref<!tpu.dma_semaphore, #tpu.memory_space<semaphore_mem>>) src(%dma_wait3A_127 : memref<4096x128xf32, #tpu.memory_space<hbm>>) dst(%arg11 : memref<128x128xf32, #tpu.memory_space<vmem>>)
      %dma_start3A_128 = arith.constant 0 : i32
      %dma_start3A_129 = tpu.memref_slice %arg8[%add3A_121, %dma_start3A_128] : memref<64x128xi32, #tpu.memory_space<vmem>> -> memref<1x128xi32, #tpu.memory_space<vmem>>
      %dma_start3A_130 = tpu.memref_squeeze %dma_start3A_129 : memref<1x128xi32, #tpu.memory_space<vmem>> -> memref<128xi32, #tpu.memory_space<vmem>>
      %dma_start3A_131 = arith.constant 0 : i32
      %dma_start3A_132 = arith.constant 0 : i32
      %dma_start3A_133 = tpu.memref_slice %arg13[%dma_start3A_131, %dma_start3A_132] : memref<4096x128xf32, #tpu.memory_space<vmem_shared>> -> memref<4096x128xf32, #tpu.memory_space<vmem_shared>>
      tpu.enqueue_indirect_dma source(%arg11 : memref<128x128xf32, #tpu.memory_space<vmem>>) target(%dma_start3A_133 : memref<4096x128xf32, #tpu.memory_space<vmem_shared>>) offsets(%dma_start3A_130 : memref<128xi32, #tpu.memory_space<vmem>>) semaphore(%arg20 : memref<!tpu.dma_semaphore, #tpu.memory_space<semaphore_mem>>) {add = true}
      %add3A_134 = arith.constant 1 : i32
      %add3A_135 = arith.addi %scan3A_74, %add3A_134 : i32
      %lt3A_136 = arith.constant 16 : i32
      %lt3A_137 = arith.cmpi slt, %add3A_135, %lt3A_136 : i32
      %convert_element_type3A_138 = arith.extui %lt3A_137 : i1 to i32
      %cond3A_139 = arith.constant 0 : i32
      %cond3A_140 = arith.cmpi ne, %convert_element_type3A_138, %cond3A_139 : i32
      scf.if %cond3A_140 {
        %dma_wait3A_164 = arith.constant 0 : i32
        %dma_wait3A_165 = tpu.memref_slice %arg8[%add3A_121, %dma_wait3A_164] : memref<64x128xi32, #tpu.memory_space<vmem>> -> memref<1x128xi32, #tpu.memory_space<vmem>>
        %dma_wait3A_166 = tpu.memref_squeeze %dma_wait3A_165 : memref<1x128xi32, #tpu.memory_space<vmem>> -> memref<128xi32, #tpu.memory_space<vmem>>
        %dma_wait3A_167 = arith.constant 0 : i32
        %dma_wait3A_168 = arith.constant 0 : i32
        %dma_wait3A_169 = tpu.memref_slice %arg13[%dma_wait3A_167, %dma_wait3A_168] : memref<4096x128xf32, #tpu.memory_space<vmem_shared>> -> memref<4096x128xf32, #tpu.memory_space<vmem_shared>>
        tpu.wait_indirect_dma semaphore(%arg20 : memref<!tpu.dma_semaphore, #tpu.memory_space<semaphore_mem>>) src(%arg11 : memref<128x128xf32, #tpu.memory_space<vmem>>) dst(%dma_wait3A_169 : memref<4096x128xf32, #tpu.memory_space<vmem_shared>>)
        %add3A_170 = arith.constant 4 : i32
        %add3A_171 = arith.addi %add3A_121, %add3A_170 : i32
        %dma_start3A_172 = arith.constant 0 : i32
        %dma_start3A_173 = tpu.memref_slice %arg7[%add3A_171, %dma_start3A_172] : memref<64x128xi32, #tpu.memory_space<vmem>> -> memref<1x128xi32, #tpu.memory_space<vmem>>
        %dma_start3A_174 = tpu.memref_squeeze %dma_start3A_173 : memref<1x128xi32, #tpu.memory_space<vmem>> -> memref<128xi32, #tpu.memory_space<vmem>>
        %dma_start3A_175 = arith.constant 0 : i32
        %dma_start3A_176 = arith.constant 0 : i32
        %dma_start3A_177 = tpu.memref_slice %arg2[%dma_start3A_175, %dma_start3A_176] : memref<4096x128xf32, #tpu.memory_space<hbm>> -> memref<4096x128xf32, #tpu.memory_space<hbm>>
        tpu.enqueue_indirect_dma source(%dma_start3A_177 : memref<4096x128xf32, #tpu.memory_space<hbm>>) target(%arg11 : memref<128x128xf32, #tpu.memory_space<vmem>>) offsets(%dma_start3A_174 : memref<128xi32, #tpu.memory_space<vmem>>) semaphore(%arg16 : memref<!tpu.dma_semaphore, #tpu.memory_space<semaphore_mem>>)
      } else {
      }
      %mul3A_141 = arith.constant 4 : i32
      %mul3A_142 = arith.muli %scan3A_74, %mul3A_141 : i32
      %add3A_143 = arith.constant 3 : i32
      %add3A_144 = arith.addi %mul3A_142, %add3A_143 : i32
      %dma_wait3A_145 = arith.constant 0 : i32
      %dma_wait3A_146 = tpu.memref_slice %arg7[%add3A_144, %dma_wait3A_145] : memref<64x128xi32, #tpu.memory_space<vmem>> -> memref<1x128xi32, #tpu.memory_space<vmem>>
      %dma_wait3A_147 = tpu.memref_squeeze %dma_wait3A_146 : memref<1x128xi32, #tpu.memory_space<vmem>> -> memref<128xi32, #tpu.memory_space<vmem>>
      %dma_wait3A_148 = arith.constant 0 : i32
      %dma_wait3A_149 = arith.constant 0 : i32
      %dma_wait3A_150 = tpu.memref_slice %arg2[%dma_wait3A_148, %dma_wait3A_149] : memref<4096x128xf32, #tpu.memory_space<hbm>> -> memref<4096x128xf32, #tpu.memory_space<hbm>>
      tpu.wait_indirect_dma semaphore(%arg17 : memref<!tpu.dma_semaphore, #tpu.memory_space<semaphore_mem>>) src(%dma_wait3A_150 : memref<4096x128xf32, #tpu.memory_space<hbm>>) dst(%arg12 : memref<128x128xf32, #tpu.memory_space<vmem>>)
      %dma_start3A_151 = arith.constant 0 : i32
      %dma_start3A_152 = tpu.memref_slice %arg8[%add3A_144, %dma_start3A_151] : memref<64x128xi32, #tpu.memory_space<vmem>> -> memref<1x128xi32, #tpu.memory_space<vmem>>
      %dma_start3A_153 = tpu.memref_squeeze %dma_start3A_152 : memref<1x128xi32, #tpu.memory_space<vmem>> -> memref<128xi32, #tpu.memory_space<vmem>>
      %dma_start3A_154 = arith.constant 0 : i32
      %dma_start3A_155 = arith.constant 0 : i32
      %dma_start3A_156 = tpu.memref_slice %arg13[%dma_start3A_154, %dma_start3A_155] : memref<4096x128xf32, #tpu.memory_space<vmem_shared>> -> memref<4096x128xf32, #tpu.memory_space<vmem_shared>>
      tpu.enqueue_indirect_dma source(%arg12 : memref<128x128xf32, #tpu.memory_space<vmem>>) target(%dma_start3A_156 : memref<4096x128xf32, #tpu.memory_space<vmem_shared>>) offsets(%dma_start3A_153 : memref<128xi32, #tpu.memory_space<vmem>>) semaphore(%arg21 : memref<!tpu.dma_semaphore, #tpu.memory_space<semaphore_mem>>) {add = true}
      %add3A_157 = arith.constant 1 : i32
      %add3A_158 = arith.addi %scan3A_74, %add3A_157 : i32
      %lt3A_159 = arith.constant 16 : i32
      %lt3A_160 = arith.cmpi slt, %add3A_158, %lt3A_159 : i32
      %convert_element_type3A_161 = arith.extui %lt3A_160 : i1 to i32
      %cond3A_162 = arith.constant 0 : i32
      %cond3A_163 = arith.cmpi ne, %convert_element_type3A_161, %cond3A_162 : i32
      scf.if %cond3A_163 {
        %dma_wait3A_164 = arith.constant 0 : i32
        %dma_wait3A_165 = tpu.memref_slice %arg8[%add3A_144, %dma_wait3A_164] : memref<64x128xi32, #tpu.memory_space<vmem>> -> memref<1x128xi32, #tpu.memory_space<vmem>>
        %dma_wait3A_166 = tpu.memref_squeeze %dma_wait3A_165 : memref<1x128xi32, #tpu.memory_space<vmem>> -> memref<128xi32, #tpu.memory_space<vmem>>
        %dma_wait3A_167 = arith.constant 0 : i32
        %dma_wait3A_168 = arith.constant 0 : i32
        %dma_wait3A_169 = tpu.memref_slice %arg13[%dma_wait3A_167, %dma_wait3A_168] : memref<4096x128xf32, #tpu.memory_space<vmem_shared>> -> memref<4096x128xf32, #tpu.memory_space<vmem_shared>>
        tpu.wait_indirect_dma semaphore(%arg21 : memref<!tpu.dma_semaphore, #tpu.memory_space<semaphore_mem>>) src(%arg12 : memref<128x128xf32, #tpu.memory_space<vmem>>) dst(%dma_wait3A_169 : memref<4096x128xf32, #tpu.memory_space<vmem_shared>>)
        %add3A_170 = arith.constant 4 : i32
        %add3A_171 = arith.addi %add3A_144, %add3A_170 : i32
        %dma_start3A_172 = arith.constant 0 : i32
        %dma_start3A_173 = tpu.memref_slice %arg7[%add3A_171, %dma_start3A_172] : memref<64x128xi32, #tpu.memory_space<vmem>> -> memref<1x128xi32, #tpu.memory_space<vmem>>
        %dma_start3A_174 = tpu.memref_squeeze %dma_start3A_173 : memref<1x128xi32, #tpu.memory_space<vmem>> -> memref<128xi32, #tpu.memory_space<vmem>>
        %dma_start3A_175 = arith.constant 0 : i32
        %dma_start3A_176 = arith.constant 0 : i32
        %dma_start3A_177 = tpu.memref_slice %arg2[%dma_start3A_175, %dma_start3A_176] : memref<4096x128xf32, #tpu.memory_space<hbm>> -> memref<4096x128xf32, #tpu.memory_space<hbm>>
        tpu.enqueue_indirect_dma source(%dma_start3A_177 : memref<4096x128xf32, #tpu.memory_space<hbm>>) target(%arg12 : memref<128x128xf32, #tpu.memory_space<vmem>>) offsets(%dma_start3A_174 : memref<128xi32, #tpu.memory_space<vmem>>) semaphore(%arg17 : memref<!tpu.dma_semaphore, #tpu.memory_space<semaphore_mem>>)
      } else {
      }
    }
    %scan3A_40 = arith.constant 16 : i32
    %dma_wait3A = arith.constant 60 : i32
    %dma_wait3A_41 = arith.constant 0 : i32
    %dma_wait3A_42 = tpu.memref_slice %arg8[%dma_wait3A, %dma_wait3A_41] : memref<64x128xi32, #tpu.memory_space<vmem>> -> memref<1x128xi32, #tpu.memory_space<vmem>>
    %dma_wait3A_43 = tpu.memref_squeeze %dma_wait3A_42 : memref<1x128xi32, #tpu.memory_space<vmem>> -> memref<128xi32, #tpu.memory_space<vmem>>
    %dma_wait3A_44 = arith.constant 0 : i32
    %dma_wait3A_45 = arith.constant 0 : i32
    %dma_wait3A_46 = tpu.memref_slice %arg13[%dma_wait3A_44, %dma_wait3A_45] : memref<4096x128xf32, #tpu.memory_space<vmem_shared>> -> memref<4096x128xf32, #tpu.memory_space<vmem_shared>>
    tpu.wait_indirect_dma semaphore(%arg18 : memref<!tpu.dma_semaphore, #tpu.memory_space<semaphore_mem>>) src(%arg9 : memref<128x128xf32, #tpu.memory_space<vmem>>) dst(%dma_wait3A_46 : memref<4096x128xf32, #tpu.memory_space<vmem_shared>>)
    %dma_wait3A_47 = arith.constant 61 : i32
    %dma_wait3A_48 = arith.constant 0 : i32
    %dma_wait3A_49 = tpu.memref_slice %arg8[%dma_wait3A_47, %dma_wait3A_48] : memref<64x128xi32, #tpu.memory_space<vmem>> -> memref<1x128xi32, #tpu.memory_space<vmem>>
    %dma_wait3A_50 = tpu.memref_squeeze %dma_wait3A_49 : memref<1x128xi32, #tpu.memory_space<vmem>> -> memref<128xi32, #tpu.memory_space<vmem>>
    %dma_wait3A_51 = arith.constant 0 : i32
    %dma_wait3A_52 = arith.constant 0 : i32
    %dma_wait3A_53 = tpu.memref_slice %arg13[%dma_wait3A_51, %dma_wait3A_52] : memref<4096x128xf32, #tpu.memory_space<vmem_shared>> -> memref<4096x128xf32, #tpu.memory_space<vmem_shared>>
    tpu.wait_indirect_dma semaphore(%arg19 : memref<!tpu.dma_semaphore, #tpu.memory_space<semaphore_mem>>) src(%arg10 : memref<128x128xf32, #tpu.memory_space<vmem>>) dst(%dma_wait3A_53 : memref<4096x128xf32, #tpu.memory_space<vmem_shared>>)
    %dma_wait3A_54 = arith.constant 62 : i32
    %dma_wait3A_55 = arith.constant 0 : i32
    %dma_wait3A_56 = tpu.memref_slice %arg8[%dma_wait3A_54, %dma_wait3A_55] : memref<64x128xi32, #tpu.memory_space<vmem>> -> memref<1x128xi32, #tpu.memory_space<vmem>>
    %dma_wait3A_57 = tpu.memref_squeeze %dma_wait3A_56 : memref<1x128xi32, #tpu.memory_space<vmem>> -> memref<128xi32, #tpu.memory_space<vmem>>
    %dma_wait3A_58 = arith.constant 0 : i32
    %dma_wait3A_59 = arith.constant 0 : i32
    %dma_wait3A_60 = tpu.memref_slice %arg13[%dma_wait3A_58, %dma_wait3A_59] : memref<4096x128xf32, #tpu.memory_space<vmem_shared>> -> memref<4096x128xf32, #tpu.memory_space<vmem_shared>>
    tpu.wait_indirect_dma semaphore(%arg20 : memref<!tpu.dma_semaphore, #tpu.memory_space<semaphore_mem>>) src(%arg11 : memref<128x128xf32, #tpu.memory_space<vmem>>) dst(%dma_wait3A_60 : memref<4096x128xf32, #tpu.memory_space<vmem_shared>>)
    %dma_wait3A_61 = arith.constant 63 : i32
    %dma_wait3A_62 = arith.constant 0 : i32
    %dma_wait3A_63 = tpu.memref_slice %arg8[%dma_wait3A_61, %dma_wait3A_62] : memref<64x128xi32, #tpu.memory_space<vmem>> -> memref<1x128xi32, #tpu.memory_space<vmem>>
    %dma_wait3A_64 = tpu.memref_squeeze %dma_wait3A_63 : memref<1x128xi32, #tpu.memory_space<vmem>> -> memref<128xi32, #tpu.memory_space<vmem>>
    %dma_wait3A_65 = arith.constant 0 : i32
    %dma_wait3A_66 = arith.constant 0 : i32
    %dma_wait3A_67 = tpu.memref_slice %arg13[%dma_wait3A_65, %dma_wait3A_66] : memref<4096x128xf32, #tpu.memory_space<vmem_shared>> -> memref<4096x128xf32, #tpu.memory_space<vmem_shared>>
    tpu.wait_indirect_dma semaphore(%arg21 : memref<!tpu.dma_semaphore, #tpu.memory_space<semaphore_mem>>) src(%arg12 : memref<128x128xf32, #tpu.memory_space<vmem>>) dst(%dma_wait3A_67 : memref<4096x128xf32, #tpu.memory_space<vmem_shared>>)
    %barrier3A_68 = arith.constant 0 : index
    tpu.barrier barrier_id(%barrier3A_68)
    %mul3A_69 = arith.constant 256 : i32
    %mul3A_70 = arith.muli %arg1, %mul3A_69 : i32
    %mul3A_71 = arith.constant 256 : i32
    %mul3A_72 = arith.muli %arg1, %mul3A_71 : i32
    %run_scoped3A = arith.constant 0 : i32
    "tpu.region"() ({
      %run_scoped3A_74 = tpu.sem_alloc : memref<!tpu.dma_semaphore, #tpu.memory_space<semaphore_mem>>
      %dma_start3A_75 = arith.constant 0 : i32
      %dma_start3A_76 = tpu.memref_slice %arg6[%run_scoped3A, %arg0, %mul3A_72, %dma_start3A_75] : memref<1x2x4096x128xf32, #tpu.memory_space<hbm>> -> memref<1x1x256x128xf32, #tpu.memory_space<hbm>>
      %dma_start3A_77 = tpu.memref_squeeze %dma_start3A_76 : memref<1x1x256x128xf32, #tpu.memory_space<hbm>> -> memref<256x128xf32, #tpu.memory_space<hbm>>
      %dma_start3A_78 = arith.constant 0 : i32
      %dma_start3A_79 = tpu.memref_slice %arg13[%mul3A_70, %dma_start3A_78] : memref<4096x128xf32, #tpu.memory_space<vmem_shared>> -> memref<256x128xf32, #tpu.memory_space<vmem_shared>>
      tpu.enqueue_dma source(%dma_start3A_79 : memref<256x128xf32, #tpu.memory_space<vmem_shared>>) target(%dma_start3A_77 : memref<256x128xf32, #tpu.memory_space<hbm>>) target_semaphore(%run_scoped3A_74 : memref<!tpu.dma_semaphore, #tpu.memory_space<semaphore_mem>>)
      %dma_wait3A_80 = arith.constant 0 : i32
      %dma_wait3A_81 = tpu.memref_slice %arg6[%run_scoped3A, %arg0, %mul3A_72, %dma_wait3A_80] : memref<1x2x4096x128xf32, #tpu.memory_space<hbm>> -> memref<1x1x256x128xf32, #tpu.memory_space<hbm>>
      %dma_wait3A_82 = tpu.memref_squeeze %dma_wait3A_81 : memref<1x1x256x128xf32, #tpu.memory_space<hbm>> -> memref<256x128xf32, #tpu.memory_space<hbm>>
      %dma_wait3A_83 = arith.constant 0 : i32
      %dma_wait3A_84 = tpu.memref_slice %arg13[%mul3A_70, %dma_wait3A_83] : memref<4096x128xf32, #tpu.memory_space<vmem_shared>> -> memref<256x128xf32, #tpu.memory_space<vmem_shared>>
      tpu.wait_dma2 semaphore(%run_scoped3A_74 : memref<!tpu.dma_semaphore, #tpu.memory_space<semaphore_mem>>) src(%dma_wait3A_84 : memref<256x128xf32, #tpu.memory_space<vmem_shared>>) dst(%dma_wait3A_82 : memref<256x128xf32, #tpu.memory_space<hbm>>)
      tpu.yield
    }) : () -> ()
    %barrier3A_73 = arith.constant 0 : index
    tpu.barrier barrier_id(%barrier3A_73)
    return
  }
}

#map = affine_map<(d0, d1) -> (0, 0)>
#map1 = affine_map<(d0, d1) -> (0, 0, 0, 0)>
module attributes {stable_mosaic.version = 14 : i64} {
  func.func @sc_prop(%arg0: i32, %arg1: i32, %arg2: memref<4096x128xf32, #tpu.memory_space<hbm>>, %arg3: memref<2048x128xi32, #tpu.memory_space<hbm>>, %arg4: memref<2048x128xi32, #tpu.memory_space<hbm>>, %arg5: memref<4096x128xf32, #tpu.memory_space<hbm>>, %arg6: memref<1x2x4096x128xf32, #tpu.memory_space<hbm>>, %arg7: memref<64x128xi32, #tpu.memory_space<vmem>>, %arg8: memref<64x128xi32, #tpu.memory_space<vmem>>, %arg9: memref<128x128xf32, #tpu.memory_space<vmem>>, %arg10: memref<128x128xf32, #tpu.memory_space<vmem>>, %arg11: memref<128x128xf32, #tpu.memory_space<vmem>>, %arg12: memref<128x128xf32, #tpu.memory_space<vmem>>, %arg13: memref<4096x128xf32, #tpu.memory_space<vmem_shared>>, %arg14: memref<!tpu.dma_semaphore, #tpu.memory_space<semaphore_mem>>, %arg15: memref<!tpu.dma_semaphore, #tpu.memory_space<semaphore_mem>>, %arg16: memref<!tpu.dma_semaphore, #tpu.memory_space<semaphore_mem>>, %arg17: memref<!tpu.dma_semaphore, #tpu.memory_space<semaphore_mem>>, %arg18: memref<!tpu.dma_semaphore, #tpu.memory_space<semaphore_mem>>, %arg19: memref<!tpu.dma_semaphore, #tpu.memory_space<semaphore_mem>>, %arg20: memref<!tpu.dma_semaphore, #tpu.memory_space<semaphore_mem>>, %arg21: memref<!tpu.dma_semaphore, #tpu.memory_space<semaphore_mem>>) attributes {dimension_semantics = [#tpu.dimension_semantics<core_parallel>, #tpu.dimension_semantics<subcore_parallel>], iteration_bounds = array<i64: 2, 16>, scalar_prefetch = 0 : i64, scratch_operands = 15 : i64, tpu.core_type = #tpu.core_type<sc_vector_subcore>, window_params = [{transform_indices = #map}, {transform_indices = #map}, {transform_indices = #map}, {transform_indices = #map}, {transform_indices = #map1}]} {
    %mul3A = arith.constant 2 : i32
    %mul3A_0 = arith.muli %arg1, %mul3A : i32
    %add3A = arith.addi %mul3A_0, %arg0 : i32
    %mul3A_1 = arith.constant 64 : i32
    %mul3A_2 = arith.muli %add3A, %mul3A_1 : i32
    "tpu.region"() ({
      %run_scoped3A_74 = tpu.sem_alloc : memref<!tpu.dma_semaphore, #tpu.memory_space<semaphore_mem>>
      %dma_start3A_75 = arith.constant 0 : i32
      %dma_start3A_76 = tpu.memref_slice %arg3[%mul3A_2, %dma_start3A_75] : memref<2048x128xi32, #tpu.memory_space<hbm>> -> memref<64x128xi32, #tpu.memory_space<hbm>>
      %dma_start3A_77 = arith.constant 0 : i32
      %dma_start3A_78 = tpu.memref_slice %arg3[%mul3A_2, %dma_start3A_77] : memref<2048x128xi32, #tpu.memory_space<hbm>> -> memref<64x128xi32, #tpu.memory_space<hbm>>
      tpu.enqueue_dma source(%dma_start3A_78 : memref<64x128xi32, #tpu.memory_space<hbm>>) target(%arg7 : memref<64x128xi32, #tpu.memory_space<vmem>>) target_semaphore(%run_scoped3A_74 : memref<!tpu.dma_semaphore, #tpu.memory_space<semaphore_mem>>)
      %dma_wait3A_79 = arith.constant 0 : i32
      %dma_wait3A_80 = tpu.memref_slice %arg3[%mul3A_2, %dma_wait3A_79] : memref<2048x128xi32, #tpu.memory_space<hbm>> -> memref<64x128xi32, #tpu.memory_space<hbm>>
      %dma_wait3A_81 = arith.constant 0 : i32
      %dma_wait3A_82 = tpu.memref_slice %arg3[%mul3A_2, %dma_wait3A_81] : memref<2048x128xi32, #tpu.memory_space<hbm>> -> memref<64x128xi32, #tpu.memory_space<hbm>>
      tpu.wait_dma2 semaphore(%run_scoped3A_74 : memref<!tpu.dma_semaphore, #tpu.memory_space<semaphore_mem>>) src(%dma_wait3A_82 : memref<64x128xi32, #tpu.memory_space<hbm>>) dst(%arg7 : memref<64x128xi32, #tpu.memory_space<vmem>>)
      tpu.yield
    }) : () -> ()
    %mul3A_3 = arith.constant 64 : i32
    %mul3A_4 = arith.muli %add3A, %mul3A_3 : i32
    "tpu.region"() ({
      %run_scoped3A_74 = tpu.sem_alloc : memref<!tpu.dma_semaphore, #tpu.memory_space<semaphore_mem>>
      %dma_start3A_75 = arith.constant 0 : i32
      %dma_start3A_76 = tpu.memref_slice %arg4[%mul3A_4, %dma_start3A_75] : memref<2048x128xi32, #tpu.memory_space<hbm>> -> memref<64x128xi32, #tpu.memory_space<hbm>>
      %dma_start3A_77 = arith.constant 0 : i32
      %dma_start3A_78 = tpu.memref_slice %arg4[%mul3A_4, %dma_start3A_77] : memref<2048x128xi32, #tpu.memory_space<hbm>> -> memref<64x128xi32, #tpu.memory_space<hbm>>
      tpu.enqueue_dma source(%dma_start3A_78 : memref<64x128xi32, #tpu.memory_space<hbm>>) target(%arg8 : memref<64x128xi32, #tpu.memory_space<vmem>>) target_semaphore(%run_scoped3A_74 : memref<!tpu.dma_semaphore, #tpu.memory_space<semaphore_mem>>)
      %dma_wait3A_79 = arith.constant 0 : i32
      %dma_wait3A_80 = tpu.memref_slice %arg4[%mul3A_4, %dma_wait3A_79] : memref<2048x128xi32, #tpu.memory_space<hbm>> -> memref<64x128xi32, #tpu.memory_space<hbm>>
      %dma_wait3A_81 = arith.constant 0 : i32
      %dma_wait3A_82 = tpu.memref_slice %arg4[%mul3A_4, %dma_wait3A_81] : memref<2048x128xi32, #tpu.memory_space<hbm>> -> memref<64x128xi32, #tpu.memory_space<hbm>>
      tpu.wait_dma2 semaphore(%run_scoped3A_74 : memref<!tpu.dma_semaphore, #tpu.memory_space<semaphore_mem>>) src(%dma_wait3A_82 : memref<64x128xi32, #tpu.memory_space<hbm>>) dst(%arg8 : memref<64x128xi32, #tpu.memory_space<vmem>>)
      tpu.yield
    }) : () -> ()
    %mul3A_5 = arith.constant 256 : i32
    %mul3A_6 = arith.muli %arg1, %mul3A_5 : i32
    %mul3A_7 = arith.constant 256 : i32
    %mul3A_8 = arith.muli %arg1, %mul3A_7 : i32
    "tpu.region"() ({
      %run_scoped3A_74 = tpu.sem_alloc : memref<!tpu.dma_semaphore, #tpu.memory_space<semaphore_mem>>
      %dma_start3A_75 = arith.constant 0 : i32
      %dma_start3A_76 = tpu.memref_slice %arg13[%mul3A_8, %dma_start3A_75] : memref<4096x128xf32, #tpu.memory_space<vmem_shared>> -> memref<256x128xf32, #tpu.memory_space<vmem_shared>>
      %dma_start3A_77 = arith.constant 0 : i32
      %dma_start3A_78 = tpu.memref_slice %arg5[%mul3A_6, %dma_start3A_77] : memref<4096x128xf32, #tpu.memory_space<hbm>> -> memref<256x128xf32, #tpu.memory_space<hbm>>
      tpu.enqueue_dma source(%dma_start3A_78 : memref<256x128xf32, #tpu.memory_space<hbm>>) target(%dma_start3A_76 : memref<256x128xf32, #tpu.memory_space<vmem_shared>>) target_semaphore(%run_scoped3A_74 : memref<!tpu.dma_semaphore, #tpu.memory_space<semaphore_mem>>)
      %dma_wait3A_79 = arith.constant 0 : i32
      %dma_wait3A_80 = tpu.memref_slice %arg13[%mul3A_8, %dma_wait3A_79] : memref<4096x128xf32, #tpu.memory_space<vmem_shared>> -> memref<256x128xf32, #tpu.memory_space<vmem_shared>>
      %dma_wait3A_81 = arith.constant 0 : i32
      %dma_wait3A_82 = tpu.memref_slice %arg5[%mul3A_6, %dma_wait3A_81] : memref<4096x128xf32, #tpu.memory_space<hbm>> -> memref<256x128xf32, #tpu.memory_space<hbm>>
      tpu.wait_dma2 semaphore(%run_scoped3A_74 : memref<!tpu.dma_semaphore, #tpu.memory_space<semaphore_mem>>) src(%dma_wait3A_82 : memref<256x128xf32, #tpu.memory_space<hbm>>) dst(%dma_wait3A_80 : memref<256x128xf32, #tpu.memory_space<vmem_shared>>)
      tpu.yield
    }) : () -> ()
    %barrier3A = arith.constant 0 : index
    tpu.barrier barrier_id(%barrier3A)
    %dma_start3A = arith.constant 0 : i32
    %dma_start3A_9 = arith.constant 0 : i32
    %dma_start3A_10 = tpu.memref_slice %arg7[%dma_start3A, %dma_start3A_9] : memref<64x128xi32, #tpu.memory_space<vmem>> -> memref<1x128xi32, #tpu.memory_space<vmem>>
    %dma_start3A_11 = tpu.memref_squeeze %dma_start3A_10 : memref<1x128xi32, #tpu.memory_space<vmem>> -> memref<128xi32, #tpu.memory_space<vmem>>
    %dma_start3A_12 = arith.constant 0 : i32
    %dma_start3A_13 = arith.constant 0 : i32
    %dma_start3A_14 = tpu.memref_slice %arg2[%dma_start3A_12, %dma_start3A_13] : memref<4096x128xf32, #tpu.memory_space<hbm>> -> memref<4096x128xf32, #tpu.memory_space<hbm>>
    tpu.enqueue_indirect_dma source(%dma_start3A_14 : memref<4096x128xf32, #tpu.memory_space<hbm>>) target(%arg9 : memref<128x128xf32, #tpu.memory_space<vmem>>) offsets(%dma_start3A_11 : memref<128xi32, #tpu.memory_space<vmem>>) semaphore(%arg14 : memref<!tpu.dma_semaphore, #tpu.memory_space<semaphore_mem>>)
    %dma_start3A_15 = arith.constant 1 : i32
    %dma_start3A_16 = arith.constant 0 : i32
    %dma_start3A_17 = tpu.memref_slice %arg7[%dma_start3A_15, %dma_start3A_16] : memref<64x128xi32, #tpu.memory_space<vmem>> -> memref<1x128xi32, #tpu.memory_space<vmem>>
    %dma_start3A_18 = tpu.memref_squeeze %dma_start3A_17 : memref<1x128xi32, #tpu.memory_space<vmem>> -> memref<128xi32, #tpu.memory_space<vmem>>
    %dma_start3A_19 = arith.constant 0 : i32
    %dma_start3A_20 = arith.constant 0 : i32
    %dma_start3A_21 = tpu.memref_slice %arg2[%dma_start3A_19, %dma_start3A_20] : memref<4096x128xf32, #tpu.memory_space<hbm>> -> memref<4096x128xf32, #tpu.memory_space<hbm>>
    tpu.enqueue_indirect_dma source(%dma_start3A_21 : memref<4096x128xf32, #tpu.memory_space<hbm>>) target(%arg10 : memref<128x128xf32, #tpu.memory_space<vmem>>) offsets(%dma_start3A_18 : memref<128xi32, #tpu.memory_space<vmem>>) semaphore(%arg15 : memref<!tpu.dma_semaphore, #tpu.memory_space<semaphore_mem>>)
    %dma_start3A_22 = arith.constant 2 : i32
    %dma_start3A_23 = arith.constant 0 : i32
    %dma_start3A_24 = tpu.memref_slice %arg7[%dma_start3A_22, %dma_start3A_23] : memref<64x128xi32, #tpu.memory_space<vmem>> -> memref<1x128xi32, #tpu.memory_space<vmem>>
    %dma_start3A_25 = tpu.memref_squeeze %dma_start3A_24 : memref<1x128xi32, #tpu.memory_space<vmem>> -> memref<128xi32, #tpu.memory_space<vmem>>
    %dma_start3A_26 = arith.constant 0 : i32
    %dma_start3A_27 = arith.constant 0 : i32
    %dma_start3A_28 = tpu.memref_slice %arg2[%dma_start3A_26, %dma_start3A_27] : memref<4096x128xf32, #tpu.memory_space<hbm>> -> memref<4096x128xf32, #tpu.memory_space<hbm>>
    tpu.enqueue_indirect_dma source(%dma_start3A_28 : memref<4096x128xf32, #tpu.memory_space<hbm>>) target(%arg11 : memref<128x128xf32, #tpu.memory_space<vmem>>) offsets(%dma_start3A_25 : memref<128xi32, #tpu.memory_space<vmem>>) semaphore(%arg16 : memref<!tpu.dma_semaphore, #tpu.memory_space<semaphore_mem>>)
    %dma_start3A_29 = arith.constant 3 : i32
    %dma_start3A_30 = arith.constant 0 : i32
    %dma_start3A_31 = tpu.memref_slice %arg7[%dma_start3A_29, %dma_start3A_30] : memref<64x128xi32, #tpu.memory_space<vmem>> -> memref<1x128xi32, #tpu.memory_space<vmem>>
    %dma_start3A_32 = tpu.memref_squeeze %dma_start3A_31 : memref<1x128xi32, #tpu.memory_space<vmem>> -> memref<128xi32, #tpu.memory_space<vmem>>
    %dma_start3A_33 = arith.constant 0 : i32
    %dma_start3A_34 = arith.constant 0 : i32
    %dma_start3A_35 = tpu.memref_slice %arg2[%dma_start3A_33, %dma_start3A_34] : memref<4096x128xf32, #tpu.memory_space<hbm>> -> memref<4096x128xf32, #tpu.memory_space<hbm>>
    tpu.enqueue_indirect_dma source(%dma_start3A_35 : memref<4096x128xf32, #tpu.memory_space<hbm>>) target(%arg12 : memref<128x128xf32, #tpu.memory_space<vmem>>) offsets(%dma_start3A_32 : memref<128xi32, #tpu.memory_space<vmem>>) semaphore(%arg17 : memref<!tpu.dma_semaphore, #tpu.memory_space<semaphore_mem>>)
    %scan3A = arith.constant 0 : i32
    %scan3A_36 = arith.constant 0 : i32
    %scan3A_37 = arith.constant 16 : i32
    %scan3A_38 = arith.addi %scan3A_36, %scan3A_37 : i32
    %scan3A_39 = arith.constant 1 : i32
    scf.for %scan3A_74 = %scan3A_36 to %scan3A_38 step %scan3A_39  : i32 {
      %mul3A_75 = arith.constant 4 : i32
      %mul3A_76 = arith.muli %scan3A_74, %mul3A_75 : i32
      %add3A_77 = arith.constant 0 : i32
      %add3A_78 = arith.addi %mul3A_76, %add3A_77 : i32
      %dma_wait3A_79 = arith.constant 0 : i32
      %dma_wait3A_80 = tpu.memref_slice %arg7[%add3A_78, %dma_wait3A_79] : memref<64x128xi32, #tpu.memory_space<vmem>> -> memref<1x128xi32, #tpu.memory_space<vmem>>
      %dma_wait3A_81 = tpu.memref_squeeze %dma_wait3A_80 : memref<1x128xi32, #tpu.memory_space<vmem>> -> memref<128xi32, #tpu.memory_space<vmem>>
      %dma_wait3A_82 = arith.constant 0 : i32
      %dma_wait3A_83 = arith.constant 0 : i32
      %dma_wait3A_84 = tpu.memref_slice %arg2[%dma_wait3A_82, %dma_wait3A_83] : memref<4096x128xf32, #tpu.memory_space<hbm>> -> memref<4096x128xf32, #tpu.memory_space<hbm>>
      tpu.wait_indirect_dma semaphore(%arg14 : memref<!tpu.dma_semaphore, #tpu.memory_space<semaphore_mem>>) src(%dma_wait3A_84 : memref<4096x128xf32, #tpu.memory_space<hbm>>) dst(%arg9 : memref<128x128xf32, #tpu.memory_space<vmem>>)
      %dma_start3A_85 = arith.constant 0 : i32
      %dma_start3A_86 = tpu.memref_slice %arg8[%add3A_78, %dma_start3A_85] : memref<64x128xi32, #tpu.memory_space<vmem>> -> memref<1x128xi32, #tpu.memory_space<vmem>>
      %dma_start3A_87 = tpu.memref_squeeze %dma_start3A_86 : memref<1x128xi32, #tpu.memory_space<vmem>> -> memref<128xi32, #tpu.memory_space<vmem>>
      %dma_start3A_88 = arith.constant 0 : i32
      %dma_start3A_89 = arith.constant 0 : i32
      %dma_start3A_90 = tpu.memref_slice %arg13[%dma_start3A_88, %dma_start3A_89] : memref<4096x128xf32, #tpu.memory_space<vmem_shared>> -> memref<4096x128xf32, #tpu.memory_space<vmem_shared>>
      tpu.enqueue_indirect_dma source(%arg9 : memref<128x128xf32, #tpu.memory_space<vmem>>) target(%dma_start3A_90 : memref<4096x128xf32, #tpu.memory_space<vmem_shared>>) offsets(%dma_start3A_87 : memref<128xi32, #tpu.memory_space<vmem>>) semaphore(%arg18 : memref<!tpu.dma_semaphore, #tpu.memory_space<semaphore_mem>>) {add = true}
      %add3A_91 = arith.constant 1 : i32
      %add3A_92 = arith.addi %scan3A_74, %add3A_91 : i32
      %lt3A = arith.constant 16 : i32
      %lt3A_93 = arith.cmpi slt, %add3A_92, %lt3A : i32
      %convert_element_type3A = arith.extui %lt3A_93 : i1 to i32
      %cond3A = arith.constant 0 : i32
      %cond3A_94 = arith.cmpi ne, %convert_element_type3A, %cond3A : i32
      scf.if %cond3A_94 {
        %dma_wait3A_164 = arith.constant 0 : i32
        %dma_wait3A_165 = tpu.memref_slice %arg8[%add3A_78, %dma_wait3A_164] : memref<64x128xi32, #tpu.memory_space<vmem>> -> memref<1x128xi32, #tpu.memory_space<vmem>>
        %dma_wait3A_166 = tpu.memref_squeeze %dma_wait3A_165 : memref<1x128xi32, #tpu.memory_space<vmem>> -> memref<128xi32, #tpu.memory_space<vmem>>
        %dma_wait3A_167 = arith.constant 0 : i32
        %dma_wait3A_168 = arith.constant 0 : i32
        %dma_wait3A_169 = tpu.memref_slice %arg13[%dma_wait3A_167, %dma_wait3A_168] : memref<4096x128xf32, #tpu.memory_space<vmem_shared>> -> memref<4096x128xf32, #tpu.memory_space<vmem_shared>>
        tpu.wait_indirect_dma semaphore(%arg18 : memref<!tpu.dma_semaphore, #tpu.memory_space<semaphore_mem>>) src(%arg9 : memref<128x128xf32, #tpu.memory_space<vmem>>) dst(%dma_wait3A_169 : memref<4096x128xf32, #tpu.memory_space<vmem_shared>>)
        %add3A_170 = arith.constant 4 : i32
        %add3A_171 = arith.addi %add3A_78, %add3A_170 : i32
        %dma_start3A_172 = arith.constant 0 : i32
        %dma_start3A_173 = tpu.memref_slice %arg7[%add3A_171, %dma_start3A_172] : memref<64x128xi32, #tpu.memory_space<vmem>> -> memref<1x128xi32, #tpu.memory_space<vmem>>
        %dma_start3A_174 = tpu.memref_squeeze %dma_start3A_173 : memref<1x128xi32, #tpu.memory_space<vmem>> -> memref<128xi32, #tpu.memory_space<vmem>>
        %dma_start3A_175 = arith.constant 0 : i32
        %dma_start3A_176 = arith.constant 0 : i32
        %dma_start3A_177 = tpu.memref_slice %arg2[%dma_start3A_175, %dma_start3A_176] : memref<4096x128xf32, #tpu.memory_space<hbm>> -> memref<4096x128xf32, #tpu.memory_space<hbm>>
        tpu.enqueue_indirect_dma source(%dma_start3A_177 : memref<4096x128xf32, #tpu.memory_space<hbm>>) target(%arg9 : memref<128x128xf32, #tpu.memory_space<vmem>>) offsets(%dma_start3A_174 : memref<128xi32, #tpu.memory_space<vmem>>) semaphore(%arg14 : memref<!tpu.dma_semaphore, #tpu.memory_space<semaphore_mem>>)
      } else {
      }
      %mul3A_95 = arith.constant 4 : i32
      %mul3A_96 = arith.muli %scan3A_74, %mul3A_95 : i32
      %add3A_97 = arith.constant 1 : i32
      %add3A_98 = arith.addi %mul3A_96, %add3A_97 : i32
      %dma_wait3A_99 = arith.constant 0 : i32
      %dma_wait3A_100 = tpu.memref_slice %arg7[%add3A_98, %dma_wait3A_99] : memref<64x128xi32, #tpu.memory_space<vmem>> -> memref<1x128xi32, #tpu.memory_space<vmem>>
      %dma_wait3A_101 = tpu.memref_squeeze %dma_wait3A_100 : memref<1x128xi32, #tpu.memory_space<vmem>> -> memref<128xi32, #tpu.memory_space<vmem>>
      %dma_wait3A_102 = arith.constant 0 : i32
      %dma_wait3A_103 = arith.constant 0 : i32
      %dma_wait3A_104 = tpu.memref_slice %arg2[%dma_wait3A_102, %dma_wait3A_103] : memref<4096x128xf32, #tpu.memory_space<hbm>> -> memref<4096x128xf32, #tpu.memory_space<hbm>>
      tpu.wait_indirect_dma semaphore(%arg15 : memref<!tpu.dma_semaphore, #tpu.memory_space<semaphore_mem>>) src(%dma_wait3A_104 : memref<4096x128xf32, #tpu.memory_space<hbm>>) dst(%arg10 : memref<128x128xf32, #tpu.memory_space<vmem>>)
      %dma_start3A_105 = arith.constant 0 : i32
      %dma_start3A_106 = tpu.memref_slice %arg8[%add3A_98, %dma_start3A_105] : memref<64x128xi32, #tpu.memory_space<vmem>> -> memref<1x128xi32, #tpu.memory_space<vmem>>
      %dma_start3A_107 = tpu.memref_squeeze %dma_start3A_106 : memref<1x128xi32, #tpu.memory_space<vmem>> -> memref<128xi32, #tpu.memory_space<vmem>>
      %dma_start3A_108 = arith.constant 0 : i32
      %dma_start3A_109 = arith.constant 0 : i32
      %dma_start3A_110 = tpu.memref_slice %arg13[%dma_start3A_108, %dma_start3A_109] : memref<4096x128xf32, #tpu.memory_space<vmem_shared>> -> memref<4096x128xf32, #tpu.memory_space<vmem_shared>>
      tpu.enqueue_indirect_dma source(%arg10 : memref<128x128xf32, #tpu.memory_space<vmem>>) target(%dma_start3A_110 : memref<4096x128xf32, #tpu.memory_space<vmem_shared>>) offsets(%dma_start3A_107 : memref<128xi32, #tpu.memory_space<vmem>>) semaphore(%arg19 : memref<!tpu.dma_semaphore, #tpu.memory_space<semaphore_mem>>) {add = true}
      %add3A_111 = arith.constant 1 : i32
      %add3A_112 = arith.addi %scan3A_74, %add3A_111 : i32
      %lt3A_113 = arith.constant 16 : i32
      %lt3A_114 = arith.cmpi slt, %add3A_112, %lt3A_113 : i32
      %convert_element_type3A_115 = arith.extui %lt3A_114 : i1 to i32
      %cond3A_116 = arith.constant 0 : i32
      %cond3A_117 = arith.cmpi ne, %convert_element_type3A_115, %cond3A_116 : i32
      scf.if %cond3A_117 {
        %dma_wait3A_164 = arith.constant 0 : i32
        %dma_wait3A_165 = tpu.memref_slice %arg8[%add3A_98, %dma_wait3A_164] : memref<64x128xi32, #tpu.memory_space<vmem>> -> memref<1x128xi32, #tpu.memory_space<vmem>>
        %dma_wait3A_166 = tpu.memref_squeeze %dma_wait3A_165 : memref<1x128xi32, #tpu.memory_space<vmem>> -> memref<128xi32, #tpu.memory_space<vmem>>
        %dma_wait3A_167 = arith.constant 0 : i32
        %dma_wait3A_168 = arith.constant 0 : i32
        %dma_wait3A_169 = tpu.memref_slice %arg13[%dma_wait3A_167, %dma_wait3A_168] : memref<4096x128xf32, #tpu.memory_space<vmem_shared>> -> memref<4096x128xf32, #tpu.memory_space<vmem_shared>>
        tpu.wait_indirect_dma semaphore(%arg19 : memref<!tpu.dma_semaphore, #tpu.memory_space<semaphore_mem>>) src(%arg10 : memref<128x128xf32, #tpu.memory_space<vmem>>) dst(%dma_wait3A_169 : memref<4096x128xf32, #tpu.memory_space<vmem_shared>>)
        %add3A_170 = arith.constant 4 : i32
        %add3A_171 = arith.addi %add3A_98, %add3A_170 : i32
        %dma_start3A_172 = arith.constant 0 : i32
        %dma_start3A_173 = tpu.memref_slice %arg7[%add3A_171, %dma_start3A_172] : memref<64x128xi32, #tpu.memory_space<vmem>> -> memref<1x128xi32, #tpu.memory_space<vmem>>
        %dma_start3A_174 = tpu.memref_squeeze %dma_start3A_173 : memref<1x128xi32, #tpu.memory_space<vmem>> -> memref<128xi32, #tpu.memory_space<vmem>>
        %dma_start3A_175 = arith.constant 0 : i32
        %dma_start3A_176 = arith.constant 0 : i32
        %dma_start3A_177 = tpu.memref_slice %arg2[%dma_start3A_175, %dma_start3A_176] : memref<4096x128xf32, #tpu.memory_space<hbm>> -> memref<4096x128xf32, #tpu.memory_space<hbm>>
        tpu.enqueue_indirect_dma source(%dma_start3A_177 : memref<4096x128xf32, #tpu.memory_space<hbm>>) target(%arg10 : memref<128x128xf32, #tpu.memory_space<vmem>>) offsets(%dma_start3A_174 : memref<128xi32, #tpu.memory_space<vmem>>) semaphore(%arg15 : memref<!tpu.dma_semaphore, #tpu.memory_space<semaphore_mem>>)
      } else {
      }
      %mul3A_118 = arith.constant 4 : i32
      %mul3A_119 = arith.muli %scan3A_74, %mul3A_118 : i32
      %add3A_120 = arith.constant 2 : i32
      %add3A_121 = arith.addi %mul3A_119, %add3A_120 : i32
      %dma_wait3A_122 = arith.constant 0 : i32
      %dma_wait3A_123 = tpu.memref_slice %arg7[%add3A_121, %dma_wait3A_122] : memref<64x128xi32, #tpu.memory_space<vmem>> -> memref<1x128xi32, #tpu.memory_space<vmem>>
      %dma_wait3A_124 = tpu.memref_squeeze %dma_wait3A_123 : memref<1x128xi32, #tpu.memory_space<vmem>> -> memref<128xi32, #tpu.memory_space<vmem>>
      %dma_wait3A_125 = arith.constant 0 : i32
      %dma_wait3A_126 = arith.constant 0 : i32
      %dma_wait3A_127 = tpu.memref_slice %arg2[%dma_wait3A_125, %dma_wait3A_126] : memref<4096x128xf32, #tpu.memory_space<hbm>> -> memref<4096x128xf32, #tpu.memory_space<hbm>>
      tpu.wait_indirect_dma semaphore(%arg16 : memref<!tpu.dma_semaphore, #tpu.memory_space<semaphore_mem>>) src(%dma_wait3A_127 : memref<4096x128xf32, #tpu.memory_space<hbm>>) dst(%arg11 : memref<128x128xf32, #tpu.memory_space<vmem>>)
      %dma_start3A_128 = arith.constant 0 : i32
      %dma_start3A_129 = tpu.memref_slice %arg8[%add3A_121, %dma_start3A_128] : memref<64x128xi32, #tpu.memory_space<vmem>> -> memref<1x128xi32, #tpu.memory_space<vmem>>
      %dma_start3A_130 = tpu.memref_squeeze %dma_start3A_129 : memref<1x128xi32, #tpu.memory_space<vmem>> -> memref<128xi32, #tpu.memory_space<vmem>>
      %dma_start3A_131 = arith.constant 0 : i32
      %dma_start3A_132 = arith.constant 0 : i32
      %dma_start3A_133 = tpu.memref_slice %arg13[%dma_start3A_131, %dma_start3A_132] : memref<4096x128xf32, #tpu.memory_space<vmem_shared>> -> memref<4096x128xf32, #tpu.memory_space<vmem_shared>>
      tpu.enqueue_indirect_dma source(%arg11 : memref<128x128xf32, #tpu.memory_space<vmem>>) target(%dma_start3A_133 : memref<4096x128xf32, #tpu.memory_space<vmem_shared>>) offsets(%dma_start3A_130 : memref<128xi32, #tpu.memory_space<vmem>>) semaphore(%arg20 : memref<!tpu.dma_semaphore, #tpu.memory_space<semaphore_mem>>) {add = true}
      %add3A_134 = arith.constant 1 : i32
      %add3A_135 = arith.addi %scan3A_74, %add3A_134 : i32
      %lt3A_136 = arith.constant 16 : i32
      %lt3A_137 = arith.cmpi slt, %add3A_135, %lt3A_136 : i32
      %convert_element_type3A_138 = arith.extui %lt3A_137 : i1 to i32
      %cond3A_139 = arith.constant 0 : i32
      %cond3A_140 = arith.cmpi ne, %convert_element_type3A_138, %cond3A_139 : i32
      scf.if %cond3A_140 {
        %dma_wait3A_164 = arith.constant 0 : i32
        %dma_wait3A_165 = tpu.memref_slice %arg8[%add3A_121, %dma_wait3A_164] : memref<64x128xi32, #tpu.memory_space<vmem>> -> memref<1x128xi32, #tpu.memory_space<vmem>>
        %dma_wait3A_166 = tpu.memref_squeeze %dma_wait3A_165 : memref<1x128xi32, #tpu.memory_space<vmem>> -> memref<128xi32, #tpu.memory_space<vmem>>
        %dma_wait3A_167 = arith.constant 0 : i32
        %dma_wait3A_168 = arith.constant 0 : i32
        %dma_wait3A_169 = tpu.memref_slice %arg13[%dma_wait3A_167, %dma_wait3A_168] : memref<4096x128xf32, #tpu.memory_space<vmem_shared>> -> memref<4096x128xf32, #tpu.memory_space<vmem_shared>>
        tpu.wait_indirect_dma semaphore(%arg20 : memref<!tpu.dma_semaphore, #tpu.memory_space<semaphore_mem>>) src(%arg11 : memref<128x128xf32, #tpu.memory_space<vmem>>) dst(%dma_wait3A_169 : memref<4096x128xf32, #tpu.memory_space<vmem_shared>>)
        %add3A_170 = arith.constant 4 : i32
        %add3A_171 = arith.addi %add3A_121, %add3A_170 : i32
        %dma_start3A_172 = arith.constant 0 : i32
        %dma_start3A_173 = tpu.memref_slice %arg7[%add3A_171, %dma_start3A_172] : memref<64x128xi32, #tpu.memory_space<vmem>> -> memref<1x128xi32, #tpu.memory_space<vmem>>
        %dma_start3A_174 = tpu.memref_squeeze %dma_start3A_173 : memref<1x128xi32, #tpu.memory_space<vmem>> -> memref<128xi32, #tpu.memory_space<vmem>>
        %dma_start3A_175 = arith.constant 0 : i32
        %dma_start3A_176 = arith.constant 0 : i32
        %dma_start3A_177 = tpu.memref_slice %arg2[%dma_start3A_175, %dma_start3A_176] : memref<4096x128xf32, #tpu.memory_space<hbm>> -> memref<4096x128xf32, #tpu.memory_space<hbm>>
        tpu.enqueue_indirect_dma source(%dma_start3A_177 : memref<4096x128xf32, #tpu.memory_space<hbm>>) target(%arg11 : memref<128x128xf32, #tpu.memory_space<vmem>>) offsets(%dma_start3A_174 : memref<128xi32, #tpu.memory_space<vmem>>) semaphore(%arg16 : memref<!tpu.dma_semaphore, #tpu.memory_space<semaphore_mem>>)
      } else {
      }
      %mul3A_141 = arith.constant 4 : i32
      %mul3A_142 = arith.muli %scan3A_74, %mul3A_141 : i32
      %add3A_143 = arith.constant 3 : i32
      %add3A_144 = arith.addi %mul3A_142, %add3A_143 : i32
      %dma_wait3A_145 = arith.constant 0 : i32
      %dma_wait3A_146 = tpu.memref_slice %arg7[%add3A_144, %dma_wait3A_145] : memref<64x128xi32, #tpu.memory_space<vmem>> -> memref<1x128xi32, #tpu.memory_space<vmem>>
      %dma_wait3A_147 = tpu.memref_squeeze %dma_wait3A_146 : memref<1x128xi32, #tpu.memory_space<vmem>> -> memref<128xi32, #tpu.memory_space<vmem>>
      %dma_wait3A_148 = arith.constant 0 : i32
      %dma_wait3A_149 = arith.constant 0 : i32
      %dma_wait3A_150 = tpu.memref_slice %arg2[%dma_wait3A_148, %dma_wait3A_149] : memref<4096x128xf32, #tpu.memory_space<hbm>> -> memref<4096x128xf32, #tpu.memory_space<hbm>>
      tpu.wait_indirect_dma semaphore(%arg17 : memref<!tpu.dma_semaphore, #tpu.memory_space<semaphore_mem>>) src(%dma_wait3A_150 : memref<4096x128xf32, #tpu.memory_space<hbm>>) dst(%arg12 : memref<128x128xf32, #tpu.memory_space<vmem>>)
      %dma_start3A_151 = arith.constant 0 : i32
      %dma_start3A_152 = tpu.memref_slice %arg8[%add3A_144, %dma_start3A_151] : memref<64x128xi32, #tpu.memory_space<vmem>> -> memref<1x128xi32, #tpu.memory_space<vmem>>
      %dma_start3A_153 = tpu.memref_squeeze %dma_start3A_152 : memref<1x128xi32, #tpu.memory_space<vmem>> -> memref<128xi32, #tpu.memory_space<vmem>>
      %dma_start3A_154 = arith.constant 0 : i32
      %dma_start3A_155 = arith.constant 0 : i32
      %dma_start3A_156 = tpu.memref_slice %arg13[%dma_start3A_154, %dma_start3A_155] : memref<4096x128xf32, #tpu.memory_space<vmem_shared>> -> memref<4096x128xf32, #tpu.memory_space<vmem_shared>>
      tpu.enqueue_indirect_dma source(%arg12 : memref<128x128xf32, #tpu.memory_space<vmem>>) target(%dma_start3A_156 : memref<4096x128xf32, #tpu.memory_space<vmem_shared>>) offsets(%dma_start3A_153 : memref<128xi32, #tpu.memory_space<vmem>>) semaphore(%arg21 : memref<!tpu.dma_semaphore, #tpu.memory_space<semaphore_mem>>) {add = true}
      %add3A_157 = arith.constant 1 : i32
      %add3A_158 = arith.addi %scan3A_74, %add3A_157 : i32
      %lt3A_159 = arith.constant 16 : i32
      %lt3A_160 = arith.cmpi slt, %add3A_158, %lt3A_159 : i32
      %convert_element_type3A_161 = arith.extui %lt3A_160 : i1 to i32
      %cond3A_162 = arith.constant 0 : i32
      %cond3A_163 = arith.cmpi ne, %convert_element_type3A_161, %cond3A_162 : i32
      scf.if %cond3A_163 {
        %dma_wait3A_164 = arith.constant 0 : i32
        %dma_wait3A_165 = tpu.memref_slice %arg8[%add3A_144, %dma_wait3A_164] : memref<64x128xi32, #tpu.memory_space<vmem>> -> memref<1x128xi32, #tpu.memory_space<vmem>>
        %dma_wait3A_166 = tpu.memref_squeeze %dma_wait3A_165 : memref<1x128xi32, #tpu.memory_space<vmem>> -> memref<128xi32, #tpu.memory_space<vmem>>
        %dma_wait3A_167 = arith.constant 0 : i32
        %dma_wait3A_168 = arith.constant 0 : i32
        %dma_wait3A_169 = tpu.memref_slice %arg13[%dma_wait3A_167, %dma_wait3A_168] : memref<4096x128xf32, #tpu.memory_space<vmem_shared>> -> memref<4096x128xf32, #tpu.memory_space<vmem_shared>>
        tpu.wait_indirect_dma semaphore(%arg21 : memref<!tpu.dma_semaphore, #tpu.memory_space<semaphore_mem>>) src(%arg12 : memref<128x128xf32, #tpu.memory_space<vmem>>) dst(%dma_wait3A_169 : memref<4096x128xf32, #tpu.memory_space<vmem_shared>>)
        %add3A_170 = arith.constant 4 : i32
        %add3A_171 = arith.addi %add3A_144, %add3A_170 : i32
        %dma_start3A_172 = arith.constant 0 : i32
        %dma_start3A_173 = tpu.memref_slice %arg7[%add3A_171, %dma_start3A_172] : memref<64x128xi32, #tpu.memory_space<vmem>> -> memref<1x128xi32, #tpu.memory_space<vmem>>
        %dma_start3A_174 = tpu.memref_squeeze %dma_start3A_173 : memref<1x128xi32, #tpu.memory_space<vmem>> -> memref<128xi32, #tpu.memory_space<vmem>>
        %dma_start3A_175 = arith.constant 0 : i32
        %dma_start3A_176 = arith.constant 0 : i32
        %dma_start3A_177 = tpu.memref_slice %arg2[%dma_start3A_175, %dma_start3A_176] : memref<4096x128xf32, #tpu.memory_space<hbm>> -> memref<4096x128xf32, #tpu.memory_space<hbm>>
        tpu.enqueue_indirect_dma source(%dma_start3A_177 : memref<4096x128xf32, #tpu.memory_space<hbm>>) target(%arg12 : memref<128x128xf32, #tpu.memory_space<vmem>>) offsets(%dma_start3A_174 : memref<128xi32, #tpu.memory_space<vmem>>) semaphore(%arg17 : memref<!tpu.dma_semaphore, #tpu.memory_space<semaphore_mem>>)
      } else {
      }
    }
    %scan3A_40 = arith.constant 16 : i32
    %dma_wait3A = arith.constant 60 : i32
    %dma_wait3A_41 = arith.constant 0 : i32
    %dma_wait3A_42 = tpu.memref_slice %arg8[%dma_wait3A, %dma_wait3A_41] : memref<64x128xi32, #tpu.memory_space<vmem>> -> memref<1x128xi32, #tpu.memory_space<vmem>>
    %dma_wait3A_43 = tpu.memref_squeeze %dma_wait3A_42 : memref<1x128xi32, #tpu.memory_space<vmem>> -> memref<128xi32, #tpu.memory_space<vmem>>
    %dma_wait3A_44 = arith.constant 0 : i32
    %dma_wait3A_45 = arith.constant 0 : i32
    %dma_wait3A_46 = tpu.memref_slice %arg13[%dma_wait3A_44, %dma_wait3A_45] : memref<4096x128xf32, #tpu.memory_space<vmem_shared>> -> memref<4096x128xf32, #tpu.memory_space<vmem_shared>>
    tpu.wait_indirect_dma semaphore(%arg18 : memref<!tpu.dma_semaphore, #tpu.memory_space<semaphore_mem>>) src(%arg9 : memref<128x128xf32, #tpu.memory_space<vmem>>) dst(%dma_wait3A_46 : memref<4096x128xf32, #tpu.memory_space<vmem_shared>>)
    %dma_wait3A_47 = arith.constant 61 : i32
    %dma_wait3A_48 = arith.constant 0 : i32
    %dma_wait3A_49 = tpu.memref_slice %arg8[%dma_wait3A_47, %dma_wait3A_48] : memref<64x128xi32, #tpu.memory_space<vmem>> -> memref<1x128xi32, #tpu.memory_space<vmem>>
    %dma_wait3A_50 = tpu.memref_squeeze %dma_wait3A_49 : memref<1x128xi32, #tpu.memory_space<vmem>> -> memref<128xi32, #tpu.memory_space<vmem>>
    %dma_wait3A_51 = arith.constant 0 : i32
    %dma_wait3A_52 = arith.constant 0 : i32
    %dma_wait3A_53 = tpu.memref_slice %arg13[%dma_wait3A_51, %dma_wait3A_52] : memref<4096x128xf32, #tpu.memory_space<vmem_shared>> -> memref<4096x128xf32, #tpu.memory_space<vmem_shared>>
    tpu.wait_indirect_dma semaphore(%arg19 : memref<!tpu.dma_semaphore, #tpu.memory_space<semaphore_mem>>) src(%arg10 : memref<128x128xf32, #tpu.memory_space<vmem>>) dst(%dma_wait3A_53 : memref<4096x128xf32, #tpu.memory_space<vmem_shared>>)
    %dma_wait3A_54 = arith.constant 62 : i32
    %dma_wait3A_55 = arith.constant 0 : i32
    %dma_wait3A_56 = tpu.memref_slice %arg8[%dma_wait3A_54, %dma_wait3A_55] : memref<64x128xi32, #tpu.memory_space<vmem>> -> memref<1x128xi32, #tpu.memory_space<vmem>>
    %dma_wait3A_57 = tpu.memref_squeeze %dma_wait3A_56 : memref<1x128xi32, #tpu.memory_space<vmem>> -> memref<128xi32, #tpu.memory_space<vmem>>
    %dma_wait3A_58 = arith.constant 0 : i32
    %dma_wait3A_59 = arith.constant 0 : i32
    %dma_wait3A_60 = tpu.memref_slice %arg13[%dma_wait3A_58, %dma_wait3A_59] : memref<4096x128xf32, #tpu.memory_space<vmem_shared>> -> memref<4096x128xf32, #tpu.memory_space<vmem_shared>>
    tpu.wait_indirect_dma semaphore(%arg20 : memref<!tpu.dma_semaphore, #tpu.memory_space<semaphore_mem>>) src(%arg11 : memref<128x128xf32, #tpu.memory_space<vmem>>) dst(%dma_wait3A_60 : memref<4096x128xf32, #tpu.memory_space<vmem_shared>>)
    %dma_wait3A_61 = arith.constant 63 : i32
    %dma_wait3A_62 = arith.constant 0 : i32
    %dma_wait3A_63 = tpu.memref_slice %arg8[%dma_wait3A_61, %dma_wait3A_62] : memref<64x128xi32, #tpu.memory_space<vmem>> -> memref<1x128xi32, #tpu.memory_space<vmem>>
    %dma_wait3A_64 = tpu.memref_squeeze %dma_wait3A_63 : memref<1x128xi32, #tpu.memory_space<vmem>> -> memref<128xi32, #tpu.memory_space<vmem>>
    %dma_wait3A_65 = arith.constant 0 : i32
    %dma_wait3A_66 = arith.constant 0 : i32
    %dma_wait3A_67 = tpu.memref_slice %arg13[%dma_wait3A_65, %dma_wait3A_66] : memref<4096x128xf32, #tpu.memory_space<vmem_shared>> -> memref<4096x128xf32, #tpu.memory_space<vmem_shared>>
    tpu.wait_indirect_dma semaphore(%arg21 : memref<!tpu.dma_semaphore, #tpu.memory_space<semaphore_mem>>) src(%arg12 : memref<128x128xf32, #tpu.memory_space<vmem>>) dst(%dma_wait3A_67 : memref<4096x128xf32, #tpu.memory_space<vmem_shared>>)
    %barrier3A_68 = arith.constant 0 : index
    tpu.barrier barrier_id(%barrier3A_68)
    %mul3A_69 = arith.constant 256 : i32
    %mul3A_70 = arith.muli %arg1, %mul3A_69 : i32
    %mul3A_71 = arith.constant 256 : i32
    %mul3A_72 = arith.muli %arg1, %mul3A_71 : i32
    %run_scoped3A = arith.constant 0 : i32
    "tpu.region"() ({
      %run_scoped3A_74 = tpu.sem_alloc : memref<!tpu.dma_semaphore, #tpu.memory_space<semaphore_mem>>
      %dma_start3A_75 = arith.constant 0 : i32
      %dma_start3A_76 = tpu.memref_slice %arg6[%run_scoped3A, %arg0, %mul3A_72, %dma_start3A_75] : memref<1x2x4096x128xf32, #tpu.memory_space<hbm>> -> memref<1x1x256x128xf32, #tpu.memory_space<hbm>>
      %dma_start3A_77 = tpu.memref_squeeze %dma_start3A_76 : memref<1x1x256x128xf32, #tpu.memory_space<hbm>> -> memref<256x128xf32, #tpu.memory_space<hbm>>
      %dma_start3A_78 = arith.constant 0 : i32
      %dma_start3A_79 = tpu.memref_slice %arg13[%mul3A_70, %dma_start3A_78] : memref<4096x128xf32, #tpu.memory_space<vmem_shared>> -> memref<256x128xf32, #tpu.memory_space<vmem_shared>>
      tpu.enqueue_dma source(%dma_start3A_79 : memref<256x128xf32, #tpu.memory_space<vmem_shared>>) target(%dma_start3A_77 : memref<256x128xf32, #tpu.memory_space<hbm>>) target_semaphore(%run_scoped3A_74 : memref<!tpu.dma_semaphore, #tpu.memory_space<semaphore_mem>>)
      %dma_wait3A_80 = arith.constant 0 : i32
      %dma_wait3A_81 = tpu.memref_slice %arg6[%run_scoped3A, %arg0, %mul3A_72, %dma_wait3A_80] : memref<1x2x4096x128xf32, #tpu.memory_space<hbm>> -> memref<1x1x256x128xf32, #tpu.memory_space<hbm>>
      %dma_wait3A_82 = tpu.memref_squeeze %dma_wait3A_81 : memref<1x1x256x128xf32, #tpu.memory_space<hbm>> -> memref<256x128xf32, #tpu.memory_space<hbm>>
      %dma_wait3A_83 = arith.constant 0 : i32
      %dma_wait3A_84 = tpu.memref_slice %arg13[%mul3A_70, %dma_wait3A_83] : memref<4096x128xf32, #tpu.memory_space<vmem_shared>> -> memref<256x128xf32, #tpu.memory_space<vmem_shared>>
      tpu.wait_dma2 semaphore(%run_scoped3A_74 : memref<!tpu.dma_semaphore, #tpu.memory_space<semaphore_mem>>) src(%dma_wait3A_84 : memref<256x128xf32, #tpu.memory_space<vmem_shared>>) dst(%dma_wait3A_82 : memref<256x128xf32, #tpu.memory_space<hbm>>)
      tpu.yield
    }) : () -> ()
    %barrier3A_73 = arith.constant 0 : index
    tpu.barrier barrier_id(%barrier3A_73)
    return
  }
}

#map = affine_map<(d0, d1) -> (0, 0)>
#map1 = affine_map<(d0, d1) -> (0, 0, 0, 0)>
module attributes {stable_mosaic.version = 14 : i64} {
  func.func @sc_prop(%arg0: i32, %arg1: i32, %arg2: memref<4096x128xf32, #tpu.memory_space<hbm>>, %arg3: memref<2048x128xi32, #tpu.memory_space<hbm>>, %arg4: memref<2048x128xi32, #tpu.memory_space<hbm>>, %arg5: memref<4096x128xf32, #tpu.memory_space<hbm>>, %arg6: memref<1x2x4096x128xf32, #tpu.memory_space<hbm>>, %arg7: memref<64x128xi32, #tpu.memory_space<vmem>>, %arg8: memref<64x128xi32, #tpu.memory_space<vmem>>, %arg9: memref<128x128xf32, #tpu.memory_space<vmem>>, %arg10: memref<128x128xf32, #tpu.memory_space<vmem>>, %arg11: memref<128x128xf32, #tpu.memory_space<vmem>>, %arg12: memref<128x128xf32, #tpu.memory_space<vmem>>, %arg13: memref<4096x128xf32, #tpu.memory_space<vmem_shared>>, %arg14: memref<!tpu.dma_semaphore, #tpu.memory_space<semaphore_mem>>, %arg15: memref<!tpu.dma_semaphore, #tpu.memory_space<semaphore_mem>>, %arg16: memref<!tpu.dma_semaphore, #tpu.memory_space<semaphore_mem>>, %arg17: memref<!tpu.dma_semaphore, #tpu.memory_space<semaphore_mem>>, %arg18: memref<!tpu.dma_semaphore, #tpu.memory_space<semaphore_mem>>, %arg19: memref<!tpu.dma_semaphore, #tpu.memory_space<semaphore_mem>>, %arg20: memref<!tpu.dma_semaphore, #tpu.memory_space<semaphore_mem>>, %arg21: memref<!tpu.dma_semaphore, #tpu.memory_space<semaphore_mem>>) attributes {dimension_semantics = [#tpu.dimension_semantics<core_parallel>, #tpu.dimension_semantics<subcore_parallel>], iteration_bounds = array<i64: 2, 16>, scalar_prefetch = 0 : i64, scratch_operands = 15 : i64, tpu.core_type = #tpu.core_type<sc_vector_subcore>, window_params = [{transform_indices = #map}, {transform_indices = #map}, {transform_indices = #map}, {transform_indices = #map}, {transform_indices = #map1}]} {
    %mul3A = arith.constant 2 : i32
    %mul3A_0 = arith.muli %arg1, %mul3A : i32
    %add3A = arith.addi %mul3A_0, %arg0 : i32
    %mul3A_1 = arith.constant 64 : i32
    %mul3A_2 = arith.muli %add3A, %mul3A_1 : i32
    "tpu.region"() ({
      %run_scoped3A_74 = tpu.sem_alloc : memref<!tpu.dma_semaphore, #tpu.memory_space<semaphore_mem>>
      %dma_start3A_75 = arith.constant 0 : i32
      %dma_start3A_76 = tpu.memref_slice %arg3[%mul3A_2, %dma_start3A_75] : memref<2048x128xi32, #tpu.memory_space<hbm>> -> memref<64x128xi32, #tpu.memory_space<hbm>>
      %dma_start3A_77 = arith.constant 0 : i32
      %dma_start3A_78 = tpu.memref_slice %arg3[%mul3A_2, %dma_start3A_77] : memref<2048x128xi32, #tpu.memory_space<hbm>> -> memref<64x128xi32, #tpu.memory_space<hbm>>
      tpu.enqueue_dma source(%dma_start3A_78 : memref<64x128xi32, #tpu.memory_space<hbm>>) target(%arg7 : memref<64x128xi32, #tpu.memory_space<vmem>>) target_semaphore(%run_scoped3A_74 : memref<!tpu.dma_semaphore, #tpu.memory_space<semaphore_mem>>)
      %dma_wait3A_79 = arith.constant 0 : i32
      %dma_wait3A_80 = tpu.memref_slice %arg3[%mul3A_2, %dma_wait3A_79] : memref<2048x128xi32, #tpu.memory_space<hbm>> -> memref<64x128xi32, #tpu.memory_space<hbm>>
      %dma_wait3A_81 = arith.constant 0 : i32
      %dma_wait3A_82 = tpu.memref_slice %arg3[%mul3A_2, %dma_wait3A_81] : memref<2048x128xi32, #tpu.memory_space<hbm>> -> memref<64x128xi32, #tpu.memory_space<hbm>>
      tpu.wait_dma2 semaphore(%run_scoped3A_74 : memref<!tpu.dma_semaphore, #tpu.memory_space<semaphore_mem>>) src(%dma_wait3A_82 : memref<64x128xi32, #tpu.memory_space<hbm>>) dst(%arg7 : memref<64x128xi32, #tpu.memory_space<vmem>>)
      tpu.yield
    }) : () -> ()
    %mul3A_3 = arith.constant 64 : i32
    %mul3A_4 = arith.muli %add3A, %mul3A_3 : i32
    "tpu.region"() ({
      %run_scoped3A_74 = tpu.sem_alloc : memref<!tpu.dma_semaphore, #tpu.memory_space<semaphore_mem>>
      %dma_start3A_75 = arith.constant 0 : i32
      %dma_start3A_76 = tpu.memref_slice %arg4[%mul3A_4, %dma_start3A_75] : memref<2048x128xi32, #tpu.memory_space<hbm>> -> memref<64x128xi32, #tpu.memory_space<hbm>>
      %dma_start3A_77 = arith.constant 0 : i32
      %dma_start3A_78 = tpu.memref_slice %arg4[%mul3A_4, %dma_start3A_77] : memref<2048x128xi32, #tpu.memory_space<hbm>> -> memref<64x128xi32, #tpu.memory_space<hbm>>
      tpu.enqueue_dma source(%dma_start3A_78 : memref<64x128xi32, #tpu.memory_space<hbm>>) target(%arg8 : memref<64x128xi32, #tpu.memory_space<vmem>>) target_semaphore(%run_scoped3A_74 : memref<!tpu.dma_semaphore, #tpu.memory_space<semaphore_mem>>)
      %dma_wait3A_79 = arith.constant 0 : i32
      %dma_wait3A_80 = tpu.memref_slice %arg4[%mul3A_4, %dma_wait3A_79] : memref<2048x128xi32, #tpu.memory_space<hbm>> -> memref<64x128xi32, #tpu.memory_space<hbm>>
      %dma_wait3A_81 = arith.constant 0 : i32
      %dma_wait3A_82 = tpu.memref_slice %arg4[%mul3A_4, %dma_wait3A_81] : memref<2048x128xi32, #tpu.memory_space<hbm>> -> memref<64x128xi32, #tpu.memory_space<hbm>>
      tpu.wait_dma2 semaphore(%run_scoped3A_74 : memref<!tpu.dma_semaphore, #tpu.memory_space<semaphore_mem>>) src(%dma_wait3A_82 : memref<64x128xi32, #tpu.memory_space<hbm>>) dst(%arg8 : memref<64x128xi32, #tpu.memory_space<vmem>>)
      tpu.yield
    }) : () -> ()
    %mul3A_5 = arith.constant 256 : i32
    %mul3A_6 = arith.muli %arg1, %mul3A_5 : i32
    %mul3A_7 = arith.constant 256 : i32
    %mul3A_8 = arith.muli %arg1, %mul3A_7 : i32
    "tpu.region"() ({
      %run_scoped3A_74 = tpu.sem_alloc : memref<!tpu.dma_semaphore, #tpu.memory_space<semaphore_mem>>
      %dma_start3A_75 = arith.constant 0 : i32
      %dma_start3A_76 = tpu.memref_slice %arg13[%mul3A_8, %dma_start3A_75] : memref<4096x128xf32, #tpu.memory_space<vmem_shared>> -> memref<256x128xf32, #tpu.memory_space<vmem_shared>>
      %dma_start3A_77 = arith.constant 0 : i32
      %dma_start3A_78 = tpu.memref_slice %arg5[%mul3A_6, %dma_start3A_77] : memref<4096x128xf32, #tpu.memory_space<hbm>> -> memref<256x128xf32, #tpu.memory_space<hbm>>
      tpu.enqueue_dma source(%dma_start3A_78 : memref<256x128xf32, #tpu.memory_space<hbm>>) target(%dma_start3A_76 : memref<256x128xf32, #tpu.memory_space<vmem_shared>>) target_semaphore(%run_scoped3A_74 : memref<!tpu.dma_semaphore, #tpu.memory_space<semaphore_mem>>)
      %dma_wait3A_79 = arith.constant 0 : i32
      %dma_wait3A_80 = tpu.memref_slice %arg13[%mul3A_8, %dma_wait3A_79] : memref<4096x128xf32, #tpu.memory_space<vmem_shared>> -> memref<256x128xf32, #tpu.memory_space<vmem_shared>>
      %dma_wait3A_81 = arith.constant 0 : i32
      %dma_wait3A_82 = tpu.memref_slice %arg5[%mul3A_6, %dma_wait3A_81] : memref<4096x128xf32, #tpu.memory_space<hbm>> -> memref<256x128xf32, #tpu.memory_space<hbm>>
      tpu.wait_dma2 semaphore(%run_scoped3A_74 : memref<!tpu.dma_semaphore, #tpu.memory_space<semaphore_mem>>) src(%dma_wait3A_82 : memref<256x128xf32, #tpu.memory_space<hbm>>) dst(%dma_wait3A_80 : memref<256x128xf32, #tpu.memory_space<vmem_shared>>)
      tpu.yield
    }) : () -> ()
    %barrier3A = arith.constant 0 : index
    tpu.barrier barrier_id(%barrier3A)
    %dma_start3A = arith.constant 0 : i32
    %dma_start3A_9 = arith.constant 0 : i32
    %dma_start3A_10 = tpu.memref_slice %arg7[%dma_start3A, %dma_start3A_9] : memref<64x128xi32, #tpu.memory_space<vmem>> -> memref<1x128xi32, #tpu.memory_space<vmem>>
    %dma_start3A_11 = tpu.memref_squeeze %dma_start3A_10 : memref<1x128xi32, #tpu.memory_space<vmem>> -> memref<128xi32, #tpu.memory_space<vmem>>
    %dma_start3A_12 = arith.constant 0 : i32
    %dma_start3A_13 = arith.constant 0 : i32
    %dma_start3A_14 = tpu.memref_slice %arg2[%dma_start3A_12, %dma_start3A_13] : memref<4096x128xf32, #tpu.memory_space<hbm>> -> memref<4096x128xf32, #tpu.memory_space<hbm>>
    tpu.enqueue_indirect_dma source(%dma_start3A_14 : memref<4096x128xf32, #tpu.memory_space<hbm>>) target(%arg9 : memref<128x128xf32, #tpu.memory_space<vmem>>) offsets(%dma_start3A_11 : memref<128xi32, #tpu.memory_space<vmem>>) semaphore(%arg14 : memref<!tpu.dma_semaphore, #tpu.memory_space<semaphore_mem>>)
    %dma_start3A_15 = arith.constant 1 : i32
    %dma_start3A_16 = arith.constant 0 : i32
    %dma_start3A_17 = tpu.memref_slice %arg7[%dma_start3A_15, %dma_start3A_16] : memref<64x128xi32, #tpu.memory_space<vmem>> -> memref<1x128xi32, #tpu.memory_space<vmem>>
    %dma_start3A_18 = tpu.memref_squeeze %dma_start3A_17 : memref<1x128xi32, #tpu.memory_space<vmem>> -> memref<128xi32, #tpu.memory_space<vmem>>
    %dma_start3A_19 = arith.constant 0 : i32
    %dma_start3A_20 = arith.constant 0 : i32
    %dma_start3A_21 = tpu.memref_slice %arg2[%dma_start3A_19, %dma_start3A_20] : memref<4096x128xf32, #tpu.memory_space<hbm>> -> memref<4096x128xf32, #tpu.memory_space<hbm>>
    tpu.enqueue_indirect_dma source(%dma_start3A_21 : memref<4096x128xf32, #tpu.memory_space<hbm>>) target(%arg10 : memref<128x128xf32, #tpu.memory_space<vmem>>) offsets(%dma_start3A_18 : memref<128xi32, #tpu.memory_space<vmem>>) semaphore(%arg15 : memref<!tpu.dma_semaphore, #tpu.memory_space<semaphore_mem>>)
    %dma_start3A_22 = arith.constant 2 : i32
    %dma_start3A_23 = arith.constant 0 : i32
    %dma_start3A_24 = tpu.memref_slice %arg7[%dma_start3A_22, %dma_start3A_23] : memref<64x128xi32, #tpu.memory_space<vmem>> -> memref<1x128xi32, #tpu.memory_space<vmem>>
    %dma_start3A_25 = tpu.memref_squeeze %dma_start3A_24 : memref<1x128xi32, #tpu.memory_space<vmem>> -> memref<128xi32, #tpu.memory_space<vmem>>
    %dma_start3A_26 = arith.constant 0 : i32
    %dma_start3A_27 = arith.constant 0 : i32
    %dma_start3A_28 = tpu.memref_slice %arg2[%dma_start3A_26, %dma_start3A_27] : memref<4096x128xf32, #tpu.memory_space<hbm>> -> memref<4096x128xf32, #tpu.memory_space<hbm>>
    tpu.enqueue_indirect_dma source(%dma_start3A_28 : memref<4096x128xf32, #tpu.memory_space<hbm>>) target(%arg11 : memref<128x128xf32, #tpu.memory_space<vmem>>) offsets(%dma_start3A_25 : memref<128xi32, #tpu.memory_space<vmem>>) semaphore(%arg16 : memref<!tpu.dma_semaphore, #tpu.memory_space<semaphore_mem>>)
    %dma_start3A_29 = arith.constant 3 : i32
    %dma_start3A_30 = arith.constant 0 : i32
    %dma_start3A_31 = tpu.memref_slice %arg7[%dma_start3A_29, %dma_start3A_30] : memref<64x128xi32, #tpu.memory_space<vmem>> -> memref<1x128xi32, #tpu.memory_space<vmem>>
    %dma_start3A_32 = tpu.memref_squeeze %dma_start3A_31 : memref<1x128xi32, #tpu.memory_space<vmem>> -> memref<128xi32, #tpu.memory_space<vmem>>
    %dma_start3A_33 = arith.constant 0 : i32
    %dma_start3A_34 = arith.constant 0 : i32
    %dma_start3A_35 = tpu.memref_slice %arg2[%dma_start3A_33, %dma_start3A_34] : memref<4096x128xf32, #tpu.memory_space<hbm>> -> memref<4096x128xf32, #tpu.memory_space<hbm>>
    tpu.enqueue_indirect_dma source(%dma_start3A_35 : memref<4096x128xf32, #tpu.memory_space<hbm>>) target(%arg12 : memref<128x128xf32, #tpu.memory_space<vmem>>) offsets(%dma_start3A_32 : memref<128xi32, #tpu.memory_space<vmem>>) semaphore(%arg17 : memref<!tpu.dma_semaphore, #tpu.memory_space<semaphore_mem>>)
    %scan3A = arith.constant 0 : i32
    %scan3A_36 = arith.constant 0 : i32
    %scan3A_37 = arith.constant 16 : i32
    %scan3A_38 = arith.addi %scan3A_36, %scan3A_37 : i32
    %scan3A_39 = arith.constant 1 : i32
    scf.for %scan3A_74 = %scan3A_36 to %scan3A_38 step %scan3A_39  : i32 {
      %mul3A_75 = arith.constant 4 : i32
      %mul3A_76 = arith.muli %scan3A_74, %mul3A_75 : i32
      %add3A_77 = arith.constant 0 : i32
      %add3A_78 = arith.addi %mul3A_76, %add3A_77 : i32
      %dma_wait3A_79 = arith.constant 0 : i32
      %dma_wait3A_80 = tpu.memref_slice %arg7[%add3A_78, %dma_wait3A_79] : memref<64x128xi32, #tpu.memory_space<vmem>> -> memref<1x128xi32, #tpu.memory_space<vmem>>
      %dma_wait3A_81 = tpu.memref_squeeze %dma_wait3A_80 : memref<1x128xi32, #tpu.memory_space<vmem>> -> memref<128xi32, #tpu.memory_space<vmem>>
      %dma_wait3A_82 = arith.constant 0 : i32
      %dma_wait3A_83 = arith.constant 0 : i32
      %dma_wait3A_84 = tpu.memref_slice %arg2[%dma_wait3A_82, %dma_wait3A_83] : memref<4096x128xf32, #tpu.memory_space<hbm>> -> memref<4096x128xf32, #tpu.memory_space<hbm>>
      tpu.wait_indirect_dma semaphore(%arg14 : memref<!tpu.dma_semaphore, #tpu.memory_space<semaphore_mem>>) src(%dma_wait3A_84 : memref<4096x128xf32, #tpu.memory_space<hbm>>) dst(%arg9 : memref<128x128xf32, #tpu.memory_space<vmem>>)
      %dma_start3A_85 = arith.constant 0 : i32
      %dma_start3A_86 = tpu.memref_slice %arg8[%add3A_78, %dma_start3A_85] : memref<64x128xi32, #tpu.memory_space<vmem>> -> memref<1x128xi32, #tpu.memory_space<vmem>>
      %dma_start3A_87 = tpu.memref_squeeze %dma_start3A_86 : memref<1x128xi32, #tpu.memory_space<vmem>> -> memref<128xi32, #tpu.memory_space<vmem>>
      %dma_start3A_88 = arith.constant 0 : i32
      %dma_start3A_89 = arith.constant 0 : i32
      %dma_start3A_90 = tpu.memref_slice %arg13[%dma_start3A_88, %dma_start3A_89] : memref<4096x128xf32, #tpu.memory_space<vmem_shared>> -> memref<4096x128xf32, #tpu.memory_space<vmem_shared>>
      tpu.enqueue_indirect_dma source(%arg9 : memref<128x128xf32, #tpu.memory_space<vmem>>) target(%dma_start3A_90 : memref<4096x128xf32, #tpu.memory_space<vmem_shared>>) offsets(%dma_start3A_87 : memref<128xi32, #tpu.memory_space<vmem>>) semaphore(%arg18 : memref<!tpu.dma_semaphore, #tpu.memory_space<semaphore_mem>>) {add = true}
      %add3A_91 = arith.constant 1 : i32
      %add3A_92 = arith.addi %scan3A_74, %add3A_91 : i32
      %lt3A = arith.constant 16 : i32
      %lt3A_93 = arith.cmpi slt, %add3A_92, %lt3A : i32
      %convert_element_type3A = arith.extui %lt3A_93 : i1 to i32
      %cond3A = arith.constant 0 : i32
      %cond3A_94 = arith.cmpi ne, %convert_element_type3A, %cond3A : i32
      scf.if %cond3A_94 {
        %dma_wait3A_164 = arith.constant 0 : i32
        %dma_wait3A_165 = tpu.memref_slice %arg8[%add3A_78, %dma_wait3A_164] : memref<64x128xi32, #tpu.memory_space<vmem>> -> memref<1x128xi32, #tpu.memory_space<vmem>>
        %dma_wait3A_166 = tpu.memref_squeeze %dma_wait3A_165 : memref<1x128xi32, #tpu.memory_space<vmem>> -> memref<128xi32, #tpu.memory_space<vmem>>
        %dma_wait3A_167 = arith.constant 0 : i32
        %dma_wait3A_168 = arith.constant 0 : i32
        %dma_wait3A_169 = tpu.memref_slice %arg13[%dma_wait3A_167, %dma_wait3A_168] : memref<4096x128xf32, #tpu.memory_space<vmem_shared>> -> memref<4096x128xf32, #tpu.memory_space<vmem_shared>>
        tpu.wait_indirect_dma semaphore(%arg18 : memref<!tpu.dma_semaphore, #tpu.memory_space<semaphore_mem>>) src(%arg9 : memref<128x128xf32, #tpu.memory_space<vmem>>) dst(%dma_wait3A_169 : memref<4096x128xf32, #tpu.memory_space<vmem_shared>>)
        %add3A_170 = arith.constant 4 : i32
        %add3A_171 = arith.addi %add3A_78, %add3A_170 : i32
        %dma_start3A_172 = arith.constant 0 : i32
        %dma_start3A_173 = tpu.memref_slice %arg7[%add3A_171, %dma_start3A_172] : memref<64x128xi32, #tpu.memory_space<vmem>> -> memref<1x128xi32, #tpu.memory_space<vmem>>
        %dma_start3A_174 = tpu.memref_squeeze %dma_start3A_173 : memref<1x128xi32, #tpu.memory_space<vmem>> -> memref<128xi32, #tpu.memory_space<vmem>>
        %dma_start3A_175 = arith.constant 0 : i32
        %dma_start3A_176 = arith.constant 0 : i32
        %dma_start3A_177 = tpu.memref_slice %arg2[%dma_start3A_175, %dma_start3A_176] : memref<4096x128xf32, #tpu.memory_space<hbm>> -> memref<4096x128xf32, #tpu.memory_space<hbm>>
        tpu.enqueue_indirect_dma source(%dma_start3A_177 : memref<4096x128xf32, #tpu.memory_space<hbm>>) target(%arg9 : memref<128x128xf32, #tpu.memory_space<vmem>>) offsets(%dma_start3A_174 : memref<128xi32, #tpu.memory_space<vmem>>) semaphore(%arg14 : memref<!tpu.dma_semaphore, #tpu.memory_space<semaphore_mem>>)
      } else {
      }
      %mul3A_95 = arith.constant 4 : i32
      %mul3A_96 = arith.muli %scan3A_74, %mul3A_95 : i32
      %add3A_97 = arith.constant 1 : i32
      %add3A_98 = arith.addi %mul3A_96, %add3A_97 : i32
      %dma_wait3A_99 = arith.constant 0 : i32
      %dma_wait3A_100 = tpu.memref_slice %arg7[%add3A_98, %dma_wait3A_99] : memref<64x128xi32, #tpu.memory_space<vmem>> -> memref<1x128xi32, #tpu.memory_space<vmem>>
      %dma_wait3A_101 = tpu.memref_squeeze %dma_wait3A_100 : memref<1x128xi32, #tpu.memory_space<vmem>> -> memref<128xi32, #tpu.memory_space<vmem>>
      %dma_wait3A_102 = arith.constant 0 : i32
      %dma_wait3A_103 = arith.constant 0 : i32
      %dma_wait3A_104 = tpu.memref_slice %arg2[%dma_wait3A_102, %dma_wait3A_103] : memref<4096x128xf32, #tpu.memory_space<hbm>> -> memref<4096x128xf32, #tpu.memory_space<hbm>>
      tpu.wait_indirect_dma semaphore(%arg15 : memref<!tpu.dma_semaphore, #tpu.memory_space<semaphore_mem>>) src(%dma_wait3A_104 : memref<4096x128xf32, #tpu.memory_space<hbm>>) dst(%arg10 : memref<128x128xf32, #tpu.memory_space<vmem>>)
      %dma_start3A_105 = arith.constant 0 : i32
      %dma_start3A_106 = tpu.memref_slice %arg8[%add3A_98, %dma_start3A_105] : memref<64x128xi32, #tpu.memory_space<vmem>> -> memref<1x128xi32, #tpu.memory_space<vmem>>
      %dma_start3A_107 = tpu.memref_squeeze %dma_start3A_106 : memref<1x128xi32, #tpu.memory_space<vmem>> -> memref<128xi32, #tpu.memory_space<vmem>>
      %dma_start3A_108 = arith.constant 0 : i32
      %dma_start3A_109 = arith.constant 0 : i32
      %dma_start3A_110 = tpu.memref_slice %arg13[%dma_start3A_108, %dma_start3A_109] : memref<4096x128xf32, #tpu.memory_space<vmem_shared>> -> memref<4096x128xf32, #tpu.memory_space<vmem_shared>>
      tpu.enqueue_indirect_dma source(%arg10 : memref<128x128xf32, #tpu.memory_space<vmem>>) target(%dma_start3A_110 : memref<4096x128xf32, #tpu.memory_space<vmem_shared>>) offsets(%dma_start3A_107 : memref<128xi32, #tpu.memory_space<vmem>>) semaphore(%arg19 : memref<!tpu.dma_semaphore, #tpu.memory_space<semaphore_mem>>) {add = true}
      %add3A_111 = arith.constant 1 : i32
      %add3A_112 = arith.addi %scan3A_74, %add3A_111 : i32
      %lt3A_113 = arith.constant 16 : i32
      %lt3A_114 = arith.cmpi slt, %add3A_112, %lt3A_113 : i32
      %convert_element_type3A_115 = arith.extui %lt3A_114 : i1 to i32
      %cond3A_116 = arith.constant 0 : i32
      %cond3A_117 = arith.cmpi ne, %convert_element_type3A_115, %cond3A_116 : i32
      scf.if %cond3A_117 {
        %dma_wait3A_164 = arith.constant 0 : i32
        %dma_wait3A_165 = tpu.memref_slice %arg8[%add3A_98, %dma_wait3A_164] : memref<64x128xi32, #tpu.memory_space<vmem>> -> memref<1x128xi32, #tpu.memory_space<vmem>>
        %dma_wait3A_166 = tpu.memref_squeeze %dma_wait3A_165 : memref<1x128xi32, #tpu.memory_space<vmem>> -> memref<128xi32, #tpu.memory_space<vmem>>
        %dma_wait3A_167 = arith.constant 0 : i32
        %dma_wait3A_168 = arith.constant 0 : i32
        %dma_wait3A_169 = tpu.memref_slice %arg13[%dma_wait3A_167, %dma_wait3A_168] : memref<4096x128xf32, #tpu.memory_space<vmem_shared>> -> memref<4096x128xf32, #tpu.memory_space<vmem_shared>>
        tpu.wait_indirect_dma semaphore(%arg19 : memref<!tpu.dma_semaphore, #tpu.memory_space<semaphore_mem>>) src(%arg10 : memref<128x128xf32, #tpu.memory_space<vmem>>) dst(%dma_wait3A_169 : memref<4096x128xf32, #tpu.memory_space<vmem_shared>>)
        %add3A_170 = arith.constant 4 : i32
        %add3A_171 = arith.addi %add3A_98, %add3A_170 : i32
        %dma_start3A_172 = arith.constant 0 : i32
        %dma_start3A_173 = tpu.memref_slice %arg7[%add3A_171, %dma_start3A_172] : memref<64x128xi32, #tpu.memory_space<vmem>> -> memref<1x128xi32, #tpu.memory_space<vmem>>
        %dma_start3A_174 = tpu.memref_squeeze %dma_start3A_173 : memref<1x128xi32, #tpu.memory_space<vmem>> -> memref<128xi32, #tpu.memory_space<vmem>>
        %dma_start3A_175 = arith.constant 0 : i32
        %dma_start3A_176 = arith.constant 0 : i32
        %dma_start3A_177 = tpu.memref_slice %arg2[%dma_start3A_175, %dma_start3A_176] : memref<4096x128xf32, #tpu.memory_space<hbm>> -> memref<4096x128xf32, #tpu.memory_space<hbm>>
        tpu.enqueue_indirect_dma source(%dma_start3A_177 : memref<4096x128xf32, #tpu.memory_space<hbm>>) target(%arg10 : memref<128x128xf32, #tpu.memory_space<vmem>>) offsets(%dma_start3A_174 : memref<128xi32, #tpu.memory_space<vmem>>) semaphore(%arg15 : memref<!tpu.dma_semaphore, #tpu.memory_space<semaphore_mem>>)
      } else {
      }
      %mul3A_118 = arith.constant 4 : i32
      %mul3A_119 = arith.muli %scan3A_74, %mul3A_118 : i32
      %add3A_120 = arith.constant 2 : i32
      %add3A_121 = arith.addi %mul3A_119, %add3A_120 : i32
      %dma_wait3A_122 = arith.constant 0 : i32
      %dma_wait3A_123 = tpu.memref_slice %arg7[%add3A_121, %dma_wait3A_122] : memref<64x128xi32, #tpu.memory_space<vmem>> -> memref<1x128xi32, #tpu.memory_space<vmem>>
      %dma_wait3A_124 = tpu.memref_squeeze %dma_wait3A_123 : memref<1x128xi32, #tpu.memory_space<vmem>> -> memref<128xi32, #tpu.memory_space<vmem>>
      %dma_wait3A_125 = arith.constant 0 : i32
      %dma_wait3A_126 = arith.constant 0 : i32
      %dma_wait3A_127 = tpu.memref_slice %arg2[%dma_wait3A_125, %dma_wait3A_126] : memref<4096x128xf32, #tpu.memory_space<hbm>> -> memref<4096x128xf32, #tpu.memory_space<hbm>>
      tpu.wait_indirect_dma semaphore(%arg16 : memref<!tpu.dma_semaphore, #tpu.memory_space<semaphore_mem>>) src(%dma_wait3A_127 : memref<4096x128xf32, #tpu.memory_space<hbm>>) dst(%arg11 : memref<128x128xf32, #tpu.memory_space<vmem>>)
      %dma_start3A_128 = arith.constant 0 : i32
      %dma_start3A_129 = tpu.memref_slice %arg8[%add3A_121, %dma_start3A_128] : memref<64x128xi32, #tpu.memory_space<vmem>> -> memref<1x128xi32, #tpu.memory_space<vmem>>
      %dma_start3A_130 = tpu.memref_squeeze %dma_start3A_129 : memref<1x128xi32, #tpu.memory_space<vmem>> -> memref<128xi32, #tpu.memory_space<vmem>>
      %dma_start3A_131 = arith.constant 0 : i32
      %dma_start3A_132 = arith.constant 0 : i32
      %dma_start3A_133 = tpu.memref_slice %arg13[%dma_start3A_131, %dma_start3A_132] : memref<4096x128xf32, #tpu.memory_space<vmem_shared>> -> memref<4096x128xf32, #tpu.memory_space<vmem_shared>>
      tpu.enqueue_indirect_dma source(%arg11 : memref<128x128xf32, #tpu.memory_space<vmem>>) target(%dma_start3A_133 : memref<4096x128xf32, #tpu.memory_space<vmem_shared>>) offsets(%dma_start3A_130 : memref<128xi32, #tpu.memory_space<vmem>>) semaphore(%arg20 : memref<!tpu.dma_semaphore, #tpu.memory_space<semaphore_mem>>) {add = true}
      %add3A_134 = arith.constant 1 : i32
      %add3A_135 = arith.addi %scan3A_74, %add3A_134 : i32
      %lt3A_136 = arith.constant 16 : i32
      %lt3A_137 = arith.cmpi slt, %add3A_135, %lt3A_136 : i32
      %convert_element_type3A_138 = arith.extui %lt3A_137 : i1 to i32
      %cond3A_139 = arith.constant 0 : i32
      %cond3A_140 = arith.cmpi ne, %convert_element_type3A_138, %cond3A_139 : i32
      scf.if %cond3A_140 {
        %dma_wait3A_164 = arith.constant 0 : i32
        %dma_wait3A_165 = tpu.memref_slice %arg8[%add3A_121, %dma_wait3A_164] : memref<64x128xi32, #tpu.memory_space<vmem>> -> memref<1x128xi32, #tpu.memory_space<vmem>>
        %dma_wait3A_166 = tpu.memref_squeeze %dma_wait3A_165 : memref<1x128xi32, #tpu.memory_space<vmem>> -> memref<128xi32, #tpu.memory_space<vmem>>
        %dma_wait3A_167 = arith.constant 0 : i32
        %dma_wait3A_168 = arith.constant 0 : i32
        %dma_wait3A_169 = tpu.memref_slice %arg13[%dma_wait3A_167, %dma_wait3A_168] : memref<4096x128xf32, #tpu.memory_space<vmem_shared>> -> memref<4096x128xf32, #tpu.memory_space<vmem_shared>>
        tpu.wait_indirect_dma semaphore(%arg20 : memref<!tpu.dma_semaphore, #tpu.memory_space<semaphore_mem>>) src(%arg11 : memref<128x128xf32, #tpu.memory_space<vmem>>) dst(%dma_wait3A_169 : memref<4096x128xf32, #tpu.memory_space<vmem_shared>>)
        %add3A_170 = arith.constant 4 : i32
        %add3A_171 = arith.addi %add3A_121, %add3A_170 : i32
        %dma_start3A_172 = arith.constant 0 : i32
        %dma_start3A_173 = tpu.memref_slice %arg7[%add3A_171, %dma_start3A_172] : memref<64x128xi32, #tpu.memory_space<vmem>> -> memref<1x128xi32, #tpu.memory_space<vmem>>
        %dma_start3A_174 = tpu.memref_squeeze %dma_start3A_173 : memref<1x128xi32, #tpu.memory_space<vmem>> -> memref<128xi32, #tpu.memory_space<vmem>>
        %dma_start3A_175 = arith.constant 0 : i32
        %dma_start3A_176 = arith.constant 0 : i32
        %dma_start3A_177 = tpu.memref_slice %arg2[%dma_start3A_175, %dma_start3A_176] : memref<4096x128xf32, #tpu.memory_space<hbm>> -> memref<4096x128xf32, #tpu.memory_space<hbm>>
        tpu.enqueue_indirect_dma source(%dma_start3A_177 : memref<4096x128xf32, #tpu.memory_space<hbm>>) target(%arg11 : memref<128x128xf32, #tpu.memory_space<vmem>>) offsets(%dma_start3A_174 : memref<128xi32, #tpu.memory_space<vmem>>) semaphore(%arg16 : memref<!tpu.dma_semaphore, #tpu.memory_space<semaphore_mem>>)
      } else {
      }
      %mul3A_141 = arith.constant 4 : i32
      %mul3A_142 = arith.muli %scan3A_74, %mul3A_141 : i32
      %add3A_143 = arith.constant 3 : i32
      %add3A_144 = arith.addi %mul3A_142, %add3A_143 : i32
      %dma_wait3A_145 = arith.constant 0 : i32
      %dma_wait3A_146 = tpu.memref_slice %arg7[%add3A_144, %dma_wait3A_145] : memref<64x128xi32, #tpu.memory_space<vmem>> -> memref<1x128xi32, #tpu.memory_space<vmem>>
      %dma_wait3A_147 = tpu.memref_squeeze %dma_wait3A_146 : memref<1x128xi32, #tpu.memory_space<vmem>> -> memref<128xi32, #tpu.memory_space<vmem>>
      %dma_wait3A_148 = arith.constant 0 : i32
      %dma_wait3A_149 = arith.constant 0 : i32
      %dma_wait3A_150 = tpu.memref_slice %arg2[%dma_wait3A_148, %dma_wait3A_149] : memref<4096x128xf32, #tpu.memory_space<hbm>> -> memref<4096x128xf32, #tpu.memory_space<hbm>>
      tpu.wait_indirect_dma semaphore(%arg17 : memref<!tpu.dma_semaphore, #tpu.memory_space<semaphore_mem>>) src(%dma_wait3A_150 : memref<4096x128xf32, #tpu.memory_space<hbm>>) dst(%arg12 : memref<128x128xf32, #tpu.memory_space<vmem>>)
      %dma_start3A_151 = arith.constant 0 : i32
      %dma_start3A_152 = tpu.memref_slice %arg8[%add3A_144, %dma_start3A_151] : memref<64x128xi32, #tpu.memory_space<vmem>> -> memref<1x128xi32, #tpu.memory_space<vmem>>
      %dma_start3A_153 = tpu.memref_squeeze %dma_start3A_152 : memref<1x128xi32, #tpu.memory_space<vmem>> -> memref<128xi32, #tpu.memory_space<vmem>>
      %dma_start3A_154 = arith.constant 0 : i32
      %dma_start3A_155 = arith.constant 0 : i32
      %dma_start3A_156 = tpu.memref_slice %arg13[%dma_start3A_154, %dma_start3A_155] : memref<4096x128xf32, #tpu.memory_space<vmem_shared>> -> memref<4096x128xf32, #tpu.memory_space<vmem_shared>>
      tpu.enqueue_indirect_dma source(%arg12 : memref<128x128xf32, #tpu.memory_space<vmem>>) target(%dma_start3A_156 : memref<4096x128xf32, #tpu.memory_space<vmem_shared>>) offsets(%dma_start3A_153 : memref<128xi32, #tpu.memory_space<vmem>>) semaphore(%arg21 : memref<!tpu.dma_semaphore, #tpu.memory_space<semaphore_mem>>) {add = true}
      %add3A_157 = arith.constant 1 : i32
      %add3A_158 = arith.addi %scan3A_74, %add3A_157 : i32
      %lt3A_159 = arith.constant 16 : i32
      %lt3A_160 = arith.cmpi slt, %add3A_158, %lt3A_159 : i32
      %convert_element_type3A_161 = arith.extui %lt3A_160 : i1 to i32
      %cond3A_162 = arith.constant 0 : i32
      %cond3A_163 = arith.cmpi ne, %convert_element_type3A_161, %cond3A_162 : i32
      scf.if %cond3A_163 {
        %dma_wait3A_164 = arith.constant 0 : i32
        %dma_wait3A_165 = tpu.memref_slice %arg8[%add3A_144, %dma_wait3A_164] : memref<64x128xi32, #tpu.memory_space<vmem>> -> memref<1x128xi32, #tpu.memory_space<vmem>>
        %dma_wait3A_166 = tpu.memref_squeeze %dma_wait3A_165 : memref<1x128xi32, #tpu.memory_space<vmem>> -> memref<128xi32, #tpu.memory_space<vmem>>
        %dma_wait3A_167 = arith.constant 0 : i32
        %dma_wait3A_168 = arith.constant 0 : i32
        %dma_wait3A_169 = tpu.memref_slice %arg13[%dma_wait3A_167, %dma_wait3A_168] : memref<4096x128xf32, #tpu.memory_space<vmem_shared>> -> memref<4096x128xf32, #tpu.memory_space<vmem_shared>>
        tpu.wait_indirect_dma semaphore(%arg21 : memref<!tpu.dma_semaphore, #tpu.memory_space<semaphore_mem>>) src(%arg12 : memref<128x128xf32, #tpu.memory_space<vmem>>) dst(%dma_wait3A_169 : memref<4096x128xf32, #tpu.memory_space<vmem_shared>>)
        %add3A_170 = arith.constant 4 : i32
        %add3A_171 = arith.addi %add3A_144, %add3A_170 : i32
        %dma_start3A_172 = arith.constant 0 : i32
        %dma_start3A_173 = tpu.memref_slice %arg7[%add3A_171, %dma_start3A_172] : memref<64x128xi32, #tpu.memory_space<vmem>> -> memref<1x128xi32, #tpu.memory_space<vmem>>
        %dma_start3A_174 = tpu.memref_squeeze %dma_start3A_173 : memref<1x128xi32, #tpu.memory_space<vmem>> -> memref<128xi32, #tpu.memory_space<vmem>>
        %dma_start3A_175 = arith.constant 0 : i32
        %dma_start3A_176 = arith.constant 0 : i32
        %dma_start3A_177 = tpu.memref_slice %arg2[%dma_start3A_175, %dma_start3A_176] : memref<4096x128xf32, #tpu.memory_space<hbm>> -> memref<4096x128xf32, #tpu.memory_space<hbm>>
        tpu.enqueue_indirect_dma source(%dma_start3A_177 : memref<4096x128xf32, #tpu.memory_space<hbm>>) target(%arg12 : memref<128x128xf32, #tpu.memory_space<vmem>>) offsets(%dma_start3A_174 : memref<128xi32, #tpu.memory_space<vmem>>) semaphore(%arg17 : memref<!tpu.dma_semaphore, #tpu.memory_space<semaphore_mem>>)
      } else {
      }
    }
    %scan3A_40 = arith.constant 16 : i32
    %dma_wait3A = arith.constant 60 : i32
    %dma_wait3A_41 = arith.constant 0 : i32
    %dma_wait3A_42 = tpu.memref_slice %arg8[%dma_wait3A, %dma_wait3A_41] : memref<64x128xi32, #tpu.memory_space<vmem>> -> memref<1x128xi32, #tpu.memory_space<vmem>>
    %dma_wait3A_43 = tpu.memref_squeeze %dma_wait3A_42 : memref<1x128xi32, #tpu.memory_space<vmem>> -> memref<128xi32, #tpu.memory_space<vmem>>
    %dma_wait3A_44 = arith.constant 0 : i32
    %dma_wait3A_45 = arith.constant 0 : i32
    %dma_wait3A_46 = tpu.memref_slice %arg13[%dma_wait3A_44, %dma_wait3A_45] : memref<4096x128xf32, #tpu.memory_space<vmem_shared>> -> memref<4096x128xf32, #tpu.memory_space<vmem_shared>>
    tpu.wait_indirect_dma semaphore(%arg18 : memref<!tpu.dma_semaphore, #tpu.memory_space<semaphore_mem>>) src(%arg9 : memref<128x128xf32, #tpu.memory_space<vmem>>) dst(%dma_wait3A_46 : memref<4096x128xf32, #tpu.memory_space<vmem_shared>>)
    %dma_wait3A_47 = arith.constant 61 : i32
    %dma_wait3A_48 = arith.constant 0 : i32
    %dma_wait3A_49 = tpu.memref_slice %arg8[%dma_wait3A_47, %dma_wait3A_48] : memref<64x128xi32, #tpu.memory_space<vmem>> -> memref<1x128xi32, #tpu.memory_space<vmem>>
    %dma_wait3A_50 = tpu.memref_squeeze %dma_wait3A_49 : memref<1x128xi32, #tpu.memory_space<vmem>> -> memref<128xi32, #tpu.memory_space<vmem>>
    %dma_wait3A_51 = arith.constant 0 : i32
    %dma_wait3A_52 = arith.constant 0 : i32
    %dma_wait3A_53 = tpu.memref_slice %arg13[%dma_wait3A_51, %dma_wait3A_52] : memref<4096x128xf32, #tpu.memory_space<vmem_shared>> -> memref<4096x128xf32, #tpu.memory_space<vmem_shared>>
    tpu.wait_indirect_dma semaphore(%arg19 : memref<!tpu.dma_semaphore, #tpu.memory_space<semaphore_mem>>) src(%arg10 : memref<128x128xf32, #tpu.memory_space<vmem>>) dst(%dma_wait3A_53 : memref<4096x128xf32, #tpu.memory_space<vmem_shared>>)
    %dma_wait3A_54 = arith.constant 62 : i32
    %dma_wait3A_55 = arith.constant 0 : i32
    %dma_wait3A_56 = tpu.memref_slice %arg8[%dma_wait3A_54, %dma_wait3A_55] : memref<64x128xi32, #tpu.memory_space<vmem>> -> memref<1x128xi32, #tpu.memory_space<vmem>>
    %dma_wait3A_57 = tpu.memref_squeeze %dma_wait3A_56 : memref<1x128xi32, #tpu.memory_space<vmem>> -> memref<128xi32, #tpu.memory_space<vmem>>
    %dma_wait3A_58 = arith.constant 0 : i32
    %dma_wait3A_59 = arith.constant 0 : i32
    %dma_wait3A_60 = tpu.memref_slice %arg13[%dma_wait3A_58, %dma_wait3A_59] : memref<4096x128xf32, #tpu.memory_space<vmem_shared>> -> memref<4096x128xf32, #tpu.memory_space<vmem_shared>>
    tpu.wait_indirect_dma semaphore(%arg20 : memref<!tpu.dma_semaphore, #tpu.memory_space<semaphore_mem>>) src(%arg11 : memref<128x128xf32, #tpu.memory_space<vmem>>) dst(%dma_wait3A_60 : memref<4096x128xf32, #tpu.memory_space<vmem_shared>>)
    %dma_wait3A_61 = arith.constant 63 : i32
    %dma_wait3A_62 = arith.constant 0 : i32
    %dma_wait3A_63 = tpu.memref_slice %arg8[%dma_wait3A_61, %dma_wait3A_62] : memref<64x128xi32, #tpu.memory_space<vmem>> -> memref<1x128xi32, #tpu.memory_space<vmem>>
    %dma_wait3A_64 = tpu.memref_squeeze %dma_wait3A_63 : memref<1x128xi32, #tpu.memory_space<vmem>> -> memref<128xi32, #tpu.memory_space<vmem>>
    %dma_wait3A_65 = arith.constant 0 : i32
    %dma_wait3A_66 = arith.constant 0 : i32
    %dma_wait3A_67 = tpu.memref_slice %arg13[%dma_wait3A_65, %dma_wait3A_66] : memref<4096x128xf32, #tpu.memory_space<vmem_shared>> -> memref<4096x128xf32, #tpu.memory_space<vmem_shared>>
    tpu.wait_indirect_dma semaphore(%arg21 : memref<!tpu.dma_semaphore, #tpu.memory_space<semaphore_mem>>) src(%arg12 : memref<128x128xf32, #tpu.memory_space<vmem>>) dst(%dma_wait3A_67 : memref<4096x128xf32, #tpu.memory_space<vmem_shared>>)
    %barrier3A_68 = arith.constant 0 : index
    tpu.barrier barrier_id(%barrier3A_68)
    %mul3A_69 = arith.constant 256 : i32
    %mul3A_70 = arith.muli %arg1, %mul3A_69 : i32
    %mul3A_71 = arith.constant 256 : i32
    %mul3A_72 = arith.muli %arg1, %mul3A_71 : i32
    %run_scoped3A = arith.constant 0 : i32
    "tpu.region"() ({
      %run_scoped3A_74 = tpu.sem_alloc : memref<!tpu.dma_semaphore, #tpu.memory_space<semaphore_mem>>
      %dma_start3A_75 = arith.constant 0 : i32
      %dma_start3A_76 = tpu.memref_slice %arg6[%run_scoped3A, %arg0, %mul3A_72, %dma_start3A_75] : memref<1x2x4096x128xf32, #tpu.memory_space<hbm>> -> memref<1x1x256x128xf32, #tpu.memory_space<hbm>>
      %dma_start3A_77 = tpu.memref_squeeze %dma_start3A_76 : memref<1x1x256x128xf32, #tpu.memory_space<hbm>> -> memref<256x128xf32, #tpu.memory_space<hbm>>
      %dma_start3A_78 = arith.constant 0 : i32
      %dma_start3A_79 = tpu.memref_slice %arg13[%mul3A_70, %dma_start3A_78] : memref<4096x128xf32, #tpu.memory_space<vmem_shared>> -> memref<256x128xf32, #tpu.memory_space<vmem_shared>>
      tpu.enqueue_dma source(%dma_start3A_79 : memref<256x128xf32, #tpu.memory_space<vmem_shared>>) target(%dma_start3A_77 : memref<256x128xf32, #tpu.memory_space<hbm>>) target_semaphore(%run_scoped3A_74 : memref<!tpu.dma_semaphore, #tpu.memory_space<semaphore_mem>>)
      %dma_wait3A_80 = arith.constant 0 : i32
      %dma_wait3A_81 = tpu.memref_slice %arg6[%run_scoped3A, %arg0, %mul3A_72, %dma_wait3A_80] : memref<1x2x4096x128xf32, #tpu.memory_space<hbm>> -> memref<1x1x256x128xf32, #tpu.memory_space<hbm>>
      %dma_wait3A_82 = tpu.memref_squeeze %dma_wait3A_81 : memref<1x1x256x128xf32, #tpu.memory_space<hbm>> -> memref<256x128xf32, #tpu.memory_space<hbm>>
      %dma_wait3A_83 = arith.constant 0 : i32
      %dma_wait3A_84 = tpu.memref_slice %arg13[%mul3A_70, %dma_wait3A_83] : memref<4096x128xf32, #tpu.memory_space<vmem_shared>> -> memref<256x128xf32, #tpu.memory_space<vmem_shared>>
      tpu.wait_dma2 semaphore(%run_scoped3A_74 : memref<!tpu.dma_semaphore, #tpu.memory_space<semaphore_mem>>) src(%dma_wait3A_84 : memref<256x128xf32, #tpu.memory_space<vmem_shared>>) dst(%dma_wait3A_82 : memref<256x128xf32, #tpu.memory_space<hbm>>)
      tpu.yield
    }) : () -> ()
    %barrier3A_73 = arith.constant 0 : index
    tpu.barrier barrier_id(%barrier3A_73)
    return
  }
}

#map = affine_map<(d0, d1) -> (0, 0)>
#map1 = affine_map<(d0, d1) -> (0, 0, 0, 0)>
module attributes {stable_mosaic.version = 14 : i64} {
  func.func @sc_prop(%arg0: i32, %arg1: i32, %arg2: memref<4096x128xf32, #tpu.memory_space<hbm>>, %arg3: memref<2048x128xi32, #tpu.memory_space<hbm>>, %arg4: memref<2048x128xi32, #tpu.memory_space<hbm>>, %arg5: memref<4096x128xf32, #tpu.memory_space<hbm>>, %arg6: memref<1x2x4096x128xf32, #tpu.memory_space<hbm>>, %arg7: memref<64x128xi32, #tpu.memory_space<vmem>>, %arg8: memref<64x128xi32, #tpu.memory_space<vmem>>, %arg9: memref<128x128xf32, #tpu.memory_space<vmem>>, %arg10: memref<128x128xf32, #tpu.memory_space<vmem>>, %arg11: memref<128x128xf32, #tpu.memory_space<vmem>>, %arg12: memref<128x128xf32, #tpu.memory_space<vmem>>, %arg13: memref<4096x128xf32, #tpu.memory_space<vmem_shared>>, %arg14: memref<!tpu.dma_semaphore, #tpu.memory_space<semaphore_mem>>, %arg15: memref<!tpu.dma_semaphore, #tpu.memory_space<semaphore_mem>>, %arg16: memref<!tpu.dma_semaphore, #tpu.memory_space<semaphore_mem>>, %arg17: memref<!tpu.dma_semaphore, #tpu.memory_space<semaphore_mem>>, %arg18: memref<!tpu.dma_semaphore, #tpu.memory_space<semaphore_mem>>, %arg19: memref<!tpu.dma_semaphore, #tpu.memory_space<semaphore_mem>>, %arg20: memref<!tpu.dma_semaphore, #tpu.memory_space<semaphore_mem>>, %arg21: memref<!tpu.dma_semaphore, #tpu.memory_space<semaphore_mem>>) attributes {dimension_semantics = [#tpu.dimension_semantics<core_parallel>, #tpu.dimension_semantics<subcore_parallel>], iteration_bounds = array<i64: 2, 16>, scalar_prefetch = 0 : i64, scratch_operands = 15 : i64, tpu.core_type = #tpu.core_type<sc_vector_subcore>, window_params = [{transform_indices = #map}, {transform_indices = #map}, {transform_indices = #map}, {transform_indices = #map}, {transform_indices = #map1}]} {
    %mul3A = arith.constant 2 : i32
    %mul3A_0 = arith.muli %arg1, %mul3A : i32
    %add3A = arith.addi %mul3A_0, %arg0 : i32
    %mul3A_1 = arith.constant 64 : i32
    %mul3A_2 = arith.muli %add3A, %mul3A_1 : i32
    "tpu.region"() ({
      %run_scoped3A_74 = tpu.sem_alloc : memref<!tpu.dma_semaphore, #tpu.memory_space<semaphore_mem>>
      %dma_start3A_75 = arith.constant 0 : i32
      %dma_start3A_76 = tpu.memref_slice %arg3[%mul3A_2, %dma_start3A_75] : memref<2048x128xi32, #tpu.memory_space<hbm>> -> memref<64x128xi32, #tpu.memory_space<hbm>>
      %dma_start3A_77 = arith.constant 0 : i32
      %dma_start3A_78 = tpu.memref_slice %arg3[%mul3A_2, %dma_start3A_77] : memref<2048x128xi32, #tpu.memory_space<hbm>> -> memref<64x128xi32, #tpu.memory_space<hbm>>
      tpu.enqueue_dma source(%dma_start3A_78 : memref<64x128xi32, #tpu.memory_space<hbm>>) target(%arg7 : memref<64x128xi32, #tpu.memory_space<vmem>>) target_semaphore(%run_scoped3A_74 : memref<!tpu.dma_semaphore, #tpu.memory_space<semaphore_mem>>)
      %dma_wait3A_79 = arith.constant 0 : i32
      %dma_wait3A_80 = tpu.memref_slice %arg3[%mul3A_2, %dma_wait3A_79] : memref<2048x128xi32, #tpu.memory_space<hbm>> -> memref<64x128xi32, #tpu.memory_space<hbm>>
      %dma_wait3A_81 = arith.constant 0 : i32
      %dma_wait3A_82 = tpu.memref_slice %arg3[%mul3A_2, %dma_wait3A_81] : memref<2048x128xi32, #tpu.memory_space<hbm>> -> memref<64x128xi32, #tpu.memory_space<hbm>>
      tpu.wait_dma2 semaphore(%run_scoped3A_74 : memref<!tpu.dma_semaphore, #tpu.memory_space<semaphore_mem>>) src(%dma_wait3A_82 : memref<64x128xi32, #tpu.memory_space<hbm>>) dst(%arg7 : memref<64x128xi32, #tpu.memory_space<vmem>>)
      tpu.yield
    }) : () -> ()
    %mul3A_3 = arith.constant 64 : i32
    %mul3A_4 = arith.muli %add3A, %mul3A_3 : i32
    "tpu.region"() ({
      %run_scoped3A_74 = tpu.sem_alloc : memref<!tpu.dma_semaphore, #tpu.memory_space<semaphore_mem>>
      %dma_start3A_75 = arith.constant 0 : i32
      %dma_start3A_76 = tpu.memref_slice %arg4[%mul3A_4, %dma_start3A_75] : memref<2048x128xi32, #tpu.memory_space<hbm>> -> memref<64x128xi32, #tpu.memory_space<hbm>>
      %dma_start3A_77 = arith.constant 0 : i32
      %dma_start3A_78 = tpu.memref_slice %arg4[%mul3A_4, %dma_start3A_77] : memref<2048x128xi32, #tpu.memory_space<hbm>> -> memref<64x128xi32, #tpu.memory_space<hbm>>
      tpu.enqueue_dma source(%dma_start3A_78 : memref<64x128xi32, #tpu.memory_space<hbm>>) target(%arg8 : memref<64x128xi32, #tpu.memory_space<vmem>>) target_semaphore(%run_scoped3A_74 : memref<!tpu.dma_semaphore, #tpu.memory_space<semaphore_mem>>)
      %dma_wait3A_79 = arith.constant 0 : i32
      %dma_wait3A_80 = tpu.memref_slice %arg4[%mul3A_4, %dma_wait3A_79] : memref<2048x128xi32, #tpu.memory_space<hbm>> -> memref<64x128xi32, #tpu.memory_space<hbm>>
      %dma_wait3A_81 = arith.constant 0 : i32
      %dma_wait3A_82 = tpu.memref_slice %arg4[%mul3A_4, %dma_wait3A_81] : memref<2048x128xi32, #tpu.memory_space<hbm>> -> memref<64x128xi32, #tpu.memory_space<hbm>>
      tpu.wait_dma2 semaphore(%run_scoped3A_74 : memref<!tpu.dma_semaphore, #tpu.memory_space<semaphore_mem>>) src(%dma_wait3A_82 : memref<64x128xi32, #tpu.memory_space<hbm>>) dst(%arg8 : memref<64x128xi32, #tpu.memory_space<vmem>>)
      tpu.yield
    }) : () -> ()
    %mul3A_5 = arith.constant 256 : i32
    %mul3A_6 = arith.muli %arg1, %mul3A_5 : i32
    %mul3A_7 = arith.constant 256 : i32
    %mul3A_8 = arith.muli %arg1, %mul3A_7 : i32
    "tpu.region"() ({
      %run_scoped3A_74 = tpu.sem_alloc : memref<!tpu.dma_semaphore, #tpu.memory_space<semaphore_mem>>
      %dma_start3A_75 = arith.constant 0 : i32
      %dma_start3A_76 = tpu.memref_slice %arg13[%mul3A_8, %dma_start3A_75] : memref<4096x128xf32, #tpu.memory_space<vmem_shared>> -> memref<256x128xf32, #tpu.memory_space<vmem_shared>>
      %dma_start3A_77 = arith.constant 0 : i32
      %dma_start3A_78 = tpu.memref_slice %arg5[%mul3A_6, %dma_start3A_77] : memref<4096x128xf32, #tpu.memory_space<hbm>> -> memref<256x128xf32, #tpu.memory_space<hbm>>
      tpu.enqueue_dma source(%dma_start3A_78 : memref<256x128xf32, #tpu.memory_space<hbm>>) target(%dma_start3A_76 : memref<256x128xf32, #tpu.memory_space<vmem_shared>>) target_semaphore(%run_scoped3A_74 : memref<!tpu.dma_semaphore, #tpu.memory_space<semaphore_mem>>)
      %dma_wait3A_79 = arith.constant 0 : i32
      %dma_wait3A_80 = tpu.memref_slice %arg13[%mul3A_8, %dma_wait3A_79] : memref<4096x128xf32, #tpu.memory_space<vmem_shared>> -> memref<256x128xf32, #tpu.memory_space<vmem_shared>>
      %dma_wait3A_81 = arith.constant 0 : i32
      %dma_wait3A_82 = tpu.memref_slice %arg5[%mul3A_6, %dma_wait3A_81] : memref<4096x128xf32, #tpu.memory_space<hbm>> -> memref<256x128xf32, #tpu.memory_space<hbm>>
      tpu.wait_dma2 semaphore(%run_scoped3A_74 : memref<!tpu.dma_semaphore, #tpu.memory_space<semaphore_mem>>) src(%dma_wait3A_82 : memref<256x128xf32, #tpu.memory_space<hbm>>) dst(%dma_wait3A_80 : memref<256x128xf32, #tpu.memory_space<vmem_shared>>)
      tpu.yield
    }) : () -> ()
    %barrier3A = arith.constant 0 : index
    tpu.barrier barrier_id(%barrier3A)
    %dma_start3A = arith.constant 0 : i32
    %dma_start3A_9 = arith.constant 0 : i32
    %dma_start3A_10 = tpu.memref_slice %arg7[%dma_start3A, %dma_start3A_9] : memref<64x128xi32, #tpu.memory_space<vmem>> -> memref<1x128xi32, #tpu.memory_space<vmem>>
    %dma_start3A_11 = tpu.memref_squeeze %dma_start3A_10 : memref<1x128xi32, #tpu.memory_space<vmem>> -> memref<128xi32, #tpu.memory_space<vmem>>
    %dma_start3A_12 = arith.constant 0 : i32
    %dma_start3A_13 = arith.constant 0 : i32
    %dma_start3A_14 = tpu.memref_slice %arg2[%dma_start3A_12, %dma_start3A_13] : memref<4096x128xf32, #tpu.memory_space<hbm>> -> memref<4096x128xf32, #tpu.memory_space<hbm>>
    tpu.enqueue_indirect_dma source(%dma_start3A_14 : memref<4096x128xf32, #tpu.memory_space<hbm>>) target(%arg9 : memref<128x128xf32, #tpu.memory_space<vmem>>) offsets(%dma_start3A_11 : memref<128xi32, #tpu.memory_space<vmem>>) semaphore(%arg14 : memref<!tpu.dma_semaphore, #tpu.memory_space<semaphore_mem>>)
    %dma_start3A_15 = arith.constant 1 : i32
    %dma_start3A_16 = arith.constant 0 : i32
    %dma_start3A_17 = tpu.memref_slice %arg7[%dma_start3A_15, %dma_start3A_16] : memref<64x128xi32, #tpu.memory_space<vmem>> -> memref<1x128xi32, #tpu.memory_space<vmem>>
    %dma_start3A_18 = tpu.memref_squeeze %dma_start3A_17 : memref<1x128xi32, #tpu.memory_space<vmem>> -> memref<128xi32, #tpu.memory_space<vmem>>
    %dma_start3A_19 = arith.constant 0 : i32
    %dma_start3A_20 = arith.constant 0 : i32
    %dma_start3A_21 = tpu.memref_slice %arg2[%dma_start3A_19, %dma_start3A_20] : memref<4096x128xf32, #tpu.memory_space<hbm>> -> memref<4096x128xf32, #tpu.memory_space<hbm>>
    tpu.enqueue_indirect_dma source(%dma_start3A_21 : memref<4096x128xf32, #tpu.memory_space<hbm>>) target(%arg10 : memref<128x128xf32, #tpu.memory_space<vmem>>) offsets(%dma_start3A_18 : memref<128xi32, #tpu.memory_space<vmem>>) semaphore(%arg15 : memref<!tpu.dma_semaphore, #tpu.memory_space<semaphore_mem>>)
    %dma_start3A_22 = arith.constant 2 : i32
    %dma_start3A_23 = arith.constant 0 : i32
    %dma_start3A_24 = tpu.memref_slice %arg7[%dma_start3A_22, %dma_start3A_23] : memref<64x128xi32, #tpu.memory_space<vmem>> -> memref<1x128xi32, #tpu.memory_space<vmem>>
    %dma_start3A_25 = tpu.memref_squeeze %dma_start3A_24 : memref<1x128xi32, #tpu.memory_space<vmem>> -> memref<128xi32, #tpu.memory_space<vmem>>
    %dma_start3A_26 = arith.constant 0 : i32
    %dma_start3A_27 = arith.constant 0 : i32
    %dma_start3A_28 = tpu.memref_slice %arg2[%dma_start3A_26, %dma_start3A_27] : memref<4096x128xf32, #tpu.memory_space<hbm>> -> memref<4096x128xf32, #tpu.memory_space<hbm>>
    tpu.enqueue_indirect_dma source(%dma_start3A_28 : memref<4096x128xf32, #tpu.memory_space<hbm>>) target(%arg11 : memref<128x128xf32, #tpu.memory_space<vmem>>) offsets(%dma_start3A_25 : memref<128xi32, #tpu.memory_space<vmem>>) semaphore(%arg16 : memref<!tpu.dma_semaphore, #tpu.memory_space<semaphore_mem>>)
    %dma_start3A_29 = arith.constant 3 : i32
    %dma_start3A_30 = arith.constant 0 : i32
    %dma_start3A_31 = tpu.memref_slice %arg7[%dma_start3A_29, %dma_start3A_30] : memref<64x128xi32, #tpu.memory_space<vmem>> -> memref<1x128xi32, #tpu.memory_space<vmem>>
    %dma_start3A_32 = tpu.memref_squeeze %dma_start3A_31 : memref<1x128xi32, #tpu.memory_space<vmem>> -> memref<128xi32, #tpu.memory_space<vmem>>
    %dma_start3A_33 = arith.constant 0 : i32
    %dma_start3A_34 = arith.constant 0 : i32
    %dma_start3A_35 = tpu.memref_slice %arg2[%dma_start3A_33, %dma_start3A_34] : memref<4096x128xf32, #tpu.memory_space<hbm>> -> memref<4096x128xf32, #tpu.memory_space<hbm>>
    tpu.enqueue_indirect_dma source(%dma_start3A_35 : memref<4096x128xf32, #tpu.memory_space<hbm>>) target(%arg12 : memref<128x128xf32, #tpu.memory_space<vmem>>) offsets(%dma_start3A_32 : memref<128xi32, #tpu.memory_space<vmem>>) semaphore(%arg17 : memref<!tpu.dma_semaphore, #tpu.memory_space<semaphore_mem>>)
    %scan3A = arith.constant 0 : i32
    %scan3A_36 = arith.constant 0 : i32
    %scan3A_37 = arith.constant 16 : i32
    %scan3A_38 = arith.addi %scan3A_36, %scan3A_37 : i32
    %scan3A_39 = arith.constant 1 : i32
    scf.for %scan3A_74 = %scan3A_36 to %scan3A_38 step %scan3A_39  : i32 {
      %mul3A_75 = arith.constant 4 : i32
      %mul3A_76 = arith.muli %scan3A_74, %mul3A_75 : i32
      %add3A_77 = arith.constant 0 : i32
      %add3A_78 = arith.addi %mul3A_76, %add3A_77 : i32
      %dma_wait3A_79 = arith.constant 0 : i32
      %dma_wait3A_80 = tpu.memref_slice %arg7[%add3A_78, %dma_wait3A_79] : memref<64x128xi32, #tpu.memory_space<vmem>> -> memref<1x128xi32, #tpu.memory_space<vmem>>
      %dma_wait3A_81 = tpu.memref_squeeze %dma_wait3A_80 : memref<1x128xi32, #tpu.memory_space<vmem>> -> memref<128xi32, #tpu.memory_space<vmem>>
      %dma_wait3A_82 = arith.constant 0 : i32
      %dma_wait3A_83 = arith.constant 0 : i32
      %dma_wait3A_84 = tpu.memref_slice %arg2[%dma_wait3A_82, %dma_wait3A_83] : memref<4096x128xf32, #tpu.memory_space<hbm>> -> memref<4096x128xf32, #tpu.memory_space<hbm>>
      tpu.wait_indirect_dma semaphore(%arg14 : memref<!tpu.dma_semaphore, #tpu.memory_space<semaphore_mem>>) src(%dma_wait3A_84 : memref<4096x128xf32, #tpu.memory_space<hbm>>) dst(%arg9 : memref<128x128xf32, #tpu.memory_space<vmem>>)
      %dma_start3A_85 = arith.constant 0 : i32
      %dma_start3A_86 = tpu.memref_slice %arg8[%add3A_78, %dma_start3A_85] : memref<64x128xi32, #tpu.memory_space<vmem>> -> memref<1x128xi32, #tpu.memory_space<vmem>>
      %dma_start3A_87 = tpu.memref_squeeze %dma_start3A_86 : memref<1x128xi32, #tpu.memory_space<vmem>> -> memref<128xi32, #tpu.memory_space<vmem>>
      %dma_start3A_88 = arith.constant 0 : i32
      %dma_start3A_89 = arith.constant 0 : i32
      %dma_start3A_90 = tpu.memref_slice %arg13[%dma_start3A_88, %dma_start3A_89] : memref<4096x128xf32, #tpu.memory_space<vmem_shared>> -> memref<4096x128xf32, #tpu.memory_space<vmem_shared>>
      tpu.enqueue_indirect_dma source(%arg9 : memref<128x128xf32, #tpu.memory_space<vmem>>) target(%dma_start3A_90 : memref<4096x128xf32, #tpu.memory_space<vmem_shared>>) offsets(%dma_start3A_87 : memref<128xi32, #tpu.memory_space<vmem>>) semaphore(%arg18 : memref<!tpu.dma_semaphore, #tpu.memory_space<semaphore_mem>>) {add = true}
      %add3A_91 = arith.constant 1 : i32
      %add3A_92 = arith.addi %scan3A_74, %add3A_91 : i32
      %lt3A = arith.constant 16 : i32
      %lt3A_93 = arith.cmpi slt, %add3A_92, %lt3A : i32
      %convert_element_type3A = arith.extui %lt3A_93 : i1 to i32
      %cond3A = arith.constant 0 : i32
      %cond3A_94 = arith.cmpi ne, %convert_element_type3A, %cond3A : i32
      scf.if %cond3A_94 {
        %dma_wait3A_164 = arith.constant 0 : i32
        %dma_wait3A_165 = tpu.memref_slice %arg8[%add3A_78, %dma_wait3A_164] : memref<64x128xi32, #tpu.memory_space<vmem>> -> memref<1x128xi32, #tpu.memory_space<vmem>>
        %dma_wait3A_166 = tpu.memref_squeeze %dma_wait3A_165 : memref<1x128xi32, #tpu.memory_space<vmem>> -> memref<128xi32, #tpu.memory_space<vmem>>
        %dma_wait3A_167 = arith.constant 0 : i32
        %dma_wait3A_168 = arith.constant 0 : i32
        %dma_wait3A_169 = tpu.memref_slice %arg13[%dma_wait3A_167, %dma_wait3A_168] : memref<4096x128xf32, #tpu.memory_space<vmem_shared>> -> memref<4096x128xf32, #tpu.memory_space<vmem_shared>>
        tpu.wait_indirect_dma semaphore(%arg18 : memref<!tpu.dma_semaphore, #tpu.memory_space<semaphore_mem>>) src(%arg9 : memref<128x128xf32, #tpu.memory_space<vmem>>) dst(%dma_wait3A_169 : memref<4096x128xf32, #tpu.memory_space<vmem_shared>>)
        %add3A_170 = arith.constant 4 : i32
        %add3A_171 = arith.addi %add3A_78, %add3A_170 : i32
        %dma_start3A_172 = arith.constant 0 : i32
        %dma_start3A_173 = tpu.memref_slice %arg7[%add3A_171, %dma_start3A_172] : memref<64x128xi32, #tpu.memory_space<vmem>> -> memref<1x128xi32, #tpu.memory_space<vmem>>
        %dma_start3A_174 = tpu.memref_squeeze %dma_start3A_173 : memref<1x128xi32, #tpu.memory_space<vmem>> -> memref<128xi32, #tpu.memory_space<vmem>>
        %dma_start3A_175 = arith.constant 0 : i32
        %dma_start3A_176 = arith.constant 0 : i32
        %dma_start3A_177 = tpu.memref_slice %arg2[%dma_start3A_175, %dma_start3A_176] : memref<4096x128xf32, #tpu.memory_space<hbm>> -> memref<4096x128xf32, #tpu.memory_space<hbm>>
        tpu.enqueue_indirect_dma source(%dma_start3A_177 : memref<4096x128xf32, #tpu.memory_space<hbm>>) target(%arg9 : memref<128x128xf32, #tpu.memory_space<vmem>>) offsets(%dma_start3A_174 : memref<128xi32, #tpu.memory_space<vmem>>) semaphore(%arg14 : memref<!tpu.dma_semaphore, #tpu.memory_space<semaphore_mem>>)
      } else {
      }
      %mul3A_95 = arith.constant 4 : i32
      %mul3A_96 = arith.muli %scan3A_74, %mul3A_95 : i32
      %add3A_97 = arith.constant 1 : i32
      %add3A_98 = arith.addi %mul3A_96, %add3A_97 : i32
      %dma_wait3A_99 = arith.constant 0 : i32
      %dma_wait3A_100 = tpu.memref_slice %arg7[%add3A_98, %dma_wait3A_99] : memref<64x128xi32, #tpu.memory_space<vmem>> -> memref<1x128xi32, #tpu.memory_space<vmem>>
      %dma_wait3A_101 = tpu.memref_squeeze %dma_wait3A_100 : memref<1x128xi32, #tpu.memory_space<vmem>> -> memref<128xi32, #tpu.memory_space<vmem>>
      %dma_wait3A_102 = arith.constant 0 : i32
      %dma_wait3A_103 = arith.constant 0 : i32
      %dma_wait3A_104 = tpu.memref_slice %arg2[%dma_wait3A_102, %dma_wait3A_103] : memref<4096x128xf32, #tpu.memory_space<hbm>> -> memref<4096x128xf32, #tpu.memory_space<hbm>>
      tpu.wait_indirect_dma semaphore(%arg15 : memref<!tpu.dma_semaphore, #tpu.memory_space<semaphore_mem>>) src(%dma_wait3A_104 : memref<4096x128xf32, #tpu.memory_space<hbm>>) dst(%arg10 : memref<128x128xf32, #tpu.memory_space<vmem>>)
      %dma_start3A_105 = arith.constant 0 : i32
      %dma_start3A_106 = tpu.memref_slice %arg8[%add3A_98, %dma_start3A_105] : memref<64x128xi32, #tpu.memory_space<vmem>> -> memref<1x128xi32, #tpu.memory_space<vmem>>
      %dma_start3A_107 = tpu.memref_squeeze %dma_start3A_106 : memref<1x128xi32, #tpu.memory_space<vmem>> -> memref<128xi32, #tpu.memory_space<vmem>>
      %dma_start3A_108 = arith.constant 0 : i32
      %dma_start3A_109 = arith.constant 0 : i32
      %dma_start3A_110 = tpu.memref_slice %arg13[%dma_start3A_108, %dma_start3A_109] : memref<4096x128xf32, #tpu.memory_space<vmem_shared>> -> memref<4096x128xf32, #tpu.memory_space<vmem_shared>>
      tpu.enqueue_indirect_dma source(%arg10 : memref<128x128xf32, #tpu.memory_space<vmem>>) target(%dma_start3A_110 : memref<4096x128xf32, #tpu.memory_space<vmem_shared>>) offsets(%dma_start3A_107 : memref<128xi32, #tpu.memory_space<vmem>>) semaphore(%arg19 : memref<!tpu.dma_semaphore, #tpu.memory_space<semaphore_mem>>) {add = true}
      %add3A_111 = arith.constant 1 : i32
      %add3A_112 = arith.addi %scan3A_74, %add3A_111 : i32
      %lt3A_113 = arith.constant 16 : i32
      %lt3A_114 = arith.cmpi slt, %add3A_112, %lt3A_113 : i32
      %convert_element_type3A_115 = arith.extui %lt3A_114 : i1 to i32
      %cond3A_116 = arith.constant 0 : i32
      %cond3A_117 = arith.cmpi ne, %convert_element_type3A_115, %cond3A_116 : i32
      scf.if %cond3A_117 {
        %dma_wait3A_164 = arith.constant 0 : i32
        %dma_wait3A_165 = tpu.memref_slice %arg8[%add3A_98, %dma_wait3A_164] : memref<64x128xi32, #tpu.memory_space<vmem>> -> memref<1x128xi32, #tpu.memory_space<vmem>>
        %dma_wait3A_166 = tpu.memref_squeeze %dma_wait3A_165 : memref<1x128xi32, #tpu.memory_space<vmem>> -> memref<128xi32, #tpu.memory_space<vmem>>
        %dma_wait3A_167 = arith.constant 0 : i32
        %dma_wait3A_168 = arith.constant 0 : i32
        %dma_wait3A_169 = tpu.memref_slice %arg13[%dma_wait3A_167, %dma_wait3A_168] : memref<4096x128xf32, #tpu.memory_space<vmem_shared>> -> memref<4096x128xf32, #tpu.memory_space<vmem_shared>>
        tpu.wait_indirect_dma semaphore(%arg19 : memref<!tpu.dma_semaphore, #tpu.memory_space<semaphore_mem>>) src(%arg10 : memref<128x128xf32, #tpu.memory_space<vmem>>) dst(%dma_wait3A_169 : memref<4096x128xf32, #tpu.memory_space<vmem_shared>>)
        %add3A_170 = arith.constant 4 : i32
        %add3A_171 = arith.addi %add3A_98, %add3A_170 : i32
        %dma_start3A_172 = arith.constant 0 : i32
        %dma_start3A_173 = tpu.memref_slice %arg7[%add3A_171, %dma_start3A_172] : memref<64x128xi32, #tpu.memory_space<vmem>> -> memref<1x128xi32, #tpu.memory_space<vmem>>
        %dma_start3A_174 = tpu.memref_squeeze %dma_start3A_173 : memref<1x128xi32, #tpu.memory_space<vmem>> -> memref<128xi32, #tpu.memory_space<vmem>>
        %dma_start3A_175 = arith.constant 0 : i32
        %dma_start3A_176 = arith.constant 0 : i32
        %dma_start3A_177 = tpu.memref_slice %arg2[%dma_start3A_175, %dma_start3A_176] : memref<4096x128xf32, #tpu.memory_space<hbm>> -> memref<4096x128xf32, #tpu.memory_space<hbm>>
        tpu.enqueue_indirect_dma source(%dma_start3A_177 : memref<4096x128xf32, #tpu.memory_space<hbm>>) target(%arg10 : memref<128x128xf32, #tpu.memory_space<vmem>>) offsets(%dma_start3A_174 : memref<128xi32, #tpu.memory_space<vmem>>) semaphore(%arg15 : memref<!tpu.dma_semaphore, #tpu.memory_space<semaphore_mem>>)
      } else {
      }
      %mul3A_118 = arith.constant 4 : i32
      %mul3A_119 = arith.muli %scan3A_74, %mul3A_118 : i32
      %add3A_120 = arith.constant 2 : i32
      %add3A_121 = arith.addi %mul3A_119, %add3A_120 : i32
      %dma_wait3A_122 = arith.constant 0 : i32
      %dma_wait3A_123 = tpu.memref_slice %arg7[%add3A_121, %dma_wait3A_122] : memref<64x128xi32, #tpu.memory_space<vmem>> -> memref<1x128xi32, #tpu.memory_space<vmem>>
      %dma_wait3A_124 = tpu.memref_squeeze %dma_wait3A_123 : memref<1x128xi32, #tpu.memory_space<vmem>> -> memref<128xi32, #tpu.memory_space<vmem>>
      %dma_wait3A_125 = arith.constant 0 : i32
      %dma_wait3A_126 = arith.constant 0 : i32
      %dma_wait3A_127 = tpu.memref_slice %arg2[%dma_wait3A_125, %dma_wait3A_126] : memref<4096x128xf32, #tpu.memory_space<hbm>> -> memref<4096x128xf32, #tpu.memory_space<hbm>>
      tpu.wait_indirect_dma semaphore(%arg16 : memref<!tpu.dma_semaphore, #tpu.memory_space<semaphore_mem>>) src(%dma_wait3A_127 : memref<4096x128xf32, #tpu.memory_space<hbm>>) dst(%arg11 : memref<128x128xf32, #tpu.memory_space<vmem>>)
      %dma_start3A_128 = arith.constant 0 : i32
      %dma_start3A_129 = tpu.memref_slice %arg8[%add3A_121, %dma_start3A_128] : memref<64x128xi32, #tpu.memory_space<vmem>> -> memref<1x128xi32, #tpu.memory_space<vmem>>
      %dma_start3A_130 = tpu.memref_squeeze %dma_start3A_129 : memref<1x128xi32, #tpu.memory_space<vmem>> -> memref<128xi32, #tpu.memory_space<vmem>>
      %dma_start3A_131 = arith.constant 0 : i32
      %dma_start3A_132 = arith.constant 0 : i32
      %dma_start3A_133 = tpu.memref_slice %arg13[%dma_start3A_131, %dma_start3A_132] : memref<4096x128xf32, #tpu.memory_space<vmem_shared>> -> memref<4096x128xf32, #tpu.memory_space<vmem_shared>>
      tpu.enqueue_indirect_dma source(%arg11 : memref<128x128xf32, #tpu.memory_space<vmem>>) target(%dma_start3A_133 : memref<4096x128xf32, #tpu.memory_space<vmem_shared>>) offsets(%dma_start3A_130 : memref<128xi32, #tpu.memory_space<vmem>>) semaphore(%arg20 : memref<!tpu.dma_semaphore, #tpu.memory_space<semaphore_mem>>) {add = true}
      %add3A_134 = arith.constant 1 : i32
      %add3A_135 = arith.addi %scan3A_74, %add3A_134 : i32
      %lt3A_136 = arith.constant 16 : i32
      %lt3A_137 = arith.cmpi slt, %add3A_135, %lt3A_136 : i32
      %convert_element_type3A_138 = arith.extui %lt3A_137 : i1 to i32
      %cond3A_139 = arith.constant 0 : i32
      %cond3A_140 = arith.cmpi ne, %convert_element_type3A_138, %cond3A_139 : i32
      scf.if %cond3A_140 {
        %dma_wait3A_164 = arith.constant 0 : i32
        %dma_wait3A_165 = tpu.memref_slice %arg8[%add3A_121, %dma_wait3A_164] : memref<64x128xi32, #tpu.memory_space<vmem>> -> memref<1x128xi32, #tpu.memory_space<vmem>>
        %dma_wait3A_166 = tpu.memref_squeeze %dma_wait3A_165 : memref<1x128xi32, #tpu.memory_space<vmem>> -> memref<128xi32, #tpu.memory_space<vmem>>
        %dma_wait3A_167 = arith.constant 0 : i32
        %dma_wait3A_168 = arith.constant 0 : i32
        %dma_wait3A_169 = tpu.memref_slice %arg13[%dma_wait3A_167, %dma_wait3A_168] : memref<4096x128xf32, #tpu.memory_space<vmem_shared>> -> memref<4096x128xf32, #tpu.memory_space<vmem_shared>>
        tpu.wait_indirect_dma semaphore(%arg20 : memref<!tpu.dma_semaphore, #tpu.memory_space<semaphore_mem>>) src(%arg11 : memref<128x128xf32, #tpu.memory_space<vmem>>) dst(%dma_wait3A_169 : memref<4096x128xf32, #tpu.memory_space<vmem_shared>>)
        %add3A_170 = arith.constant 4 : i32
        %add3A_171 = arith.addi %add3A_121, %add3A_170 : i32
        %dma_start3A_172 = arith.constant 0 : i32
        %dma_start3A_173 = tpu.memref_slice %arg7[%add3A_171, %dma_start3A_172] : memref<64x128xi32, #tpu.memory_space<vmem>> -> memref<1x128xi32, #tpu.memory_space<vmem>>
        %dma_start3A_174 = tpu.memref_squeeze %dma_start3A_173 : memref<1x128xi32, #tpu.memory_space<vmem>> -> memref<128xi32, #tpu.memory_space<vmem>>
        %dma_start3A_175 = arith.constant 0 : i32
        %dma_start3A_176 = arith.constant 0 : i32
        %dma_start3A_177 = tpu.memref_slice %arg2[%dma_start3A_175, %dma_start3A_176] : memref<4096x128xf32, #tpu.memory_space<hbm>> -> memref<4096x128xf32, #tpu.memory_space<hbm>>
        tpu.enqueue_indirect_dma source(%dma_start3A_177 : memref<4096x128xf32, #tpu.memory_space<hbm>>) target(%arg11 : memref<128x128xf32, #tpu.memory_space<vmem>>) offsets(%dma_start3A_174 : memref<128xi32, #tpu.memory_space<vmem>>) semaphore(%arg16 : memref<!tpu.dma_semaphore, #tpu.memory_space<semaphore_mem>>)
      } else {
      }
      %mul3A_141 = arith.constant 4 : i32
      %mul3A_142 = arith.muli %scan3A_74, %mul3A_141 : i32
      %add3A_143 = arith.constant 3 : i32
      %add3A_144 = arith.addi %mul3A_142, %add3A_143 : i32
      %dma_wait3A_145 = arith.constant 0 : i32
      %dma_wait3A_146 = tpu.memref_slice %arg7[%add3A_144, %dma_wait3A_145] : memref<64x128xi32, #tpu.memory_space<vmem>> -> memref<1x128xi32, #tpu.memory_space<vmem>>
      %dma_wait3A_147 = tpu.memref_squeeze %dma_wait3A_146 : memref<1x128xi32, #tpu.memory_space<vmem>> -> memref<128xi32, #tpu.memory_space<vmem>>
      %dma_wait3A_148 = arith.constant 0 : i32
      %dma_wait3A_149 = arith.constant 0 : i32
      %dma_wait3A_150 = tpu.memref_slice %arg2[%dma_wait3A_148, %dma_wait3A_149] : memref<4096x128xf32, #tpu.memory_space<hbm>> -> memref<4096x128xf32, #tpu.memory_space<hbm>>
      tpu.wait_indirect_dma semaphore(%arg17 : memref<!tpu.dma_semaphore, #tpu.memory_space<semaphore_mem>>) src(%dma_wait3A_150 : memref<4096x128xf32, #tpu.memory_space<hbm>>) dst(%arg12 : memref<128x128xf32, #tpu.memory_space<vmem>>)
      %dma_start3A_151 = arith.constant 0 : i32
      %dma_start3A_152 = tpu.memref_slice %arg8[%add3A_144, %dma_start3A_151] : memref<64x128xi32, #tpu.memory_space<vmem>> -> memref<1x128xi32, #tpu.memory_space<vmem>>
      %dma_start3A_153 = tpu.memref_squeeze %dma_start3A_152 : memref<1x128xi32, #tpu.memory_space<vmem>> -> memref<128xi32, #tpu.memory_space<vmem>>
      %dma_start3A_154 = arith.constant 0 : i32
      %dma_start3A_155 = arith.constant 0 : i32
      %dma_start3A_156 = tpu.memref_slice %arg13[%dma_start3A_154, %dma_start3A_155] : memref<4096x128xf32, #tpu.memory_space<vmem_shared>> -> memref<4096x128xf32, #tpu.memory_space<vmem_shared>>
      tpu.enqueue_indirect_dma source(%arg12 : memref<128x128xf32, #tpu.memory_space<vmem>>) target(%dma_start3A_156 : memref<4096x128xf32, #tpu.memory_space<vmem_shared>>) offsets(%dma_start3A_153 : memref<128xi32, #tpu.memory_space<vmem>>) semaphore(%arg21 : memref<!tpu.dma_semaphore, #tpu.memory_space<semaphore_mem>>) {add = true}
      %add3A_157 = arith.constant 1 : i32
      %add3A_158 = arith.addi %scan3A_74, %add3A_157 : i32
      %lt3A_159 = arith.constant 16 : i32
      %lt3A_160 = arith.cmpi slt, %add3A_158, %lt3A_159 : i32
      %convert_element_type3A_161 = arith.extui %lt3A_160 : i1 to i32
      %cond3A_162 = arith.constant 0 : i32
      %cond3A_163 = arith.cmpi ne, %convert_element_type3A_161, %cond3A_162 : i32
      scf.if %cond3A_163 {
        %dma_wait3A_164 = arith.constant 0 : i32
        %dma_wait3A_165 = tpu.memref_slice %arg8[%add3A_144, %dma_wait3A_164] : memref<64x128xi32, #tpu.memory_space<vmem>> -> memref<1x128xi32, #tpu.memory_space<vmem>>
        %dma_wait3A_166 = tpu.memref_squeeze %dma_wait3A_165 : memref<1x128xi32, #tpu.memory_space<vmem>> -> memref<128xi32, #tpu.memory_space<vmem>>
        %dma_wait3A_167 = arith.constant 0 : i32
        %dma_wait3A_168 = arith.constant 0 : i32
        %dma_wait3A_169 = tpu.memref_slice %arg13[%dma_wait3A_167, %dma_wait3A_168] : memref<4096x128xf32, #tpu.memory_space<vmem_shared>> -> memref<4096x128xf32, #tpu.memory_space<vmem_shared>>
        tpu.wait_indirect_dma semaphore(%arg21 : memref<!tpu.dma_semaphore, #tpu.memory_space<semaphore_mem>>) src(%arg12 : memref<128x128xf32, #tpu.memory_space<vmem>>) dst(%dma_wait3A_169 : memref<4096x128xf32, #tpu.memory_space<vmem_shared>>)
        %add3A_170 = arith.constant 4 : i32
        %add3A_171 = arith.addi %add3A_144, %add3A_170 : i32
        %dma_start3A_172 = arith.constant 0 : i32
        %dma_start3A_173 = tpu.memref_slice %arg7[%add3A_171, %dma_start3A_172] : memref<64x128xi32, #tpu.memory_space<vmem>> -> memref<1x128xi32, #tpu.memory_space<vmem>>
        %dma_start3A_174 = tpu.memref_squeeze %dma_start3A_173 : memref<1x128xi32, #tpu.memory_space<vmem>> -> memref<128xi32, #tpu.memory_space<vmem>>
        %dma_start3A_175 = arith.constant 0 : i32
        %dma_start3A_176 = arith.constant 0 : i32
        %dma_start3A_177 = tpu.memref_slice %arg2[%dma_start3A_175, %dma_start3A_176] : memref<4096x128xf32, #tpu.memory_space<hbm>> -> memref<4096x128xf32, #tpu.memory_space<hbm>>
        tpu.enqueue_indirect_dma source(%dma_start3A_177 : memref<4096x128xf32, #tpu.memory_space<hbm>>) target(%arg12 : memref<128x128xf32, #tpu.memory_space<vmem>>) offsets(%dma_start3A_174 : memref<128xi32, #tpu.memory_space<vmem>>) semaphore(%arg17 : memref<!tpu.dma_semaphore, #tpu.memory_space<semaphore_mem>>)
      } else {
      }
    }
    %scan3A_40 = arith.constant 16 : i32
    %dma_wait3A = arith.constant 60 : i32
    %dma_wait3A_41 = arith.constant 0 : i32
    %dma_wait3A_42 = tpu.memref_slice %arg8[%dma_wait3A, %dma_wait3A_41] : memref<64x128xi32, #tpu.memory_space<vmem>> -> memref<1x128xi32, #tpu.memory_space<vmem>>
    %dma_wait3A_43 = tpu.memref_squeeze %dma_wait3A_42 : memref<1x128xi32, #tpu.memory_space<vmem>> -> memref<128xi32, #tpu.memory_space<vmem>>
    %dma_wait3A_44 = arith.constant 0 : i32
    %dma_wait3A_45 = arith.constant 0 : i32
    %dma_wait3A_46 = tpu.memref_slice %arg13[%dma_wait3A_44, %dma_wait3A_45] : memref<4096x128xf32, #tpu.memory_space<vmem_shared>> -> memref<4096x128xf32, #tpu.memory_space<vmem_shared>>
    tpu.wait_indirect_dma semaphore(%arg18 : memref<!tpu.dma_semaphore, #tpu.memory_space<semaphore_mem>>) src(%arg9 : memref<128x128xf32, #tpu.memory_space<vmem>>) dst(%dma_wait3A_46 : memref<4096x128xf32, #tpu.memory_space<vmem_shared>>)
    %dma_wait3A_47 = arith.constant 61 : i32
    %dma_wait3A_48 = arith.constant 0 : i32
    %dma_wait3A_49 = tpu.memref_slice %arg8[%dma_wait3A_47, %dma_wait3A_48] : memref<64x128xi32, #tpu.memory_space<vmem>> -> memref<1x128xi32, #tpu.memory_space<vmem>>
    %dma_wait3A_50 = tpu.memref_squeeze %dma_wait3A_49 : memref<1x128xi32, #tpu.memory_space<vmem>> -> memref<128xi32, #tpu.memory_space<vmem>>
    %dma_wait3A_51 = arith.constant 0 : i32
    %dma_wait3A_52 = arith.constant 0 : i32
    %dma_wait3A_53 = tpu.memref_slice %arg13[%dma_wait3A_51, %dma_wait3A_52] : memref<4096x128xf32, #tpu.memory_space<vmem_shared>> -> memref<4096x128xf32, #tpu.memory_space<vmem_shared>>
    tpu.wait_indirect_dma semaphore(%arg19 : memref<!tpu.dma_semaphore, #tpu.memory_space<semaphore_mem>>) src(%arg10 : memref<128x128xf32, #tpu.memory_space<vmem>>) dst(%dma_wait3A_53 : memref<4096x128xf32, #tpu.memory_space<vmem_shared>>)
    %dma_wait3A_54 = arith.constant 62 : i32
    %dma_wait3A_55 = arith.constant 0 : i32
    %dma_wait3A_56 = tpu.memref_slice %arg8[%dma_wait3A_54, %dma_wait3A_55] : memref<64x128xi32, #tpu.memory_space<vmem>> -> memref<1x128xi32, #tpu.memory_space<vmem>>
    %dma_wait3A_57 = tpu.memref_squeeze %dma_wait3A_56 : memref<1x128xi32, #tpu.memory_space<vmem>> -> memref<128xi32, #tpu.memory_space<vmem>>
    %dma_wait3A_58 = arith.constant 0 : i32
    %dma_wait3A_59 = arith.constant 0 : i32
    %dma_wait3A_60 = tpu.memref_slice %arg13[%dma_wait3A_58, %dma_wait3A_59] : memref<4096x128xf32, #tpu.memory_space<vmem_shared>> -> memref<4096x128xf32, #tpu.memory_space<vmem_shared>>
    tpu.wait_indirect_dma semaphore(%arg20 : memref<!tpu.dma_semaphore, #tpu.memory_space<semaphore_mem>>) src(%arg11 : memref<128x128xf32, #tpu.memory_space<vmem>>) dst(%dma_wait3A_60 : memref<4096x128xf32, #tpu.memory_space<vmem_shared>>)
    %dma_wait3A_61 = arith.constant 63 : i32
    %dma_wait3A_62 = arith.constant 0 : i32
    %dma_wait3A_63 = tpu.memref_slice %arg8[%dma_wait3A_61, %dma_wait3A_62] : memref<64x128xi32, #tpu.memory_space<vmem>> -> memref<1x128xi32, #tpu.memory_space<vmem>>
    %dma_wait3A_64 = tpu.memref_squeeze %dma_wait3A_63 : memref<1x128xi32, #tpu.memory_space<vmem>> -> memref<128xi32, #tpu.memory_space<vmem>>
    %dma_wait3A_65 = arith.constant 0 : i32
    %dma_wait3A_66 = arith.constant 0 : i32
    %dma_wait3A_67 = tpu.memref_slice %arg13[%dma_wait3A_65, %dma_wait3A_66] : memref<4096x128xf32, #tpu.memory_space<vmem_shared>> -> memref<4096x128xf32, #tpu.memory_space<vmem_shared>>
    tpu.wait_indirect_dma semaphore(%arg21 : memref<!tpu.dma_semaphore, #tpu.memory_space<semaphore_mem>>) src(%arg12 : memref<128x128xf32, #tpu.memory_space<vmem>>) dst(%dma_wait3A_67 : memref<4096x128xf32, #tpu.memory_space<vmem_shared>>)
    %barrier3A_68 = arith.constant 0 : index
    tpu.barrier barrier_id(%barrier3A_68)
    %mul3A_69 = arith.constant 256 : i32
    %mul3A_70 = arith.muli %arg1, %mul3A_69 : i32
    %mul3A_71 = arith.constant 256 : i32
    %mul3A_72 = arith.muli %arg1, %mul3A_71 : i32
    %run_scoped3A = arith.constant 0 : i32
    "tpu.region"() ({
      %run_scoped3A_74 = tpu.sem_alloc : memref<!tpu.dma_semaphore, #tpu.memory_space<semaphore_mem>>
      %dma_start3A_75 = arith.constant 0 : i32
      %dma_start3A_76 = tpu.memref_slice %arg6[%run_scoped3A, %arg0, %mul3A_72, %dma_start3A_75] : memref<1x2x4096x128xf32, #tpu.memory_space<hbm>> -> memref<1x1x256x128xf32, #tpu.memory_space<hbm>>
      %dma_start3A_77 = tpu.memref_squeeze %dma_start3A_76 : memref<1x1x256x128xf32, #tpu.memory_space<hbm>> -> memref<256x128xf32, #tpu.memory_space<hbm>>
      %dma_start3A_78 = arith.constant 0 : i32
      %dma_start3A_79 = tpu.memref_slice %arg13[%mul3A_70, %dma_start3A_78] : memref<4096x128xf32, #tpu.memory_space<vmem_shared>> -> memref<256x128xf32, #tpu.memory_space<vmem_shared>>
      tpu.enqueue_dma source(%dma_start3A_79 : memref<256x128xf32, #tpu.memory_space<vmem_shared>>) target(%dma_start3A_77 : memref<256x128xf32, #tpu.memory_space<hbm>>) target_semaphore(%run_scoped3A_74 : memref<!tpu.dma_semaphore, #tpu.memory_space<semaphore_mem>>)
      %dma_wait3A_80 = arith.constant 0 : i32
      %dma_wait3A_81 = tpu.memref_slice %arg6[%run_scoped3A, %arg0, %mul3A_72, %dma_wait3A_80] : memref<1x2x4096x128xf32, #tpu.memory_space<hbm>> -> memref<1x1x256x128xf32, #tpu.memory_space<hbm>>
      %dma_wait3A_82 = tpu.memref_squeeze %dma_wait3A_81 : memref<1x1x256x128xf32, #tpu.memory_space<hbm>> -> memref<256x128xf32, #tpu.memory_space<hbm>>
      %dma_wait3A_83 = arith.constant 0 : i32
      %dma_wait3A_84 = tpu.memref_slice %arg13[%mul3A_70, %dma_wait3A_83] : memref<4096x128xf32, #tpu.memory_space<vmem_shared>> -> memref<256x128xf32, #tpu.memory_space<vmem_shared>>
      tpu.wait_dma2 semaphore(%run_scoped3A_74 : memref<!tpu.dma_semaphore, #tpu.memory_space<semaphore_mem>>) src(%dma_wait3A_84 : memref<256x128xf32, #tpu.memory_space<vmem_shared>>) dst(%dma_wait3A_82 : memref<256x128xf32, #tpu.memory_space<hbm>>)
      tpu.yield
    }) : () -> ()
    %barrier3A_73 = arith.constant 0 : index
    tpu.barrier barrier_id(%barrier3A_73)
    return
  }
}

#map = affine_map<(d0, d1) -> (0, 0)>
#map1 = affine_map<(d0, d1) -> (0, 0, 0, 0)>
module attributes {stable_mosaic.version = 14 : i64} {
  func.func @sc_prop(%arg0: i32, %arg1: i32, %arg2: memref<4096x128xf32, #tpu.memory_space<hbm>>, %arg3: memref<2048x128xi32, #tpu.memory_space<hbm>>, %arg4: memref<2048x128xi32, #tpu.memory_space<hbm>>, %arg5: memref<4096x128xf32, #tpu.memory_space<hbm>>, %arg6: memref<1x2x4096x128xf32, #tpu.memory_space<hbm>>, %arg7: memref<64x128xi32, #tpu.memory_space<vmem>>, %arg8: memref<64x128xi32, #tpu.memory_space<vmem>>, %arg9: memref<128x128xf32, #tpu.memory_space<vmem>>, %arg10: memref<128x128xf32, #tpu.memory_space<vmem>>, %arg11: memref<128x128xf32, #tpu.memory_space<vmem>>, %arg12: memref<128x128xf32, #tpu.memory_space<vmem>>, %arg13: memref<4096x128xf32, #tpu.memory_space<vmem_shared>>, %arg14: memref<!tpu.dma_semaphore, #tpu.memory_space<semaphore_mem>>, %arg15: memref<!tpu.dma_semaphore, #tpu.memory_space<semaphore_mem>>, %arg16: memref<!tpu.dma_semaphore, #tpu.memory_space<semaphore_mem>>, %arg17: memref<!tpu.dma_semaphore, #tpu.memory_space<semaphore_mem>>, %arg18: memref<!tpu.dma_semaphore, #tpu.memory_space<semaphore_mem>>, %arg19: memref<!tpu.dma_semaphore, #tpu.memory_space<semaphore_mem>>, %arg20: memref<!tpu.dma_semaphore, #tpu.memory_space<semaphore_mem>>, %arg21: memref<!tpu.dma_semaphore, #tpu.memory_space<semaphore_mem>>) attributes {dimension_semantics = [#tpu.dimension_semantics<core_parallel>, #tpu.dimension_semantics<subcore_parallel>], iteration_bounds = array<i64: 2, 16>, scalar_prefetch = 0 : i64, scratch_operands = 15 : i64, tpu.core_type = #tpu.core_type<sc_vector_subcore>, window_params = [{transform_indices = #map}, {transform_indices = #map}, {transform_indices = #map}, {transform_indices = #map}, {transform_indices = #map1}]} {
    %mul3A = arith.constant 2 : i32
    %mul3A_0 = arith.muli %arg1, %mul3A : i32
    %add3A = arith.addi %mul3A_0, %arg0 : i32
    %mul3A_1 = arith.constant 64 : i32
    %mul3A_2 = arith.muli %add3A, %mul3A_1 : i32
    "tpu.region"() ({
      %run_scoped3A_74 = tpu.sem_alloc : memref<!tpu.dma_semaphore, #tpu.memory_space<semaphore_mem>>
      %dma_start3A_75 = arith.constant 0 : i32
      %dma_start3A_76 = tpu.memref_slice %arg3[%mul3A_2, %dma_start3A_75] : memref<2048x128xi32, #tpu.memory_space<hbm>> -> memref<64x128xi32, #tpu.memory_space<hbm>>
      %dma_start3A_77 = arith.constant 0 : i32
      %dma_start3A_78 = tpu.memref_slice %arg3[%mul3A_2, %dma_start3A_77] : memref<2048x128xi32, #tpu.memory_space<hbm>> -> memref<64x128xi32, #tpu.memory_space<hbm>>
      tpu.enqueue_dma source(%dma_start3A_78 : memref<64x128xi32, #tpu.memory_space<hbm>>) target(%arg7 : memref<64x128xi32, #tpu.memory_space<vmem>>) target_semaphore(%run_scoped3A_74 : memref<!tpu.dma_semaphore, #tpu.memory_space<semaphore_mem>>)
      %dma_wait3A_79 = arith.constant 0 : i32
      %dma_wait3A_80 = tpu.memref_slice %arg3[%mul3A_2, %dma_wait3A_79] : memref<2048x128xi32, #tpu.memory_space<hbm>> -> memref<64x128xi32, #tpu.memory_space<hbm>>
      %dma_wait3A_81 = arith.constant 0 : i32
      %dma_wait3A_82 = tpu.memref_slice %arg3[%mul3A_2, %dma_wait3A_81] : memref<2048x128xi32, #tpu.memory_space<hbm>> -> memref<64x128xi32, #tpu.memory_space<hbm>>
      tpu.wait_dma2 semaphore(%run_scoped3A_74 : memref<!tpu.dma_semaphore, #tpu.memory_space<semaphore_mem>>) src(%dma_wait3A_82 : memref<64x128xi32, #tpu.memory_space<hbm>>) dst(%arg7 : memref<64x128xi32, #tpu.memory_space<vmem>>)
      tpu.yield
    }) : () -> ()
    %mul3A_3 = arith.constant 64 : i32
    %mul3A_4 = arith.muli %add3A, %mul3A_3 : i32
    "tpu.region"() ({
      %run_scoped3A_74 = tpu.sem_alloc : memref<!tpu.dma_semaphore, #tpu.memory_space<semaphore_mem>>
      %dma_start3A_75 = arith.constant 0 : i32
      %dma_start3A_76 = tpu.memref_slice %arg4[%mul3A_4, %dma_start3A_75] : memref<2048x128xi32, #tpu.memory_space<hbm>> -> memref<64x128xi32, #tpu.memory_space<hbm>>
      %dma_start3A_77 = arith.constant 0 : i32
      %dma_start3A_78 = tpu.memref_slice %arg4[%mul3A_4, %dma_start3A_77] : memref<2048x128xi32, #tpu.memory_space<hbm>> -> memref<64x128xi32, #tpu.memory_space<hbm>>
      tpu.enqueue_dma source(%dma_start3A_78 : memref<64x128xi32, #tpu.memory_space<hbm>>) target(%arg8 : memref<64x128xi32, #tpu.memory_space<vmem>>) target_semaphore(%run_scoped3A_74 : memref<!tpu.dma_semaphore, #tpu.memory_space<semaphore_mem>>)
      %dma_wait3A_79 = arith.constant 0 : i32
      %dma_wait3A_80 = tpu.memref_slice %arg4[%mul3A_4, %dma_wait3A_79] : memref<2048x128xi32, #tpu.memory_space<hbm>> -> memref<64x128xi32, #tpu.memory_space<hbm>>
      %dma_wait3A_81 = arith.constant 0 : i32
      %dma_wait3A_82 = tpu.memref_slice %arg4[%mul3A_4, %dma_wait3A_81] : memref<2048x128xi32, #tpu.memory_space<hbm>> -> memref<64x128xi32, #tpu.memory_space<hbm>>
      tpu.wait_dma2 semaphore(%run_scoped3A_74 : memref<!tpu.dma_semaphore, #tpu.memory_space<semaphore_mem>>) src(%dma_wait3A_82 : memref<64x128xi32, #tpu.memory_space<hbm>>) dst(%arg8 : memref<64x128xi32, #tpu.memory_space<vmem>>)
      tpu.yield
    }) : () -> ()
    %mul3A_5 = arith.constant 256 : i32
    %mul3A_6 = arith.muli %arg1, %mul3A_5 : i32
    %mul3A_7 = arith.constant 256 : i32
    %mul3A_8 = arith.muli %arg1, %mul3A_7 : i32
    "tpu.region"() ({
      %run_scoped3A_74 = tpu.sem_alloc : memref<!tpu.dma_semaphore, #tpu.memory_space<semaphore_mem>>
      %dma_start3A_75 = arith.constant 0 : i32
      %dma_start3A_76 = tpu.memref_slice %arg13[%mul3A_8, %dma_start3A_75] : memref<4096x128xf32, #tpu.memory_space<vmem_shared>> -> memref<256x128xf32, #tpu.memory_space<vmem_shared>>
      %dma_start3A_77 = arith.constant 0 : i32
      %dma_start3A_78 = tpu.memref_slice %arg5[%mul3A_6, %dma_start3A_77] : memref<4096x128xf32, #tpu.memory_space<hbm>> -> memref<256x128xf32, #tpu.memory_space<hbm>>
      tpu.enqueue_dma source(%dma_start3A_78 : memref<256x128xf32, #tpu.memory_space<hbm>>) target(%dma_start3A_76 : memref<256x128xf32, #tpu.memory_space<vmem_shared>>) target_semaphore(%run_scoped3A_74 : memref<!tpu.dma_semaphore, #tpu.memory_space<semaphore_mem>>)
      %dma_wait3A_79 = arith.constant 0 : i32
      %dma_wait3A_80 = tpu.memref_slice %arg13[%mul3A_8, %dma_wait3A_79] : memref<4096x128xf32, #tpu.memory_space<vmem_shared>> -> memref<256x128xf32, #tpu.memory_space<vmem_shared>>
      %dma_wait3A_81 = arith.constant 0 : i32
      %dma_wait3A_82 = tpu.memref_slice %arg5[%mul3A_6, %dma_wait3A_81] : memref<4096x128xf32, #tpu.memory_space<hbm>> -> memref<256x128xf32, #tpu.memory_space<hbm>>
      tpu.wait_dma2 semaphore(%run_scoped3A_74 : memref<!tpu.dma_semaphore, #tpu.memory_space<semaphore_mem>>) src(%dma_wait3A_82 : memref<256x128xf32, #tpu.memory_space<hbm>>) dst(%dma_wait3A_80 : memref<256x128xf32, #tpu.memory_space<vmem_shared>>)
      tpu.yield
    }) : () -> ()
    %barrier3A = arith.constant 0 : index
    tpu.barrier barrier_id(%barrier3A)
    %dma_start3A = arith.constant 0 : i32
    %dma_start3A_9 = arith.constant 0 : i32
    %dma_start3A_10 = tpu.memref_slice %arg7[%dma_start3A, %dma_start3A_9] : memref<64x128xi32, #tpu.memory_space<vmem>> -> memref<1x128xi32, #tpu.memory_space<vmem>>
    %dma_start3A_11 = tpu.memref_squeeze %dma_start3A_10 : memref<1x128xi32, #tpu.memory_space<vmem>> -> memref<128xi32, #tpu.memory_space<vmem>>
    %dma_start3A_12 = arith.constant 0 : i32
    %dma_start3A_13 = arith.constant 0 : i32
    %dma_start3A_14 = tpu.memref_slice %arg2[%dma_start3A_12, %dma_start3A_13] : memref<4096x128xf32, #tpu.memory_space<hbm>> -> memref<4096x128xf32, #tpu.memory_space<hbm>>
    tpu.enqueue_indirect_dma source(%dma_start3A_14 : memref<4096x128xf32, #tpu.memory_space<hbm>>) target(%arg9 : memref<128x128xf32, #tpu.memory_space<vmem>>) offsets(%dma_start3A_11 : memref<128xi32, #tpu.memory_space<vmem>>) semaphore(%arg14 : memref<!tpu.dma_semaphore, #tpu.memory_space<semaphore_mem>>)
    %dma_start3A_15 = arith.constant 1 : i32
    %dma_start3A_16 = arith.constant 0 : i32
    %dma_start3A_17 = tpu.memref_slice %arg7[%dma_start3A_15, %dma_start3A_16] : memref<64x128xi32, #tpu.memory_space<vmem>> -> memref<1x128xi32, #tpu.memory_space<vmem>>
    %dma_start3A_18 = tpu.memref_squeeze %dma_start3A_17 : memref<1x128xi32, #tpu.memory_space<vmem>> -> memref<128xi32, #tpu.memory_space<vmem>>
    %dma_start3A_19 = arith.constant 0 : i32
    %dma_start3A_20 = arith.constant 0 : i32
    %dma_start3A_21 = tpu.memref_slice %arg2[%dma_start3A_19, %dma_start3A_20] : memref<4096x128xf32, #tpu.memory_space<hbm>> -> memref<4096x128xf32, #tpu.memory_space<hbm>>
    tpu.enqueue_indirect_dma source(%dma_start3A_21 : memref<4096x128xf32, #tpu.memory_space<hbm>>) target(%arg10 : memref<128x128xf32, #tpu.memory_space<vmem>>) offsets(%dma_start3A_18 : memref<128xi32, #tpu.memory_space<vmem>>) semaphore(%arg15 : memref<!tpu.dma_semaphore, #tpu.memory_space<semaphore_mem>>)
    %dma_start3A_22 = arith.constant 2 : i32
    %dma_start3A_23 = arith.constant 0 : i32
    %dma_start3A_24 = tpu.memref_slice %arg7[%dma_start3A_22, %dma_start3A_23] : memref<64x128xi32, #tpu.memory_space<vmem>> -> memref<1x128xi32, #tpu.memory_space<vmem>>
    %dma_start3A_25 = tpu.memref_squeeze %dma_start3A_24 : memref<1x128xi32, #tpu.memory_space<vmem>> -> memref<128xi32, #tpu.memory_space<vmem>>
    %dma_start3A_26 = arith.constant 0 : i32
    %dma_start3A_27 = arith.constant 0 : i32
    %dma_start3A_28 = tpu.memref_slice %arg2[%dma_start3A_26, %dma_start3A_27] : memref<4096x128xf32, #tpu.memory_space<hbm>> -> memref<4096x128xf32, #tpu.memory_space<hbm>>
    tpu.enqueue_indirect_dma source(%dma_start3A_28 : memref<4096x128xf32, #tpu.memory_space<hbm>>) target(%arg11 : memref<128x128xf32, #tpu.memory_space<vmem>>) offsets(%dma_start3A_25 : memref<128xi32, #tpu.memory_space<vmem>>) semaphore(%arg16 : memref<!tpu.dma_semaphore, #tpu.memory_space<semaphore_mem>>)
    %dma_start3A_29 = arith.constant 3 : i32
    %dma_start3A_30 = arith.constant 0 : i32
    %dma_start3A_31 = tpu.memref_slice %arg7[%dma_start3A_29, %dma_start3A_30] : memref<64x128xi32, #tpu.memory_space<vmem>> -> memref<1x128xi32, #tpu.memory_space<vmem>>
    %dma_start3A_32 = tpu.memref_squeeze %dma_start3A_31 : memref<1x128xi32, #tpu.memory_space<vmem>> -> memref<128xi32, #tpu.memory_space<vmem>>
    %dma_start3A_33 = arith.constant 0 : i32
    %dma_start3A_34 = arith.constant 0 : i32
    %dma_start3A_35 = tpu.memref_slice %arg2[%dma_start3A_33, %dma_start3A_34] : memref<4096x128xf32, #tpu.memory_space<hbm>> -> memref<4096x128xf32, #tpu.memory_space<hbm>>
    tpu.enqueue_indirect_dma source(%dma_start3A_35 : memref<4096x128xf32, #tpu.memory_space<hbm>>) target(%arg12 : memref<128x128xf32, #tpu.memory_space<vmem>>) offsets(%dma_start3A_32 : memref<128xi32, #tpu.memory_space<vmem>>) semaphore(%arg17 : memref<!tpu.dma_semaphore, #tpu.memory_space<semaphore_mem>>)
    %scan3A = arith.constant 0 : i32
    %scan3A_36 = arith.constant 0 : i32
    %scan3A_37 = arith.constant 16 : i32
    %scan3A_38 = arith.addi %scan3A_36, %scan3A_37 : i32
    %scan3A_39 = arith.constant 1 : i32
    scf.for %scan3A_74 = %scan3A_36 to %scan3A_38 step %scan3A_39  : i32 {
      %mul3A_75 = arith.constant 4 : i32
      %mul3A_76 = arith.muli %scan3A_74, %mul3A_75 : i32
      %add3A_77 = arith.constant 0 : i32
      %add3A_78 = arith.addi %mul3A_76, %add3A_77 : i32
      %dma_wait3A_79 = arith.constant 0 : i32
      %dma_wait3A_80 = tpu.memref_slice %arg7[%add3A_78, %dma_wait3A_79] : memref<64x128xi32, #tpu.memory_space<vmem>> -> memref<1x128xi32, #tpu.memory_space<vmem>>
      %dma_wait3A_81 = tpu.memref_squeeze %dma_wait3A_80 : memref<1x128xi32, #tpu.memory_space<vmem>> -> memref<128xi32, #tpu.memory_space<vmem>>
      %dma_wait3A_82 = arith.constant 0 : i32
      %dma_wait3A_83 = arith.constant 0 : i32
      %dma_wait3A_84 = tpu.memref_slice %arg2[%dma_wait3A_82, %dma_wait3A_83] : memref<4096x128xf32, #tpu.memory_space<hbm>> -> memref<4096x128xf32, #tpu.memory_space<hbm>>
      tpu.wait_indirect_dma semaphore(%arg14 : memref<!tpu.dma_semaphore, #tpu.memory_space<semaphore_mem>>) src(%dma_wait3A_84 : memref<4096x128xf32, #tpu.memory_space<hbm>>) dst(%arg9 : memref<128x128xf32, #tpu.memory_space<vmem>>)
      %dma_start3A_85 = arith.constant 0 : i32
      %dma_start3A_86 = tpu.memref_slice %arg8[%add3A_78, %dma_start3A_85] : memref<64x128xi32, #tpu.memory_space<vmem>> -> memref<1x128xi32, #tpu.memory_space<vmem>>
      %dma_start3A_87 = tpu.memref_squeeze %dma_start3A_86 : memref<1x128xi32, #tpu.memory_space<vmem>> -> memref<128xi32, #tpu.memory_space<vmem>>
      %dma_start3A_88 = arith.constant 0 : i32
      %dma_start3A_89 = arith.constant 0 : i32
      %dma_start3A_90 = tpu.memref_slice %arg13[%dma_start3A_88, %dma_start3A_89] : memref<4096x128xf32, #tpu.memory_space<vmem_shared>> -> memref<4096x128xf32, #tpu.memory_space<vmem_shared>>
      tpu.enqueue_indirect_dma source(%arg9 : memref<128x128xf32, #tpu.memory_space<vmem>>) target(%dma_start3A_90 : memref<4096x128xf32, #tpu.memory_space<vmem_shared>>) offsets(%dma_start3A_87 : memref<128xi32, #tpu.memory_space<vmem>>) semaphore(%arg18 : memref<!tpu.dma_semaphore, #tpu.memory_space<semaphore_mem>>) {add = true}
      %add3A_91 = arith.constant 1 : i32
      %add3A_92 = arith.addi %scan3A_74, %add3A_91 : i32
      %lt3A = arith.constant 16 : i32
      %lt3A_93 = arith.cmpi slt, %add3A_92, %lt3A : i32
      %convert_element_type3A = arith.extui %lt3A_93 : i1 to i32
      %cond3A = arith.constant 0 : i32
      %cond3A_94 = arith.cmpi ne, %convert_element_type3A, %cond3A : i32
      scf.if %cond3A_94 {
        %dma_wait3A_164 = arith.constant 0 : i32
        %dma_wait3A_165 = tpu.memref_slice %arg8[%add3A_78, %dma_wait3A_164] : memref<64x128xi32, #tpu.memory_space<vmem>> -> memref<1x128xi32, #tpu.memory_space<vmem>>
        %dma_wait3A_166 = tpu.memref_squeeze %dma_wait3A_165 : memref<1x128xi32, #tpu.memory_space<vmem>> -> memref<128xi32, #tpu.memory_space<vmem>>
        %dma_wait3A_167 = arith.constant 0 : i32
        %dma_wait3A_168 = arith.constant 0 : i32
        %dma_wait3A_169 = tpu.memref_slice %arg13[%dma_wait3A_167, %dma_wait3A_168] : memref<4096x128xf32, #tpu.memory_space<vmem_shared>> -> memref<4096x128xf32, #tpu.memory_space<vmem_shared>>
        tpu.wait_indirect_dma semaphore(%arg18 : memref<!tpu.dma_semaphore, #tpu.memory_space<semaphore_mem>>) src(%arg9 : memref<128x128xf32, #tpu.memory_space<vmem>>) dst(%dma_wait3A_169 : memref<4096x128xf32, #tpu.memory_space<vmem_shared>>)
        %add3A_170 = arith.constant 4 : i32
        %add3A_171 = arith.addi %add3A_78, %add3A_170 : i32
        %dma_start3A_172 = arith.constant 0 : i32
        %dma_start3A_173 = tpu.memref_slice %arg7[%add3A_171, %dma_start3A_172] : memref<64x128xi32, #tpu.memory_space<vmem>> -> memref<1x128xi32, #tpu.memory_space<vmem>>
        %dma_start3A_174 = tpu.memref_squeeze %dma_start3A_173 : memref<1x128xi32, #tpu.memory_space<vmem>> -> memref<128xi32, #tpu.memory_space<vmem>>
        %dma_start3A_175 = arith.constant 0 : i32
        %dma_start3A_176 = arith.constant 0 : i32
        %dma_start3A_177 = tpu.memref_slice %arg2[%dma_start3A_175, %dma_start3A_176] : memref<4096x128xf32, #tpu.memory_space<hbm>> -> memref<4096x128xf32, #tpu.memory_space<hbm>>
        tpu.enqueue_indirect_dma source(%dma_start3A_177 : memref<4096x128xf32, #tpu.memory_space<hbm>>) target(%arg9 : memref<128x128xf32, #tpu.memory_space<vmem>>) offsets(%dma_start3A_174 : memref<128xi32, #tpu.memory_space<vmem>>) semaphore(%arg14 : memref<!tpu.dma_semaphore, #tpu.memory_space<semaphore_mem>>)
      } else {
      }
      %mul3A_95 = arith.constant 4 : i32
      %mul3A_96 = arith.muli %scan3A_74, %mul3A_95 : i32
      %add3A_97 = arith.constant 1 : i32
      %add3A_98 = arith.addi %mul3A_96, %add3A_97 : i32
      %dma_wait3A_99 = arith.constant 0 : i32
      %dma_wait3A_100 = tpu.memref_slice %arg7[%add3A_98, %dma_wait3A_99] : memref<64x128xi32, #tpu.memory_space<vmem>> -> memref<1x128xi32, #tpu.memory_space<vmem>>
      %dma_wait3A_101 = tpu.memref_squeeze %dma_wait3A_100 : memref<1x128xi32, #tpu.memory_space<vmem>> -> memref<128xi32, #tpu.memory_space<vmem>>
      %dma_wait3A_102 = arith.constant 0 : i32
      %dma_wait3A_103 = arith.constant 0 : i32
      %dma_wait3A_104 = tpu.memref_slice %arg2[%dma_wait3A_102, %dma_wait3A_103] : memref<4096x128xf32, #tpu.memory_space<hbm>> -> memref<4096x128xf32, #tpu.memory_space<hbm>>
      tpu.wait_indirect_dma semaphore(%arg15 : memref<!tpu.dma_semaphore, #tpu.memory_space<semaphore_mem>>) src(%dma_wait3A_104 : memref<4096x128xf32, #tpu.memory_space<hbm>>) dst(%arg10 : memref<128x128xf32, #tpu.memory_space<vmem>>)
      %dma_start3A_105 = arith.constant 0 : i32
      %dma_start3A_106 = tpu.memref_slice %arg8[%add3A_98, %dma_start3A_105] : memref<64x128xi32, #tpu.memory_space<vmem>> -> memref<1x128xi32, #tpu.memory_space<vmem>>
      %dma_start3A_107 = tpu.memref_squeeze %dma_start3A_106 : memref<1x128xi32, #tpu.memory_space<vmem>> -> memref<128xi32, #tpu.memory_space<vmem>>
      %dma_start3A_108 = arith.constant 0 : i32
      %dma_start3A_109 = arith.constant 0 : i32
      %dma_start3A_110 = tpu.memref_slice %arg13[%dma_start3A_108, %dma_start3A_109] : memref<4096x128xf32, #tpu.memory_space<vmem_shared>> -> memref<4096x128xf32, #tpu.memory_space<vmem_shared>>
      tpu.enqueue_indirect_dma source(%arg10 : memref<128x128xf32, #tpu.memory_space<vmem>>) target(%dma_start3A_110 : memref<4096x128xf32, #tpu.memory_space<vmem_shared>>) offsets(%dma_start3A_107 : memref<128xi32, #tpu.memory_space<vmem>>) semaphore(%arg19 : memref<!tpu.dma_semaphore, #tpu.memory_space<semaphore_mem>>) {add = true}
      %add3A_111 = arith.constant 1 : i32
      %add3A_112 = arith.addi %scan3A_74, %add3A_111 : i32
      %lt3A_113 = arith.constant 16 : i32
      %lt3A_114 = arith.cmpi slt, %add3A_112, %lt3A_113 : i32
      %convert_element_type3A_115 = arith.extui %lt3A_114 : i1 to i32
      %cond3A_116 = arith.constant 0 : i32
      %cond3A_117 = arith.cmpi ne, %convert_element_type3A_115, %cond3A_116 : i32
      scf.if %cond3A_117 {
        %dma_wait3A_164 = arith.constant 0 : i32
        %dma_wait3A_165 = tpu.memref_slice %arg8[%add3A_98, %dma_wait3A_164] : memref<64x128xi32, #tpu.memory_space<vmem>> -> memref<1x128xi32, #tpu.memory_space<vmem>>
        %dma_wait3A_166 = tpu.memref_squeeze %dma_wait3A_165 : memref<1x128xi32, #tpu.memory_space<vmem>> -> memref<128xi32, #tpu.memory_space<vmem>>
        %dma_wait3A_167 = arith.constant 0 : i32
        %dma_wait3A_168 = arith.constant 0 : i32
        %dma_wait3A_169 = tpu.memref_slice %arg13[%dma_wait3A_167, %dma_wait3A_168] : memref<4096x128xf32, #tpu.memory_space<vmem_shared>> -> memref<4096x128xf32, #tpu.memory_space<vmem_shared>>
        tpu.wait_indirect_dma semaphore(%arg19 : memref<!tpu.dma_semaphore, #tpu.memory_space<semaphore_mem>>) src(%arg10 : memref<128x128xf32, #tpu.memory_space<vmem>>) dst(%dma_wait3A_169 : memref<4096x128xf32, #tpu.memory_space<vmem_shared>>)
        %add3A_170 = arith.constant 4 : i32
        %add3A_171 = arith.addi %add3A_98, %add3A_170 : i32
        %dma_start3A_172 = arith.constant 0 : i32
        %dma_start3A_173 = tpu.memref_slice %arg7[%add3A_171, %dma_start3A_172] : memref<64x128xi32, #tpu.memory_space<vmem>> -> memref<1x128xi32, #tpu.memory_space<vmem>>
        %dma_start3A_174 = tpu.memref_squeeze %dma_start3A_173 : memref<1x128xi32, #tpu.memory_space<vmem>> -> memref<128xi32, #tpu.memory_space<vmem>>
        %dma_start3A_175 = arith.constant 0 : i32
        %dma_start3A_176 = arith.constant 0 : i32
        %dma_start3A_177 = tpu.memref_slice %arg2[%dma_start3A_175, %dma_start3A_176] : memref<4096x128xf32, #tpu.memory_space<hbm>> -> memref<4096x128xf32, #tpu.memory_space<hbm>>
        tpu.enqueue_indirect_dma source(%dma_start3A_177 : memref<4096x128xf32, #tpu.memory_space<hbm>>) target(%arg10 : memref<128x128xf32, #tpu.memory_space<vmem>>) offsets(%dma_start3A_174 : memref<128xi32, #tpu.memory_space<vmem>>) semaphore(%arg15 : memref<!tpu.dma_semaphore, #tpu.memory_space<semaphore_mem>>)
      } else {
      }
      %mul3A_118 = arith.constant 4 : i32
      %mul3A_119 = arith.muli %scan3A_74, %mul3A_118 : i32
      %add3A_120 = arith.constant 2 : i32
      %add3A_121 = arith.addi %mul3A_119, %add3A_120 : i32
      %dma_wait3A_122 = arith.constant 0 : i32
      %dma_wait3A_123 = tpu.memref_slice %arg7[%add3A_121, %dma_wait3A_122] : memref<64x128xi32, #tpu.memory_space<vmem>> -> memref<1x128xi32, #tpu.memory_space<vmem>>
      %dma_wait3A_124 = tpu.memref_squeeze %dma_wait3A_123 : memref<1x128xi32, #tpu.memory_space<vmem>> -> memref<128xi32, #tpu.memory_space<vmem>>
      %dma_wait3A_125 = arith.constant 0 : i32
      %dma_wait3A_126 = arith.constant 0 : i32
      %dma_wait3A_127 = tpu.memref_slice %arg2[%dma_wait3A_125, %dma_wait3A_126] : memref<4096x128xf32, #tpu.memory_space<hbm>> -> memref<4096x128xf32, #tpu.memory_space<hbm>>
      tpu.wait_indirect_dma semaphore(%arg16 : memref<!tpu.dma_semaphore, #tpu.memory_space<semaphore_mem>>) src(%dma_wait3A_127 : memref<4096x128xf32, #tpu.memory_space<hbm>>) dst(%arg11 : memref<128x128xf32, #tpu.memory_space<vmem>>)
      %dma_start3A_128 = arith.constant 0 : i32
      %dma_start3A_129 = tpu.memref_slice %arg8[%add3A_121, %dma_start3A_128] : memref<64x128xi32, #tpu.memory_space<vmem>> -> memref<1x128xi32, #tpu.memory_space<vmem>>
      %dma_start3A_130 = tpu.memref_squeeze %dma_start3A_129 : memref<1x128xi32, #tpu.memory_space<vmem>> -> memref<128xi32, #tpu.memory_space<vmem>>
      %dma_start3A_131 = arith.constant 0 : i32
      %dma_start3A_132 = arith.constant 0 : i32
      %dma_start3A_133 = tpu.memref_slice %arg13[%dma_start3A_131, %dma_start3A_132] : memref<4096x128xf32, #tpu.memory_space<vmem_shared>> -> memref<4096x128xf32, #tpu.memory_space<vmem_shared>>
      tpu.enqueue_indirect_dma source(%arg11 : memref<128x128xf32, #tpu.memory_space<vmem>>) target(%dma_start3A_133 : memref<4096x128xf32, #tpu.memory_space<vmem_shared>>) offsets(%dma_start3A_130 : memref<128xi32, #tpu.memory_space<vmem>>) semaphore(%arg20 : memref<!tpu.dma_semaphore, #tpu.memory_space<semaphore_mem>>) {add = true}
      %add3A_134 = arith.constant 1 : i32
      %add3A_135 = arith.addi %scan3A_74, %add3A_134 : i32
      %lt3A_136 = arith.constant 16 : i32
      %lt3A_137 = arith.cmpi slt, %add3A_135, %lt3A_136 : i32
      %convert_element_type3A_138 = arith.extui %lt3A_137 : i1 to i32
      %cond3A_139 = arith.constant 0 : i32
      %cond3A_140 = arith.cmpi ne, %convert_element_type3A_138, %cond3A_139 : i32
      scf.if %cond3A_140 {
        %dma_wait3A_164 = arith.constant 0 : i32
        %dma_wait3A_165 = tpu.memref_slice %arg8[%add3A_121, %dma_wait3A_164] : memref<64x128xi32, #tpu.memory_space<vmem>> -> memref<1x128xi32, #tpu.memory_space<vmem>>
        %dma_wait3A_166 = tpu.memref_squeeze %dma_wait3A_165 : memref<1x128xi32, #tpu.memory_space<vmem>> -> memref<128xi32, #tpu.memory_space<vmem>>
        %dma_wait3A_167 = arith.constant 0 : i32
        %dma_wait3A_168 = arith.constant 0 : i32
        %dma_wait3A_169 = tpu.memref_slice %arg13[%dma_wait3A_167, %dma_wait3A_168] : memref<4096x128xf32, #tpu.memory_space<vmem_shared>> -> memref<4096x128xf32, #tpu.memory_space<vmem_shared>>
        tpu.wait_indirect_dma semaphore(%arg20 : memref<!tpu.dma_semaphore, #tpu.memory_space<semaphore_mem>>) src(%arg11 : memref<128x128xf32, #tpu.memory_space<vmem>>) dst(%dma_wait3A_169 : memref<4096x128xf32, #tpu.memory_space<vmem_shared>>)
        %add3A_170 = arith.constant 4 : i32
        %add3A_171 = arith.addi %add3A_121, %add3A_170 : i32
        %dma_start3A_172 = arith.constant 0 : i32
        %dma_start3A_173 = tpu.memref_slice %arg7[%add3A_171, %dma_start3A_172] : memref<64x128xi32, #tpu.memory_space<vmem>> -> memref<1x128xi32, #tpu.memory_space<vmem>>
        %dma_start3A_174 = tpu.memref_squeeze %dma_start3A_173 : memref<1x128xi32, #tpu.memory_space<vmem>> -> memref<128xi32, #tpu.memory_space<vmem>>
        %dma_start3A_175 = arith.constant 0 : i32
        %dma_start3A_176 = arith.constant 0 : i32
        %dma_start3A_177 = tpu.memref_slice %arg2[%dma_start3A_175, %dma_start3A_176] : memref<4096x128xf32, #tpu.memory_space<hbm>> -> memref<4096x128xf32, #tpu.memory_space<hbm>>
        tpu.enqueue_indirect_dma source(%dma_start3A_177 : memref<4096x128xf32, #tpu.memory_space<hbm>>) target(%arg11 : memref<128x128xf32, #tpu.memory_space<vmem>>) offsets(%dma_start3A_174 : memref<128xi32, #tpu.memory_space<vmem>>) semaphore(%arg16 : memref<!tpu.dma_semaphore, #tpu.memory_space<semaphore_mem>>)
      } else {
      }
      %mul3A_141 = arith.constant 4 : i32
      %mul3A_142 = arith.muli %scan3A_74, %mul3A_141 : i32
      %add3A_143 = arith.constant 3 : i32
      %add3A_144 = arith.addi %mul3A_142, %add3A_143 : i32
      %dma_wait3A_145 = arith.constant 0 : i32
      %dma_wait3A_146 = tpu.memref_slice %arg7[%add3A_144, %dma_wait3A_145] : memref<64x128xi32, #tpu.memory_space<vmem>> -> memref<1x128xi32, #tpu.memory_space<vmem>>
      %dma_wait3A_147 = tpu.memref_squeeze %dma_wait3A_146 : memref<1x128xi32, #tpu.memory_space<vmem>> -> memref<128xi32, #tpu.memory_space<vmem>>
      %dma_wait3A_148 = arith.constant 0 : i32
      %dma_wait3A_149 = arith.constant 0 : i32
      %dma_wait3A_150 = tpu.memref_slice %arg2[%dma_wait3A_148, %dma_wait3A_149] : memref<4096x128xf32, #tpu.memory_space<hbm>> -> memref<4096x128xf32, #tpu.memory_space<hbm>>
      tpu.wait_indirect_dma semaphore(%arg17 : memref<!tpu.dma_semaphore, #tpu.memory_space<semaphore_mem>>) src(%dma_wait3A_150 : memref<4096x128xf32, #tpu.memory_space<hbm>>) dst(%arg12 : memref<128x128xf32, #tpu.memory_space<vmem>>)
      %dma_start3A_151 = arith.constant 0 : i32
      %dma_start3A_152 = tpu.memref_slice %arg8[%add3A_144, %dma_start3A_151] : memref<64x128xi32, #tpu.memory_space<vmem>> -> memref<1x128xi32, #tpu.memory_space<vmem>>
      %dma_start3A_153 = tpu.memref_squeeze %dma_start3A_152 : memref<1x128xi32, #tpu.memory_space<vmem>> -> memref<128xi32, #tpu.memory_space<vmem>>
      %dma_start3A_154 = arith.constant 0 : i32
      %dma_start3A_155 = arith.constant 0 : i32
      %dma_start3A_156 = tpu.memref_slice %arg13[%dma_start3A_154, %dma_start3A_155] : memref<4096x128xf32, #tpu.memory_space<vmem_shared>> -> memref<4096x128xf32, #tpu.memory_space<vmem_shared>>
      tpu.enqueue_indirect_dma source(%arg12 : memref<128x128xf32, #tpu.memory_space<vmem>>) target(%dma_start3A_156 : memref<4096x128xf32, #tpu.memory_space<vmem_shared>>) offsets(%dma_start3A_153 : memref<128xi32, #tpu.memory_space<vmem>>) semaphore(%arg21 : memref<!tpu.dma_semaphore, #tpu.memory_space<semaphore_mem>>) {add = true}
      %add3A_157 = arith.constant 1 : i32
      %add3A_158 = arith.addi %scan3A_74, %add3A_157 : i32
      %lt3A_159 = arith.constant 16 : i32
      %lt3A_160 = arith.cmpi slt, %add3A_158, %lt3A_159 : i32
      %convert_element_type3A_161 = arith.extui %lt3A_160 : i1 to i32
      %cond3A_162 = arith.constant 0 : i32
      %cond3A_163 = arith.cmpi ne, %convert_element_type3A_161, %cond3A_162 : i32
      scf.if %cond3A_163 {
        %dma_wait3A_164 = arith.constant 0 : i32
        %dma_wait3A_165 = tpu.memref_slice %arg8[%add3A_144, %dma_wait3A_164] : memref<64x128xi32, #tpu.memory_space<vmem>> -> memref<1x128xi32, #tpu.memory_space<vmem>>
        %dma_wait3A_166 = tpu.memref_squeeze %dma_wait3A_165 : memref<1x128xi32, #tpu.memory_space<vmem>> -> memref<128xi32, #tpu.memory_space<vmem>>
        %dma_wait3A_167 = arith.constant 0 : i32
        %dma_wait3A_168 = arith.constant 0 : i32
        %dma_wait3A_169 = tpu.memref_slice %arg13[%dma_wait3A_167, %dma_wait3A_168] : memref<4096x128xf32, #tpu.memory_space<vmem_shared>> -> memref<4096x128xf32, #tpu.memory_space<vmem_shared>>
        tpu.wait_indirect_dma semaphore(%arg21 : memref<!tpu.dma_semaphore, #tpu.memory_space<semaphore_mem>>) src(%arg12 : memref<128x128xf32, #tpu.memory_space<vmem>>) dst(%dma_wait3A_169 : memref<4096x128xf32, #tpu.memory_space<vmem_shared>>)
        %add3A_170 = arith.constant 4 : i32
        %add3A_171 = arith.addi %add3A_144, %add3A_170 : i32
        %dma_start3A_172 = arith.constant 0 : i32
        %dma_start3A_173 = tpu.memref_slice %arg7[%add3A_171, %dma_start3A_172] : memref<64x128xi32, #tpu.memory_space<vmem>> -> memref<1x128xi32, #tpu.memory_space<vmem>>
        %dma_start3A_174 = tpu.memref_squeeze %dma_start3A_173 : memref<1x128xi32, #tpu.memory_space<vmem>> -> memref<128xi32, #tpu.memory_space<vmem>>
        %dma_start3A_175 = arith.constant 0 : i32
        %dma_start3A_176 = arith.constant 0 : i32
        %dma_start3A_177 = tpu.memref_slice %arg2[%dma_start3A_175, %dma_start3A_176] : memref<4096x128xf32, #tpu.memory_space<hbm>> -> memref<4096x128xf32, #tpu.memory_space<hbm>>
        tpu.enqueue_indirect_dma source(%dma_start3A_177 : memref<4096x128xf32, #tpu.memory_space<hbm>>) target(%arg12 : memref<128x128xf32, #tpu.memory_space<vmem>>) offsets(%dma_start3A_174 : memref<128xi32, #tpu.memory_space<vmem>>) semaphore(%arg17 : memref<!tpu.dma_semaphore, #tpu.memory_space<semaphore_mem>>)
      } else {
      }
    }
    %scan3A_40 = arith.constant 16 : i32
    %dma_wait3A = arith.constant 60 : i32
    %dma_wait3A_41 = arith.constant 0 : i32
    %dma_wait3A_42 = tpu.memref_slice %arg8[%dma_wait3A, %dma_wait3A_41] : memref<64x128xi32, #tpu.memory_space<vmem>> -> memref<1x128xi32, #tpu.memory_space<vmem>>
    %dma_wait3A_43 = tpu.memref_squeeze %dma_wait3A_42 : memref<1x128xi32, #tpu.memory_space<vmem>> -> memref<128xi32, #tpu.memory_space<vmem>>
    %dma_wait3A_44 = arith.constant 0 : i32
    %dma_wait3A_45 = arith.constant 0 : i32
    %dma_wait3A_46 = tpu.memref_slice %arg13[%dma_wait3A_44, %dma_wait3A_45] : memref<4096x128xf32, #tpu.memory_space<vmem_shared>> -> memref<4096x128xf32, #tpu.memory_space<vmem_shared>>
    tpu.wait_indirect_dma semaphore(%arg18 : memref<!tpu.dma_semaphore, #tpu.memory_space<semaphore_mem>>) src(%arg9 : memref<128x128xf32, #tpu.memory_space<vmem>>) dst(%dma_wait3A_46 : memref<4096x128xf32, #tpu.memory_space<vmem_shared>>)
    %dma_wait3A_47 = arith.constant 61 : i32
    %dma_wait3A_48 = arith.constant 0 : i32
    %dma_wait3A_49 = tpu.memref_slice %arg8[%dma_wait3A_47, %dma_wait3A_48] : memref<64x128xi32, #tpu.memory_space<vmem>> -> memref<1x128xi32, #tpu.memory_space<vmem>>
    %dma_wait3A_50 = tpu.memref_squeeze %dma_wait3A_49 : memref<1x128xi32, #tpu.memory_space<vmem>> -> memref<128xi32, #tpu.memory_space<vmem>>
    %dma_wait3A_51 = arith.constant 0 : i32
    %dma_wait3A_52 = arith.constant 0 : i32
    %dma_wait3A_53 = tpu.memref_slice %arg13[%dma_wait3A_51, %dma_wait3A_52] : memref<4096x128xf32, #tpu.memory_space<vmem_shared>> -> memref<4096x128xf32, #tpu.memory_space<vmem_shared>>
    tpu.wait_indirect_dma semaphore(%arg19 : memref<!tpu.dma_semaphore, #tpu.memory_space<semaphore_mem>>) src(%arg10 : memref<128x128xf32, #tpu.memory_space<vmem>>) dst(%dma_wait3A_53 : memref<4096x128xf32, #tpu.memory_space<vmem_shared>>)
    %dma_wait3A_54 = arith.constant 62 : i32
    %dma_wait3A_55 = arith.constant 0 : i32
    %dma_wait3A_56 = tpu.memref_slice %arg8[%dma_wait3A_54, %dma_wait3A_55] : memref<64x128xi32, #tpu.memory_space<vmem>> -> memref<1x128xi32, #tpu.memory_space<vmem>>
    %dma_wait3A_57 = tpu.memref_squeeze %dma_wait3A_56 : memref<1x128xi32, #tpu.memory_space<vmem>> -> memref<128xi32, #tpu.memory_space<vmem>>
    %dma_wait3A_58 = arith.constant 0 : i32
    %dma_wait3A_59 = arith.constant 0 : i32
    %dma_wait3A_60 = tpu.memref_slice %arg13[%dma_wait3A_58, %dma_wait3A_59] : memref<4096x128xf32, #tpu.memory_space<vmem_shared>> -> memref<4096x128xf32, #tpu.memory_space<vmem_shared>>
    tpu.wait_indirect_dma semaphore(%arg20 : memref<!tpu.dma_semaphore, #tpu.memory_space<semaphore_mem>>) src(%arg11 : memref<128x128xf32, #tpu.memory_space<vmem>>) dst(%dma_wait3A_60 : memref<4096x128xf32, #tpu.memory_space<vmem_shared>>)
    %dma_wait3A_61 = arith.constant 63 : i32
    %dma_wait3A_62 = arith.constant 0 : i32
    %dma_wait3A_63 = tpu.memref_slice %arg8[%dma_wait3A_61, %dma_wait3A_62] : memref<64x128xi32, #tpu.memory_space<vmem>> -> memref<1x128xi32, #tpu.memory_space<vmem>>
    %dma_wait3A_64 = tpu.memref_squeeze %dma_wait3A_63 : memref<1x128xi32, #tpu.memory_space<vmem>> -> memref<128xi32, #tpu.memory_space<vmem>>
    %dma_wait3A_65 = arith.constant 0 : i32
    %dma_wait3A_66 = arith.constant 0 : i32
    %dma_wait3A_67 = tpu.memref_slice %arg13[%dma_wait3A_65, %dma_wait3A_66] : memref<4096x128xf32, #tpu.memory_space<vmem_shared>> -> memref<4096x128xf32, #tpu.memory_space<vmem_shared>>
    tpu.wait_indirect_dma semaphore(%arg21 : memref<!tpu.dma_semaphore, #tpu.memory_space<semaphore_mem>>) src(%arg12 : memref<128x128xf32, #tpu.memory_space<vmem>>) dst(%dma_wait3A_67 : memref<4096x128xf32, #tpu.memory_space<vmem_shared>>)
    %barrier3A_68 = arith.constant 0 : index
    tpu.barrier barrier_id(%barrier3A_68)
    %mul3A_69 = arith.constant 256 : i32
    %mul3A_70 = arith.muli %arg1, %mul3A_69 : i32
    %mul3A_71 = arith.constant 256 : i32
    %mul3A_72 = arith.muli %arg1, %mul3A_71 : i32
    %run_scoped3A = arith.constant 0 : i32
    "tpu.region"() ({
      %run_scoped3A_74 = tpu.sem_alloc : memref<!tpu.dma_semaphore, #tpu.memory_space<semaphore_mem>>
      %dma_start3A_75 = arith.constant 0 : i32
      %dma_start3A_76 = tpu.memref_slice %arg6[%run_scoped3A, %arg0, %mul3A_72, %dma_start3A_75] : memref<1x2x4096x128xf32, #tpu.memory_space<hbm>> -> memref<1x1x256x128xf32, #tpu.memory_space<hbm>>
      %dma_start3A_77 = tpu.memref_squeeze %dma_start3A_76 : memref<1x1x256x128xf32, #tpu.memory_space<hbm>> -> memref<256x128xf32, #tpu.memory_space<hbm>>
      %dma_start3A_78 = arith.constant 0 : i32
      %dma_start3A_79 = tpu.memref_slice %arg13[%mul3A_70, %dma_start3A_78] : memref<4096x128xf32, #tpu.memory_space<vmem_shared>> -> memref<256x128xf32, #tpu.memory_space<vmem_shared>>
      tpu.enqueue_dma source(%dma_start3A_79 : memref<256x128xf32, #tpu.memory_space<vmem_shared>>) target(%dma_start3A_77 : memref<256x128xf32, #tpu.memory_space<hbm>>) target_semaphore(%run_scoped3A_74 : memref<!tpu.dma_semaphore, #tpu.memory_space<semaphore_mem>>)
      %dma_wait3A_80 = arith.constant 0 : i32
      %dma_wait3A_81 = tpu.memref_slice %arg6[%run_scoped3A, %arg0, %mul3A_72, %dma_wait3A_80] : memref<1x2x4096x128xf32, #tpu.memory_space<hbm>> -> memref<1x1x256x128xf32, #tpu.memory_space<hbm>>
      %dma_wait3A_82 = tpu.memref_squeeze %dma_wait3A_81 : memref<1x1x256x128xf32, #tpu.memory_space<hbm>> -> memref<256x128xf32, #tpu.memory_space<hbm>>
      %dma_wait3A_83 = arith.constant 0 : i32
      %dma_wait3A_84 = tpu.memref_slice %arg13[%mul3A_70, %dma_wait3A_83] : memref<4096x128xf32, #tpu.memory_space<vmem_shared>> -> memref<256x128xf32, #tpu.memory_space<vmem_shared>>
      tpu.wait_dma2 semaphore(%run_scoped3A_74 : memref<!tpu.dma_semaphore, #tpu.memory_space<semaphore_mem>>) src(%dma_wait3A_84 : memref<256x128xf32, #tpu.memory_space<vmem_shared>>) dst(%dma_wait3A_82 : memref<256x128xf32, #tpu.memory_space<hbm>>)
      tpu.yield
    }) : () -> ()
    %barrier3A_73 = arith.constant 0 : index
    tpu.barrier barrier_id(%barrier3A_73)
    return
  }
}

module attributes {stable_mosaic.version = 14 : i64} {
  func.func @body(%arg0: memref<4096x128xf32, #tpu.memory_space<vmem>>, %arg1: memref<4096x128xf32, #tpu.memory_space<vmem>>, %arg2: memref<128x128xf32, #tpu.memory_space<vmem>>, %arg3: memref<1x128xf32, #tpu.memory_space<vmem>>, %arg4: memref<128x128xf32, #tpu.memory_space<vmem>>, %arg5: memref<1x128xf32, #tpu.memory_space<vmem>>, %arg6: memref<4096x256xf32, #tpu.memory_space<vmem>>) attributes {dimension_semantics = [], scalar_prefetch = 0 : i64, scratch_operands = 0 : i64, tpu.core_type = #tpu.core_type<tc>} {
    %get3A = arith.constant 0 : index
    %get3A_0 = arith.constant 0 : index
    %get3A_1 = vector.load %arg0[%get3A, %get3A_0] : memref<4096x128xf32, #tpu.memory_space<vmem>>, vector<4096x128xf32>
    %get3A_2 = arith.constant 0 : index
    %get3A_3 = arith.constant 0 : index
    %get3A_4 = vector.load %arg2[%get3A_2, %get3A_3] : memref<128x128xf32, #tpu.memory_space<vmem>>, vector<128x128xf32>
    %dot_general3A = arith.constant dense<0.000000e+00> : vector<4096x128xf32>
    %dot_general3A_5 = tpu.matmul %get3A_1, %get3A_4, %dot_general3A {dimension_numbers = #tpu.dot_dimension_numbers<[1], [0], [0], [1], [0, 0, 1, 1], [], []>, transpose_lhs_hint = false} : vector<4096x128xf32>, vector<128x128xf32>, vector<4096x128xf32> -> vector<4096x128xf32>
    %get3A_6 = arith.constant 0 : index
    %get3A_7 = arith.constant 0 : index
    %get3A_8 = vector.load %arg3[%get3A_6, %get3A_7] : memref<1x128xf32, #tpu.memory_space<vmem>>, vector<1x128xf32>
    %add3A = vector.broadcast %get3A_8 : vector<1x128xf32> to vector<4096x128xf32>
    %add3A_9 = arith.addf %dot_general3A_5, %add3A : vector<4096x128xf32>
    %max3A = arith.constant 0.000000e+00 : f32
    %max3A_10 = vector.broadcast %max3A : f32 to vector<4096x128xf32>
    %max3A_11 = arith.maximumf %add3A_9, %max3A_10 : vector<4096x128xf32>
    %swap3A = arith.constant 0 : index
    %swap3A_12 = arith.constant 0 : index
    %swap3A_13 = vector.load %arg6[%swap3A, %swap3A_12] : memref<4096x256xf32, #tpu.memory_space<vmem>>, vector<4096x128xf32>
    tpu.vector_store %arg6[%swap3A, %swap3A_12], %max3A_11 {strides = array<i32>} : memref<4096x256xf32, #tpu.memory_space<vmem>>, vector<4096x128xf32>,
    %get3A_14 = arith.constant 0 : index
    %get3A_15 = arith.constant 0 : index
    %get3A_16 = vector.load %arg1[%get3A_14, %get3A_15] : memref<4096x128xf32, #tpu.memory_space<vmem>>, vector<4096x128xf32>
    %get3A_17 = arith.constant 0 : index
    %get3A_18 = arith.constant 0 : index
    %get3A_19 = vector.load %arg4[%get3A_17, %get3A_18] : memref<128x128xf32, #tpu.memory_space<vmem>>, vector<128x128xf32>
    %dot_general3A_20 = arith.constant dense<0.000000e+00> : vector<4096x128xf32>
    %dot_general3A_21 = tpu.matmul %get3A_16, %get3A_19, %dot_general3A_20 {dimension_numbers = #tpu.dot_dimension_numbers<[1], [0], [0], [1], [0, 0, 1, 1], [], []>, transpose_lhs_hint = false} : vector<4096x128xf32>, vector<128x128xf32>, vector<4096x128xf32> -> vector<4096x128xf32>
    %get3A_22 = arith.constant 0 : index
    %get3A_23 = arith.constant 0 : index
    %get3A_24 = vector.load %arg5[%get3A_22, %get3A_23] : memref<1x128xf32, #tpu.memory_space<vmem>>, vector<1x128xf32>
    %add3A_25 = vector.broadcast %get3A_24 : vector<1x128xf32> to vector<4096x128xf32>
    %add3A_26 = arith.addf %dot_general3A_21, %add3A_25 : vector<4096x128xf32>
    %max3A_27 = arith.constant 0.000000e+00 : f32
    %max3A_28 = vector.broadcast %max3A_27 : f32 to vector<4096x128xf32>
    %max3A_29 = arith.maximumf %add3A_26, %max3A_28 : vector<4096x128xf32>
    %swap3A_30 = arith.constant 0 : index
    %swap3A_31 = arith.constant 128 : index
    %swap3A_32 = vector.load %arg6[%swap3A_30, %swap3A_31] : memref<4096x256xf32, #tpu.memory_space<vmem>>, vector<4096x128xf32>
    tpu.vector_store %arg6[%swap3A_30, %swap3A_31], %max3A_29 {strides = array<i32>} : memref<4096x256xf32, #tpu.memory_space<vmem>>, vector<4096x128xf32>,
    return
  }
}

module attributes {stable_mosaic.version = 14 : i64} {
  func.func @body(%arg0: memref<4096x256xf32, #tpu.memory_space<vmem>>, %arg1: memref<1x2x4096x256xf32, #tpu.memory_space<vmem>>, %arg2: memref<2x4096x128xf32, #tpu.memory_space<vmem>>, %arg3: memref<128x128xf32, #tpu.memory_space<vmem>>, %arg4: memref<1x128xf32, #tpu.memory_space<vmem>>, %arg5: memref<4096x256xf32, #tpu.memory_space<vmem>>, %arg6: memref<4096x256xf32, #tpu.memory_space<vmem>>) attributes {dimension_semantics = [], scalar_prefetch = 0 : i64, scratch_operands = 0 : i64, tpu.core_type = #tpu.core_type<tc>} {
    %get3A = arith.constant 0 : index
    %get3A_0 = arith.constant 0 : index
    %get3A_1 = arith.constant 0 : index
    %get3A_2 = vector.load %arg2[%get3A, %get3A_0, %get3A_1] : memref<2x4096x128xf32, #tpu.memory_space<vmem>>, vector<1x4096x1xf32>
    %get3A_3 = vector.shape_cast %get3A_2 : vector<1x4096x1xf32> to vector<4096x1xf32>
    %get3A_4 = arith.constant 1 : index
    %get3A_5 = arith.constant 0 : index
    %get3A_6 = arith.constant 0 : index
    %get3A_7 = vector.load %arg2[%get3A_4, %get3A_5, %get3A_6] : memref<2x4096x128xf32, #tpu.memory_space<vmem>>, vector<1x4096x1xf32>
    %get3A_8 = vector.shape_cast %get3A_7 : vector<1x4096x1xf32> to vector<4096x1xf32>
    %add3A = arith.addf %get3A_3, %get3A_8 : vector<4096x1xf32>
    %max3A = arith.constant 1.000000e+00 : f32
    %max3A_9 = vector.broadcast %max3A : f32 to vector<4096x1xf32>
    %max3A_10 = arith.maximumf %add3A, %max3A_9 : vector<4096x1xf32>
    %div3A = arith.constant 1.000000e+00 : f32
    %div3A_11 = vector.broadcast %div3A : f32 to vector<4096x1xf32>
    %div3A_12 = arith.divf %div3A_11, %max3A_10 : vector<4096x1xf32>
    %get3A_13 = arith.constant 0 : index
    %get3A_14 = arith.constant 0 : index
    %get3A_15 = vector.load %arg3[%get3A_13, %get3A_14] : memref<128x128xf32, #tpu.memory_space<vmem>>, vector<128x128xf32>
    %get3A_16 = arith.constant 0 : index
    %get3A_17 = arith.constant 0 : index
    %get3A_18 = vector.load %arg4[%get3A_16, %get3A_17] : memref<1x128xf32, #tpu.memory_space<vmem>>, vector<1x128xf32>
    %get3A_19 = arith.constant 0 : index
    %get3A_20 = arith.constant 0 : index
    %get3A_21 = arith.constant 0 : index
    %get3A_22 = arith.constant 0 : index
    %get3A_23 = vector.load %arg1[%get3A_19, %get3A_20, %get3A_21, %get3A_22] : memref<1x2x4096x256xf32, #tpu.memory_space<vmem>>, vector<1x1x4096x256xf32>
    %get3A_24 = vector.shape_cast %get3A_23 : vector<1x1x4096x256xf32> to vector<4096x256xf32>
    %get3A_25 = arith.constant 0 : index
    %get3A_26 = arith.constant 1 : index
    %get3A_27 = arith.constant 0 : index
    %get3A_28 = arith.constant 0 : index
    %get3A_29 = vector.load %arg1[%get3A_25, %get3A_26, %get3A_27, %get3A_28] : memref<1x2x4096x256xf32, #tpu.memory_space<vmem>>, vector<1x1x4096x256xf32>
    %get3A_30 = vector.shape_cast %get3A_29 : vector<1x1x4096x256xf32> to vector<4096x256xf32>
    %add3A_31 = arith.addf %get3A_24, %get3A_30 : vector<4096x256xf32>
    %mul3A = vector.broadcast %div3A_12 : vector<4096x1xf32> to vector<4096x256xf32>
    %mul3A_32 = arith.mulf %add3A_31, %mul3A : vector<4096x256xf32>
    %get3A_33 = arith.constant 0 : index
    %get3A_34 = arith.constant 0 : index
    %get3A_35 = vector.load %arg0[%get3A_33, %get3A_34] : memref<4096x256xf32, #tpu.memory_space<vmem>>, vector<4096x256xf32>
    %slice3A = vector.extract_strided_slice %mul3A_32 {offsets = [0, 0], sizes = [4096, 128], strides = [1, 1]} : vector<4096x256xf32> to vector<4096x128xf32>
    %dot_general3A = arith.constant dense<0.000000e+00> : vector<4096x128xf32>
    %dot_general3A_36 = tpu.matmul %slice3A, %get3A_15, %dot_general3A {dimension_numbers = #tpu.dot_dimension_numbers<[1], [0], [0], [1], [0, 0, 1, 1], [], []>, transpose_lhs_hint = false} : vector<4096x128xf32>, vector<128x128xf32>, vector<4096x128xf32> -> vector<4096x128xf32>
    %add3A_37 = vector.broadcast %get3A_18 : vector<1x128xf32> to vector<4096x128xf32>
    %add3A_38 = arith.addf %dot_general3A_36, %add3A_37 : vector<4096x128xf32>
    %max3A_39 = arith.constant 0.000000e+00 : f32
    %max3A_40 = vector.broadcast %max3A_39 : f32 to vector<4096x128xf32>
    %max3A_41 = arith.maximumf %add3A_38, %max3A_40 : vector<4096x128xf32>
    %swap3A = arith.constant 0 : index
    %swap3A_42 = arith.constant 0 : index
    %swap3A_43 = vector.load %arg5[%swap3A, %swap3A_42] : memref<4096x256xf32, #tpu.memory_space<vmem>>, vector<4096x128xf32>
    tpu.vector_store %arg5[%swap3A, %swap3A_42], %max3A_41 {strides = array<i32>} : memref<4096x256xf32, #tpu.memory_space<vmem>>, vector<4096x128xf32>,
    %slice3A_44 = vector.extract_strided_slice %mul3A_32 {offsets = [0, 128], sizes = [4096, 128], strides = [1, 1]} : vector<4096x256xf32> to vector<4096x128xf32>
    %dot_general3A_45 = arith.constant dense<0.000000e+00> : vector<4096x128xf32>
    %dot_general3A_46 = tpu.matmul %slice3A_44, %get3A_15, %dot_general3A_45 {dimension_numbers = #tpu.dot_dimension_numbers<[1], [0], [0], [1], [0, 0, 1, 1], [], []>, transpose_lhs_hint = false} : vector<4096x128xf32>, vector<128x128xf32>, vector<4096x128xf32> -> vector<4096x128xf32>
    %add3A_47 = vector.broadcast %get3A_18 : vector<1x128xf32> to vector<4096x128xf32>
    %add3A_48 = arith.addf %dot_general3A_46, %add3A_47 : vector<4096x128xf32>
    %max3A_49 = arith.constant 0.000000e+00 : f32
    %max3A_50 = vector.broadcast %max3A_49 : f32 to vector<4096x128xf32>
    %max3A_51 = arith.maximumf %add3A_48, %max3A_50 : vector<4096x128xf32>
    %swap3A_52 = arith.constant 0 : index
    %swap3A_53 = arith.constant 128 : index
    %swap3A_54 = vector.load %arg5[%swap3A_52, %swap3A_53] : memref<4096x256xf32, #tpu.memory_space<vmem>>, vector<4096x128xf32>
    tpu.vector_store %arg5[%swap3A_52, %swap3A_53], %max3A_51 {strides = array<i32>} : memref<4096x256xf32, #tpu.memory_space<vmem>>, vector<4096x128xf32>,
    %slice3A_55 = vector.extract_strided_slice %get3A_35 {offsets = [0, 0], sizes = [4096, 128], strides = [1, 1]} : vector<4096x256xf32> to vector<4096x128xf32>
    %slice3A_56 = vector.extract_strided_slice %mul3A_32 {offsets = [0, 0], sizes = [4096, 128], strides = [1, 1]} : vector<4096x256xf32> to vector<4096x128xf32>
    %sub3A = arith.subf %slice3A_55, %slice3A_56 : vector<4096x128xf32>
    %dot_general3A_57 = arith.constant dense<0.000000e+00> : vector<4096x128xf32>
    %dot_general3A_58 = tpu.matmul %sub3A, %get3A_15, %dot_general3A_57 {dimension_numbers = #tpu.dot_dimension_numbers<[1], [0], [0], [1], [0, 0, 1, 1], [], []>, transpose_lhs_hint = false} : vector<4096x128xf32>, vector<128x128xf32>, vector<4096x128xf32> -> vector<4096x128xf32>
    %add3A_59 = vector.broadcast %get3A_18 : vector<1x128xf32> to vector<4096x128xf32>
    %add3A_60 = arith.addf %dot_general3A_58, %add3A_59 : vector<4096x128xf32>
    %max3A_61 = arith.constant 0.000000e+00 : f32
    %max3A_62 = vector.broadcast %max3A_61 : f32 to vector<4096x128xf32>
    %max3A_63 = arith.maximumf %add3A_60, %max3A_62 : vector<4096x128xf32>
    %swap3A_64 = arith.constant 0 : index
    %swap3A_65 = arith.constant 0 : index
    %swap3A_66 = vector.load %arg6[%swap3A_64, %swap3A_65] : memref<4096x256xf32, #tpu.memory_space<vmem>>, vector<4096x128xf32>
    tpu.vector_store %arg6[%swap3A_64, %swap3A_65], %max3A_63 {strides = array<i32>} : memref<4096x256xf32, #tpu.memory_space<vmem>>, vector<4096x128xf32>,
    %slice3A_67 = vector.extract_strided_slice %get3A_35 {offsets = [0, 128], sizes = [4096, 128], strides = [1, 1]} : vector<4096x256xf32> to vector<4096x128xf32>
    %slice3A_68 = vector.extract_strided_slice %mul3A_32 {offsets = [0, 128], sizes = [4096, 128], strides = [1, 1]} : vector<4096x256xf32> to vector<4096x128xf32>
    %sub3A_69 = arith.subf %slice3A_67, %slice3A_68 : vector<4096x128xf32>
    %dot_general3A_70 = arith.constant dense<0.000000e+00> : vector<4096x128xf32>
    %dot_general3A_71 = tpu.matmul %sub3A_69, %get3A_15, %dot_general3A_70 {dimension_numbers = #tpu.dot_dimension_numbers<[1], [0], [0], [1], [0, 0, 1, 1], [], []>, transpose_lhs_hint = false} : vector<4096x128xf32>, vector<128x128xf32>, vector<4096x128xf32> -> vector<4096x128xf32>
    %add3A_72 = vector.broadcast %get3A_18 : vector<1x128xf32> to vector<4096x128xf32>
    %add3A_73 = arith.addf %dot_general3A_71, %add3A_72 : vector<4096x128xf32>
    %max3A_74 = arith.constant 0.000000e+00 : f32
    %max3A_75 = vector.broadcast %max3A_74 : f32 to vector<4096x128xf32>
    %max3A_76 = arith.maximumf %add3A_73, %max3A_75 : vector<4096x128xf32>
    %swap3A_77 = arith.constant 0 : index
    %swap3A_78 = arith.constant 128 : index
    %swap3A_79 = vector.load %arg6[%swap3A_77, %swap3A_78] : memref<4096x256xf32, #tpu.memory_space<vmem>>, vector<4096x128xf32>
    tpu.vector_store %arg6[%swap3A_77, %swap3A_78], %max3A_76 {strides = array<i32>} : memref<4096x256xf32, #tpu.memory_space<vmem>>, vector<4096x128xf32>,
    return
  }
}

module attributes {stable_mosaic.version = 14 : i64} {
  func.func @body(%arg0: memref<2x2x4096x256xf32, #tpu.memory_space<vmem>>, %arg1: memref<4096x256xf32, #tpu.memory_space<vmem>>, %arg2: memref<2x4096x128xf32, #tpu.memory_space<vmem>>, %arg3: memref<128x128xf32, #tpu.memory_space<vmem>>, %arg4: memref<1x128xf32, #tpu.memory_space<vmem>>, %arg5: memref<128x128xf32, #tpu.memory_space<vmem>>, %arg6: memref<1x128xf32, #tpu.memory_space<vmem>>, %arg7: memref<1x128xf32, #tpu.memory_space<vmem>>, %arg8: memref<4x4096x128xf32, #tpu.memory_space<vmem>>, %arg9: memref<4096x128xf32, #tpu.memory_space<vmem>>) attributes {dimension_semantics = [], scalar_prefetch = 0 : i64, scratch_operands = 0 : i64, tpu.core_type = #tpu.core_type<tc>} {
    %get3A = arith.constant 0 : index
    %get3A_0 = arith.constant 0 : index
    %get3A_1 = arith.constant 0 : index
    %get3A_2 = vector.load %arg2[%get3A, %get3A_0, %get3A_1] : memref<2x4096x128xf32, #tpu.memory_space<vmem>>, vector<1x4096x1xf32>
    %get3A_3 = vector.shape_cast %get3A_2 : vector<1x4096x1xf32> to vector<4096x1xf32>
    %get3A_4 = arith.constant 1 : index
    %get3A_5 = arith.constant 0 : index
    %get3A_6 = arith.constant 0 : index
    %get3A_7 = vector.load %arg2[%get3A_4, %get3A_5, %get3A_6] : memref<2x4096x128xf32, #tpu.memory_space<vmem>>, vector<1x4096x1xf32>
    %get3A_8 = vector.shape_cast %get3A_7 : vector<1x4096x1xf32> to vector<4096x1xf32>
    %add3A = arith.addf %get3A_3, %get3A_8 : vector<4096x1xf32>
    %max3A = arith.constant 1.000000e+00 : f32
    %max3A_9 = vector.broadcast %max3A : f32 to vector<4096x1xf32>
    %max3A_10 = arith.maximumf %add3A, %max3A_9 : vector<4096x1xf32>
    %div3A = arith.constant 1.000000e+00 : f32
    %div3A_11 = vector.broadcast %div3A : f32 to vector<4096x1xf32>
    %div3A_12 = arith.divf %div3A_11, %max3A_10 : vector<4096x1xf32>
    %get3A_13 = arith.constant 0 : index
    %get3A_14 = arith.constant 0 : index
    %get3A_15 = vector.load %arg3[%get3A_13, %get3A_14] : memref<128x128xf32, #tpu.memory_space<vmem>>, vector<128x128xf32>
    %get3A_16 = arith.constant 0 : index
    %get3A_17 = arith.constant 0 : index
    %get3A_18 = vector.load %arg4[%get3A_16, %get3A_17] : memref<1x128xf32, #tpu.memory_space<vmem>>, vector<1x128xf32>
    %get3A_19 = arith.constant 0 : index
    %get3A_20 = arith.constant 0 : index
    %get3A_21 = arith.constant 0 : index
    %get3A_22 = arith.constant 0 : index
    %get3A_23 = vector.load %arg0[%get3A_19, %get3A_20, %get3A_21, %get3A_22] : memref<2x2x4096x256xf32, #tpu.memory_space<vmem>>, vector<1x1x4096x256xf32>
    %get3A_24 = vector.shape_cast %get3A_23 : vector<1x1x4096x256xf32> to vector<4096x256xf32>
    %get3A_25 = arith.constant 0 : index
    %get3A_26 = arith.constant 1 : index
    %get3A_27 = arith.constant 0 : index
    %get3A_28 = arith.constant 0 : index
    %get3A_29 = vector.load %arg0[%get3A_25, %get3A_26, %get3A_27, %get3A_28] : memref<2x2x4096x256xf32, #tpu.memory_space<vmem>>, vector<1x1x4096x256xf32>
    %get3A_30 = vector.shape_cast %get3A_29 : vector<1x1x4096x256xf32> to vector<4096x256xf32>
    %add3A_31 = arith.addf %get3A_24, %get3A_30 : vector<4096x256xf32>
    %mul3A = vector.broadcast %div3A_12 : vector<4096x1xf32> to vector<4096x256xf32>
    %mul3A_32 = arith.mulf %add3A_31, %mul3A : vector<4096x256xf32>
    %get3A_33 = arith.constant 1 : index
    %get3A_34 = arith.constant 0 : index
    %get3A_35 = arith.constant 0 : index
    %get3A_36 = arith.constant 0 : index
    %get3A_37 = vector.load %arg0[%get3A_33, %get3A_34, %get3A_35, %get3A_36] : memref<2x2x4096x256xf32, #tpu.memory_space<vmem>>, vector<1x1x4096x256xf32>
    %get3A_38 = vector.shape_cast %get3A_37 : vector<1x1x4096x256xf32> to vector<4096x256xf32>
    %get3A_39 = arith.constant 1 : index
    %get3A_40 = arith.constant 1 : index
    %get3A_41 = arith.constant 0 : index
    %get3A_42 = arith.constant 0 : index
    %get3A_43 = vector.load %arg0[%get3A_39, %get3A_40, %get3A_41, %get3A_42] : memref<2x2x4096x256xf32, #tpu.memory_space<vmem>>, vector<1x1x4096x256xf32>
    %get3A_44 = vector.shape_cast %get3A_43 : vector<1x1x4096x256xf32> to vector<4096x256xf32>
    %add3A_45 = arith.addf %get3A_38, %get3A_44 : vector<4096x256xf32>
    %mul3A_46 = vector.broadcast %div3A_12 : vector<4096x1xf32> to vector<4096x256xf32>
    %mul3A_47 = arith.mulf %add3A_45, %mul3A_46 : vector<4096x256xf32>
    %get3A_48 = arith.constant 0 : index
    %get3A_49 = arith.constant 0 : index
    %get3A_50 = vector.load %arg1[%get3A_48, %get3A_49] : memref<4096x256xf32, #tpu.memory_space<vmem>>, vector<4096x256xf32>
    %slice3A = vector.extract_strided_slice %mul3A_32 {offsets = [0, 0], sizes = [4096, 128], strides = [1, 1]} : vector<4096x256xf32> to vector<4096x128xf32>
    %slice3A_51 = vector.extract_strided_slice %mul3A_32 {offsets = [0, 128], sizes = [4096, 128], strides = [1, 1]} : vector<4096x256xf32> to vector<4096x128xf32>
    %slice3A_52 = vector.extract_strided_slice %get3A_50 {offsets = [0, 0], sizes = [4096, 128], strides = [1, 1]} : vector<4096x256xf32> to vector<4096x128xf32>
    %slice3A_53 = vector.extract_strided_slice %mul3A_47 {offsets = [0, 0], sizes = [4096, 128], strides = [1, 1]} : vector<4096x256xf32> to vector<4096x128xf32>
    %sub3A = arith.subf %slice3A_52, %slice3A_53 : vector<4096x128xf32>
    %slice3A_54 = vector.extract_strided_slice %get3A_50 {offsets = [0, 128], sizes = [4096, 128], strides = [1, 1]} : vector<4096x256xf32> to vector<4096x128xf32>
    %slice3A_55 = vector.extract_strided_slice %mul3A_47 {offsets = [0, 128], sizes = [4096, 128], strides = [1, 1]} : vector<4096x256xf32> to vector<4096x128xf32>
    %sub3A_56 = arith.subf %slice3A_54, %slice3A_55 : vector<4096x128xf32>
    %dot_general3A = arith.constant dense<0.000000e+00> : vector<4096x128xf32>
    %dot_general3A_57 = tpu.matmul %slice3A, %get3A_15, %dot_general3A {dimension_numbers = #tpu.dot_dimension_numbers<[1], [0], [0], [1], [0, 0, 1, 1], [], []>, transpose_lhs_hint = false} : vector<4096x128xf32>, vector<128x128xf32>, vector<4096x128xf32> -> vector<4096x128xf32>
    %add3A_58 = vector.broadcast %get3A_18 : vector<1x128xf32> to vector<4096x128xf32>
    %add3A_59 = arith.addf %dot_general3A_57, %add3A_58 : vector<4096x128xf32>
    %max3A_60 = arith.constant 0.000000e+00 : f32
    %max3A_61 = vector.broadcast %max3A_60 : f32 to vector<4096x128xf32>
    %max3A_62 = arith.maximumf %add3A_59, %max3A_61 : vector<4096x128xf32>
    %swap3A = arith.constant 0 : index
    %swap3A_63 = arith.constant 0 : index
    %swap3A_64 = arith.constant 0 : index
    %swap3A_65 = vector.load %arg8[%swap3A, %swap3A_63, %swap3A_64] : memref<4x4096x128xf32, #tpu.memory_space<vmem>>, vector<1x4096x128xf32>
    %swap3A_66 = vector.shape_cast %swap3A_65 : vector<1x4096x128xf32> to vector<4096x128xf32>
    %swap3A_67 = vector.shape_cast %max3A_62 : vector<4096x128xf32> to vector<1x4096x128xf32>
    tpu.vector_store %arg8[%swap3A, %swap3A_63, %swap3A_64], %swap3A_67 {strides = array<i32>} : memref<4x4096x128xf32, #tpu.memory_space<vmem>>, vector<1x4096x128xf32>,
    %dot_general3A_68 = arith.constant dense<0.000000e+00> : vector<4096x128xf32>
    %dot_general3A_69 = tpu.matmul %slice3A_51, %get3A_15, %dot_general3A_68 {dimension_numbers = #tpu.dot_dimension_numbers<[1], [0], [0], [1], [0, 0, 1, 1], [], []>, transpose_lhs_hint = false} : vector<4096x128xf32>, vector<128x128xf32>, vector<4096x128xf32> -> vector<4096x128xf32>
    %add3A_70 = vector.broadcast %get3A_18 : vector<1x128xf32> to vector<4096x128xf32>
    %add3A_71 = arith.addf %dot_general3A_69, %add3A_70 : vector<4096x128xf32>
    %max3A_72 = arith.constant 0.000000e+00 : f32
    %max3A_73 = vector.broadcast %max3A_72 : f32 to vector<4096x128xf32>
    %max3A_74 = arith.maximumf %add3A_71, %max3A_73 : vector<4096x128xf32>
    %swap3A_75 = arith.constant 1 : index
    %swap3A_76 = arith.constant 0 : index
    %swap3A_77 = arith.constant 0 : index
    %swap3A_78 = vector.load %arg8[%swap3A_75, %swap3A_76, %swap3A_77] : memref<4x4096x128xf32, #tpu.memory_space<vmem>>, vector<1x4096x128xf32>
    %swap3A_79 = vector.shape_cast %swap3A_78 : vector<1x4096x128xf32> to vector<4096x128xf32>
    %swap3A_80 = vector.shape_cast %max3A_74 : vector<4096x128xf32> to vector<1x4096x128xf32>
    tpu.vector_store %arg8[%swap3A_75, %swap3A_76, %swap3A_77], %swap3A_80 {strides = array<i32>} : memref<4x4096x128xf32, #tpu.memory_space<vmem>>, vector<1x4096x128xf32>,
    %dot_general3A_81 = arith.constant dense<0.000000e+00> : vector<4096x128xf32>
    %dot_general3A_82 = tpu.matmul %sub3A, %get3A_15, %dot_general3A_81 {dimension_numbers = #tpu.dot_dimension_numbers<[1], [0], [0], [1], [0, 0, 1, 1], [], []>, transpose_lhs_hint = false} : vector<4096x128xf32>, vector<128x128xf32>, vector<4096x128xf32> -> vector<4096x128xf32>
    %add3A_83 = vector.broadcast %get3A_18 : vector<1x128xf32> to vector<4096x128xf32>
    %add3A_84 = arith.addf %dot_general3A_82, %add3A_83 : vector<4096x128xf32>
    %max3A_85 = arith.constant 0.000000e+00 : f32
    %max3A_86 = vector.broadcast %max3A_85 : f32 to vector<4096x128xf32>
    %max3A_87 = arith.maximumf %add3A_84, %max3A_86 : vector<4096x128xf32>
    %swap3A_88 = arith.constant 2 : index
    %swap3A_89 = arith.constant 0 : index
    %swap3A_90 = arith.constant 0 : index
    %swap3A_91 = vector.load %arg8[%swap3A_88, %swap3A_89, %swap3A_90] : memref<4x4096x128xf32, #tpu.memory_space<vmem>>, vector<1x4096x128xf32>
    %swap3A_92 = vector.shape_cast %swap3A_91 : vector<1x4096x128xf32> to vector<4096x128xf32>
    %swap3A_93 = vector.shape_cast %max3A_87 : vector<4096x128xf32> to vector<1x4096x128xf32>
    tpu.vector_store %arg8[%swap3A_88, %swap3A_89, %swap3A_90], %swap3A_93 {strides = array<i32>} : memref<4x4096x128xf32, #tpu.memory_space<vmem>>, vector<1x4096x128xf32>,
    %dot_general3A_94 = arith.constant dense<0.000000e+00> : vector<4096x128xf32>
    %dot_general3A_95 = tpu.matmul %sub3A_56, %get3A_15, %dot_general3A_94 {dimension_numbers = #tpu.dot_dimension_numbers<[1], [0], [0], [1], [0, 0, 1, 1], [], []>, transpose_lhs_hint = false} : vector<4096x128xf32>, vector<128x128xf32>, vector<4096x128xf32> -> vector<4096x128xf32>
    %add3A_96 = vector.broadcast %get3A_18 : vector<1x128xf32> to vector<4096x128xf32>
    %add3A_97 = arith.addf %dot_general3A_95, %add3A_96 : vector<4096x128xf32>
    %max3A_98 = arith.constant 0.000000e+00 : f32
    %max3A_99 = vector.broadcast %max3A_98 : f32 to vector<4096x128xf32>
    %max3A_100 = arith.maximumf %add3A_97, %max3A_99 : vector<4096x128xf32>
    %swap3A_101 = arith.constant 3 : index
    %swap3A_102 = arith.constant 0 : index
    %swap3A_103 = arith.constant 0 : index
    %swap3A_104 = vector.load %arg8[%swap3A_101, %swap3A_102, %swap3A_103] : memref<4x4096x128xf32, #tpu.memory_space<vmem>>, vector<1x4096x128xf32>
    %swap3A_105 = vector.shape_cast %swap3A_104 : vector<1x4096x128xf32> to vector<4096x128xf32>
    %swap3A_106 = vector.shape_cast %max3A_100 : vector<4096x128xf32> to vector<1x4096x128xf32>
    tpu.vector_store %arg8[%swap3A_101, %swap3A_102, %swap3A_103], %swap3A_106 {strides = array<i32>} : memref<4x4096x128xf32, #tpu.memory_space<vmem>>, vector<1x4096x128xf32>,
    %add3A_107 = arith.addf %max3A_62, %max3A_74 : vector<4096x128xf32>
    %mul3A_108 = arith.constant 5.000000e-01 : f32
    %mul3A_109 = vector.broadcast %mul3A_108 : f32 to vector<4096x128xf32>
    %mul3A_110 = arith.mulf %add3A_107, %mul3A_109 : vector<4096x128xf32>
    %add3A_111 = arith.addf %max3A_87, %max3A_100 : vector<4096x128xf32>
    %mul3A_112 = arith.constant 5.000000e-01 : f32
    %mul3A_113 = vector.broadcast %mul3A_112 : f32 to vector<4096x128xf32>
    %mul3A_114 = arith.mulf %add3A_111, %mul3A_113 : vector<4096x128xf32>
    %get3A_115 = arith.constant 0 : index
    %get3A_116 = arith.constant 0 : index
    %get3A_117 = vector.load %arg7[%get3A_115, %get3A_116] : memref<1x128xf32, #tpu.memory_space<vmem>>, vector<1x128xf32>
    %get3A_118 = arith.constant 0 : index
    %get3A_119 = arith.constant 0 : index
    %get3A_120 = vector.load %arg5[%get3A_118, %get3A_119] : memref<128x128xf32, #tpu.memory_space<vmem>>, vector<128x128xf32>
    %dot_general3A_121 = arith.constant dense<0.000000e+00> : vector<4096x128xf32>
    %dot_general3A_122 = tpu.matmul %mul3A_110, %get3A_120, %dot_general3A_121 {dimension_numbers = #tpu.dot_dimension_numbers<[1], [0], [0], [1], [0, 0, 1, 1], [], []>, transpose_lhs_hint = false} : vector<4096x128xf32>, vector<128x128xf32>, vector<4096x128xf32> -> vector<4096x128xf32>
    %get3A_123 = arith.constant 0 : index
    %get3A_124 = arith.constant 0 : index
    %get3A_125 = vector.load %arg6[%get3A_123, %get3A_124] : memref<1x128xf32, #tpu.memory_space<vmem>>, vector<1x128xf32>
    %add3A_126 = vector.broadcast %get3A_125 : vector<1x128xf32> to vector<4096x128xf32>
    %add3A_127 = arith.addf %dot_general3A_122, %add3A_126 : vector<4096x128xf32>
    %tanh3A = math.tanh %add3A_127 : vector<4096x128xf32>
    %get3A_128 = arith.constant 0 : index
    %get3A_129 = arith.constant 0 : index
    %get3A_130 = vector.load %arg5[%get3A_128, %get3A_129] : memref<128x128xf32, #tpu.memory_space<vmem>>, vector<128x128xf32>
    %dot_general3A_131 = arith.constant dense<0.000000e+00> : vector<4096x128xf32>
    %dot_general3A_132 = tpu.matmul %mul3A_114, %get3A_130, %dot_general3A_131 {dimension_numbers = #tpu.dot_dimension_numbers<[1], [0], [0], [1], [0, 0, 1, 1], [], []>, transpose_lhs_hint = false} : vector<4096x128xf32>, vector<128x128xf32>, vector<4096x128xf32> -> vector<4096x128xf32>
    %get3A_133 = arith.constant 0 : index
    %get3A_134 = arith.constant 0 : index
    %get3A_135 = vector.load %arg6[%get3A_133, %get3A_134] : memref<1x128xf32, #tpu.memory_space<vmem>>, vector<1x128xf32>
    %add3A_136 = vector.broadcast %get3A_135 : vector<1x128xf32> to vector<4096x128xf32>
    %add3A_137 = arith.addf %dot_general3A_132, %add3A_136 : vector<4096x128xf32>
    %tanh3A_138 = math.tanh %add3A_137 : vector<4096x128xf32>
    %mul3A_139 = vector.broadcast %get3A_117 : vector<1x128xf32> to vector<4096x128xf32>
    %mul3A_140 = arith.mulf %tanh3A, %mul3A_139 : vector<4096x128xf32>
    %reduce_sum3A = arith.constant dense<0.000000e+00> : vector<4096xf32>
    %reduce_sum3A_141 = vector.multi_reduction <add>, %mul3A_140, %reduce_sum3A [1] : vector<4096x128xf32> to vector<4096xf32>
    %reduce_sum3A_142 = vector.shape_cast %reduce_sum3A_141 : vector<4096xf32> to vector<1x4096xf32>
    %reduce_sum3A_143 = arith.constant dense<0.000000e+00> : vector<1xf32>
    %reduce_sum3A_144 = vector.multi_reduction <add>, %reduce_sum3A_142, %reduce_sum3A_143 [1] : vector<1x4096xf32> to vector<1xf32>
    %reduce_sum3A_145 = vector.shape_cast %reduce_sum3A_144 : vector<1xf32> to vector<1x1xf32>
    %reduce_sum3A_146 = vector.extract %reduce_sum3A_145[0, 0] : f32 from vector<1x1xf32>
    %div3A_147 = arith.constant 4.096000e+03 : f32
    %div3A_148 = arith.divf %reduce_sum3A_146, %div3A_147 : f32
    %mul3A_149 = vector.broadcast %get3A_117 : vector<1x128xf32> to vector<4096x128xf32>
    %mul3A_150 = arith.mulf %tanh3A_138, %mul3A_149 : vector<4096x128xf32>
    %reduce_sum3A_151 = arith.constant dense<0.000000e+00> : vector<4096xf32>
    %reduce_sum3A_152 = vector.multi_reduction <add>, %mul3A_150, %reduce_sum3A_151 [1] : vector<4096x128xf32> to vector<4096xf32>
    %reduce_sum3A_153 = vector.shape_cast %reduce_sum3A_152 : vector<4096xf32> to vector<1x4096xf32>
    %reduce_sum3A_154 = arith.constant dense<0.000000e+00> : vector<1xf32>
    %reduce_sum3A_155 = vector.multi_reduction <add>, %reduce_sum3A_153, %reduce_sum3A_154 [1] : vector<1x4096xf32> to vector<1xf32>
    %reduce_sum3A_156 = vector.shape_cast %reduce_sum3A_155 : vector<1xf32> to vector<1x1xf32>
    %reduce_sum3A_157 = vector.extract %reduce_sum3A_156[0, 0] : f32 from vector<1x1xf32>
    %div3A_158 = arith.constant 4.096000e+03 : f32
    %div3A_159 = arith.divf %reduce_sum3A_157, %div3A_158 : f32
    %max3A_160 = arith.maximumf %div3A_148, %div3A_159 : f32
    %sub3A_161 = arith.subf %div3A_148, %max3A_160 : f32
    %exp3A = math.exp %sub3A_161 : f32
    %sub3A_162 = arith.subf %div3A_159, %max3A_160 : f32
    %exp3A_163 = math.exp %sub3A_162 : f32
    %add3A_164 = arith.addf %exp3A, %exp3A_163 : f32
    %div3A_165 = arith.divf %exp3A, %add3A_164 : f32
    %add3A_166 = arith.addf %exp3A, %exp3A_163 : f32
    %div3A_167 = arith.divf %exp3A_163, %add3A_166 : f32
    %mul3A_168 = vector.broadcast %div3A_165 : f32 to vector<4096x128xf32>
    %mul3A_169 = arith.mulf %mul3A_168, %mul3A_110 : vector<4096x128xf32>
    %mul3A_170 = vector.broadcast %div3A_167 : f32 to vector<4096x128xf32>
    %mul3A_171 = arith.mulf %mul3A_170, %mul3A_114 : vector<4096x128xf32>
    %add3A_172 = arith.addf %mul3A_169, %mul3A_171 : vector<4096x128xf32>
    %swap3A_173 = arith.constant 0 : index
    %swap3A_174 = arith.constant 0 : index
    %swap3A_175 = vector.load %arg9[%swap3A_173, %swap3A_174] : memref<4096x128xf32, #tpu.memory_space<vmem>>, vector<4096x128xf32>
    tpu.vector_store %arg9[%swap3A_173, %swap3A_174], %add3A_172 {strides = array<i32>} : memref<4096x128xf32, #tpu.memory_space<vmem>>, vector<4096x128xf32>,
    return
  }
}

module attributes {stable_mosaic.version = 14 : i64} {
  func.func @body(%arg0: memref<4x4096x128xf32, #tpu.memory_space<vmem>>, %arg1: memref<4096x128xf32, #tpu.memory_space<vmem>>, %arg2: memref<128x128xf32, #tpu.memory_space<vmem>>, %arg3: memref<1x128xf32, #tpu.memory_space<vmem>>, %arg4: memref<128x128xf32, #tpu.memory_space<vmem>>, %arg5: memref<1x128xf32, #tpu.memory_space<vmem>>, %arg6: memref<128x128xf32, #tpu.memory_space<vmem>>, %arg7: memref<1x128xf32, #tpu.memory_space<vmem>>, %arg8: memref<128x128xf32, #tpu.memory_space<vmem>>, %arg9: memref<1x128xf32, #tpu.memory_space<vmem>>, %arg10: memref<6x4096x128xf32, #tpu.memory_space<vmem>>) attributes {dimension_semantics = [], scalar_prefetch = 0 : i64, scratch_operands = 0 : i64, tpu.core_type = #tpu.core_type<tc>} {
    %get3A = arith.constant 0 : index
    %get3A_0 = arith.constant 0 : index
    %get3A_1 = vector.load %arg2[%get3A, %get3A_0] : memref<128x128xf32, #tpu.memory_space<vmem>>, vector<128x128xf32>
    %get3A_2 = arith.constant 0 : index
    %get3A_3 = arith.constant 0 : index
    %get3A_4 = vector.load %arg3[%get3A_2, %get3A_3] : memref<1x128xf32, #tpu.memory_space<vmem>>, vector<1x128xf32>
    %get3A_5 = arith.constant 0 : index
    %get3A_6 = arith.constant 0 : index
    %get3A_7 = vector.load %arg4[%get3A_5, %get3A_6] : memref<128x128xf32, #tpu.memory_space<vmem>>, vector<128x128xf32>
    %get3A_8 = arith.constant 0 : index
    %get3A_9 = arith.constant 0 : index
    %get3A_10 = vector.load %arg5[%get3A_8, %get3A_9] : memref<1x128xf32, #tpu.memory_space<vmem>>, vector<1x128xf32>
    %get3A_11 = arith.constant 0 : index
    %get3A_12 = arith.constant 0 : index
    %get3A_13 = vector.load %arg6[%get3A_11, %get3A_12] : memref<128x128xf32, #tpu.memory_space<vmem>>, vector<128x128xf32>
    %get3A_14 = arith.constant 0 : index
    %get3A_15 = arith.constant 0 : index
    %get3A_16 = vector.load %arg7[%get3A_14, %get3A_15] : memref<1x128xf32, #tpu.memory_space<vmem>>, vector<1x128xf32>
    %get3A_17 = arith.constant 0 : index
    %get3A_18 = arith.constant 0 : index
    %get3A_19 = vector.load %arg8[%get3A_17, %get3A_18] : memref<128x128xf32, #tpu.memory_space<vmem>>, vector<128x128xf32>
    %get3A_20 = arith.constant 0 : index
    %get3A_21 = arith.constant 0 : index
    %get3A_22 = vector.load %arg9[%get3A_20, %get3A_21] : memref<1x128xf32, #tpu.memory_space<vmem>>, vector<1x128xf32>
    %get3A_23 = arith.constant 0 : index
    %get3A_24 = arith.constant 0 : index
    %get3A_25 = vector.load %arg1[%get3A_23, %get3A_24] : memref<4096x128xf32, #tpu.memory_space<vmem>>, vector<4096x128xf32>
    %get3A_26 = arith.constant 0 : index
    %get3A_27 = arith.constant 0 : index
    %get3A_28 = arith.constant 0 : index
    %get3A_29 = vector.load %arg0[%get3A_26, %get3A_27, %get3A_28] : memref<4x4096x128xf32, #tpu.memory_space<vmem>>, vector<1x4096x128xf32>
    %get3A_30 = vector.shape_cast %get3A_29 : vector<1x4096x128xf32> to vector<4096x128xf32>
    %dot_general3A = arith.constant dense<0.000000e+00> : vector<4096x128xf32>
    %dot_general3A_31 = tpu.matmul %get3A_30, %get3A_1, %dot_general3A {dimension_numbers = #tpu.dot_dimension_numbers<[1], [0], [0], [1], [0, 0, 1, 1], [], []>, transpose_lhs_hint = false} : vector<4096x128xf32>, vector<128x128xf32>, vector<4096x128xf32> -> vector<4096x128xf32>
    %add3A = vector.broadcast %get3A_4 : vector<1x128xf32> to vector<4096x128xf32>
    %add3A_32 = arith.addf %dot_general3A_31, %add3A : vector<4096x128xf32>
    %gt3A = arith.constant 0.000000e+00 : f32
    %gt3A_33 = vector.broadcast %gt3A : f32 to vector<4096x128xf32>
    %gt3A_34 = arith.cmpf ogt, %add3A_32, %gt3A_33 : vector<4096x128xf32>
    %min3A = arith.constant 0.000000e+00 : f32
    %min3A_35 = vector.broadcast %min3A : f32 to vector<4096x128xf32>
    %min3A_36 = arith.minimumf %add3A_32, %min3A_35 : vector<4096x128xf32>
    %exp3A = math.exp %min3A_36 : vector<4096x128xf32>
    %sub3A = arith.constant 1.000000e+00 : f32
    %sub3A_37 = vector.broadcast %sub3A : f32 to vector<4096x128xf32>
    %sub3A_38 = arith.subf %exp3A, %sub3A_37 : vector<4096x128xf32>
    %select_n3A = arith.select %gt3A_34, %add3A_32, %sub3A_38 : vector<4096x128xi1>, vector<4096x128xf32>
    %dot_general3A_39 = arith.constant dense<0.000000e+00> : vector<4096x128xf32>
    %dot_general3A_40 = tpu.matmul %select_n3A, %get3A_7, %dot_general3A_39 {dimension_numbers = #tpu.dot_dimension_numbers<[1], [0], [0], [1], [0, 0, 1, 1], [], []>, transpose_lhs_hint = false} : vector<4096x128xf32>, vector<128x128xf32>, vector<4096x128xf32> -> vector<4096x128xf32>
    %add3A_41 = vector.broadcast %get3A_10 : vector<1x128xf32> to vector<4096x128xf32>
    %add3A_42 = arith.addf %dot_general3A_40, %add3A_41 : vector<4096x128xf32>
    %mul3A = arith.mulf %add3A_42, %add3A_42 : vector<4096x128xf32>
    %reduce_sum3A = arith.constant dense<0.000000e+00> : vector<4096xf32>
    %reduce_sum3A_43 = vector.multi_reduction <add>, %mul3A, %reduce_sum3A [1] : vector<4096x128xf32> to vector<4096xf32>
    %broadcast_in_dim3A = vector.shape_cast %reduce_sum3A_43 : vector<4096xf32> to vector<4096x1xf32>
    %sqrt3A = math.sqrt %broadcast_in_dim3A : vector<4096x1xf32>
    %add3A_44 = arith.constant 9.99999993E-9 : f32
    %add3A_45 = vector.broadcast %add3A_44 : f32 to vector<4096x1xf32>
    %add3A_46 = arith.addf %sqrt3A, %add3A_45 : vector<4096x1xf32>
    %div3A = vector.broadcast %add3A_46 : vector<4096x1xf32> to vector<4096x128xf32>
    %div3A_47 = arith.divf %add3A_42, %div3A : vector<4096x128xf32>
    %swap3A = arith.constant 0 : index
    %swap3A_48 = arith.constant 0 : index
    %swap3A_49 = arith.constant 0 : index
    %swap3A_50 = vector.load %arg10[%swap3A, %swap3A_48, %swap3A_49] : memref<6x4096x128xf32, #tpu.memory_space<vmem>>, vector<1x4096x128xf32>
    %swap3A_51 = vector.shape_cast %swap3A_50 : vector<1x4096x128xf32> to vector<4096x128xf32>
    %swap3A_52 = vector.shape_cast %div3A_47 : vector<4096x128xf32> to vector<1x4096x128xf32>
    tpu.vector_store %arg10[%swap3A, %swap3A_48, %swap3A_49], %swap3A_52 {strides = array<i32>} : memref<6x4096x128xf32, #tpu.memory_space<vmem>>, vector<1x4096x128xf32>,
    %get3A_53 = arith.constant 1 : index
    %get3A_54 = arith.constant 0 : index
    %get3A_55 = arith.constant 0 : index
    %get3A_56 = vector.load %arg0[%get3A_53, %get3A_54, %get3A_55] : memref<4x4096x128xf32, #tpu.memory_space<vmem>>, vector<1x4096x128xf32>
    %get3A_57 = vector.shape_cast %get3A_56 : vector<1x4096x128xf32> to vector<4096x128xf32>
    %dot_general3A_58 = arith.constant dense<0.000000e+00> : vector<4096x128xf32>
    %dot_general3A_59 = tpu.matmul %get3A_57, %get3A_1, %dot_general3A_58 {dimension_numbers = #tpu.dot_dimension_numbers<[1], [0], [0], [1], [0, 0, 1, 1], [], []>, transpose_lhs_hint = false} : vector<4096x128xf32>, vector<128x128xf32>, vector<4096x128xf32> -> vector<4096x128xf32>
    %add3A_60 = vector.broadcast %get3A_4 : vector<1x128xf32> to vector<4096x128xf32>
    %add3A_61 = arith.addf %dot_general3A_59, %add3A_60 : vector<4096x128xf32>
    %gt3A_62 = arith.constant 0.000000e+00 : f32
    %gt3A_63 = vector.broadcast %gt3A_62 : f32 to vector<4096x128xf32>
    %gt3A_64 = arith.cmpf ogt, %add3A_61, %gt3A_63 : vector<4096x128xf32>
    %min3A_65 = arith.constant 0.000000e+00 : f32
    %min3A_66 = vector.broadcast %min3A_65 : f32 to vector<4096x128xf32>
    %min3A_67 = arith.minimumf %add3A_61, %min3A_66 : vector<4096x128xf32>
    %exp3A_68 = math.exp %min3A_67 : vector<4096x128xf32>
    %sub3A_69 = arith.constant 1.000000e+00 : f32
    %sub3A_70 = vector.broadcast %sub3A_69 : f32 to vector<4096x128xf32>
    %sub3A_71 = arith.subf %exp3A_68, %sub3A_70 : vector<4096x128xf32>
    %select_n3A_72 = arith.select %gt3A_64, %add3A_61, %sub3A_71 : vector<4096x128xi1>, vector<4096x128xf32>
    %dot_general3A_73 = arith.constant dense<0.000000e+00> : vector<4096x128xf32>
    %dot_general3A_74 = tpu.matmul %select_n3A_72, %get3A_7, %dot_general3A_73 {dimension_numbers = #tpu.dot_dimension_numbers<[1], [0], [0], [1], [0, 0, 1, 1], [], []>, transpose_lhs_hint = false} : vector<4096x128xf32>, vector<128x128xf32>, vector<4096x128xf32> -> vector<4096x128xf32>
    %add3A_75 = vector.broadcast %get3A_10 : vector<1x128xf32> to vector<4096x128xf32>
    %add3A_76 = arith.addf %dot_general3A_74, %add3A_75 : vector<4096x128xf32>
    %mul3A_77 = arith.mulf %add3A_76, %add3A_76 : vector<4096x128xf32>
    %reduce_sum3A_78 = arith.constant dense<0.000000e+00> : vector<4096xf32>
    %reduce_sum3A_79 = vector.multi_reduction <add>, %mul3A_77, %reduce_sum3A_78 [1] : vector<4096x128xf32> to vector<4096xf32>
    %broadcast_in_dim3A_80 = vector.shape_cast %reduce_sum3A_79 : vector<4096xf32> to vector<4096x1xf32>
    %sqrt3A_81 = math.sqrt %broadcast_in_dim3A_80 : vector<4096x1xf32>
    %add3A_82 = arith.constant 9.99999993E-9 : f32
    %add3A_83 = vector.broadcast %add3A_82 : f32 to vector<4096x1xf32>
    %add3A_84 = arith.addf %sqrt3A_81, %add3A_83 : vector<4096x1xf32>
    %div3A_85 = vector.broadcast %add3A_84 : vector<4096x1xf32> to vector<4096x128xf32>
    %div3A_86 = arith.divf %add3A_76, %div3A_85 : vector<4096x128xf32>
    %swap3A_87 = arith.constant 1 : index
    %swap3A_88 = arith.constant 0 : index
    %swap3A_89 = arith.constant 0 : index
    %swap3A_90 = vector.load %arg10[%swap3A_87, %swap3A_88, %swap3A_89] : memref<6x4096x128xf32, #tpu.memory_space<vmem>>, vector<1x4096x128xf32>
    %swap3A_91 = vector.shape_cast %swap3A_90 : vector<1x4096x128xf32> to vector<4096x128xf32>
    %swap3A_92 = vector.shape_cast %div3A_86 : vector<4096x128xf32> to vector<1x4096x128xf32>
    tpu.vector_store %arg10[%swap3A_87, %swap3A_88, %swap3A_89], %swap3A_92 {strides = array<i32>} : memref<6x4096x128xf32, #tpu.memory_space<vmem>>, vector<1x4096x128xf32>,
    %dot_general3A_93 = arith.constant dense<0.000000e+00> : vector<4096x128xf32>
    %dot_general3A_94 = tpu.matmul %get3A_25, %get3A_1, %dot_general3A_93 {dimension_numbers = #tpu.dot_dimension_numbers<[1], [0], [0], [1], [0, 0, 1, 1], [], []>, transpose_lhs_hint = false} : vector<4096x128xf32>, vector<128x128xf32>, vector<4096x128xf32> -> vector<4096x128xf32>
    %add3A_95 = vector.broadcast %get3A_4 : vector<1x128xf32> to vector<4096x128xf32>
    %add3A_96 = arith.addf %dot_general3A_94, %add3A_95 : vector<4096x128xf32>
    %gt3A_97 = arith.constant 0.000000e+00 : f32
    %gt3A_98 = vector.broadcast %gt3A_97 : f32 to vector<4096x128xf32>
    %gt3A_99 = arith.cmpf ogt, %add3A_96, %gt3A_98 : vector<4096x128xf32>
    %min3A_100 = arith.constant 0.000000e+00 : f32
    %min3A_101 = vector.broadcast %min3A_100 : f32 to vector<4096x128xf32>
    %min3A_102 = arith.minimumf %add3A_96, %min3A_101 : vector<4096x128xf32>
    %exp3A_103 = math.exp %min3A_102 : vector<4096x128xf32>
    %sub3A_104 = arith.constant 1.000000e+00 : f32
    %sub3A_105 = vector.broadcast %sub3A_104 : f32 to vector<4096x128xf32>
    %sub3A_106 = arith.subf %exp3A_103, %sub3A_105 : vector<4096x128xf32>
    %select_n3A_107 = arith.select %gt3A_99, %add3A_96, %sub3A_106 : vector<4096x128xi1>, vector<4096x128xf32>
    %dot_general3A_108 = arith.constant dense<0.000000e+00> : vector<4096x128xf32>
    %dot_general3A_109 = tpu.matmul %select_n3A_107, %get3A_7, %dot_general3A_108 {dimension_numbers = #tpu.dot_dimension_numbers<[1], [0], [0], [1], [0, 0, 1, 1], [], []>, transpose_lhs_hint = false} : vector<4096x128xf32>, vector<128x128xf32>, vector<4096x128xf32> -> vector<4096x128xf32>
    %add3A_110 = vector.broadcast %get3A_10 : vector<1x128xf32> to vector<4096x128xf32>
    %add3A_111 = arith.addf %dot_general3A_109, %add3A_110 : vector<4096x128xf32>
    %mul3A_112 = arith.mulf %add3A_111, %add3A_111 : vector<4096x128xf32>
    %reduce_sum3A_113 = arith.constant dense<0.000000e+00> : vector<4096xf32>
    %reduce_sum3A_114 = vector.multi_reduction <add>, %mul3A_112, %reduce_sum3A_113 [1] : vector<4096x128xf32> to vector<4096xf32>
    %broadcast_in_dim3A_115 = vector.shape_cast %reduce_sum3A_114 : vector<4096xf32> to vector<4096x1xf32>
    %sqrt3A_116 = math.sqrt %broadcast_in_dim3A_115 : vector<4096x1xf32>
    %add3A_117 = arith.constant 9.99999993E-9 : f32
    %add3A_118 = vector.broadcast %add3A_117 : f32 to vector<4096x1xf32>
    %add3A_119 = arith.addf %sqrt3A_116, %add3A_118 : vector<4096x1xf32>
    %div3A_120 = vector.broadcast %add3A_119 : vector<4096x1xf32> to vector<4096x128xf32>
    %div3A_121 = arith.divf %add3A_111, %div3A_120 : vector<4096x128xf32>
    %swap3A_122 = arith.constant 2 : index
    %swap3A_123 = arith.constant 0 : index
    %swap3A_124 = arith.constant 0 : index
    %swap3A_125 = vector.load %arg10[%swap3A_122, %swap3A_123, %swap3A_124] : memref<6x4096x128xf32, #tpu.memory_space<vmem>>, vector<1x4096x128xf32>
    %swap3A_126 = vector.shape_cast %swap3A_125 : vector<1x4096x128xf32> to vector<4096x128xf32>
    %swap3A_127 = vector.shape_cast %div3A_121 : vector<4096x128xf32> to vector<1x4096x128xf32>
    tpu.vector_store %arg10[%swap3A_122, %swap3A_123, %swap3A_124], %swap3A_127 {strides = array<i32>} : memref<6x4096x128xf32, #tpu.memory_space<vmem>>, vector<1x4096x128xf32>,
    %get3A_128 = arith.constant 2 : index
    %get3A_129 = arith.constant 0 : index
    %get3A_130 = arith.constant 0 : index
    %get3A_131 = vector.load %arg0[%get3A_128, %get3A_129, %get3A_130] : memref<4x4096x128xf32, #tpu.memory_space<vmem>>, vector<1x4096x128xf32>
    %get3A_132 = vector.shape_cast %get3A_131 : vector<1x4096x128xf32> to vector<4096x128xf32>
    %dot_general3A_133 = arith.constant dense<0.000000e+00> : vector<4096x128xf32>
    %dot_general3A_134 = tpu.matmul %get3A_132, %get3A_13, %dot_general3A_133 {dimension_numbers = #tpu.dot_dimension_numbers<[1], [0], [0], [1], [0, 0, 1, 1], [], []>, transpose_lhs_hint = false} : vector<4096x128xf32>, vector<128x128xf32>, vector<4096x128xf32> -> vector<4096x128xf32>
    %add3A_135 = vector.broadcast %get3A_16 : vector<1x128xf32> to vector<4096x128xf32>
    %add3A_136 = arith.addf %dot_general3A_134, %add3A_135 : vector<4096x128xf32>
    %gt3A_137 = arith.constant 0.000000e+00 : f32
    %gt3A_138 = vector.broadcast %gt3A_137 : f32 to vector<4096x128xf32>
    %gt3A_139 = arith.cmpf ogt, %add3A_136, %gt3A_138 : vector<4096x128xf32>
    %min3A_140 = arith.constant 0.000000e+00 : f32
    %min3A_141 = vector.broadcast %min3A_140 : f32 to vector<4096x128xf32>
    %min3A_142 = arith.minimumf %add3A_136, %min3A_141 : vector<4096x128xf32>
    %exp3A_143 = math.exp %min3A_142 : vector<4096x128xf32>
    %sub3A_144 = arith.constant 1.000000e+00 : f32
    %sub3A_145 = vector.broadcast %sub3A_144 : f32 to vector<4096x128xf32>
    %sub3A_146 = arith.subf %exp3A_143, %sub3A_145 : vector<4096x128xf32>
    %select_n3A_147 = arith.select %gt3A_139, %add3A_136, %sub3A_146 : vector<4096x128xi1>, vector<4096x128xf32>
    %dot_general3A_148 = arith.constant dense<0.000000e+00> : vector<4096x128xf32>
    %dot_general3A_149 = tpu.matmul %select_n3A_147, %get3A_19, %dot_general3A_148 {dimension_numbers = #tpu.dot_dimension_numbers<[1], [0], [0], [1], [0, 0, 1, 1], [], []>, transpose_lhs_hint = false} : vector<4096x128xf32>, vector<128x128xf32>, vector<4096x128xf32> -> vector<4096x128xf32>
    %add3A_150 = vector.broadcast %get3A_22 : vector<1x128xf32> to vector<4096x128xf32>
    %add3A_151 = arith.addf %dot_general3A_149, %add3A_150 : vector<4096x128xf32>
    %mul3A_152 = arith.mulf %add3A_151, %add3A_151 : vector<4096x128xf32>
    %reduce_sum3A_153 = arith.constant dense<0.000000e+00> : vector<4096xf32>
    %reduce_sum3A_154 = vector.multi_reduction <add>, %mul3A_152, %reduce_sum3A_153 [1] : vector<4096x128xf32> to vector<4096xf32>
    %broadcast_in_dim3A_155 = vector.shape_cast %reduce_sum3A_154 : vector<4096xf32> to vector<4096x1xf32>
    %sqrt3A_156 = math.sqrt %broadcast_in_dim3A_155 : vector<4096x1xf32>
    %add3A_157 = arith.constant 9.99999993E-9 : f32
    %add3A_158 = vector.broadcast %add3A_157 : f32 to vector<4096x1xf32>
    %add3A_159 = arith.addf %sqrt3A_156, %add3A_158 : vector<4096x1xf32>
    %div3A_160 = vector.broadcast %add3A_159 : vector<4096x1xf32> to vector<4096x128xf32>
    %div3A_161 = arith.divf %add3A_151, %div3A_160 : vector<4096x128xf32>
    %swap3A_162 = arith.constant 3 : index
    %swap3A_163 = arith.constant 0 : index
    %swap3A_164 = arith.constant 0 : index
    %swap3A_165 = vector.load %arg10[%swap3A_162, %swap3A_163, %swap3A_164] : memref<6x4096x128xf32, #tpu.memory_space<vmem>>, vector<1x4096x128xf32>
    %swap3A_166 = vector.shape_cast %swap3A_165 : vector<1x4096x128xf32> to vector<4096x128xf32>
    %swap3A_167 = vector.shape_cast %div3A_161 : vector<4096x128xf32> to vector<1x4096x128xf32>
    tpu.vector_store %arg10[%swap3A_162, %swap3A_163, %swap3A_164], %swap3A_167 {strides = array<i32>} : memref<6x4096x128xf32, #tpu.memory_space<vmem>>, vector<1x4096x128xf32>,
    %get3A_168 = arith.constant 3 : index
    %get3A_169 = arith.constant 0 : index
    %get3A_170 = arith.constant 0 : index
    %get3A_171 = vector.load %arg0[%get3A_168, %get3A_169, %get3A_170] : memref<4x4096x128xf32, #tpu.memory_space<vmem>>, vector<1x4096x128xf32>
    %get3A_172 = vector.shape_cast %get3A_171 : vector<1x4096x128xf32> to vector<4096x128xf32>
    %dot_general3A_173 = arith.constant dense<0.000000e+00> : vector<4096x128xf32>
    %dot_general3A_174 = tpu.matmul %get3A_172, %get3A_13, %dot_general3A_173 {dimension_numbers = #tpu.dot_dimension_numbers<[1], [0], [0], [1], [0, 0, 1, 1], [], []>, transpose_lhs_hint = false} : vector<4096x128xf32>, vector<128x128xf32>, vector<4096x128xf32> -> vector<4096x128xf32>
    %add3A_175 = vector.broadcast %get3A_16 : vector<1x128xf32> to vector<4096x128xf32>
    %add3A_176 = arith.addf %dot_general3A_174, %add3A_175 : vector<4096x128xf32>
    %gt3A_177 = arith.constant 0.000000e+00 : f32
    %gt3A_178 = vector.broadcast %gt3A_177 : f32 to vector<4096x128xf32>
    %gt3A_179 = arith.cmpf ogt, %add3A_176, %gt3A_178 : vector<4096x128xf32>
    %min3A_180 = arith.constant 0.000000e+00 : f32
    %min3A_181 = vector.broadcast %min3A_180 : f32 to vector<4096x128xf32>
    %min3A_182 = arith.minimumf %add3A_176, %min3A_181 : vector<4096x128xf32>
    %exp3A_183 = math.exp %min3A_182 : vector<4096x128xf32>
    %sub3A_184 = arith.constant 1.000000e+00 : f32
    %sub3A_185 = vector.broadcast %sub3A_184 : f32 to vector<4096x128xf32>
    %sub3A_186 = arith.subf %exp3A_183, %sub3A_185 : vector<4096x128xf32>
    %select_n3A_187 = arith.select %gt3A_179, %add3A_176, %sub3A_186 : vector<4096x128xi1>, vector<4096x128xf32>
    %dot_general3A_188 = arith.constant dense<0.000000e+00> : vector<4096x128xf32>
    %dot_general3A_189 = tpu.matmul %select_n3A_187, %get3A_19, %dot_general3A_188 {dimension_numbers = #tpu.dot_dimension_numbers<[1], [0], [0], [1], [0, 0, 1, 1], [], []>, transpose_lhs_hint = false} : vector<4096x128xf32>, vector<128x128xf32>, vector<4096x128xf32> -> vector<4096x128xf32>
    %add3A_190 = vector.broadcast %get3A_22 : vector<1x128xf32> to vector<4096x128xf32>
    %add3A_191 = arith.addf %dot_general3A_189, %add3A_190 : vector<4096x128xf32>
    %mul3A_192 = arith.mulf %add3A_191, %add3A_191 : vector<4096x128xf32>
    %reduce_sum3A_193 = arith.constant dense<0.000000e+00> : vector<4096xf32>
    %reduce_sum3A_194 = vector.multi_reduction <add>, %mul3A_192, %reduce_sum3A_193 [1] : vector<4096x128xf32> to vector<4096xf32>
    %broadcast_in_dim3A_195 = vector.shape_cast %reduce_sum3A_194 : vector<4096xf32> to vector<4096x1xf32>
    %sqrt3A_196 = math.sqrt %broadcast_in_dim3A_195 : vector<4096x1xf32>
    %add3A_197 = arith.constant 9.99999993E-9 : f32
    %add3A_198 = vector.broadcast %add3A_197 : f32 to vector<4096x1xf32>
    %add3A_199 = arith.addf %sqrt3A_196, %add3A_198 : vector<4096x1xf32>
    %div3A_200 = vector.broadcast %add3A_199 : vector<4096x1xf32> to vector<4096x128xf32>
    %div3A_201 = arith.divf %add3A_191, %div3A_200 : vector<4096x128xf32>
    %swap3A_202 = arith.constant 4 : index
    %swap3A_203 = arith.constant 0 : index
    %swap3A_204 = arith.constant 0 : index
    %swap3A_205 = vector.load %arg10[%swap3A_202, %swap3A_203, %swap3A_204] : memref<6x4096x128xf32, #tpu.memory_space<vmem>>, vector<1x4096x128xf32>
    %swap3A_206 = vector.shape_cast %swap3A_205 : vector<1x4096x128xf32> to vector<4096x128xf32>
    %swap3A_207 = vector.shape_cast %div3A_201 : vector<4096x128xf32> to vector<1x4096x128xf32>
    tpu.vector_store %arg10[%swap3A_202, %swap3A_203, %swap3A_204], %swap3A_207 {strides = array<i32>} : memref<6x4096x128xf32, #tpu.memory_space<vmem>>, vector<1x4096x128xf32>,
    %dot_general3A_208 = arith.constant dense<0.000000e+00> : vector<4096x128xf32>
    %dot_general3A_209 = tpu.matmul %get3A_25, %get3A_13, %dot_general3A_208 {dimension_numbers = #tpu.dot_dimension_numbers<[1], [0], [0], [1], [0, 0, 1, 1], [], []>, transpose_lhs_hint = false} : vector<4096x128xf32>, vector<128x128xf32>, vector<4096x128xf32> -> vector<4096x128xf32>
    %add3A_210 = vector.broadcast %get3A_16 : vector<1x128xf32> to vector<4096x128xf32>
    %add3A_211 = arith.addf %dot_general3A_209, %add3A_210 : vector<4096x128xf32>
    %gt3A_212 = arith.constant 0.000000e+00 : f32
    %gt3A_213 = vector.broadcast %gt3A_212 : f32 to vector<4096x128xf32>
    %gt3A_214 = arith.cmpf ogt, %add3A_211, %gt3A_213 : vector<4096x128xf32>
    %min3A_215 = arith.constant 0.000000e+00 : f32
    %min3A_216 = vector.broadcast %min3A_215 : f32 to vector<4096x128xf32>
    %min3A_217 = arith.minimumf %add3A_211, %min3A_216 : vector<4096x128xf32>
    %exp3A_218 = math.exp %min3A_217 : vector<4096x128xf32>
    %sub3A_219 = arith.constant 1.000000e+00 : f32
    %sub3A_220 = vector.broadcast %sub3A_219 : f32 to vector<4096x128xf32>
    %sub3A_221 = arith.subf %exp3A_218, %sub3A_220 : vector<4096x128xf32>
    %select_n3A_222 = arith.select %gt3A_214, %add3A_211, %sub3A_221 : vector<4096x128xi1>, vector<4096x128xf32>
    %dot_general3A_223 = arith.constant dense<0.000000e+00> : vector<4096x128xf32>
    %dot_general3A_224 = tpu.matmul %select_n3A_222, %get3A_19, %dot_general3A_223 {dimension_numbers = #tpu.dot_dimension_numbers<[1], [0], [0], [1], [0, 0, 1, 1], [], []>, transpose_lhs_hint = false} : vector<4096x128xf32>, vector<128x128xf32>, vector<4096x128xf32> -> vector<4096x128xf32>
    %add3A_225 = vector.broadcast %get3A_22 : vector<1x128xf32> to vector<4096x128xf32>
    %add3A_226 = arith.addf %dot_general3A_224, %add3A_225 : vector<4096x128xf32>
    %mul3A_227 = arith.mulf %add3A_226, %add3A_226 : vector<4096x128xf32>
    %reduce_sum3A_228 = arith.constant dense<0.000000e+00> : vector<4096xf32>
    %reduce_sum3A_229 = vector.multi_reduction <add>, %mul3A_227, %reduce_sum3A_228 [1] : vector<4096x128xf32> to vector<4096xf32>
    %broadcast_in_dim3A_230 = vector.shape_cast %reduce_sum3A_229 : vector<4096xf32> to vector<4096x1xf32>
    %sqrt3A_231 = math.sqrt %broadcast_in_dim3A_230 : vector<4096x1xf32>
    %add3A_232 = arith.constant 9.99999993E-9 : f32
    %add3A_233 = vector.broadcast %add3A_232 : f32 to vector<4096x1xf32>
    %add3A_234 = arith.addf %sqrt3A_231, %add3A_233 : vector<4096x1xf32>
    %div3A_235 = vector.broadcast %add3A_234 : vector<4096x1xf32> to vector<4096x128xf32>
    %div3A_236 = arith.divf %add3A_226, %div3A_235 : vector<4096x128xf32>
    %swap3A_237 = arith.constant 5 : index
    %swap3A_238 = arith.constant 0 : index
    %swap3A_239 = arith.constant 0 : index
    %swap3A_240 = vector.load %arg10[%swap3A_237, %swap3A_238, %swap3A_239] : memref<6x4096x128xf32, #tpu.memory_space<vmem>>, vector<1x4096x128xf32>
    %swap3A_241 = vector.shape_cast %swap3A_240 : vector<1x4096x128xf32> to vector<4096x128xf32>
    %swap3A_242 = vector.shape_cast %div3A_236 : vector<4096x128xf32> to vector<1x4096x128xf32>
    tpu.vector_store %arg10[%swap3A_237, %swap3A_238, %swap3A_239], %swap3A_242 {strides = array<i32>} : memref<6x4096x128xf32, #tpu.memory_space<vmem>>, vector<1x4096x128xf32>,
    return
  }
}

module attributes {stable_mosaic.version = 14 : i64} {
  func.func @body(%arg0: i32, %arg1: i32, %arg2: memref<1x512x128xf32, #tpu.memory_space<vmem>>, %arg3: memref<1x4096x128xf32, #tpu.memory_space<vmem>>, %arg4: memref<1x1x512xf32, #tpu.memory_space<vmem>>, %arg5: memref<1x1x4096xf32, #tpu.memory_space<vmem>>, %arg6: memref<1x1x512xf32, #tpu.memory_space<vmem>>) attributes {dimension_semantics = [#tpu.dimension_semantics<arbitrary>, #tpu.dimension_semantics<arbitrary>], iteration_bounds = array<i64: 4, 8>, scalar_prefetch = 0 : i64, scratch_operands = 0 : i64, tpu.core_type = #tpu.core_type<tc>, window_params = [{transform_indices = @transform_0, window_bounds = array<i64: 1, 512, 128>}, {transform_indices = @transform_1, window_bounds = array<i64: 1, 4096, 128>}, {transform_indices = @transform_2, window_bounds = array<i64: 1, 1, 512>}, {transform_indices = @transform_3, window_bounds = array<i64: 1, 1, 4096>}, {transform_indices = @transform_4, window_bounds = array<i64: 1, 1, 512>}]} {
    %get3A = arith.constant 0 : index
    %get3A_0 = arith.constant 0 : index
    %get3A_1 = arith.constant 0 : index
    %get3A_2 = vector.load %arg2[%get3A, %get3A_0, %get3A_1] : memref<1x512x128xf32, #tpu.memory_space<vmem>>, vector<1x512x128xf32>
    %get3A_3 = vector.shape_cast %get3A_2 : vector<1x512x128xf32> to vector<512x128xf32>
    %get3A_4 = arith.constant 0 : index
    %get3A_5 = arith.constant 0 : index
    %get3A_6 = arith.constant 0 : index
    %get3A_7 = vector.load %arg3[%get3A_4, %get3A_5, %get3A_6] : memref<1x4096x128xf32, #tpu.memory_space<vmem>>, vector<1x4096x128xf32>
    %get3A_8 = vector.shape_cast %get3A_7 : vector<1x4096x128xf32> to vector<4096x128xf32>
    %convert_element_type3A = arith.truncf %get3A_3 : vector<512x128xf32> to vector<512x128xbf16>
    %convert_element_type3A_9 = arith.truncf %get3A_8 : vector<4096x128xf32> to vector<4096x128xbf16>
    %dot_general3A = arith.constant dense<0.000000e+00> : vector<512x4096xf32>
    %dot_general3A_10 = tpu.matmul %convert_element_type3A, %convert_element_type3A_9, %dot_general3A {dimension_numbers = #tpu.dot_dimension_numbers<[1], [1], [0], [0], [0, 0, 1, 0], [], []>, transpose_lhs_hint = false} : vector<512x128xbf16>, vector<4096x128xbf16>, vector<512x4096xf32> -> vector<512x4096xf32>
    %mul3A = arith.constant 2.000000e+00 : f32
    %mul3A_11 = vector.broadcast %mul3A : f32 to vector<512x4096xf32>
    %mul3A_12 = arith.mulf %dot_general3A_10, %mul3A_11 : vector<512x4096xf32>
    %exp3A = math.exp %mul3A_12 : vector<512x4096xf32>
    %reduce_sum3A = arith.constant dense<0.000000e+00> : vector<512xf32>
    %reduce_sum3A_13 = vector.multi_reduction <add>, %exp3A, %reduce_sum3A [1] : vector<512x4096xf32> to vector<512xf32>
    %swap3A = arith.constant 0 : index
    %swap3A_14 = arith.constant 0 : index
    %swap3A_15 = arith.constant 0 : index
    %swap3A_16 = vector.load %arg4[%swap3A, %swap3A_14, %swap3A_15] : memref<1x1x512xf32, #tpu.memory_space<vmem>>, vector<1x1x512xf32>
    %swap3A_17 = vector.shape_cast %swap3A_16 : vector<1x1x512xf32> to vector<512xf32>
    %swap3A_18 = vector.shape_cast %reduce_sum3A_13 : vector<512xf32> to vector<1x1x512xf32>
    tpu.vector_store %arg4[%swap3A, %swap3A_14, %swap3A_15], %swap3A_18 {strides = array<i32>} : memref<1x1x512xf32, #tpu.memory_space<vmem>>, vector<1x1x512xf32>,
    %eq3A = arith.constant 0 : i32
    %eq3A_19 = arith.cmpi eq, %arg1, %eq3A : i32
    %convert_element_type3A_20 = arith.extui %eq3A_19 : i1 to i32
    %cond3A = arith.constant 0 : i32
    %cond3A_21 = arith.cmpi ne, %convert_element_type3A_20, %cond3A : i32
    scf.if %cond3A_21 {
      %broadcast_in_dim3A = arith.constant 0.000000e+00 : f32
      %broadcast_in_dim3A_55 = vector.broadcast %broadcast_in_dim3A : f32 to vector<1x1x4096xf32>
      %swap3A_56 = arith.constant 0 : index
      %swap3A_57 = arith.constant 0 : index
      %swap3A_58 = arith.constant 0 : index
      %swap3A_59 = vector.load %arg5[%swap3A_56, %swap3A_57, %swap3A_58] : memref<1x1x4096xf32, #tpu.memory_space<vmem>>, vector<1x1x4096xf32>
      tpu.vector_store %arg5[%swap3A_56, %swap3A_57, %swap3A_58], %broadcast_in_dim3A_55 {strides = array<i32>} : memref<1x1x4096xf32, #tpu.memory_space<vmem>>, vector<1x1x4096xf32>,
    } else {
    }
    %get3A_22 = arith.constant 0 : index
    %get3A_23 = arith.constant 0 : index
    %get3A_24 = arith.constant 0 : index
    %get3A_25 = vector.load %arg5[%get3A_22, %get3A_23, %get3A_24] : memref<1x1x4096xf32, #tpu.memory_space<vmem>>, vector<1x1x4096xf32>
    %get3A_26 = vector.shape_cast %get3A_25 : vector<1x1x4096xf32> to vector<4096xf32>
    %reduce_sum3A_27 = arith.constant dense<0.000000e+00> : vector<4096xf32>
    %reduce_sum3A_28 = vector.multi_reduction <add>, %exp3A, %reduce_sum3A_27 [0] : vector<512x4096xf32> to vector<4096xf32>
    %add3A = arith.addf %get3A_26, %reduce_sum3A_28 : vector<4096xf32>
    %swap3A_29 = arith.constant 0 : index
    %swap3A_30 = arith.constant 0 : index
    %swap3A_31 = arith.constant 0 : index
    %swap3A_32 = vector.load %arg5[%swap3A_29, %swap3A_30, %swap3A_31] : memref<1x1x4096xf32, #tpu.memory_space<vmem>>, vector<1x1x4096xf32>
    %swap3A_33 = vector.shape_cast %swap3A_32 : vector<1x1x4096xf32> to vector<4096xf32>
    %swap3A_34 = vector.shape_cast %add3A : vector<4096xf32> to vector<1x1x4096xf32>
    tpu.vector_store %arg5[%swap3A_29, %swap3A_30, %swap3A_31], %swap3A_34 {strides = array<i32>} : memref<1x1x4096xf32, #tpu.memory_space<vmem>>, vector<1x1x4096xf32>,
    %mul3A_35 = arith.constant 512 : i32
    %mul3A_36 = arith.muli %arg1, %mul3A_35 : i32
    %get3A_37 = arith.constant 0 : index
    %get3A_38 = arith.index_cast %mul3A_36 : i32 to index
    %get3A_39 = arith.constant 0 : index
    %get3A_40 = vector.load %arg3[%get3A_37, %get3A_38, %get3A_39] : memref<1x4096x128xf32, #tpu.memory_space<vmem>>, vector<1x512x128xf32>
    %get3A_41 = vector.shape_cast %get3A_40 : vector<1x512x128xf32> to vector<512x128xf32>
    %mul3A_42 = arith.mulf %get3A_3, %get3A_41 : vector<512x128xf32>
    %reduce_sum3A_43 = arith.constant dense<0.000000e+00> : vector<512xf32>
    %reduce_sum3A_44 = vector.multi_reduction <add>, %mul3A_42, %reduce_sum3A_43 [1] : vector<512x128xf32> to vector<512xf32>
    %mul3A_45 = arith.constant 2.000000e+00 : f32
    %mul3A_46 = vector.broadcast %mul3A_45 : f32 to vector<512xf32>
    %mul3A_47 = arith.mulf %reduce_sum3A_44, %mul3A_46 : vector<512xf32>
    %exp3A_48 = math.exp %mul3A_47 : vector<512xf32>
    %swap3A_49 = arith.constant 0 : index
    %swap3A_50 = arith.constant 0 : index
    %swap3A_51 = arith.constant 0 : index
    %swap3A_52 = vector.load %arg6[%swap3A_49, %swap3A_50, %swap3A_51] : memref<1x1x512xf32, #tpu.memory_space<vmem>>, vector<1x1x512xf32>
    %swap3A_53 = vector.shape_cast %swap3A_52 : vector<1x1x512xf32> to vector<512xf32>
    %swap3A_54 = vector.shape_cast %exp3A_48 : vector<512xf32> to vector<1x1x512xf32>
    tpu.vector_store %arg6[%swap3A_49, %swap3A_50, %swap3A_51], %swap3A_54 {strides = array<i32>} : memref<1x1x512xf32, #tpu.memory_space<vmem>>, vector<1x1x512xf32>,
    return
  }
  func.func @transform_0(%arg0: i32, %arg1: i32) -> (i32, i32, i32) {
    %jit3A = arith.constant 2 : i32
    %div3A = arith.divsi %arg0, %jit3A : i32
    %sign3A = arith.constant 0 : i32
    %sign3A_0 = arith.cmpi sgt, %arg0, %sign3A : i32
    %sign3A_1 = arith.extui %sign3A_0 : i1 to i32
    %sign3A_2 = arith.constant 0 : i32
    %sign3A_3 = arith.cmpi slt, %arg0, %sign3A_2 : i32
    %sign3A_4 = arith.extui %sign3A_3 : i1 to i32
    %sign3A_5 = arith.subi %sign3A_1, %sign3A_4 : i32
    %sign3A_6 = arith.constant 0 : i32
    %sign3A_7 = arith.cmpi sgt, %jit3A, %sign3A_6 : i32
    %sign3A_8 = arith.extui %sign3A_7 : i1 to i32
    %sign3A_9 = arith.constant 0 : i32
    %sign3A_10 = arith.cmpi slt, %jit3A, %sign3A_9 : i32
    %sign3A_11 = arith.extui %sign3A_10 : i1 to i32
    %sign3A_12 = arith.subi %sign3A_8, %sign3A_11 : i32
    %ne3A = arith.cmpi ne, %sign3A_5, %sign3A_12 : i32
    %rem3A = arith.remsi %arg0, %jit3A : i32
    %ne3A_13 = arith.constant 0 : i32
    %ne3A_14 = arith.cmpi ne, %rem3A, %ne3A_13 : i32
    %and3A = arith.andi %ne3A, %ne3A_14 : i1
    %sub3A = arith.constant 1 : i32
    %sub3A_15 = arith.subi %div3A, %sub3A : i32
    %select_n3A = arith.select %and3A, %sub3A_15, %div3A : i32
    %add3A = arith.addi %arg0, %select_n3A : i32
    %c0_i32 = arith.constant 0 : i32
    %c0_i32_16 = arith.constant 0 : i32
    return %add3A, %arg1, %c0_i32 : i32, i32, i32
  }
  func.func @transform_1(%arg0: i32, %arg1: i32) -> (i32, i32, i32) {
    %jit3A = arith.constant 2 : i32
    %div3A = arith.divsi %arg0, %jit3A : i32
    %sign3A = arith.constant 0 : i32
    %sign3A_0 = arith.cmpi sgt, %arg0, %sign3A : i32
    %sign3A_1 = arith.extui %sign3A_0 : i1 to i32
    %sign3A_2 = arith.constant 0 : i32
    %sign3A_3 = arith.cmpi slt, %arg0, %sign3A_2 : i32
    %sign3A_4 = arith.extui %sign3A_3 : i1 to i32
    %sign3A_5 = arith.subi %sign3A_1, %sign3A_4 : i32
    %sign3A_6 = arith.constant 0 : i32
    %sign3A_7 = arith.cmpi sgt, %jit3A, %sign3A_6 : i32
    %sign3A_8 = arith.extui %sign3A_7 : i1 to i32
    %sign3A_9 = arith.constant 0 : i32
    %sign3A_10 = arith.cmpi slt, %jit3A, %sign3A_9 : i32
    %sign3A_11 = arith.extui %sign3A_10 : i1 to i32
    %sign3A_12 = arith.subi %sign3A_8, %sign3A_11 : i32
    %ne3A = arith.cmpi ne, %sign3A_5, %sign3A_12 : i32
    %rem3A = arith.remsi %arg0, %jit3A : i32
    %ne3A_13 = arith.constant 0 : i32
    %ne3A_14 = arith.cmpi ne, %rem3A, %ne3A_13 : i32
    %and3A = arith.andi %ne3A, %ne3A_14 : i1
    %sub3A = arith.constant 1 : i32
    %sub3A_15 = arith.subi %div3A, %sub3A : i32
    %select_n3A = arith.select %and3A, %sub3A_15, %div3A : i32
    %mul3A = arith.constant 3 : i32
    %mul3A_16 = arith.muli %mul3A, %select_n3A : i32
    %add3A = arith.constant 2 : i32
    %add3A_17 = arith.addi %add3A, %mul3A_16 : i32
    %c0_i32 = arith.constant 0 : i32
    %c0_i32_18 = arith.constant 0 : i32
    %c0_i32_19 = arith.constant 0 : i32
    return %add3A_17, %c0_i32, %c0_i32_18 : i32, i32, i32
  }
  func.func @transform_2(%arg0: i32, %arg1: i32) -> (i32, i32, i32) {
    %c0_i32 = arith.constant 0 : i32
    %c0_i32_0 = arith.constant 0 : i32
    return %arg0, %c0_i32, %arg1 : i32, i32, i32
  }
  func.func @transform_3(%arg0: i32, %arg1: i32) -> (i32, i32, i32) {
    %c0_i32 = arith.constant 0 : i32
    %c0_i32_0 = arith.constant 0 : i32
    %c0_i32_1 = arith.constant 0 : i32
    return %arg0, %c0_i32, %c0_i32_0 : i32, i32, i32
  }
  func.func @transform_4(%arg0: i32, %arg1: i32) -> (i32, i32, i32) {
    %c0_i32 = arith.constant 0 : i32
    %c0_i32_0 = arith.constant 0 : i32
    return %arg0, %c0_i32, %arg1 : i32, i32, i32
  }
}

module attributes {stable_mosaic.version = 14 : i64} {
  func.func @body(%arg0: memref<4096x128xf32, #tpu.memory_space<vmem>>, %arg1: memref<4x4096x128xf32, #tpu.memory_space<vmem>>, %arg2: memref<4x4096xf32, #tpu.memory_space<vmem>>, %arg3: memref<4x4096xf32, #tpu.memory_space<vmem>>, %arg4: memref<4x4096xf32, #tpu.memory_space<vmem>>, %arg5: memref<4096x128xf32, #tpu.memory_space<vmem>>, %arg6: memref<4096x128xf32, #tpu.memory_space<vmem>>, %arg7: memref<128x128xf32, #tpu.memory_space<vmem>>, %arg8: memref<128x128xf32, #tpu.memory_space<vmem>>, %arg9: memref<1x128xf32, #tpu.memory_space<vmem>>, %arg10: memref<128x128xf32, #tpu.memory_space<vmem>>, %arg11: memref<1x128xf32, #tpu.memory_space<vmem>>, %arg12: memref<1x1xf32, #tpu.memory_space<vmem>>, %arg13: memref<1x4096xi32, #tpu.memory_space<vmem>>) attributes {dimension_semantics = [], scalar_prefetch = 0 : i64, scratch_operands = 0 : i64, tpu.core_type = #tpu.core_type<tc>} {
    %get3A = arith.constant 0 : index
    %get3A_0 = arith.constant 0 : index
    %get3A_1 = vector.load %arg7[%get3A, %get3A_0] : memref<128x128xf32, #tpu.memory_space<vmem>>, vector<128x128xf32>
    %get3A_2 = arith.constant 0 : index
    %get3A_3 = arith.constant 0 : index
    %get3A_4 = vector.load %arg8[%get3A_2, %get3A_3] : memref<128x128xf32, #tpu.memory_space<vmem>>, vector<128x128xf32>
    %get3A_5 = arith.constant 0 : index
    %get3A_6 = arith.constant 0 : index
    %get3A_7 = vector.load %arg9[%get3A_5, %get3A_6] : memref<1x128xf32, #tpu.memory_space<vmem>>, vector<1x128xf32>
    %get3A_8 = arith.constant 0 : index
    %get3A_9 = arith.constant 0 : index
    %get3A_10 = vector.load %arg10[%get3A_8, %get3A_9] : memref<128x128xf32, #tpu.memory_space<vmem>>, vector<128x128xf32>
    %get3A_11 = arith.constant 0 : index
    %get3A_12 = arith.constant 0 : index
    %get3A_13 = vector.load %arg11[%get3A_11, %get3A_12] : memref<1x128xf32, #tpu.memory_space<vmem>>, vector<1x128xf32>
    %get3A_14 = arith.constant 0 : index
    %get3A_15 = arith.constant 0 : index
    %get3A_16 = arith.constant 0 : index
    %get3A_17 = vector.load %arg1[%get3A_14, %get3A_15, %get3A_16] : memref<4x4096x128xf32, #tpu.memory_space<vmem>>, vector<1x4096x128xf32>
    %get3A_18 = vector.shape_cast %get3A_17 : vector<1x4096x128xf32> to vector<4096x128xf32>
    %dot_general3A = arith.constant dense<0.000000e+00> : vector<4096x128xf32>
    %dot_general3A_19 = tpu.matmul %get3A_18, %get3A_1, %dot_general3A {dimension_numbers = #tpu.dot_dimension_numbers<[1], [0], [0], [1], [0, 0, 1, 1], [], []>, transpose_lhs_hint = false} : vector<4096x128xf32>, vector<128x128xf32>, vector<4096x128xf32> -> vector<4096x128xf32>
    %get3A_20 = arith.constant 2 : index
    %get3A_21 = arith.constant 0 : index
    %get3A_22 = arith.constant 0 : index
    %get3A_23 = vector.load %arg1[%get3A_20, %get3A_21, %get3A_22] : memref<4x4096x128xf32, #tpu.memory_space<vmem>>, vector<1x4096x128xf32>
    %get3A_24 = vector.shape_cast %get3A_23 : vector<1x4096x128xf32> to vector<4096x128xf32>
    %dot_general3A_25 = arith.constant dense<0.000000e+00> : vector<4096x128xf32>
    %dot_general3A_26 = tpu.matmul %get3A_24, %get3A_4, %dot_general3A_25 {dimension_numbers = #tpu.dot_dimension_numbers<[1], [0], [0], [1], [0, 0, 1, 1], [], []>, transpose_lhs_hint = false} : vector<4096x128xf32>, vector<128x128xf32>, vector<4096x128xf32> -> vector<4096x128xf32>
    %add3A = arith.addf %dot_general3A_19, %dot_general3A_26 : vector<4096x128xf32>
    %add3A_27 = vector.broadcast %get3A_7 : vector<1x128xf32> to vector<4096x128xf32>
    %add3A_28 = arith.addf %add3A, %add3A_27 : vector<4096x128xf32>
    %gt3A = arith.constant 0.000000e+00 : f32
    %gt3A_29 = vector.broadcast %gt3A : f32 to vector<4096x128xf32>
    %gt3A_30 = arith.cmpf ogt, %add3A_28, %gt3A_29 : vector<4096x128xf32>
    %min3A = arith.constant 0.000000e+00 : f32
    %min3A_31 = vector.broadcast %min3A : f32 to vector<4096x128xf32>
    %min3A_32 = arith.minimumf %add3A_28, %min3A_31 : vector<4096x128xf32>
    %exp3A = math.exp %min3A_32 : vector<4096x128xf32>
    %sub3A = arith.constant 1.000000e+00 : f32
    %sub3A_33 = vector.broadcast %sub3A : f32 to vector<4096x128xf32>
    %sub3A_34 = arith.subf %exp3A, %sub3A_33 : vector<4096x128xf32>
    %select_n3A = arith.select %gt3A_30, %add3A_28, %sub3A_34 : vector<4096x128xi1>, vector<4096x128xf32>
    %dot_general3A_35 = arith.constant dense<0.000000e+00> : vector<4096x128xf32>
    %dot_general3A_36 = tpu.matmul %select_n3A, %get3A_10, %dot_general3A_35 {dimension_numbers = #tpu.dot_dimension_numbers<[1], [0], [0], [1], [0, 0, 1, 1], [], []>, transpose_lhs_hint = false} : vector<4096x128xf32>, vector<128x128xf32>, vector<4096x128xf32> -> vector<4096x128xf32>
    %add3A_37 = vector.broadcast %get3A_13 : vector<1x128xf32> to vector<4096x128xf32>
    %add3A_38 = arith.addf %dot_general3A_36, %add3A_37 : vector<4096x128xf32>
    %get3A_39 = arith.constant 0 : index
    %get3A_40 = arith.constant 0 : index
    %get3A_41 = vector.load %arg5[%get3A_39, %get3A_40] : memref<4096x128xf32, #tpu.memory_space<vmem>>, vector<4096x128xf32>
    %mul3A = arith.mulf %add3A_38, %add3A_38 : vector<4096x128xf32>
    %reduce_sum3A = arith.constant dense<0.000000e+00> : vector<4096xf32>
    %reduce_sum3A_42 = vector.multi_reduction <add>, %mul3A, %reduce_sum3A [1] : vector<4096x128xf32> to vector<4096xf32>
    %broadcast_in_dim3A = vector.shape_cast %reduce_sum3A_42 : vector<4096xf32> to vector<4096x1xf32>
    %sqrt3A = math.sqrt %broadcast_in_dim3A : vector<4096x1xf32>
    %add3A_43 = arith.constant 9.99999993E-9 : f32
    %add3A_44 = vector.broadcast %add3A_43 : f32 to vector<4096x1xf32>
    %add3A_45 = arith.addf %sqrt3A, %add3A_44 : vector<4096x1xf32>
    %div3A = vector.broadcast %add3A_45 : vector<4096x1xf32> to vector<4096x128xf32>
    %div3A_46 = arith.divf %add3A_38, %div3A : vector<4096x128xf32>
    %mul3A_47 = arith.mulf %get3A_41, %get3A_41 : vector<4096x128xf32>
    %reduce_sum3A_48 = arith.constant dense<0.000000e+00> : vector<4096xf32>
    %reduce_sum3A_49 = vector.multi_reduction <add>, %mul3A_47, %reduce_sum3A_48 [1] : vector<4096x128xf32> to vector<4096xf32>
    %broadcast_in_dim3A_50 = vector.shape_cast %reduce_sum3A_49 : vector<4096xf32> to vector<4096x1xf32>
    %sqrt3A_51 = math.sqrt %broadcast_in_dim3A_50 : vector<4096x1xf32>
    %add3A_52 = arith.constant 9.99999993E-9 : f32
    %add3A_53 = vector.broadcast %add3A_52 : f32 to vector<4096x1xf32>
    %add3A_54 = arith.addf %sqrt3A_51, %add3A_53 : vector<4096x1xf32>
    %div3A_55 = vector.broadcast %add3A_54 : vector<4096x1xf32> to vector<4096x128xf32>
    %div3A_56 = arith.divf %get3A_41, %div3A_55 : vector<4096x128xf32>
    %mul3A_57 = arith.mulf %div3A_46, %div3A_56 : vector<4096x128xf32>
    %reduce_sum3A_58 = arith.constant dense<0.000000e+00> : vector<4096xf32>
    %reduce_sum3A_59 = vector.multi_reduction <add>, %mul3A_57, %reduce_sum3A_58 [1] : vector<4096x128xf32> to vector<4096xf32>
    %sub3A_60 = arith.constant 1.000000e+00 : f32
    %sub3A_61 = vector.broadcast %sub3A_60 : f32 to vector<4096xf32>
    %sub3A_62 = arith.subf %sub3A_61, %reduce_sum3A_59 : vector<4096xf32>
    %integer_pow3A = arith.mulf %sub3A_62, %sub3A_62 : vector<4096xf32>
    %reduce_sum3A_63 = vector.shape_cast %integer_pow3A : vector<4096xf32> to vector<1x4096xf32>
    %reduce_sum3A_64 = arith.constant dense<0.000000e+00> : vector<1xf32>
    %reduce_sum3A_65 = vector.multi_reduction <add>, %reduce_sum3A_63, %reduce_sum3A_64 [1] : vector<1x4096xf32> to vector<1xf32>
    %reduce_sum3A_66 = vector.shape_cast %reduce_sum3A_65 : vector<1xf32> to vector<1x1xf32>
    %reduce_sum3A_67 = vector.extract %reduce_sum3A_66[0, 0] : f32 from vector<1x1xf32>
    %div3A_68 = arith.constant 4.096000e+03 : f32
    %div3A_69 = arith.divf %reduce_sum3A_67, %div3A_68 : f32
    %add3A_70 = arith.constant 0.000000e+00 : f32
    %add3A_71 = arith.addf %add3A_70, %div3A_69 : f32
    %get3A_72 = arith.constant 1 : index
    %get3A_73 = arith.constant 0 : index
    %get3A_74 = arith.constant 0 : index
    %get3A_75 = vector.load %arg1[%get3A_72, %get3A_73, %get3A_74] : memref<4x4096x128xf32, #tpu.memory_space<vmem>>, vector<1x4096x128xf32>
    %get3A_76 = vector.shape_cast %get3A_75 : vector<1x4096x128xf32> to vector<4096x128xf32>
    %dot_general3A_77 = arith.constant dense<0.000000e+00> : vector<4096x128xf32>
    %dot_general3A_78 = tpu.matmul %get3A_76, %get3A_1, %dot_general3A_77 {dimension_numbers = #tpu.dot_dimension_numbers<[1], [0], [0], [1], [0, 0, 1, 1], [], []>, transpose_lhs_hint = false} : vector<4096x128xf32>, vector<128x128xf32>, vector<4096x128xf32> -> vector<4096x128xf32>
    %get3A_79 = arith.constant 3 : index
    %get3A_80 = arith.constant 0 : index
    %get3A_81 = arith.constant 0 : index
    %get3A_82 = vector.load %arg1[%get3A_79, %get3A_80, %get3A_81] : memref<4x4096x128xf32, #tpu.memory_space<vmem>>, vector<1x4096x128xf32>
    %get3A_83 = vector.shape_cast %get3A_82 : vector<1x4096x128xf32> to vector<4096x128xf32>
    %dot_general3A_84 = arith.constant dense<0.000000e+00> : vector<4096x128xf32>
    %dot_general3A_85 = tpu.matmul %get3A_83, %get3A_4, %dot_general3A_84 {dimension_numbers = #tpu.dot_dimension_numbers<[1], [0], [0], [1], [0, 0, 1, 1], [], []>, transpose_lhs_hint = false} : vector<4096x128xf32>, vector<128x128xf32>, vector<4096x128xf32> -> vector<4096x128xf32>
    %add3A_86 = arith.addf %dot_general3A_78, %dot_general3A_85 : vector<4096x128xf32>
    %add3A_87 = vector.broadcast %get3A_7 : vector<1x128xf32> to vector<4096x128xf32>
    %add3A_88 = arith.addf %add3A_86, %add3A_87 : vector<4096x128xf32>
    %gt3A_89 = arith.constant 0.000000e+00 : f32
    %gt3A_90 = vector.broadcast %gt3A_89 : f32 to vector<4096x128xf32>
    %gt3A_91 = arith.cmpf ogt, %add3A_88, %gt3A_90 : vector<4096x128xf32>
    %min3A_92 = arith.constant 0.000000e+00 : f32
    %min3A_93 = vector.broadcast %min3A_92 : f32 to vector<4096x128xf32>
    %min3A_94 = arith.minimumf %add3A_88, %min3A_93 : vector<4096x128xf32>
    %exp3A_95 = math.exp %min3A_94 : vector<4096x128xf32>
    %sub3A_96 = arith.constant 1.000000e+00 : f32
    %sub3A_97 = vector.broadcast %sub3A_96 : f32 to vector<4096x128xf32>
    %sub3A_98 = arith.subf %exp3A_95, %sub3A_97 : vector<4096x128xf32>
    %select_n3A_99 = arith.select %gt3A_91, %add3A_88, %sub3A_98 : vector<4096x128xi1>, vector<4096x128xf32>
    %dot_general3A_100 = arith.constant dense<0.000000e+00> : vector<4096x128xf32>
    %dot_general3A_101 = tpu.matmul %select_n3A_99, %get3A_10, %dot_general3A_100 {dimension_numbers = #tpu.dot_dimension_numbers<[1], [0], [0], [1], [0, 0, 1, 1], [], []>, transpose_lhs_hint = false} : vector<4096x128xf32>, vector<128x128xf32>, vector<4096x128xf32> -> vector<4096x128xf32>
    %add3A_102 = vector.broadcast %get3A_13 : vector<1x128xf32> to vector<4096x128xf32>
    %add3A_103 = arith.addf %dot_general3A_101, %add3A_102 : vector<4096x128xf32>
    %get3A_104 = arith.constant 0 : index
    %get3A_105 = arith.constant 0 : index
    %get3A_106 = vector.load %arg6[%get3A_104, %get3A_105] : memref<4096x128xf32, #tpu.memory_space<vmem>>, vector<4096x128xf32>
    %mul3A_107 = arith.mulf %add3A_103, %add3A_103 : vector<4096x128xf32>
    %reduce_sum3A_108 = arith.constant dense<0.000000e+00> : vector<4096xf32>
    %reduce_sum3A_109 = vector.multi_reduction <add>, %mul3A_107, %reduce_sum3A_108 [1] : vector<4096x128xf32> to vector<4096xf32>
    %broadcast_in_dim3A_110 = vector.shape_cast %reduce_sum3A_109 : vector<4096xf32> to vector<4096x1xf32>
    %sqrt3A_111 = math.sqrt %broadcast_in_dim3A_110 : vector<4096x1xf32>
    %add3A_112 = arith.constant 9.99999993E-9 : f32
    %add3A_113 = vector.broadcast %add3A_112 : f32 to vector<4096x1xf32>
    %add3A_114 = arith.addf %sqrt3A_111, %add3A_113 : vector<4096x1xf32>
    %div3A_115 = vector.broadcast %add3A_114 : vector<4096x1xf32> to vector<4096x128xf32>
    %div3A_116 = arith.divf %add3A_103, %div3A_115 : vector<4096x128xf32>
    %mul3A_117 = arith.mulf %get3A_106, %get3A_106 : vector<4096x128xf32>
    %reduce_sum3A_118 = arith.constant dense<0.000000e+00> : vector<4096xf32>
    %reduce_sum3A_119 = vector.multi_reduction <add>, %mul3A_117, %reduce_sum3A_118 [1] : vector<4096x128xf32> to vector<4096xf32>
    %broadcast_in_dim3A_120 = vector.shape_cast %reduce_sum3A_119 : vector<4096xf32> to vector<4096x1xf32>
    %sqrt3A_121 = math.sqrt %broadcast_in_dim3A_120 : vector<4096x1xf32>
    %add3A_122 = arith.constant 9.99999993E-9 : f32
    %add3A_123 = vector.broadcast %add3A_122 : f32 to vector<4096x1xf32>
    %add3A_124 = arith.addf %sqrt3A_121, %add3A_123 : vector<4096x1xf32>
    %div3A_125 = vector.broadcast %add3A_124 : vector<4096x1xf32> to vector<4096x128xf32>
    %div3A_126 = arith.divf %get3A_106, %div3A_125 : vector<4096x128xf32>
    %mul3A_127 = arith.mulf %div3A_116, %div3A_126 : vector<4096x128xf32>
    %reduce_sum3A_128 = arith.constant dense<0.000000e+00> : vector<4096xf32>
    %reduce_sum3A_129 = vector.multi_reduction <add>, %mul3A_127, %reduce_sum3A_128 [1] : vector<4096x128xf32> to vector<4096xf32>
    %sub3A_130 = arith.constant 1.000000e+00 : f32
    %sub3A_131 = vector.broadcast %sub3A_130 : f32 to vector<4096xf32>
    %sub3A_132 = arith.subf %sub3A_131, %reduce_sum3A_129 : vector<4096xf32>
    %integer_pow3A_133 = arith.mulf %sub3A_132, %sub3A_132 : vector<4096xf32>
    %reduce_sum3A_134 = vector.shape_cast %integer_pow3A_133 : vector<4096xf32> to vector<1x4096xf32>
    %reduce_sum3A_135 = arith.constant dense<0.000000e+00> : vector<1xf32>
    %reduce_sum3A_136 = vector.multi_reduction <add>, %reduce_sum3A_134, %reduce_sum3A_135 [1] : vector<1x4096xf32> to vector<1xf32>
    %reduce_sum3A_137 = vector.shape_cast %reduce_sum3A_136 : vector<1xf32> to vector<1x1xf32>
    %reduce_sum3A_138 = vector.extract %reduce_sum3A_137[0, 0] : f32 from vector<1x1xf32>
    %div3A_139 = arith.constant 4.096000e+03 : f32
    %div3A_140 = arith.divf %reduce_sum3A_138, %div3A_139 : f32
    %add3A_141 = arith.addf %add3A_71, %div3A_140 : f32
    %mul3A_142 = arith.constant 5.000000e-01 : f32
    %mul3A_143 = arith.mulf %add3A_141, %mul3A_142 : f32
    %get3A_144 = arith.constant 0 : index
    %get3A_145 = arith.constant 0 : index
    %get3A_146 = vector.load %arg2[%get3A_144, %get3A_145] : memref<4x4096xf32, #tpu.memory_space<vmem>>, vector<4x4096xf32>
    %get3A_147 = arith.constant 0 : index
    %get3A_148 = arith.constant 0 : index
    %get3A_149 = vector.load %arg3[%get3A_147, %get3A_148] : memref<4x4096xf32, #tpu.memory_space<vmem>>, vector<4x4096xf32>
    %get3A_150 = arith.constant 0 : index
    %get3A_151 = arith.constant 0 : index
    %get3A_152 = vector.load %arg4[%get3A_150, %get3A_151] : memref<4x4096xf32, #tpu.memory_space<vmem>>, vector<4x4096xf32>
    %div3A_153 = arith.divf %get3A_152, %get3A_146 : vector<4x4096xf32>
    %add3A_154 = arith.constant 9.99999993E-9 : f32
    %add3A_155 = vector.broadcast %add3A_154 : f32 to vector<4x4096xf32>
    %add3A_156 = arith.addf %div3A_153, %add3A_155 : vector<4x4096xf32>
    %log3A = math.log %add3A_156 : vector<4x4096xf32>
    %reduce_sum3A_157 = arith.constant dense<0.000000e+00> : vector<4xf32>
    %reduce_sum3A_158 = vector.multi_reduction <add>, %log3A, %reduce_sum3A_157 [1] : vector<4x4096xf32> to vector<4xf32>
    %div3A_159 = arith.constant 4.096000e+03 : f32
    %div3A_160 = vector.broadcast %div3A_159 : f32 to vector<4xf32>
    %div3A_161 = arith.divf %reduce_sum3A_158, %div3A_160 : vector<4xf32>
    %neg3A = arith.constant 0.000000e+00 : f32
    %neg3A_162 = vector.broadcast %neg3A : f32 to vector<4xf32>
    %neg3A_163 = arith.subf %neg3A_162, %div3A_161 : vector<4xf32>
    %div3A_164 = arith.divf %get3A_152, %get3A_149 : vector<4x4096xf32>
    %add3A_165 = arith.constant 9.99999993E-9 : f32
    %add3A_166 = vector.broadcast %add3A_165 : f32 to vector<4x4096xf32>
    %add3A_167 = arith.addf %div3A_164, %add3A_166 : vector<4x4096xf32>
    %log3A_168 = math.log %add3A_167 : vector<4x4096xf32>
    %reduce_sum3A_169 = arith.constant dense<0.000000e+00> : vector<4xf32>
    %reduce_sum3A_170 = vector.multi_reduction <add>, %log3A_168, %reduce_sum3A_169 [1] : vector<4x4096xf32> to vector<4xf32>
    %div3A_171 = arith.constant 4.096000e+03 : f32
    %div3A_172 = vector.broadcast %div3A_171 : f32 to vector<4xf32>
    %div3A_173 = arith.divf %reduce_sum3A_170, %div3A_172 : vector<4xf32>
    %neg3A_174 = arith.constant 0.000000e+00 : f32
    %neg3A_175 = vector.broadcast %neg3A_174 : f32 to vector<4xf32>
    %neg3A_176 = arith.subf %neg3A_175, %div3A_173 : vector<4xf32>
    %add3A_177 = arith.addf %neg3A_163, %neg3A_176 : vector<4xf32>
    %mul3A_178 = arith.constant 5.000000e-01 : f32
    %mul3A_179 = vector.broadcast %mul3A_178 : f32 to vector<4xf32>
    %mul3A_180 = arith.mulf %mul3A_179, %add3A_177 : vector<4xf32>
    %reduce_sum3A_181 = vector.shape_cast %mul3A_180 : vector<4xf32> to vector<1x4xf32>
    %reduce_sum3A_182 = arith.constant dense<0.000000e+00> : vector<1xf32>
    %reduce_sum3A_183 = vector.multi_reduction <add>, %reduce_sum3A_181, %reduce_sum3A_182 [1] : vector<1x4xf32> to vector<1xf32>
    %reduce_sum3A_184 = vector.shape_cast %reduce_sum3A_183 : vector<1xf32> to vector<1x1xf32>
    %reduce_sum3A_185 = vector.extract %reduce_sum3A_184[0, 0] : f32 from vector<1x1xf32>
    %get3A_186 = arith.constant 0 : index
    %get3A_187 = arith.constant 0 : index
    %get3A_188 = vector.load %arg0[%get3A_186, %get3A_187] : memref<4096x128xf32, #tpu.memory_space<vmem>>, vector<4096x128xf32>
    %slice3A = vector.extract_strided_slice %get3A_188 {offsets = [0, 0], sizes = [1, 128], strides = [1, 1]} : vector<4096x128xf32> to vector<1x128xf32>
    %sub3A_189 = vector.broadcast %slice3A : vector<1x128xf32> to vector<4096x128xf32>
    %sub3A_190 = arith.subf %get3A_188, %sub3A_189 : vector<4096x128xf32>
    %integer_pow3A_191 = arith.mulf %sub3A_190, %sub3A_190 : vector<4096x128xf32>
    %reduce_sum3A_192 = arith.constant dense<0.000000e+00> : vector<4096xf32>
    %reduce_sum3A_193 = vector.multi_reduction <add>, %integer_pow3A_191, %reduce_sum3A_192 [1] : vector<4096x128xf32> to vector<4096xf32>
    %broadcast_in_dim3A_194 = vector.shape_cast %reduce_sum3A_193 : vector<4096xf32> to vector<4096x1xf32>
    %add3A_195 = arith.constant 1.000000e+00 : f32
    %add3A_196 = vector.broadcast %add3A_195 : f32 to vector<4096x1xf32>
    %add3A_197 = arith.addf %add3A_196, %broadcast_in_dim3A_194 : vector<4096x1xf32>
    %div3A_198 = arith.constant 1.000000e+00 : f32
    %div3A_199 = vector.broadcast %div3A_198 : f32 to vector<4096x1xf32>
    %div3A_200 = arith.divf %div3A_199, %add3A_197 : vector<4096x1xf32>
    %slice3A_201 = vector.extract_strided_slice %get3A_188 {offsets = [1, 0], sizes = [1, 128], strides = [1, 1]} : vector<4096x128xf32> to vector<1x128xf32>
    %sub3A_202 = vector.broadcast %slice3A_201 : vector<1x128xf32> to vector<4096x128xf32>
    %sub3A_203 = arith.subf %get3A_188, %sub3A_202 : vector<4096x128xf32>
    %integer_pow3A_204 = arith.mulf %sub3A_203, %sub3A_203 : vector<4096x128xf32>
    %reduce_sum3A_205 = arith.constant dense<0.000000e+00> : vector<4096xf32>
    %reduce_sum3A_206 = vector.multi_reduction <add>, %integer_pow3A_204, %reduce_sum3A_205 [1] : vector<4096x128xf32> to vector<4096xf32>
    %broadcast_in_dim3A_207 = vector.shape_cast %reduce_sum3A_206 : vector<4096xf32> to vector<4096x1xf32>
    %add3A_208 = arith.constant 1.000000e+00 : f32
    %add3A_209 = vector.broadcast %add3A_208 : f32 to vector<4096x1xf32>
    %add3A_210 = arith.addf %add3A_209, %broadcast_in_dim3A_207 : vector<4096x1xf32>
    %div3A_211 = arith.constant 1.000000e+00 : f32
    %div3A_212 = vector.broadcast %div3A_211 : f32 to vector<4096x1xf32>
    %div3A_213 = arith.divf %div3A_212, %add3A_210 : vector<4096x1xf32>
    %slice3A_214 = vector.extract_strided_slice %get3A_188 {offsets = [2, 0], sizes = [1, 128], strides = [1, 1]} : vector<4096x128xf32> to vector<1x128xf32>
    %sub3A_215 = vector.broadcast %slice3A_214 : vector<1x128xf32> to vector<4096x128xf32>
    %sub3A_216 = arith.subf %get3A_188, %sub3A_215 : vector<4096x128xf32>
    %integer_pow3A_217 = arith.mulf %sub3A_216, %sub3A_216 : vector<4096x128xf32>
    %reduce_sum3A_218 = arith.constant dense<0.000000e+00> : vector<4096xf32>
    %reduce_sum3A_219 = vector.multi_reduction <add>, %integer_pow3A_217, %reduce_sum3A_218 [1] : vector<4096x128xf32> to vector<4096xf32>
    %broadcast_in_dim3A_220 = vector.shape_cast %reduce_sum3A_219 : vector<4096xf32> to vector<4096x1xf32>
    %add3A_221 = arith.constant 1.000000e+00 : f32
    %add3A_222 = vector.broadcast %add3A_221 : f32 to vector<4096x1xf32>
    %add3A_223 = arith.addf %add3A_222, %broadcast_in_dim3A_220 : vector<4096x1xf32>
    %div3A_224 = arith.constant 1.000000e+00 : f32
    %div3A_225 = vector.broadcast %div3A_224 : f32 to vector<4096x1xf32>
    %div3A_226 = arith.divf %div3A_225, %add3A_223 : vector<4096x1xf32>
    %slice3A_227 = vector.extract_strided_slice %get3A_188 {offsets = [3, 0], sizes = [1, 128], strides = [1, 1]} : vector<4096x128xf32> to vector<1x128xf32>
    %sub3A_228 = vector.broadcast %slice3A_227 : vector<1x128xf32> to vector<4096x128xf32>
    %sub3A_229 = arith.subf %get3A_188, %sub3A_228 : vector<4096x128xf32>
    %integer_pow3A_230 = arith.mulf %sub3A_229, %sub3A_229 : vector<4096x128xf32>
    %reduce_sum3A_231 = arith.constant dense<0.000000e+00> : vector<4096xf32>
    %reduce_sum3A_232 = vector.multi_reduction <add>, %integer_pow3A_230, %reduce_sum3A_231 [1] : vector<4096x128xf32> to vector<4096xf32>
    %broadcast_in_dim3A_233 = vector.shape_cast %reduce_sum3A_232 : vector<4096xf32> to vector<4096x1xf32>
    %add3A_234 = arith.constant 1.000000e+00 : f32
    %add3A_235 = vector.broadcast %add3A_234 : f32 to vector<4096x1xf32>
    %add3A_236 = arith.addf %add3A_235, %broadcast_in_dim3A_233 : vector<4096x1xf32>
    %div3A_237 = arith.constant 1.000000e+00 : f32
    %div3A_238 = vector.broadcast %div3A_237 : f32 to vector<4096x1xf32>
    %div3A_239 = arith.divf %div3A_238, %add3A_236 : vector<4096x1xf32>
    %slice3A_240 = vector.extract_strided_slice %get3A_188 {offsets = [4, 0], sizes = [1, 128], strides = [1, 1]} : vector<4096x128xf32> to vector<1x128xf32>
    %sub3A_241 = vector.broadcast %slice3A_240 : vector<1x128xf32> to vector<4096x128xf32>
    %sub3A_242 = arith.subf %get3A_188, %sub3A_241 : vector<4096x128xf32>
    %integer_pow3A_243 = arith.mulf %sub3A_242, %sub3A_242 : vector<4096x128xf32>
    %reduce_sum3A_244 = arith.constant dense<0.000000e+00> : vector<4096xf32>
    %reduce_sum3A_245 = vector.multi_reduction <add>, %integer_pow3A_243, %reduce_sum3A_244 [1] : vector<4096x128xf32> to vector<4096xf32>
    %broadcast_in_dim3A_246 = vector.shape_cast %reduce_sum3A_245 : vector<4096xf32> to vector<4096x1xf32>
    %add3A_247 = arith.constant 1.000000e+00 : f32
    %add3A_248 = vector.broadcast %add3A_247 : f32 to vector<4096x1xf32>
    %add3A_249 = arith.addf %add3A_248, %broadcast_in_dim3A_246 : vector<4096x1xf32>
    %div3A_250 = arith.constant 1.000000e+00 : f32
    %div3A_251 = vector.broadcast %div3A_250 : f32 to vector<4096x1xf32>
    %div3A_252 = arith.divf %div3A_251, %add3A_249 : vector<4096x1xf32>
    %slice3A_253 = vector.extract_strided_slice %get3A_188 {offsets = [5, 0], sizes = [1, 128], strides = [1, 1]} : vector<4096x128xf32> to vector<1x128xf32>
    %sub3A_254 = vector.broadcast %slice3A_253 : vector<1x128xf32> to vector<4096x128xf32>
    %sub3A_255 = arith.subf %get3A_188, %sub3A_254 : vector<4096x128xf32>
    %integer_pow3A_256 = arith.mulf %sub3A_255, %sub3A_255 : vector<4096x128xf32>
    %reduce_sum3A_257 = arith.constant dense<0.000000e+00> : vector<4096xf32>
    %reduce_sum3A_258 = vector.multi_reduction <add>, %integer_pow3A_256, %reduce_sum3A_257 [1] : vector<4096x128xf32> to vector<4096xf32>
    %broadcast_in_dim3A_259 = vector.shape_cast %reduce_sum3A_258 : vector<4096xf32> to vector<4096x1xf32>
    %add3A_260 = arith.constant 1.000000e+00 : f32
    %add3A_261 = vector.broadcast %add3A_260 : f32 to vector<4096x1xf32>
    %add3A_262 = arith.addf %add3A_261, %broadcast_in_dim3A_259 : vector<4096x1xf32>
    %div3A_263 = arith.constant 1.000000e+00 : f32
    %div3A_264 = vector.broadcast %div3A_263 : f32 to vector<4096x1xf32>
    %div3A_265 = arith.divf %div3A_264, %add3A_262 : vector<4096x1xf32>
    %slice3A_266 = vector.extract_strided_slice %get3A_188 {offsets = [6, 0], sizes = [1, 128], strides = [1, 1]} : vector<4096x128xf32> to vector<1x128xf32>
    %sub3A_267 = vector.broadcast %slice3A_266 : vector<1x128xf32> to vector<4096x128xf32>
    %sub3A_268 = arith.subf %get3A_188, %sub3A_267 : vector<4096x128xf32>
    %integer_pow3A_269 = arith.mulf %sub3A_268, %sub3A_268 : vector<4096x128xf32>
    %reduce_sum3A_270 = arith.constant dense<0.000000e+00> : vector<4096xf32>
    %reduce_sum3A_271 = vector.multi_reduction <add>, %integer_pow3A_269, %reduce_sum3A_270 [1] : vector<4096x128xf32> to vector<4096xf32>
    %broadcast_in_dim3A_272 = vector.shape_cast %reduce_sum3A_271 : vector<4096xf32> to vector<4096x1xf32>
    %add3A_273 = arith.constant 1.000000e+00 : f32
    %add3A_274 = vector.broadcast %add3A_273 : f32 to vector<4096x1xf32>
    %add3A_275 = arith.addf %add3A_274, %broadcast_in_dim3A_272 : vector<4096x1xf32>
    %div3A_276 = arith.constant 1.000000e+00 : f32
    %div3A_277 = vector.broadcast %div3A_276 : f32 to vector<4096x1xf32>
    %div3A_278 = arith.divf %div3A_277, %add3A_275 : vector<4096x1xf32>
    %slice3A_279 = vector.extract_strided_slice %get3A_188 {offsets = [7, 0], sizes = [1, 128], strides = [1, 1]} : vector<4096x128xf32> to vector<1x128xf32>
    %sub3A_280 = vector.broadcast %slice3A_279 : vector<1x128xf32> to vector<4096x128xf32>
    %sub3A_281 = arith.subf %get3A_188, %sub3A_280 : vector<4096x128xf32>
    %integer_pow3A_282 = arith.mulf %sub3A_281, %sub3A_281 : vector<4096x128xf32>
    %reduce_sum3A_283 = arith.constant dense<0.000000e+00> : vector<4096xf32>
    %reduce_sum3A_284 = vector.multi_reduction <add>, %integer_pow3A_282, %reduce_sum3A_283 [1] : vector<4096x128xf32> to vector<4096xf32>
    %broadcast_in_dim3A_285 = vector.shape_cast %reduce_sum3A_284 : vector<4096xf32> to vector<4096x1xf32>
    %add3A_286 = arith.constant 1.000000e+00 : f32
    %add3A_287 = vector.broadcast %add3A_286 : f32 to vector<4096x1xf32>
    %add3A_288 = arith.addf %add3A_287, %broadcast_in_dim3A_285 : vector<4096x1xf32>
    %div3A_289 = arith.constant 1.000000e+00 : f32
    %div3A_290 = vector.broadcast %div3A_289 : f32 to vector<4096x1xf32>
    %div3A_291 = arith.divf %div3A_290, %add3A_288 : vector<4096x1xf32>
    %slice3A_292 = vector.extract_strided_slice %get3A_188 {offsets = [8, 0], sizes = [1, 128], strides = [1, 1]} : vector<4096x128xf32> to vector<1x128xf32>
    %sub3A_293 = vector.broadcast %slice3A_292 : vector<1x128xf32> to vector<4096x128xf32>
    %sub3A_294 = arith.subf %get3A_188, %sub3A_293 : vector<4096x128xf32>
    %integer_pow3A_295 = arith.mulf %sub3A_294, %sub3A_294 : vector<4096x128xf32>
    %reduce_sum3A_296 = arith.constant dense<0.000000e+00> : vector<4096xf32>
    %reduce_sum3A_297 = vector.multi_reduction <add>, %integer_pow3A_295, %reduce_sum3A_296 [1] : vector<4096x128xf32> to vector<4096xf32>
    %broadcast_in_dim3A_298 = vector.shape_cast %reduce_sum3A_297 : vector<4096xf32> to vector<4096x1xf32>
    %add3A_299 = arith.constant 1.000000e+00 : f32
    %add3A_300 = vector.broadcast %add3A_299 : f32 to vector<4096x1xf32>
    %add3A_301 = arith.addf %add3A_300, %broadcast_in_dim3A_298 : vector<4096x1xf32>
    %div3A_302 = arith.constant 1.000000e+00 : f32
    %div3A_303 = vector.broadcast %div3A_302 : f32 to vector<4096x1xf32>
    %div3A_304 = arith.divf %div3A_303, %add3A_301 : vector<4096x1xf32>
    %slice3A_305 = vector.extract_strided_slice %get3A_188 {offsets = [9, 0], sizes = [1, 128], strides = [1, 1]} : vector<4096x128xf32> to vector<1x128xf32>
    %sub3A_306 = vector.broadcast %slice3A_305 : vector<1x128xf32> to vector<4096x128xf32>
    %sub3A_307 = arith.subf %get3A_188, %sub3A_306 : vector<4096x128xf32>
    %integer_pow3A_308 = arith.mulf %sub3A_307, %sub3A_307 : vector<4096x128xf32>
    %reduce_sum3A_309 = arith.constant dense<0.000000e+00> : vector<4096xf32>
    %reduce_sum3A_310 = vector.multi_reduction <add>, %integer_pow3A_308, %reduce_sum3A_309 [1] : vector<4096x128xf32> to vector<4096xf32>
    %broadcast_in_dim3A_311 = vector.shape_cast %reduce_sum3A_310 : vector<4096xf32> to vector<4096x1xf32>
    %add3A_312 = arith.constant 1.000000e+00 : f32
    %add3A_313 = vector.broadcast %add3A_312 : f32 to vector<4096x1xf32>
    %add3A_314 = arith.addf %add3A_313, %broadcast_in_dim3A_311 : vector<4096x1xf32>
    %div3A_315 = arith.constant 1.000000e+00 : f32
    %div3A_316 = vector.broadcast %div3A_315 : f32 to vector<4096x1xf32>
    %div3A_317 = arith.divf %div3A_316, %add3A_314 : vector<4096x1xf32>
    %broadcast_in_dim3A_318 = arith.constant 0.000000e+00 : f32
    %broadcast_in_dim3A_319 = vector.broadcast %broadcast_in_dim3A_318 : f32 to vector<4096x118xf32>
    %concatenate3A = tpu.concatenate %div3A_200, %div3A_213, %div3A_226, %div3A_239, %div3A_252, %div3A_265, %div3A_278, %div3A_291, %div3A_304, %div3A_317, %broadcast_in_dim3A_319 in 1 : vector<4096x1xf32>, vector<4096x1xf32>, vector<4096x1xf32>, vector<4096x1xf32>, vector<4096x1xf32>, vector<4096x1xf32>, vector<4096x1xf32>, vector<4096x1xf32>, vector<4096x1xf32>, vector<4096x1xf32>, vector<4096x118xf32> -> vector<4096x128xf32>
    %reduce_sum3A_320 = arith.constant dense<0.000000e+00> : vector<4096xf32>
    %reduce_sum3A_321 = vector.multi_reduction <add>, %concatenate3A, %reduce_sum3A_320 [1] : vector<4096x128xf32> to vector<4096xf32>
    %broadcast_in_dim3A_322 = vector.shape_cast %reduce_sum3A_321 : vector<4096xf32> to vector<4096x1xf32>
    %div3A_323 = vector.broadcast %broadcast_in_dim3A_322 : vector<4096x1xf32> to vector<4096x128xf32>
    %div3A_324 = arith.divf %concatenate3A, %div3A_323 : vector<4096x128xf32>
    %iota3A = tpu.iota {dimensions = array<i32: 1>} : vector<1x128xi32>
    %lt3A = arith.constant 10 : i32
    %lt3A_325 = vector.broadcast %lt3A : i32 to vector<1x128xi32>
    %lt3A_326 = arith.cmpi slt, %iota3A, %lt3A_325 : vector<1x128xi32>
    %reduce_sum3A_327 = arith.constant dense<0.000000e+00> : vector<128xf32>
    %reduce_sum3A_328 = vector.multi_reduction <add>, %div3A_324, %reduce_sum3A_327 [0] : vector<4096x128xf32> to vector<128xf32>
    %broadcast_in_dim3A_329 = vector.shape_cast %reduce_sum3A_328 : vector<128xf32> to vector<1x128xf32>
    %mul3A_330 = arith.mulf %div3A_324, %div3A_324 : vector<4096x128xf32>
    %div3A_331 = vector.broadcast %broadcast_in_dim3A_329 : vector<1x128xf32> to vector<4096x128xf32>
    %div3A_332 = arith.divf %mul3A_330, %div3A_331 : vector<4096x128xf32>
    %jit3A = arith.constant 0.000000e+00 : f32
    %broadcast_in_dim3A_333 = vector.shape_cast %lt3A_326 : vector<1x128xi1> to vector<1x128xi1>
    %broadcast_in_dim3A_334 = vector.broadcast %broadcast_in_dim3A_333 : vector<1x128xi1> to vector<4096x128xi1>
    %broadcast_in_dim3A_335 = vector.broadcast %jit3A : f32 to vector<4096x128xf32>
    %select_n3A_336 = arith.select %broadcast_in_dim3A_334, %div3A_332, %broadcast_in_dim3A_335 : vector<4096x128xi1>, vector<4096x128xf32>
    %reduce_sum3A_337 = arith.constant dense<0.000000e+00> : vector<4096xf32>
    %reduce_sum3A_338 = vector.multi_reduction <add>, %select_n3A_336, %reduce_sum3A_337 [1] : vector<4096x128xf32> to vector<4096xf32>
    %broadcast_in_dim3A_339 = vector.shape_cast %reduce_sum3A_338 : vector<4096xf32> to vector<4096x1xf32>
    %div3A_340 = vector.broadcast %broadcast_in_dim3A_339 : vector<4096x1xf32> to vector<4096x128xf32>
    %div3A_341 = arith.divf %select_n3A_336, %div3A_340 : vector<4096x128xf32>
    %add3A_342 = arith.constant 9.99999993E-9 : f32
    %add3A_343 = vector.broadcast %add3A_342 : f32 to vector<4096x128xf32>
    %add3A_344 = arith.addf %div3A_341, %add3A_343 : vector<4096x128xf32>
    %add3A_345 = arith.constant 9.99999993E-9 : f32
    %add3A_346 = vector.broadcast %add3A_345 : f32 to vector<4096x128xf32>
    %add3A_347 = arith.addf %div3A_324, %add3A_346 : vector<4096x128xf32>
    %div3A_348 = arith.divf %add3A_344, %add3A_347 : vector<4096x128xf32>
    %log3A_349 = math.log %div3A_348 : vector<4096x128xf32>
    %mul3A_350 = arith.mulf %div3A_341, %log3A_349 : vector<4096x128xf32>
    %reduce_sum3A_351 = arith.constant dense<0.000000e+00> : vector<4096xf32>
    %reduce_sum3A_352 = vector.multi_reduction <add>, %mul3A_350, %reduce_sum3A_351 [1] : vector<4096x128xf32> to vector<4096xf32>
    %reduce_sum3A_353 = vector.shape_cast %reduce_sum3A_352 : vector<4096xf32> to vector<1x4096xf32>
    %reduce_sum3A_354 = arith.constant dense<0.000000e+00> : vector<1xf32>
    %reduce_sum3A_355 = vector.multi_reduction <add>, %reduce_sum3A_353, %reduce_sum3A_354 [1] : vector<1x4096xf32> to vector<1xf32>
    %reduce_sum3A_356 = vector.shape_cast %reduce_sum3A_355 : vector<1xf32> to vector<1x1xf32>
    %reduce_sum3A_357 = vector.extract %reduce_sum3A_356[0, 0] : f32 from vector<1x1xf32>
    %div3A_358 = arith.constant 4.096000e+03 : f32
    %div3A_359 = arith.divf %reduce_sum3A_357, %div3A_358 : f32
    %reduce_max3A = arith.constant dense<0xFF800000> : vector<4096xf32>
    %reduce_max3A_360 = vector.multi_reduction <maximumf>, %div3A_324, %reduce_max3A [1] : vector<4096x128xf32> to vector<4096xf32>
    %broadcast_in_dim3A_361 = vector.shape_cast %reduce_max3A_360 : vector<4096xf32> to vector<4096x1xf32>
    %iota3A_362 = tpu.iota {dimensions = array<i32: 1>} : vector<4096x128xi32>
    %ge3A = vector.broadcast %broadcast_in_dim3A_361 : vector<4096x1xf32> to vector<4096x128xf32>
    %ge3A_363 = arith.cmpf oge, %div3A_324, %ge3A : vector<4096x128xf32>
    %jit3A_364 = arith.constant 128 : i32
    %broadcast_in_dim3A_365 = vector.broadcast %jit3A_364 : i32 to vector<4096x128xi32>
    %select_n3A_366 = arith.select %ge3A_363, %iota3A_362, %broadcast_in_dim3A_365 : vector<4096x128xi1>, vector<4096x128xi32>
    %reduce_min3A = arith.constant dense<2147483647> : vector<4096xi32>
    %reduce_min3A_367 = vector.multi_reduction <minsi>, %select_n3A_366, %reduce_min3A [1] : vector<4096x128xi32> to vector<4096xi32>
    %reshape3A = vector.shape_cast %reduce_min3A_367 : vector<4096xi32> to vector<1x4096xi32>
    %swap3A = arith.constant 0 : index
    %swap3A_368 = arith.constant 0 : index
    %swap3A_369 = vector.load %arg13[%swap3A, %swap3A_368] : memref<1x4096xi32, #tpu.memory_space<vmem>>, vector<1x4096xi32>
    tpu.vector_store %arg13[%swap3A, %swap3A_368], %reshape3A {strides = array<i32>} : memref<1x4096xi32, #tpu.memory_space<vmem>>, vector<1x4096xi32>,
    %add3A_370 = arith.addf %mul3A_143, %div3A_359 : f32
    %add3A_371 = arith.addf %add3A_370, %reduce_sum3A_185 : f32
    %reshape3A_372 = vector.broadcast %add3A_371 : f32 to vector<1x1xf32>
    %swap3A_373 = arith.constant 0 : index
    %swap3A_374 = arith.constant 0 : index
    %swap3A_375 = vector.load %arg12[%swap3A_373, %swap3A_374] : memref<1x1xf32, #tpu.memory_space<vmem>>, vector<1x1xf32>
    tpu.vector_store %arg12[%swap3A_373, %swap3A_374], %reshape3A_372 {strides = array<i32>} : memref<1x1xf32, #tpu.memory_space<vmem>>, vector<1x1xf32>,
    return
  }
}

</mosaic_0001>

<sc_bundles>
// kernel: kernel.15.cloned.1.call-start
scs
__scs_entry_jumppad:
0x0: {  	(pc) =	sbr.rel $0x88, $3  }
0x1: {  	(tag) =	ssettag $0x0;
	lr =	simm.s32 $0x1  }
0x2: {  	[smem:$0x3F87] =	sst lr;
	_ =	strace $0xD0000000  }
0x3: {  	_ = 	snop  }
0x4: {  	_ = 	snop  }
0x5: {  	_ = 	snop  }
0x6: {  	_ = 	snop  }
0x7: {  	_ = 	snop  }
__scs_overlays_trampoline_lowered:
0x8: {  	[smem:$0x3F96] =	sst s0  }
0x9: {  	[smem:$0x3F97] =	sst s1  }
0xa: {  	[smem:$0x3F98] =	sst s2  }
0xb: {  	[smem:$0x3F99] =	sst s3  }
0xc: {  	[smem:$0x3F9A] =	sst s4  }
0xd: {  	[smem:$0x3F9B] =	sst s5  }
0xe: {  	[smem:$0x3F9C] =	sst s6  }
0xf: {  	[smem:$0x3F9D] =	sst s7  }
0x10: {  	[smem:$0x3F9E] =	sst s8  }
0x11: {  	[smem:$0x3F9F] =	sst s9;
	s0 =	simm.s32 @!p0 $0x0  }
0x12: {  	s1 =	sld [smem:$0x3F85];
	s0 =	simm.s32 @p0 $0x1  }
0x13: {  	[smem:$0x3FA0] =	sst s0;
	s0 =	simm.s32 @!p1 $0x0  }
0x14: {  	s2 =	sld [smem:$0x3F84];
	s0 =	simm.s32 @p1 $0x1  }
0x15: {  	[smem:$0x3FA1] =	sst s0;
	s0 =	simm.s32 @!p2 $0x0  }
0x16: {  	s3 =	sld [smem:$0x3FDB];
	s0 =	simm.s32 @p2 $0x1  }
0x17: {  	s4 =	simm.s32 $0x1BF5;
	[smem:$0x3FA3] =	sst s0  }
0x18: {  	s0 =	sld [smem:$0x3F86];
	_ =	swait.ge [sflag:s4], $0x0  }
0x19: {  	s7 =	sld [smem:$0x3F87]  }
0x1a: {  	s8 =	sadd.s32 $0xFFFFE003, lr  }
0x1b: {  	s9 =	sadd.s32 $0xFFFFFEF7, lr;
	s5 =	simm.s32 $0xFFFFFFFF;
	p2 =	slt.u32 s8, $0xFFFFF086  }
0x1c: {  	p1 =	slt.u32 s9, $0xF7A;
	s5 =	simm.s32 @!p2 $0x0  }
0x1d: {  	s5 =	simm.s32 @p1 $0x1;
	p0 =	seq.s32 s7, s2  }
0x1e: {  	s7 =	smul.u32 @!p0 $0xF7A, s2;
	p2 =	seq.s32 @!p0 s5, $0x0  }
0x1f: {  	s9 =	smul.u32 $0xF7A, s1;
	s8 =	simm.s32 @!p0 $0x1BF5;
	p2 =	por !p2, p0  }
0x20: {  	[sflag:s8] =	ssyncset.s32 @!p0 $0xFFFFF086;
	s6 =	sadd.s32 @!p0 s3, s7;
	s7 =	simm.s32 @!p0 $0x108  }
0x21: {  	s3 =	sadd.s32 s3, s9;
	s6 =	sadd.s32 @!p0 $0x88, s6;
	s7 =	simm.s32 @p2 $0x1082  }
0x22: {  	[simem:s7], [sflag:s8] =	dma.local @!p0 [hbm:s6], $0xF7A  }
0x23: {  	s9 =	sor.u32 $0xD0000000, s2;
	s6 =	simm.s32 $0x108;
	_ =	swait.ge @!p0 [sflag:s8], $0x0  }
0x24: {  	s3 =	sadd.s32 $0x88, s3;
	s6 =	simm.s32 @!p1 $0x1082;
	[sflag:s4] =	ssyncset.s32 $0xFFFFF086  }
0x25: {  	[simem:s6], [sflag:s4] =	dma.local [hbm:s3], $0xF7A  }
0x26: {  	[smem:$0x3F87] =	sst s1;
	(tag) =	ssettag s2;
	_ =	strace s9  }
0x27: {  	s1 =	sld [smem:$0x3F97]  }
0x28: {  	s2 =	sld [smem:$0x3F98]  }
0x29: {  	s4 =	sld [smem:$0x3F9A]  }
0x2a: {  	p0 =	seq.s32 s5, $0x0;
	s5 =	sld [smem:$0x3F9B]  }
0x2b: {  	s6 =	sld [smem:$0x3F9C]  }
0x2c: {  	s7 =	sld [smem:$0x3F9D]  }
0x2d: {  	s3 =	simm.s32 $0x108;
	s8 =	sld [smem:$0x3F9E]  }
0x2e: {  	s3 =	simm.s32 @!p0 $0x1082;
	s9 =	sld [smem:$0x3F9F]  }
0x2f: {  	lr =	sadd.s32 s0, s3;
	s0 =	sld [smem:$0x3F96]  }
0x30: {  	s3 =	sld [smem:$0x3F99]  }
0x31: {  	[smem:$0x3FA2] =	sst s10  }
0x32: {  	s10 =	sld [smem:$0x3FA0];
	_ =	sdelay $0x3  }
0x33: {  	p0 =	seq.s32 s10, $0x1;
	s10 =	sld [smem:$0x3FA2];
	_ =	sdelay $0x3  }
0x34: {  	[smem:$0x3FA2] =	sst s10  }
0x35: {  	s10 =	sld [smem:$0x3FA1];
	_ =	sdelay $0x3  }
0x36: {  	p1 =	seq.s32 s10, $0x1;
	s10 =	sld [smem:$0x3FA2];
	_ =	sdelay $0x3  }
0x37: {  	[smem:$0x3FA2] =	sst s10  }
0x38: {  	s10 =	sld [smem:$0x3FA3]  }
0x39: {  	_ = 	snop;
	(pc) =	sbr.ind lr, $3  }
0x3a: {  	_ = 	snop  }
0x3b: {  	_ = 	snop  }
0x3c: {  	p2 =	seq.s32 s10, $0x1;
	s10 =	sld [smem:$0x3FA2]  }
0x3d: {  	_ =	shalt  }
0x3e: {  	_ =	shalt  }
0x3f: {  	_ =	shalt  }
0x40: {  	_ =	shalt  }
0x41: {  	_ =	shalt  }
0x42: {  	_ =	shalt  }
0x43: {  	_ =	shalt  }
0x44: {  	_ =	shalt  }
0x45: {  	_ =	shalt  }
0x46: {  	_ =	shalt  }
0x47: {  	_ =	shalt  }
0x48: {  	_ =	shalt  }
0x49: {  	_ =	shalt  }
0x4a: {  	_ =	shalt  }
0x4b: {  	_ =	shalt  }
0x4c: {  	_ =	shalt  }
0x4d: {  	_ =	shalt  }
0x4e: {  	_ =	shalt  }
0x4f: {  	_ =	shalt  }
0x50: {  	_ =	shalt  }
0x51: {  	_ =	shalt  }
0x52: {  	_ =	shalt  }
0x53: {  	_ =	shalt  }
0x54: {  	_ =	shalt  }
0x55: {  	_ =	shalt  }
0x56: {  	_ =	shalt  }
0x57: {  	_ =	shalt  }
0x58: {  	_ =	shalt  }
0x59: {  	_ =	shalt  }
0x5a: {  	_ =	shalt  }
0x5b: {  	_ =	shalt  }
0x5c: {  	_ =	shalt  }
0x5d: {  	_ =	shalt  }
0x5e: {  	_ =	shalt  }
0x5f: {  	_ =	shalt  }
0x60: {  	_ =	shalt  }
0x61: {  	_ =	shalt  }
0x62: {  	_ =	shalt  }
0x63: {  	_ =	shalt  }
0x64: {  	_ =	shalt  }
0x65: {  	_ =	shalt  }
0x66: {  	_ =	shalt  }
0x67: {  	_ =	shalt  }
0x68: {  	_ =	shalt  }
0x69: {  	_ =	shalt  }
0x6a: {  	_ =	shalt  }
0x6b: {  	_ =	shalt  }
0x6c: {  	_ =	shalt  }
0x6d: {  	_ =	shalt  }
0x6e: {  	_ =	shalt  }
0x6f: {  	_ =	shalt  }
0x70: {  	_ =	shalt  }
0x71: {  	_ =	shalt  }
0x72: {  	_ =	shalt  }
0x73: {  	_ =	shalt  }
0x74: {  	_ =	shalt  }
0x75: {  	_ =	shalt  }
0x76: {  	_ =	shalt  }
0x77: {  	_ =	shalt  }
0x78: {  	_ =	shalt  }
0x79: {  	_ =	shalt  }
0x7a: {  	_ =	shalt  }
0x7b: {  	_ =	shalt  }
0x7c: {  	_ =	shalt  }
0x7d: {  	_ =	shalt  }
0x7e: {  	_ =	shalt  }
0x7f: {  	_ =	shalt  }
0x80: {  	_ =	shalt  }
0x81: {  	_ =	shalt  }
0x82: {  	_ =	shalt  }
0x83: {  	_ =	shalt  }
0x84: {  	_ =	shalt  }
0x85: {  	_ =	shalt  }
0x86: {  	_ =	shalt  }
0x87: {  	_ =	shalt  }
.Lfunc_end0:
.L_simem_size_0:
called_computation_lowered:
.L_overlay_start_0:
0x88: {  	s2 =	sld [smem:$0x3FD9]  }
0x89: {  	s3 =	sld [smem:$0x3FFE];
	_ =	sdelay $0x1  }
0x8a: {  	s1 =	srdreg.scid  }
0x8b: {  	s0 =	sand.u32 $0x1, s1  }
0x8c: {  	s17 =	sshll.u32 s0, $0xA;
	s2 =	sadd.s32 s3, s2  }
0x8d: {  	s2 =	sadd.s32 s2, s17  }
0x8e: {  	[smem:$0x3FAE] =	sst s2  }
0x8f: {  	_ = 	snop  }
0x90: {  	(tm) =	ssettm $0x1  }
0x91: {  	s18 =	sld [smem:$0x3FFB];
	_ =	sdelay $0x3  }
0x92: {  	_ =	strace s18  }
0x93: {  	s2 =	sld [smem:$0x3FFC];
	_ =	sdelay $0x3  }
0x94: {  	_ =	strace s2  }
0x95: {  	s2 =	sld [smem:$0x3FFD];
	_ =	sdelay $0x3  }
0x96: {  	_ =	strace s2  }
0x97: {  	_ =	strace $0x8FFFFFFF  }
0x98: {  	s19 =	sld [smem:$0x3FDB];
	_ =	sdelay $0x1  }
0x99: {  	s20 =	simm.s32 $_scs_section_size  }
0x9a: {  	s4 =	simm.s32 $_size__tile_overlayer_lowered;
	s5 =	simm.s32 $_tile_overlayer_lowered  }
0x9b: {  	s6 =	simm.s32 $0x1BFF;
	s21 =	sshll.u32 s5, $0x1;
	s3 =	sadd.s32 s20, s19  }
0x9c: {  	s22 =	simm.s32 $0x0;
	s4 =	sshll.u32 s4, $0x1;
	s5 =	sadd.s32 s21, s3  }
0x9d: {  	[timem:s22], [sflag:s6] =	dma.local [hbm:s5], s4  }
0x9e: {  	_ =	swait.ge [sflag:s6], s4  }
0x9f: {  	s4 =	ssub.s32 $0x0, s4;
	[sflag:s6] =	ssyncset.done $0x0  }
0xa0: {  	[sflag:s6] =	ssyncadd.s32 s4;
	_ =	sdelay $0x1  }
0xa1: {  	s23 =	simm.s32 $0x1B8B  }
0xa2: {  	_ =	swait.ge [sflag:s23], $0x1  }
0xa3: {  	[sflag:s23] =	ssyncset.done $0x0  }
0xa4: {  	[sflag:s23] =	ssyncadd.s32 $0xFFFFFFFF  }
0xa5: {  	s4 =	sld [smem:$0x0]  }
0xa6: {  	s5 =	sand.u32 $0xFFFFFFFE, s1  }
0xa7: {  	p0 =	sne.s32 s1, s5  }
0xa8: {  	s5 =	sshll.u32 @p0 s5, $0xE  }
0xa9: {  	s5 =	sadd.s32 @p0 $0x11B8D, s5;
	s6 =	sshll.u32 @p0 s4, $0x11  }
0xaa: {  	s5 =	sor.u32 @p0 s6, s5  }
0xab: {  	[sflag:s5] =	ssyncadd.remote.s32 @p0 $0x1;
	_ =	sdelay $0x1  }
0xac: {  	s5 =	simm.s32 @p0 $0x1B8D  }
0xad: {  	_ =	swait.eq @p0 [sflag:s5], $0x1  }
0xae: {  	[sflag:s5] =	ssyncadd.s32 @p0 $0xFFFFFFFF  }
0xaf: {  	s6 =	sshll.u32 @!p0 s1, $0xE  }
0xb0: {  	s6 =	sor.u32 @!p0 $0x4000, s6;
	s5 =	simm.s32 @!p0 $0x1B8D  }
0xb1: {  	s4 =	sshll.u32 @!p0 s4, $0x11;
	s6 =	sadd.s32 @!p0 $0x11B8D, s6;
	_ =	swait.eq @!p0 [sflag:s5], $0x1  }
0xb2: {  	s4 =	sor.u32 @!p0 s4, s6;
	[sflag:s5] =	ssyncadd.s32 @!p0 $0xFFFFFFFF  }
0xb3: {  	s25 =	simm.s32 $0x1B8E;
	s24 =	sld [smem:$0x3FFE];
	[sflag:s4] =	ssyncadd.remote.s32 @!p0 $0x1  }
0xb4: {  	s26 =	simm.s32 $execute0_lowered;
	[smem:$0x3FD2] =	sst s25  }
0xb5: {  	s5 =	sshll.u32 s26, $0x1;
	_ =	strace $0x8000004C;
	[dreg:$0x1] =	wrdreg $0xFFFFFFFF  }
0xb6: {  	s28 =	simm.s32 $_size_execute0_lowered;
	s3 =	sadd.s32 s3, s5;
	[dreg:$0x0] =	wrdreg $0x0  }
0xb7: {  	s5 =	sshll.u32 s28, $0x1;
	[dreg:$0x2] =	wrdreg s3  }
0xb8: {  	[dreg:$0x3] =	wrdreg s5  }
0xb9: {  	[dreg:$0x4] =	wrdreg $0xC0  }
0xba: {  	_ =	task [dreg:s22], $0x5FFFF  }
0xbb: {  	[dreg:$0x1] =	wrdreg $0xFFFFFFFF  }
0xbc: {  	[dreg:$0x0] =	wrdreg $0x60  }
0xbd: {  	[dreg:$0x2] =	wrdreg s24  }
0xbe: {  	[dreg:$0x3] =	wrdreg $0x60000  }
0xbf: {  	[dreg:$0x4] =	wrdreg $0x9  }
0xc0: {  	_ =	task.clear_ibuf [dreg:s22], $0x5FFFF;
	_ =	strace $0x9000004C  }
0xc1: {  	s29 =	simm.s32 $0x9;
	_ =	strace $0x8000004E  }
0xc2: {  	_ =	swait.ge [sflag:s29], $0x1  }
0xc3: {  	[sflag:s29] =	ssyncadd.s32 $0xFFFFFFFF  }
0xc4: {  	_ =	strace $0x9000004E  }
0xc5: {  	_ =	sfence  }
0xc6: {  	s30 =	sld [smem:$0x0];
	_ =	sdelay $0x2  }
0xc7: {  	s31 =	sshll.u32 s1, $0xD;
	s1 =	sshrl.u32 s1, $0x2  }
0xc8: {  	s4 =	sand.u32 $0x4000, s31;
	s1 =	sadd.s32 s1, s30  }
0xc9: {  	s0 =	sor.u32 s4, s0;
	s1 =	sshll.u32 s1, $0x11  }
0xca: {  	s0 =	sor.u32 s1, s0  }
0xcb: {  	s0 =	sadd.s32 $0x8F2B, s0  }
0xcc: {  	[sflag:s0] =	ssyncadd.remote.s32 $0x1  }
0xcd: {  	_ =	sfence.sel $0xFFFF  }
0xce: {  	[dreg:$0x0] =	wrdreg $0xFFFFFFFF;
	(pc) =	sbr.abs _section_cstart, $3  }
0xcf: {  	[dreg:$0x1] =	wrdreg $0xFFFFFFFF  }
0xd0: {  	_ =	task.clear_ibuf [dreg:s22], $0x2FFFF;
	_ =	strace $0x9FFFFFFF  }
0xd1: {  	(tm) =	ssettm $0x7FFFFFFF  }
tec
execute0_lowered:
.L_overlay_start_1:
0x0: {  	(tag) =	ssettag $0x1  }
0x1: {  	s5 =	rddreg [dreg:$0x0]  }
0x2: {  	s1 =	rddreg [dreg:$0x1]  }
0x3: {  	s3 =	srdreg.scid;
	s0 =	rddreg [dreg:$0x2]  }
0x4: {  	s2 =	simm.s32 $0x0;
	s13 =	simm.s32 $0x80;
	s14 =	simm.s32 $0x0  }
0x5: {  	s6 =	sand.u32 $0x1, s3;
	[smem:$0x7FF] =	sst s2;
	s4 =	sadd.s32 $0x85E00, s5  }
0x6: {  	s3 =	sshll.u32 s6, $0xA;
	_ =	strace $0x8000004D;
	s8 =	ssub.s32 $0x2, s6  }
0x7: {  	s29 =	sshll.u32 s6, $0x10;
	s7 =	sadd.s32 s3, s5;
	s3 =	stileid.u32  }
0x8: {  	s10 =	sshrl.u32 s8, $0x1;
	s9 =	sshll.u32 s3, $0xC;
	s11 =	sshll.u32 s3, $0xB  }
0x9: {  	s8 =	ssub.s32 s8, s10;
	s28 =	sshll.u32 s3, $0xF;
	s31 =	sshll.u32 s3, $0x6  }
0xa: {  	s10 =	simm.s32 $0x2000;
	s9 =	sadd.s32 s9, s5;
	s26 =	sadd.s32 s11, s7  }
0xb: {  	s12 =	sadd.s32 s28, s1;
	s8 =	smax.u32 s8, $0x1;
	s11 =	sor.u32 $0x1C01, s31  }
0xc: {  	s5 =	sadd.s32 $0x5E00, s26;
	s6 =	sadd.s32 $0x35E00, s9;
	s30 =	sadd.s32 s29, s9  }
0xd: {  	s9 =	simm.s32 $0x1;
	s12 =	sshrl.u32 s12, $0x3;
	s7 =	sadd.s32 $0x86600, s30  }
.LBB2_1:
0xe: {  	[tilespmem:s2], [sflag:$0x1] =	stream.linear.gather [hbm4b:s5+s2], $0x2000, $0x38;
	[tilespmem:$0xE000] =	vst v63  }
0xf: {  	_ =	swait.ge [sflag:s9], $0x2000  }
0x10: {  	[sflag:s9] =	ssyncset.done $0x0  }
0x11: {  	[sflag:s9] =	ssyncadd.s32 $0xFFFFE000  }
0x12: {  	[tilespmem:s10], [sflag:$0x1] =	stream.linear.gather [hbm4b:s4+s2], $0x4000, $0x38;
	[tilespmem:$0xE000] =	vst v63  }
0x13: {  	_ =	swait.ge [sflag:s9], $0x4000  }
0x14: {  	[sflag:s9] =	ssyncset.done $0x0  }
0x15: {  	[sflag:s9] =	ssyncadd.s32 $0xFFFFC000  }
0x16: {  	[spmem:s12], [sflag:s11] =	dma.local [hbm:s6], $0x1000  }
0x17: {  	_ =	swait.ge [sflag:s9], $0x1000  }
0x18: {  	[sflag:s9] =	ssyncset.done $0x0  }
0x19: {  	[sflag:s9] =	ssyncadd.s32 $0xFFFFF000  }
0x1a: {  	s15 =	simm.s32 $0x0;
	[bflag:$0x0] =	sbarrier.arrive $0xFFFF  }
0x1b: {  	[spmem:s1] =	stream.indirect.scatter.add.f32 [tilespmem:s10], [sflag:$0x1], $0x80, s15, s13, $0xb8;
	[tilespmem:$0xE000] =	vst v63  }
0x1c: {  	_ =	swait.ge [sflag:s9], $0x4000  }
0x1d: {  	s15 =	simm.s32 $0x200;
	[sflag:s9] =	ssyncset.done $0x0  }
.LBB2_2:
0x1e: {  	s16 =	sshra.s32 s15, $0x2;
	[sflag:s9] =	ssyncadd.s32 $0xFFFFC000;
	p0 =	sne.s32 s15, $0x7E00  }
0x1f: {  	[spmem:s1] =	stream.indirect.scatter.add.f32 [tilespmem:s10], [sflag:$0x1], $0x80, s16, s13, $0xb8;
	[tilespmem:$0xE000] =	vst v63  }
.Ltmp0:
0x20: {  	_ = 	snop;
	(pc) =	sbr.rel @p0 .LBB2_2-.Ltmp0, $4  }
0x21: {  	_ = 	snop  }
0x22: {  	s15 =	sadd.s32 $0x200, s15  }
0x23: {  	_ =	swait.ge [sflag:s9], $0x4000  }
0x24: {  	[sflag:s9] =	ssyncset.done $0x0  }
0x25: {  	s14 =	sadd.s32 $0x1, s14  }
0x26: {  	[sflag:s9] =	ssyncadd.s32 $0xFFFFC000;
	p0 =	sne.s32 s14, s8  }
.Ltmp1:
0x27: {  	[bflag:$0x0] =	sbarrier.arrive $0xFFFF;
	(pc) =	sbr.rel @p0 .LBB2_1-.Ltmp1, $4  }
0x28: {  	[hbm:s7], [sflag:s11] =	dma.local [spmem:s12], $0x1000  }
0x29: {  	_ =	swait.ge [sflag:s9], $0x1000  }
0x2a: {  	[sflag:s9] =	ssyncset.done $0x0  }
0x2b: {  	[sflag:s9] =	ssyncadd.s32 $0xFFFFF000  }
0x2c: {  	_ =	sfence.sel $0x180000  }
0x2d: {  	[bflag:$0x0] =	sbarrier.arrive $0xFFFF  }
0x2e: {  	p0 =	sne.s32 s3, $0x0;
	_ =	strace $0x9000004D  }
0x2f: {  	s0 =	sadd.s32 @!p0 $0x100000, s0;
	[bflag:$0x2] =	sbarrier.arrive $0xFFFF  }
0x30: {  	[sflag:s0] =	ssyncadd.tile.s32 @!p0 $0x1;
	_ =	shalt  }
.Lfunc_end2:
_tile_overlayer_lowered:
.L_overlay_start_2:
0x31: {  	(tag) =	ssettag $0x2  }
0x32: {  	s0 =	rddreg [dreg:$0x0];
	s2 =	stileid.u32  }
0x33: {  	s1 =	rddreg [dreg:$0x1];
	p0 =	sne.s32 s2, $0x0  }
0x34: {  	s3 =	rddreg [dreg:$0x2];
	[bflag:$0x3] =	sbarrier.arrive $0xFFFF;
	s2 =	simm.s32 @!p0 $0x1C01  }
0x35: {  	[timem:s3], [sflag:s2] =	dma.local @!p0 [hbm:s0], s1  }
0x36: {  	s0 =	simm.s32 @!p0 $0x1  }
0x37: {  	_ =	swait.ge @!p0 [sflag:s0], s1  }
0x38: {  	s1 =	ssub.s32 @!p0 $0x0, s1;
	[sflag:s0] =	ssyncset.done @!p0 $0x0  }
0x39: {  	[sflag:s0] =	ssyncadd.s32 @!p0 s1  }
0x3a: {  	[bflag:$0x3] =	sbarrier.arrive $0xFFFF  }
0x3b: {  	_ =	shalt  }

// kernel: kernel.18.cloned.1.call-start
scs
__scs_entry_jumppad:
0x0: {  	(pc) =	sbr.rel $0x88, $3  }
0x1: {  	(tag) =	ssettag $0x0;
	lr =	simm.s32 $0x1  }
0x2: {  	[smem:$0x3F87] =	sst lr;
	_ =	strace $0xD0000000  }
0x3: {  	_ = 	snop  }
0x4: {  	_ = 	snop  }
0x5: {  	_ = 	snop  }
0x6: {  	_ = 	snop  }
0x7: {  	_ = 	snop  }
__scs_overlays_trampoline_lowered:
0x8: {  	[smem:$0x3F96] =	sst s0  }
0x9: {  	[smem:$0x3F97] =	sst s1  }
0xa: {  	[smem:$0x3F98] =	sst s2  }
0xb: {  	[smem:$0x3F99] =	sst s3  }
0xc: {  	[smem:$0x3F9A] =	sst s4  }
0xd: {  	[smem:$0x3F9B] =	sst s5  }
0xe: {  	[smem:$0x3F9C] =	sst s6  }
0xf: {  	[smem:$0x3F9D] =	sst s7  }
0x10: {  	[smem:$0x3F9E] =	sst s8  }
0x11: {  	[smem:$0x3F9F] =	sst s9;
	s0 =	simm.s32 @!p0 $0x0  }
0x12: {  	s1 =	sld [smem:$0x3F85];
	s0 =	simm.s32 @p0 $0x1  }
0x13: {  	[smem:$0x3FA0] =	sst s0;
	s0 =	simm.s32 @!p1 $0x0  }
0x14: {  	s2 =	sld [smem:$0x3F84];
	s0 =	simm.s32 @p1 $0x1  }
0x15: {  	[smem:$0x3FA1] =	sst s0;
	s0 =	simm.s32 @!p2 $0x0  }
0x16: {  	s3 =	sld [smem:$0x3FDB];
	s0 =	simm.s32 @p2 $0x1  }
0x17: {  	s4 =	simm.s32 $0x1BF5;
	[smem:$0x3FA3] =	sst s0  }
0x18: {  	s0 =	sld [smem:$0x3F86];
	_ =	swait.ge [sflag:s4], $0x0  }
0x19: {  	s7 =	sld [smem:$0x3F87]  }
0x1a: {  	s8 =	sadd.s32 $0xFFFFE003, lr  }
0x1b: {  	s9 =	sadd.s32 $0xFFFFFEF7, lr;
	s5 =	simm.s32 $0xFFFFFFFF;
	p2 =	slt.u32 s8, $0xFFFFF086  }
0x1c: {  	p1 =	slt.u32 s9, $0xF7A;
	s5 =	simm.s32 @!p2 $0x0  }
0x1d: {  	s5 =	simm.s32 @p1 $0x1;
	p0 =	seq.s32 s7, s2  }
0x1e: {  	s7 =	smul.u32 @!p0 $0xF7A, s2;
	p2 =	seq.s32 @!p0 s5, $0x0  }
0x1f: {  	s9 =	smul.u32 $0xF7A, s1;
	s8 =	simm.s32 @!p0 $0x1BF5;
	p2 =	por !p2, p0  }
0x20: {  	[sflag:s8] =	ssyncset.s32 @!p0 $0xFFFFF086;
	s6 =	sadd.s32 @!p0 s3, s7;
	s7 =	simm.s32 @!p0 $0x108  }
0x21: {  	s3 =	sadd.s32 s3, s9;
	s6 =	sadd.s32 @!p0 $0x88, s6;
	s7 =	simm.s32 @p2 $0x1082  }
0x22: {  	[simem:s7], [sflag:s8] =	dma.local @!p0 [hbm:s6], $0xF7A  }
0x23: {  	s9 =	sor.u32 $0xD0000000, s2;
	s6 =	simm.s32 $0x108;
	_ =	swait.ge @!p0 [sflag:s8], $0x0  }
0x24: {  	s3 =	sadd.s32 $0x88, s3;
	s6 =	simm.s32 @!p1 $0x1082;
	[sflag:s4] =	ssyncset.s32 $0xFFFFF086  }
0x25: {  	[simem:s6], [sflag:s4] =	dma.local [hbm:s3], $0xF7A  }
0x26: {  	[smem:$0x3F87] =	sst s1;
	(tag) =	ssettag s2;
	_ =	strace s9  }
0x27: {  	s1 =	sld [smem:$0x3F97]  }
0x28: {  	s2 =	sld [smem:$0x3F98]  }
0x29: {  	s4 =	sld [smem:$0x3F9A]  }
0x2a: {  	p0 =	seq.s32 s5, $0x0;
	s5 =	sld [smem:$0x3F9B]  }
0x2b: {  	s6 =	sld [smem:$0x3F9C]  }
0x2c: {  	s7 =	sld [smem:$0x3F9D]  }
0x2d: {  	s3 =	simm.s32 $0x108;
	s8 =	sld [smem:$0x3F9E]  }
0x2e: {  	s3 =	simm.s32 @!p0 $0x1082;
	s9 =	sld [smem:$0x3F9F]  }
0x2f: {  	lr =	sadd.s32 s0, s3;
	s0 =	sld [smem:$0x3F96]  }
0x30: {  	s3 =	sld [smem:$0x3F99]  }
0x31: {  	[smem:$0x3FA2] =	sst s10  }
0x32: {  	s10 =	sld [smem:$0x3FA0];
	_ =	sdelay $0x3  }
0x33: {  	p0 =	seq.s32 s10, $0x1;
	s10 =	sld [smem:$0x3FA2];
	_ =	sdelay $0x3  }
0x34: {  	[smem:$0x3FA2] =	sst s10  }
0x35: {  	s10 =	sld [smem:$0x3FA1];
	_ =	sdelay $0x3  }
0x36: {  	p1 =	seq.s32 s10, $0x1;
	s10 =	sld [smem:$0x3FA2];
	_ =	sdelay $0x3  }
0x37: {  	[smem:$0x3FA2] =	sst s10  }
0x38: {  	s10 =	sld [smem:$0x3FA3]  }
0x39: {  	_ = 	snop;
	(pc) =	sbr.ind lr, $3  }
0x3a: {  	_ = 	snop  }
0x3b: {  	_ = 	snop  }
0x3c: {  	p2 =	seq.s32 s10, $0x1;
	s10 =	sld [smem:$0x3FA2]  }
0x3d: {  	_ =	shalt  }
0x3e: {  	_ =	shalt  }
0x3f: {  	_ =	shalt  }
0x40: {  	_ =	shalt  }
0x41: {  	_ =	shalt  }
0x42: {  	_ =	shalt  }
0x43: {  	_ =	shalt  }
0x44: {  	_ =	shalt  }
0x45: {  	_ =	shalt  }
0x46: {  	_ =	shalt  }
0x47: {  	_ =	shalt  }
0x48: {  	_ =	shalt  }
0x49: {  	_ =	shalt  }
0x4a: {  	_ =	shalt  }
0x4b: {  	_ =	shalt  }
0x4c: {  	_ =	shalt  }
0x4d: {  	_ =	shalt  }
0x4e: {  	_ =	shalt  }
0x4f: {  	_ =	shalt  }
0x50: {  	_ =	shalt  }
0x51: {  	_ =	shalt  }
0x52: {  	_ =	shalt  }
0x53: {  	_ =	shalt  }
0x54: {  	_ =	shalt  }
0x55: {  	_ =	shalt  }
0x56: {  	_ =	shalt  }
0x57: {  	_ =	shalt  }
0x58: {  	_ =	shalt  }
0x59: {  	_ =	shalt  }
0x5a: {  	_ =	shalt  }
0x5b: {  	_ =	shalt  }
0x5c: {  	_ =	shalt  }
0x5d: {  	_ =	shalt  }
0x5e: {  	_ =	shalt  }
0x5f: {  	_ =	shalt  }
0x60: {  	_ =	shalt  }
0x61: {  	_ =	shalt  }
0x62: {  	_ =	shalt  }
0x63: {  	_ =	shalt  }
0x64: {  	_ =	shalt  }
0x65: {  	_ =	shalt  }
0x66: {  	_ =	shalt  }
0x67: {  	_ =	shalt  }
0x68: {  	_ =	shalt  }
0x69: {  	_ =	shalt  }
0x6a: {  	_ =	shalt  }
0x6b: {  	_ =	shalt  }
0x6c: {  	_ =	shalt  }
0x6d: {  	_ =	shalt  }
0x6e: {  	_ =	shalt  }
0x6f: {  	_ =	shalt  }
0x70: {  	_ =	shalt  }
0x71: {  	_ =	shalt  }
0x72: {  	_ =	shalt  }
0x73: {  	_ =	shalt  }
0x74: {  	_ =	shalt  }
0x75: {  	_ =	shalt  }
0x76: {  	_ =	shalt  }
0x77: {  	_ =	shalt  }
0x78: {  	_ =	shalt  }
0x79: {  	_ =	shalt  }
0x7a: {  	_ =	shalt  }
0x7b: {  	_ =	shalt  }
0x7c: {  	_ =	shalt  }
0x7d: {  	_ =	shalt  }
0x7e: {  	_ =	shalt  }
0x7f: {  	_ =	shalt  }
0x80: {  	_ =	shalt  }
0x81: {  	_ =	shalt  }
0x82: {  	_ =	shalt  }
0x83: {  	_ =	shalt  }
0x84: {  	_ =	shalt  }
0x85: {  	_ =	shalt  }
0x86: {  	_ =	shalt  }
0x87: {  	_ =	shalt  }
.Lfunc_end0:
.L_simem_size_0:
called_computation.1_lowered:
.L_overlay_start_0:
0x88: {  	s2 =	sld [smem:$0x3FD9]  }
0x89: {  	s3 =	sld [smem:$0x3FFE];
	_ =	sdelay $0x1  }
0x8a: {  	s1 =	srdreg.scid  }
0x8b: {  	s0 =	sand.u32 $0x1, s1  }
0x8c: {  	s16 =	sshll.u32 s0, $0xA;
	s2 =	sadd.s32 s3, s2  }
0x8d: {  	s2 =	sadd.s32 s2, s16  }
0x8e: {  	[smem:$0x3FAE] =	sst s2  }
0x8f: {  	_ = 	snop  }
0x90: {  	(tm) =	ssettm $0x1  }
0x91: {  	s17 =	sld [smem:$0x3FFB];
	_ =	sdelay $0x3  }
0x92: {  	_ =	strace s17  }
0x93: {  	s2 =	sld [smem:$0x3FFC];
	_ =	sdelay $0x3  }
0x94: {  	_ =	strace s2  }
0x95: {  	s2 =	sld [smem:$0x3FFD];
	_ =	sdelay $0x3  }
0x96: {  	_ =	strace s2  }
0x97: {  	_ =	strace $0x8FFFFFFF  }
0x98: {  	s18 =	sld [smem:$0x3FDB];
	_ =	sdelay $0x1  }
0x99: {  	s19 =	simm.s32 $_scs_section_size  }
0x9a: {  	s4 =	simm.s32 $_size__tile_overlayer_lowered;
	s5 =	simm.s32 $_tile_overlayer_lowered  }
0x9b: {  	s22 =	simm.s32 $0x1BFF;
	s21 =	sshll.u32 s5, $0x1;
	s2 =	sadd.s32 s19, s18  }
0x9c: {  	s6 =	simm.s32 $0x0;
	s20 =	sshll.u32 s4, $0x1;
	s4 =	sadd.s32 s21, s2  }
0x9d: {  	[timem:s6], [sflag:s22] =	dma.local [hbm:s4], s20  }
0x9e: {  	_ =	swait.ge [sflag:s22], s20  }
0x9f: {  	s3 =	ssub.s32 $0x0, s20;
	[sflag:s22] =	ssyncset.done $0x0  }
0xa0: {  	[sflag:s22] =	ssyncadd.s32 s3;
	_ =	sdelay $0x1  }
0xa1: {  	s23 =	simm.s32 $0x1B8B  }
0xa2: {  	_ =	swait.ge [sflag:s23], $0x1  }
0xa3: {  	[sflag:s23] =	ssyncset.done $0x0  }
0xa4: {  	s25 =	simm.s32 $0x1B8E;
	s24 =	sld [smem:$0x3FFE];
	[sflag:s23] =	ssyncadd.s32 $0xFFFFFFFF  }
0xa5: {  	s26 =	simm.s32 $execute0_lowered;
	[smem:$0x3FD2] =	sst s25  }
0xa6: {  	s4 =	sshll.u32 s26, $0x1;
	_ =	strace $0x80000046;
	[dreg:$0x1] =	wrdreg $0xFFFFFFFF  }
0xa7: {  	s28 =	simm.s32 $_size_execute0_lowered;
	s2 =	sadd.s32 s2, s4;
	[dreg:$0x0] =	wrdreg $0x0  }
0xa8: {  	s4 =	sshll.u32 s28, $0x1;
	[dreg:$0x2] =	wrdreg s2  }
0xa9: {  	[dreg:$0x3] =	wrdreg s4  }
0xaa: {  	[dreg:$0x4] =	wrdreg $0xC0  }
0xab: {  	_ =	task [dreg:s6], $0x5FFFF  }
0xac: {  	[dreg:$0x1] =	wrdreg $0xFFFFFFFF  }
0xad: {  	[dreg:$0x0] =	wrdreg $0x60  }
0xae: {  	[dreg:$0x2] =	wrdreg s24  }
0xaf: {  	[dreg:$0x3] =	wrdreg $0x140000  }
0xb0: {  	[dreg:$0x4] =	wrdreg $0xA  }
0xb1: {  	_ =	task.clear_ibuf [dreg:s6], $0x5FFFF;
	_ =	strace $0x90000046  }
0xb2: {  	s29 =	simm.s32 $0xA;
	_ =	strace $0x80000048  }
0xb3: {  	_ =	swait.ge [sflag:s29], $0x1  }
0xb4: {  	[sflag:s29] =	ssyncadd.s32 $0xFFFFFFFF  }
0xb5: {  	_ =	strace $0x90000048  }
0xb6: {  	_ =	sfence  }
0xb7: {  	s30 =	sld [smem:$0x0];
	_ =	sdelay $0x2  }
0xb8: {  	s31 =	sshll.u32 s1, $0xD;
	s1 =	sshrl.u32 s1, $0x2  }
0xb9: {  	s3 =	sand.u32 $0x4000, s31;
	s1 =	sadd.s32 s1, s30  }
0xba: {  	s0 =	sor.u32 s3, s0;
	s1 =	sshll.u32 s1, $0x11  }
0xbb: {  	s0 =	sor.u32 s1, s0  }
0xbc: {  	s0 =	sadd.s32 $0x8F2B, s0  }
0xbd: {  	[sflag:s0] =	ssyncadd.remote.s32 $0x1  }
0xbe: {  	_ =	sfence.sel $0xFFFF  }
0xbf: {  	[dreg:$0x0] =	wrdreg $0xFFFFFFFF;
	(pc) =	sbr.abs _section_cstart, $3  }
0xc0: {  	[dreg:$0x1] =	wrdreg $0xFFFFFFFF  }
0xc1: {  	_ =	task.clear_ibuf [dreg:s6], $0x2FFFF;
	_ =	strace $0x9FFFFFFF  }
0xc2: {  	(tm) =	ssettm $0x7FFFFFFF  }
0xc3: {  	_ =	shalt  }
tec
execute0_lowered:
.L_overlay_start_1:
0x0: {  	(tag) =	ssettag $0x1  }
0x1: {  	s0 =	rddreg [dreg:$0x0]  }
0x2: {  	s1 =	rddreg [dreg:$0x1];
	s3 =	simm.s32 $0x0  }
0x3: {  	s2 =	srdreg.scid;
	s10 =	stileid.u32;
	s14 =	simm.s32 $0x80  }
0x4: {  	s15 =	simm.s32 $0x4000;
	s16 =	simm.s32 $0x8000;
	s18 =	simm.s32 $0xC000  }
0x5: {  	s20 =	simm.s32 $0x10000;
	s21 =	simm.s32 $0x1;
	s22 =	simm.s32 $0x5  }
0x6: {  	s23 =	simm.s32 $0x2;
	s28 =	simm.s32 $0x4;
	s29 =	simm.s32 $0x8  }
0x7: {  	s31 =	simm.s32 $0x3E80;
	[smem:$0x7FF] =	sst s3;
	s2 =	sand.u32 $0x1, s2  }
0x8: {  	s5 =	sshll.u32 s10, $0xB;
	s4 =	sadd.s32 $0x15E00, s0;
	s25 =	sshll.u32 s10, $0xC  }
0x9: {  	s26 =	sshll.u32 s10, $0xF;
	s30 =	sshll.u32 s10, $0x6;
	s10 =	simm.s32 $0x9  }
0xa: {  	_ =	strace $0x80000047;
	s6 =	sshll.u32 s2, $0xA;
	s24 =	ssub.s32 $0x2, s2  }
0xb: {  	s2 =	sshll.u32 s2, $0x10;
	s11 =	sadd.s32 s26, s1;
	s12 =	sor.u32 $0x1C09, s30  }
0xc: {  	s26 =	simm.s32 $0x7;
	s5 =	sor.u32 s6, s5;
	s8 =	sshrl.u32 s24, $0x1  }
0xd: {  	s13 =	sshrl.u32 s11, $0x3;
	s11 =	simm.s32 $0x0;
	s7 =	sadd.s32 s5, s0  }
0xe: {  	s0 =	sadd.s32 s25, s0;
	s9 =	ssub.s32 s24, s8;
	s24 =	simm.s32 $0x6  }
0xf: {  	s25 =	simm.s32 $0x3;
	s5 =	sadd.s32 $0xDE00, s7;
	s6 =	sadd.s32 $0x5E00, s7  }
0x10: {  	s7 =	sadd.s32 $0x35E00, s0;
	s0 =	sadd.s32 s2, s0;
	s9 =	smax.u32 s9, $0x1  }
0x11: {  	s2 =	simm.s32 $0x3F80;
	s8 =	sadd.s32 $0x45E00, s0;
	s0 =	simm.s32 $0x3F00  }
.LBB2_1:
0x12: {  	[tilespmem:s3], [sflag:$0x9] =	stream.linear.gather [hbm4b:s5+s3], $0x2000, $0x38;
	[tilespmem:$0x1C000] =	vst v63  }
0x13: {  	_ =	swait.ge [sflag:s10], $0x2000  }
0x14: {  	[sflag:s10] =	ssyncset.done $0x0  }
0x15: {  	s17 =	simm.s32 $0x2000;
	[sflag:s10] =	ssyncadd.s32 $0xFFFFE000  }
0x16: {  	[tilespmem:s17], [sflag:$0x9] =	stream.linear.gather [hbm4b:s6+s3], $0x2000, $0x38;
	[tilespmem:$0x1C000] =	vst v63  }
0x17: {  	_ =	swait.ge [sflag:s10], $0x2000  }
0x18: {  	[sflag:s10] =	ssyncset.done $0x0  }
0x19: {  	[sflag:s10] =	ssyncadd.s32 $0xFFFFE000  }
0x1a: {  	[spmem:s13], [sflag:s12] =	dma.local [hbm:s7], $0x1000  }
0x1b: {  	_ =	swait.ge [sflag:s10], $0x1000  }
0x1c: {  	[sflag:s10] =	ssyncset.done $0x0  }
0x1d: {  	[sflag:s10] =	ssyncadd.s32 $0xFFFFF000  }
0x1e: {  	[bflag:$0x0] =	sbarrier.arrive $0xFFFF  }
0x1f: {  	[tilespmem:s15], [sflag:$0x1] =	stream.indirect.gather [hbm4b:s4+s14], $0x80, s3, s14, $0xb8;
	[tilespmem:$0x1C000] =	vst v63  }
0x20: {  	_ = 	snop  }
0x21: {  	[tilespmem:s16], [sflag:$0x2] =	stream.indirect.gather [hbm4b:s4+s14], $0x80, s14, s14, $0xb8;
	[tilespmem:$0x1C000] =	vst v63  }
0x22: {  	s30 =	simm.s32 $0x100  }
0x23: {  	[tilespmem:s18], [sflag:$0x3] =	stream.indirect.gather [hbm4b:s4+s14], $0x80, s30, s14, $0xb8;
	[tilespmem:$0x1C000] =	vst v63  }
0x24: {  	s19 =	simm.s32 $0x180  }
0x25: {  	[tilespmem:s20], [sflag:$0x4] =	stream.indirect.gather [hbm4b:s4+s14], $0x80, s19, s14, $0xb8;
	[tilespmem:$0x1C000] =	vst v63  }
0x26: {  	_ =	swait.ge [sflag:s21], $0x4000  }
0x27: {  	[sflag:s21] =	ssyncset.done $0x0  }
0x28: {  	s30 =	simm.s32 $0x2000;
	[sflag:s21] =	ssyncadd.s32 $0xFFFFC000  }
0x29: {  	[spmem:s1] =	stream.indirect.scatter.add.f32 [tilespmem:s15], [sflag:$0x5], $0x80, s30, s14, $0xb8;
	[tilespmem:$0x1C000] =	vst v63  }
0x2a: {  	_ =	swait.ge [sflag:s22], $0x4000  }
0x2b: {  	[sflag:s22] =	ssyncset.done $0x0  }
0x2c: {  	s19 =	simm.s32 $0x200;
	[sflag:s22] =	ssyncadd.s32 $0xFFFFC000  }
0x2d: {  	[tilespmem:s15], [sflag:$0x1] =	stream.indirect.gather [hbm4b:s4+s14], $0x80, s19, s14, $0xb8;
	[tilespmem:$0x1C000] =	vst v63  }
0x2e: {  	_ =	swait.ge [sflag:s23], $0x4000  }
0x2f: {  	[sflag:s23] =	ssyncset.done $0x0  }
0x30: {  	s30 =	simm.s32 $0x2080;
	[sflag:s23] =	ssyncadd.s32 $0xFFFFC000  }
0x31: {  	[spmem:s1] =	stream.indirect.scatter.add.f32 [tilespmem:s16], [sflag:$0x6], $0x80, s30, s14, $0xb8;
	[tilespmem:$0x1C000] =	vst v63  }
0x32: {  	_ =	swait.ge [sflag:s24], $0x4000  }
0x33: {  	[sflag:s24] =	ssyncset.done $0x0  }
0x34: {  	s19 =	simm.s32 $0x280;
	[sflag:s24] =	ssyncadd.s32 $0xFFFFC000  }
0x35: {  	[tilespmem:s16], [sflag:$0x2] =	stream.indirect.gather [hbm4b:s4+s14], $0x80, s19, s14, $0xb8;
	[tilespmem:$0x1C000] =	vst v63  }
0x36: {  	_ =	swait.ge [sflag:s25], $0x4000  }
0x37: {  	[sflag:s25] =	ssyncset.done $0x0  }
0x38: {  	s30 =	simm.s32 $0x2100;
	[sflag:s25] =	ssyncadd.s32 $0xFFFFC000  }
0x39: {  	[spmem:s1] =	stream.indirect.scatter.add.f32 [tilespmem:s18], [sflag:$0x7], $0x80, s30, s14, $0xb8;
	[tilespmem:$0x1C000] =	vst v63  }
0x3a: {  	_ =	swait.ge [sflag:s26], $0x4000  }
0x3b: {  	[sflag:s26] =	ssyncset.done $0x0  }
0x3c: {  	s19 =	simm.s32 $0x300;
	[sflag:s26] =	ssyncadd.s32 $0xFFFFC000  }
0x3d: {  	[tilespmem:s18], [sflag:$0x3] =	stream.indirect.gather [hbm4b:s4+s14], $0x80, s19, s14, $0xb8;
	[tilespmem:$0x1C000] =	vst v63  }
0x3e: {  	_ =	swait.ge [sflag:s28], $0x4000  }
0x3f: {  	[sflag:s28] =	ssyncset.done $0x0  }
0x40: {  	s30 =	simm.s32 $0x2180;
	[sflag:s28] =	ssyncadd.s32 $0xFFFFC000  }
0x41: {  	[spmem:s1] =	stream.indirect.scatter.add.f32 [tilespmem:s20], [sflag:$0x8], $0x80, s30, s14, $0xb8;
	[tilespmem:$0x1C000] =	vst v63  }
0x42: {  	_ =	swait.ge [sflag:s29], $0x4000  }
0x43: {  	[sflag:s29] =	ssyncset.done $0x0  }
0x44: {  	s17 =	simm.s32 $0x800;
	s19 =	simm.s32 $0x380;
	[sflag:s29] =	ssyncadd.s32 $0xFFFFC000  }
.LBB2_2:
0x45: {  	[tilespmem:s20], [sflag:$0x4] =	stream.indirect.gather [hbm4b:s4+s14], $0x80, s19, s14, $0xb8;
	[tilespmem:$0x1C000] =	vst v63  }
0x46: {  	s19 =	smov.u32 s17  }
0x47: {  	p0 =	sne.s32 s17, $0x7000;
	s17 =	sadd.s32 $0x800, s17;
	_ =	swait.ge [sflag:s21], $0x4000  }
0x48: {  	s19 =	sshra.s32 s19, $0x2;
	[sflag:s21] =	ssyncset.done $0x0  }
0x49: {  	s30 =	sadd.s32 $0x2000, s19;
	[sflag:s21] =	ssyncadd.s32 $0xFFFFC000  }
0x4a: {  	[spmem:s1] =	stream.indirect.scatter.add.f32 [tilespmem:s15], [sflag:$0x5], $0x80, s30, s14, $0xb8;
	[tilespmem:$0x1C000] =	vst v63  }
0x4b: {  	_ =	swait.ge [sflag:s22], $0x4000  }
0x4c: {  	[sflag:s22] =	ssyncset.done $0x0  }
0x4d: {  	s30 =	sadd.s32 $0x200, s19;
	[sflag:s22] =	ssyncadd.s32 $0xFFFFC000  }
0x4e: {  	[tilespmem:s15], [sflag:$0x1] =	stream.indirect.gather [hbm4b:s4+s14], $0x80, s30, s14, $0xb8;
	[tilespmem:$0x1C000] =	vst v63  }
0x4f: {  	_ =	swait.ge [sflag:s23], $0x4000  }
0x50: {  	[sflag:s23] =	ssyncset.done $0x0  }
0x51: {  	s30 =	sadd.s32 $0x2080, s19;
	[sflag:s23] =	ssyncadd.s32 $0xFFFFC000  }
0x52: {  	[spmem:s1] =	stream.indirect.scatter.add.f32 [tilespmem:s16], [sflag:$0x6], $0x80, s30, s14, $0xb8;
	[tilespmem:$0x1C000] =	vst v63  }
0x53: {  	_ =	swait.ge [sflag:s24], $0x4000  }
0x54: {  	[sflag:s24] =	ssyncset.done $0x0  }
0x55: {  	s30 =	sadd.s32 $0x280, s19;
	[sflag:s24] =	ssyncadd.s32 $0xFFFFC000  }
0x56: {  	[tilespmem:s16], [sflag:$0x2] =	stream.indirect.gather [hbm4b:s4+s14], $0x80, s30, s14, $0xb8;
	[tilespmem:$0x1C000] =	vst v63  }
0x57: {  	_ =	swait.ge [sflag:s25], $0x4000  }
0x58: {  	[sflag:s25] =	ssyncset.done $0x0  }
0x59: {  	s30 =	sadd.s32 $0x2100, s19;
	[sflag:s25] =	ssyncadd.s32 $0xFFFFC000  }
0x5a: {  	[spmem:s1] =	stream.indirect.scatter.add.f32 [tilespmem:s18], [sflag:$0x7], $0x80, s30, s14, $0xb8;
	[tilespmem:$0x1C000] =	vst v63  }
0x5b: {  	_ =	swait.ge [sflag:s26], $0x4000  }
0x5c: {  	[sflag:s26] =	ssyncset.done $0x0  }
0x5d: {  	s30 =	sadd.s32 $0x300, s19;
	[sflag:s26] =	ssyncadd.s32 $0xFFFFC000  }
0x5e: {  	[tilespmem:s18], [sflag:$0x3] =	stream.indirect.gather [hbm4b:s4+s14], $0x80, s30, s14, $0xb8;
	[tilespmem:$0x1C000] =	vst v63  }
0x5f: {  	_ =	swait.ge [sflag:s28], $0x4000  }
0x60: {  	[sflag:s28] =	ssyncset.done $0x0  }
.Ltmp0:
0x61: {  	s30 =	sadd.s32 $0x2180, s19;
	[sflag:s28] =	ssyncadd.s32 $0xFFFFC000;
	(pc) =	sbr.rel @p0 .LBB2_2-.Ltmp0, $4  }
0x62: {  	[spmem:s1] =	stream.indirect.scatter.add.f32 [tilespmem:s20], [sflag:$0x8], $0x80, s30, s14, $0xb8;
	[tilespmem:$0x1C000] =	vst v63  }
0x63: {  	_ =	swait.ge [sflag:s29], $0x4000  }
0x64: {  	[sflag:s29] =	ssyncset.done $0x0  }
0x65: {  	s19 =	sadd.s32 $0x380, s19;
	[sflag:s29] =	ssyncadd.s32 $0xFFFFC000  }
0x66: {  	[tilespmem:s20], [sflag:$0x4] =	stream.indirect.gather [hbm4b:s4+s14], $0x80, s19, s14, $0xb8;
	[tilespmem:$0x1C000] =	vst v63  }
0x67: {  	_ =	swait.ge [sflag:s21], $0x4000  }
0x68: {  	[sflag:s21] =	ssyncset.done $0x0  }
0x69: {  	s17 =	simm.s32 $0x3E00;
	[sflag:s21] =	ssyncadd.s32 $0xFFFFC000  }
0x6a: {  	[spmem:s1] =	stream.indirect.scatter.add.f32 [tilespmem:s15], [sflag:$0x5], $0x80, s17, s14, $0xb8;
	[tilespmem:$0x1C000] =	vst v63  }
0x6b: {  	_ =	swait.ge [sflag:s23], $0x4000  }
0x6c: {  	[sflag:s23] =	ssyncset.done $0x0  }
0x6d: {  	[sflag:s23] =	ssyncadd.s32 $0xFFFFC000  }
0x6e: {  	[spmem:s1] =	stream.indirect.scatter.add.f32 [tilespmem:s16], [sflag:$0x6], $0x80, s31, s14, $0xb8;
	[tilespmem:$0x1C000] =	vst v63  }
0x6f: {  	_ =	swait.ge [sflag:s25], $0x4000  }
0x70: {  	[sflag:s25] =	ssyncset.done $0x0  }
0x71: {  	[sflag:s25] =	ssyncadd.s32 $0xFFFFC000  }
0x72: {  	[spmem:s1] =	stream.indirect.scatter.add.f32 [tilespmem:s18], [sflag:$0x7], $0x80, s0, s14, $0xb8;
	[tilespmem:$0x1C000] =	vst v63  }
0x73: {  	_ =	swait.ge [sflag:s28], $0x4000  }
0x74: {  	[sflag:s28] =	ssyncset.done $0x0  }
0x75: {  	[sflag:s28] =	ssyncadd.s32 $0xFFFFC000  }
0x76: {  	[spmem:s1] =	stream.indirect.scatter.add.f32 [tilespmem:s20], [sflag:$0x8], $0x80, s2, s14, $0xb8;
	[tilespmem:$0x1C000] =	vst v63  }
0x77: {  	_ =	swait.ge [sflag:s22], $0x4000  }
0x78: {  	[sflag:s22] =	ssyncset.done $0x0  }
0x79: {  	[sflag:s22] =	ssyncadd.s32 $0xFFFFC000  }
0x7a: {  	_ =	swait.ge [sflag:s24], $0x4000  }
0x7b: {  	[sflag:s24] =	ssyncset.done $0x0  }
0x7c: {  	[sflag:s24] =	ssyncadd.s32 $0xFFFFC000  }
0x7d: {  	_ =	swait.ge [sflag:s26], $0x4000  }
0x7e: {  	[sflag:s26] =	ssyncset.done $0x0  }
0x7f: {  	[sflag:s26] =	ssyncadd.s32 $0xFFFFC000  }
0x80: {  	_ =	swait.ge [sflag:s29], $0x4000  }
0x81: {  	[sflag:s29] =	ssyncset.done $0x0  }
0x82: {  	s11 =	sadd.s32 $0x1, s11;
	[sflag:s29] =	ssyncadd.s32 $0xFFFFC000  }
0x83: {  	p0 =	sne.s32 s11, s9;
	[bflag:$0x0] =	sbarrier.arrive $0xFFFF  }
0x84: {  	[hbm:s8], [sflag:s12] =	dma.local [spmem:s13], $0x1000  }
.Ltmp1:
0x85: {  	_ =	swait.ge [sflag:s10], $0x1000;
	(pc) =	sbr.rel @p0 .LBB2_1-.Ltmp1, $3  }
0x86: {  	[sflag:s10] =	ssyncset.done $0x0  }
0x87: {  	[sflag:s10] =	ssyncadd.s32 $0xFFFFF000  }
0x88: {  	[bflag:$0x0] =	sbarrier.arrive $0xFFFF;
	_ =	sdelay $0x1  }
0x89: {  	_ =	sfence.sel $0x180000  }
0x8a: {  	[bflag:$0x0] =	sbarrier.arrive $0xFFFF  }
0x8b: {  	_ =	strace $0x90000047  }
0x8c: {  	s0 =	stileid.u32;
	[bflag:$0x2] =	sbarrier.arrive $0xFFFF  }
0x8d: {  	p0 =	sne.s32 s0, $0x0;
	s0 =	rddreg [dreg:$0x2]  }
0x8e: {  	s0 =	sadd.s32 @!p0 $0x100000, s0  }
0x8f: {  	[sflag:s0] =	ssyncadd.tile.s32 @!p0 $0x1;
	_ =	shalt  }
.Lfunc_end2:
_tile_overlayer_lowered:
.L_overlay_start_2:
0x90: {  	(tag) =	ssettag $0x2  }
0x91: {  	s0 =	rddreg [dreg:$0x0];
	s2 =	stileid.u32  }
0x92: {  	s1 =	rddreg [dreg:$0x1];
	p0 =	sne.s32 s2, $0x0  }
0x93: {  	s3 =	rddreg [dreg:$0x2];
	[bflag:$0x3] =	sbarrier.arrive $0xFFFF;
	s2 =	simm.s32 @!p0 $0x1C09  }
0x94: {  	[timem:s3], [sflag:s2] =	dma.local @!p0 [hbm:s0], s1  }
0x95: {  	s0 =	simm.s32 @!p0 $0x9  }
0x96: {  	_ =	swait.ge @!p0 [sflag:s0], s1  }
0x97: {  	s1 =	ssub.s32 @!p0 $0x0, s1;
	[sflag:s0] =	ssyncset.done @!p0 $0x0  }
0x98: {  	[sflag:s0] =	ssyncadd.s32 @!p0 s1  }
0x99: {  	[bflag:$0x3] =	sbarrier.arrive $0xFFFF  }
0x9a: {  	_ =	shalt  }

// kernel: kernel.21.cloned.1.call-start
scs
__scs_entry_jumppad:
0x0: {  	(pc) =	sbr.rel $0x88, $3  }
0x1: {  	(tag) =	ssettag $0x0;
	lr =	simm.s32 $0x1  }
0x2: {  	[smem:$0x3F87] =	sst lr;
	_ =	strace $0xD0000000  }
0x3: {  	_ = 	snop  }
0x4: {  	_ = 	snop  }
0x5: {  	_ = 	snop  }
0x6: {  	_ = 	snop  }
0x7: {  	_ = 	snop  }
__scs_overlays_trampoline_lowered:
0x8: {  	[smem:$0x3F96] =	sst s0  }
0x9: {  	[smem:$0x3F97] =	sst s1  }
0xa: {  	[smem:$0x3F98] =	sst s2  }
0xb: {  	[smem:$0x3F99] =	sst s3  }
0xc: {  	[smem:$0x3F9A] =	sst s4  }
0xd: {  	[smem:$0x3F9B] =	sst s5  }
0xe: {  	[smem:$0x3F9C] =	sst s6  }
0xf: {  	[smem:$0x3F9D] =	sst s7  }
0x10: {  	[smem:$0x3F9E] =	sst s8  }
0x11: {  	[smem:$0x3F9F] =	sst s9;
	s0 =	simm.s32 @!p0 $0x0  }
0x12: {  	s1 =	sld [smem:$0x3F85];
	s0 =	simm.s32 @p0 $0x1  }
0x13: {  	[smem:$0x3FA0] =	sst s0;
	s0 =	simm.s32 @!p1 $0x0  }
0x14: {  	s2 =	sld [smem:$0x3F84];
	s0 =	simm.s32 @p1 $0x1  }
0x15: {  	[smem:$0x3FA1] =	sst s0;
	s0 =	simm.s32 @!p2 $0x0  }
0x16: {  	s3 =	sld [smem:$0x3FDB];
	s0 =	simm.s32 @p2 $0x1  }
0x17: {  	s4 =	simm.s32 $0x1BF5;
	[smem:$0x3FA3] =	sst s0  }
0x18: {  	s0 =	sld [smem:$0x3F86];
	_ =	swait.ge [sflag:s4], $0x0  }
0x19: {  	s7 =	sld [smem:$0x3F87]  }
0x1a: {  	s8 =	sadd.s32 $0xFFFFE003, lr  }
0x1b: {  	s9 =	sadd.s32 $0xFFFFFEF7, lr;
	s5 =	simm.s32 $0xFFFFFFFF;
	p2 =	slt.u32 s8, $0xFFFFF086  }
0x1c: {  	p1 =	slt.u32 s9, $0xF7A;
	s5 =	simm.s32 @!p2 $0x0  }
0x1d: {  	s5 =	simm.s32 @p1 $0x1;
	p0 =	seq.s32 s7, s2  }
0x1e: {  	s7 =	smul.u32 @!p0 $0xF7A, s2;
	p2 =	seq.s32 @!p0 s5, $0x0  }
0x1f: {  	s9 =	smul.u32 $0xF7A, s1;
	s8 =	simm.s32 @!p0 $0x1BF5;
	p2 =	por !p2, p0  }
0x20: {  	[sflag:s8] =	ssyncset.s32 @!p0 $0xFFFFF086;
	s6 =	sadd.s32 @!p0 s3, s7;
	s7 =	simm.s32 @!p0 $0x108  }
0x21: {  	s3 =	sadd.s32 s3, s9;
	s6 =	sadd.s32 @!p0 $0x88, s6;
	s7 =	simm.s32 @p2 $0x1082  }
0x22: {  	[simem:s7], [sflag:s8] =	dma.local @!p0 [hbm:s6], $0xF7A  }
0x23: {  	s9 =	sor.u32 $0xD0000000, s2;
	s6 =	simm.s32 $0x108;
	_ =	swait.ge @!p0 [sflag:s8], $0x0  }
0x24: {  	s3 =	sadd.s32 $0x88, s3;
	s6 =	simm.s32 @!p1 $0x1082;
	[sflag:s4] =	ssyncset.s32 $0xFFFFF086  }
0x25: {  	[simem:s6], [sflag:s4] =	dma.local [hbm:s3], $0xF7A  }
0x26: {  	[smem:$0x3F87] =	sst s1;
	(tag) =	ssettag s2;
	_ =	strace s9  }
0x27: {  	s1 =	sld [smem:$0x3F97]  }
0x28: {  	s2 =	sld [smem:$0x3F98]  }
0x29: {  	s4 =	sld [smem:$0x3F9A]  }
0x2a: {  	p0 =	seq.s32 s5, $0x0;
	s5 =	sld [smem:$0x3F9B]  }
0x2b: {  	s6 =	sld [smem:$0x3F9C]  }
0x2c: {  	s7 =	sld [smem:$0x3F9D]  }
0x2d: {  	s3 =	simm.s32 $0x108;
	s8 =	sld [smem:$0x3F9E]  }
0x2e: {  	s3 =	simm.s32 @!p0 $0x1082;
	s9 =	sld [smem:$0x3F9F]  }
0x2f: {  	lr =	sadd.s32 s0, s3;
	s0 =	sld [smem:$0x3F96]  }
0x30: {  	s3 =	sld [smem:$0x3F99]  }
0x31: {  	[smem:$0x3FA2] =	sst s10  }
0x32: {  	s10 =	sld [smem:$0x3FA0];
	_ =	sdelay $0x3  }
0x33: {  	p0 =	seq.s32 s10, $0x1;
	s10 =	sld [smem:$0x3FA2];
	_ =	sdelay $0x3  }
0x34: {  	[smem:$0x3FA2] =	sst s10  }
0x35: {  	s10 =	sld [smem:$0x3FA1];
	_ =	sdelay $0x3  }
0x36: {  	p1 =	seq.s32 s10, $0x1;
	s10 =	sld [smem:$0x3FA2];
	_ =	sdelay $0x3  }
0x37: {  	[smem:$0x3FA2] =	sst s10  }
0x38: {  	s10 =	sld [smem:$0x3FA3]  }
0x39: {  	_ = 	snop;
	(pc) =	sbr.ind lr, $3  }
0x3a: {  	_ = 	snop  }
0x3b: {  	_ = 	snop  }
0x3c: {  	p2 =	seq.s32 s10, $0x1;
	s10 =	sld [smem:$0x3FA2]  }
0x3d: {  	_ =	shalt  }
0x3e: {  	_ =	shalt  }
0x3f: {  	_ =	shalt  }
0x40: {  	_ =	shalt  }
0x41: {  	_ =	shalt  }
0x42: {  	_ =	shalt  }
0x43: {  	_ =	shalt  }
0x44: {  	_ =	shalt  }
0x45: {  	_ =	shalt  }
0x46: {  	_ =	shalt  }
0x47: {  	_ =	shalt  }
0x48: {  	_ =	shalt  }
0x49: {  	_ =	shalt  }
0x4a: {  	_ =	shalt  }
0x4b: {  	_ =	shalt  }
0x4c: {  	_ =	shalt  }
0x4d: {  	_ =	shalt  }
0x4e: {  	_ =	shalt  }
0x4f: {  	_ =	shalt  }
0x50: {  	_ =	shalt  }
0x51: {  	_ =	shalt  }
0x52: {  	_ =	shalt  }
0x53: {  	_ =	shalt  }
0x54: {  	_ =	shalt  }
0x55: {  	_ =	shalt  }
0x56: {  	_ =	shalt  }
0x57: {  	_ =	shalt  }
0x58: {  	_ =	shalt  }
0x59: {  	_ =	shalt  }
0x5a: {  	_ =	shalt  }
0x5b: {  	_ =	shalt  }
0x5c: {  	_ =	shalt  }
0x5d: {  	_ =	shalt  }
0x5e: {  	_ =	shalt  }
0x5f: {  	_ =	shalt  }
0x60: {  	_ =	shalt  }
0x61: {  	_ =	shalt  }
0x62: {  	_ =	shalt  }
0x63: {  	_ =	shalt  }
0x64: {  	_ =	shalt  }
0x65: {  	_ =	shalt  }
0x66: {  	_ =	shalt  }
0x67: {  	_ =	shalt  }
0x68: {  	_ =	shalt  }
0x69: {  	_ =	shalt  }
0x6a: {  	_ =	shalt  }
0x6b: {  	_ =	shalt  }
0x6c: {  	_ =	shalt  }
0x6d: {  	_ =	shalt  }
0x6e: {  	_ =	shalt  }
0x6f: {  	_ =	shalt  }
0x70: {  	_ =	shalt  }
0x71: {  	_ =	shalt  }
0x72: {  	_ =	shalt  }
0x73: {  	_ =	shalt  }
0x74: {  	_ =	shalt  }
0x75: {  	_ =	shalt  }
0x76: {  	_ =	shalt  }
0x77: {  	_ =	shalt  }
0x78: {  	_ =	shalt  }
0x79: {  	_ =	shalt  }
0x7a: {  	_ =	shalt  }
0x7b: {  	_ =	shalt  }
0x7c: {  	_ =	shalt  }
0x7d: {  	_ =	shalt  }
0x7e: {  	_ =	shalt  }
0x7f: {  	_ =	shalt  }
0x80: {  	_ =	shalt  }
0x81: {  	_ =	shalt  }
0x82: {  	_ =	shalt  }
0x83: {  	_ =	shalt  }
0x84: {  	_ =	shalt  }
0x85: {  	_ =	shalt  }
0x86: {  	_ =	shalt  }
0x87: {  	_ =	shalt  }
.Lfunc_end0:
.L_simem_size_0:
called_computation.2_lowered:
.L_overlay_start_0:
0x88: {  	s2 =	sld [smem:$0x3FD9]  }
0x89: {  	s3 =	sld [smem:$0x3FFE];
	_ =	sdelay $0x1  }
0x8a: {  	s1 =	srdreg.scid  }
0x8b: {  	s0 =	sand.u32 $0x1, s1  }
0x8c: {  	s17 =	sshll.u32 s0, $0xA;
	s2 =	sadd.s32 s3, s2  }
0x8d: {  	s2 =	sadd.s32 s2, s17  }
0x8e: {  	[smem:$0x3FAE] =	sst s2  }
0x8f: {  	_ = 	snop  }
0x90: {  	(tm) =	ssettm $0x1  }
0x91: {  	s18 =	sld [smem:$0x3FFB];
	_ =	sdelay $0x3  }
0x92: {  	_ =	strace s18  }
0x93: {  	s2 =	sld [smem:$0x3FFC];
	_ =	sdelay $0x3  }
0x94: {  	_ =	strace s2  }
0x95: {  	s2 =	sld [smem:$0x3FFD];
	_ =	sdelay $0x3  }
0x96: {  	_ =	strace s2  }
0x97: {  	_ =	strace $0x8FFFFFFF  }
0x98: {  	s19 =	sld [smem:$0x3FDB];
	_ =	sdelay $0x1  }
0x99: {  	s20 =	simm.s32 $_scs_section_size  }
0x9a: {  	s4 =	simm.s32 $_size__tile_overlayer_lowered;
	s5 =	simm.s32 $_tile_overlayer_lowered  }
0x9b: {  	s6 =	simm.s32 $0x1BFF;
	s21 =	sshll.u32 s5, $0x1;
	s3 =	sadd.s32 s20, s19  }
0x9c: {  	s22 =	simm.s32 $0x0;
	s4 =	sshll.u32 s4, $0x1;
	s5 =	sadd.s32 s21, s3  }
0x9d: {  	[timem:s22], [sflag:s6] =	dma.local [hbm:s5], s4  }
0x9e: {  	_ =	swait.ge [sflag:s6], s4  }
0x9f: {  	s4 =	ssub.s32 $0x0, s4;
	[sflag:s6] =	ssyncset.done $0x0  }
0xa0: {  	[sflag:s6] =	ssyncadd.s32 s4;
	_ =	sdelay $0x1  }
0xa1: {  	s23 =	simm.s32 $0x1B8B  }
0xa2: {  	_ =	swait.ge [sflag:s23], $0x1  }
0xa3: {  	[sflag:s23] =	ssyncset.done $0x0  }
0xa4: {  	[sflag:s23] =	ssyncadd.s32 $0xFFFFFFFF  }
0xa5: {  	s4 =	sld [smem:$0x0]  }
0xa6: {  	s5 =	sand.u32 $0xFFFFFFFE, s1  }
0xa7: {  	p0 =	sne.s32 s1, s5  }
0xa8: {  	s5 =	sshll.u32 @p0 s5, $0xE  }
0xa9: {  	s5 =	sadd.s32 @p0 $0x11B8D, s5;
	s6 =	sshll.u32 @p0 s4, $0x11  }
0xaa: {  	s5 =	sor.u32 @p0 s6, s5  }
0xab: {  	[sflag:s5] =	ssyncadd.remote.s32 @p0 $0x1;
	_ =	sdelay $0x1  }
0xac: {  	s5 =	simm.s32 @p0 $0x1B8D  }
0xad: {  	_ =	swait.eq @p0 [sflag:s5], $0x1  }
0xae: {  	[sflag:s5] =	ssyncadd.s32 @p0 $0xFFFFFFFF  }
0xaf: {  	s6 =	sshll.u32 @!p0 s1, $0xE  }
0xb0: {  	s6 =	sor.u32 @!p0 $0x4000, s6;
	s5 =	simm.s32 @!p0 $0x1B8D  }
0xb1: {  	s4 =	sshll.u32 @!p0 s4, $0x11;
	s6 =	sadd.s32 @!p0 $0x11B8D, s6;
	_ =	swait.eq @!p0 [sflag:s5], $0x1  }
0xb2: {  	s4 =	sor.u32 @!p0 s4, s6;
	[sflag:s5] =	ssyncadd.s32 @!p0 $0xFFFFFFFF  }
0xb3: {  	s25 =	simm.s32 $0x1B8E;
	s24 =	sld [smem:$0x3FFE];
	[sflag:s4] =	ssyncadd.remote.s32 @!p0 $0x1  }
0xb4: {  	s26 =	simm.s32 $execute0_lowered;
	[smem:$0x3FD2] =	sst s25  }
0xb5: {  	s5 =	sshll.u32 s26, $0x1;
	_ =	strace $0x80000049;
	[dreg:$0x1] =	wrdreg $0xFFFFFFFF  }
0xb6: {  	s28 =	simm.s32 $_size_execute0_lowered;
	s3 =	sadd.s32 s3, s5;
	[dreg:$0x0] =	wrdreg $0x0  }
0xb7: {  	s5 =	sshll.u32 s28, $0x1;
	[dreg:$0x2] =	wrdreg s3  }
0xb8: {  	[dreg:$0x3] =	wrdreg s5  }
0xb9: {  	[dreg:$0x4] =	wrdreg $0xC0  }
0xba: {  	_ =	task [dreg:s22], $0x5FFFF  }
0xbb: {  	[dreg:$0x1] =	wrdreg $0xFFFFFFFF  }
0xbc: {  	[dreg:$0x0] =	wrdreg $0x60  }
0xbd: {  	[dreg:$0x2] =	wrdreg s24  }
0xbe: {  	[dreg:$0x3] =	wrdreg $0x140000  }
0xbf: {  	[dreg:$0x4] =	wrdreg $0xB  }
0xc0: {  	_ =	task.clear_ibuf [dreg:s22], $0x5FFFF;
	_ =	strace $0x90000049  }
0xc1: {  	s29 =	simm.s32 $0xB;
	_ =	strace $0x8000004B  }
0xc2: {  	_ =	swait.ge [sflag:s29], $0x1  }
0xc3: {  	[sflag:s29] =	ssyncadd.s32 $0xFFFFFFFF  }
0xc4: {  	_ =	strace $0x9000004B  }
0xc5: {  	_ =	sfence  }
0xc6: {  	s30 =	sld [smem:$0x0];
	_ =	sdelay $0x2  }
0xc7: {  	s31 =	sshll.u32 s1, $0xD;
	s1 =	sshrl.u32 s1, $0x2  }
0xc8: {  	s4 =	sand.u32 $0x4000, s31;
	s1 =	sadd.s32 s1, s30  }
0xc9: {  	s0 =	sor.u32 s4, s0;
	s1 =	sshll.u32 s1, $0x11  }
0xca: {  	s0 =	sor.u32 s1, s0  }
0xcb: {  	s0 =	sadd.s32 $0x8F2B, s0  }
0xcc: {  	[sflag:s0] =	ssyncadd.remote.s32 $0x1  }
0xcd: {  	_ =	sfence.sel $0xFFFF  }
0xce: {  	[dreg:$0x0] =	wrdreg $0xFFFFFFFF;
	(pc) =	sbr.abs _section_cstart, $3  }
0xcf: {  	[dreg:$0x1] =	wrdreg $0xFFFFFFFF  }
0xd0: {  	_ =	task.clear_ibuf [dreg:s22], $0x2FFFF;
	_ =	strace $0x9FFFFFFF  }
0xd1: {  	(tm) =	ssettm $0x7FFFFFFF  }
tec
execute0_lowered:
.L_overlay_start_1:
0x0: {  	(tag) =	ssettag $0x1  }
0x1: {  	s0 =	rddreg [dreg:$0x0]  }
0x2: {  	s1 =	rddreg [dreg:$0x1];
	s3 =	simm.s32 $0x0  }
0x3: {  	s2 =	srdreg.scid;
	s10 =	stileid.u32;
	s14 =	simm.s32 $0x80  }
0x4: {  	s15 =	simm.s32 $0x4000;
	s16 =	simm.s32 $0x8000;
	s18 =	simm.s32 $0xC000  }
0x5: {  	s20 =	simm.s32 $0x10000;
	s21 =	simm.s32 $0x1;
	s22 =	simm.s32 $0x5  }
0x6: {  	s23 =	simm.s32 $0x2;
	s28 =	simm.s32 $0x4;
	s29 =	simm.s32 $0x8  }
0x7: {  	s31 =	simm.s32 $0x3E80;
	[smem:$0x7FF] =	sst s3;
	s2 =	sand.u32 $0x1, s2  }
0x8: {  	s5 =	sshll.u32 s10, $0xB;
	s4 =	sadd.s32 $0x25E00, s0;
	s25 =	sshll.u32 s10, $0xC  }
0x9: {  	s26 =	sshll.u32 s10, $0xF;
	s30 =	sshll.u32 s10, $0x6;
	s10 =	simm.s32 $0x9  }
0xa: {  	_ =	strace $0x8000004A;
	s6 =	sshll.u32 s2, $0xA;
	s24 =	ssub.s32 $0x2, s2  }
0xb: {  	s2 =	sshll.u32 s2, $0x10;
	s11 =	sadd.s32 s26, s1;
	s12 =	sor.u32 $0x1C09, s30  }
0xc: {  	s26 =	simm.s32 $0x7;
	s5 =	sor.u32 s6, s5;
	s8 =	sshrl.u32 s24, $0x1  }
0xd: {  	s13 =	sshrl.u32 s11, $0x3;
	s11 =	simm.s32 $0x0;
	s7 =	sadd.s32 s5, s0  }
0xe: {  	s0 =	sadd.s32 s25, s0;
	s9 =	ssub.s32 s24, s8;
	s24 =	simm.s32 $0x6  }
0xf: {  	s25 =	simm.s32 $0x3;
	s5 =	sadd.s32 $0xDE00, s7;
	s6 =	sadd.s32 $0x5E00, s7  }
0x10: {  	s7 =	sadd.s32 $0x35E00, s0;
	s0 =	sadd.s32 s2, s0;
	s9 =	smax.u32 s9, $0x1  }
0x11: {  	s2 =	simm.s32 $0x3F80;
	s8 =	sadd.s32 $0x65E00, s0;
	s0 =	simm.s32 $0x3F00  }
.LBB2_1:
0x12: {  	[tilespmem:s3], [sflag:$0x9] =	stream.linear.gather [hbm4b:s5+s3], $0x2000, $0x38;
	[tilespmem:$0x1C000] =	vst v63  }
0x13: {  	_ =	swait.ge [sflag:s10], $0x2000  }
0x14: {  	[sflag:s10] =	ssyncset.done $0x0  }
0x15: {  	s17 =	simm.s32 $0x2000;
	[sflag:s10] =	ssyncadd.s32 $0xFFFFE000  }
0x16: {  	[tilespmem:s17], [sflag:$0x9] =	stream.linear.gather [hbm4b:s6+s3], $0x2000, $0x38;
	[tilespmem:$0x1C000] =	vst v63  }
0x17: {  	_ =	swait.ge [sflag:s10], $0x2000  }
0x18: {  	[sflag:s10] =	ssyncset.done $0x0  }
0x19: {  	[sflag:s10] =	ssyncadd.s32 $0xFFFFE000  }
0x1a: {  	[spmem:s13], [sflag:s12] =	dma.local [hbm:s7], $0x1000  }
0x1b: {  	_ =	swait.ge [sflag:s10], $0x1000  }
0x1c: {  	[sflag:s10] =	ssyncset.done $0x0  }
0x1d: {  	[sflag:s10] =	ssyncadd.s32 $0xFFFFF000  }
0x1e: {  	[bflag:$0x0] =	sbarrier.arrive $0xFFFF  }
0x1f: {  	[tilespmem:s15], [sflag:$0x1] =	stream.indirect.gather [hbm4b:s4+s14], $0x80, s3, s14, $0xb8;
	[tilespmem:$0x1C000] =	vst v63  }
0x20: {  	_ = 	snop  }
0x21: {  	[tilespmem:s16], [sflag:$0x2] =	stream.indirect.gather [hbm4b:s4+s14], $0x80, s14, s14, $0xb8;
	[tilespmem:$0x1C000] =	vst v63  }
0x22: {  	s30 =	simm.s32 $0x100  }
0x23: {  	[tilespmem:s18], [sflag:$0x3] =	stream.indirect.gather [hbm4b:s4+s14], $0x80, s30, s14, $0xb8;
	[tilespmem:$0x1C000] =	vst v63  }
0x24: {  	s19 =	simm.s32 $0x180  }
0x25: {  	[tilespmem:s20], [sflag:$0x4] =	stream.indirect.gather [hbm4b:s4+s14], $0x80, s19, s14, $0xb8;
	[tilespmem:$0x1C000] =	vst v63  }
0x26: {  	_ =	swait.ge [sflag:s21], $0x4000  }
0x27: {  	[sflag:s21] =	ssyncset.done $0x0  }
0x28: {  	s30 =	simm.s32 $0x2000;
	[sflag:s21] =	ssyncadd.s32 $0xFFFFC000  }
0x29: {  	[spmem:s1] =	stream.indirect.scatter.add.f32 [tilespmem:s15], [sflag:$0x5], $0x80, s30, s14, $0xb8;
	[tilespmem:$0x1C000] =	vst v63  }
0x2a: {  	_ =	swait.ge [sflag:s22], $0x4000  }
0x2b: {  	[sflag:s22] =	ssyncset.done $0x0  }
0x2c: {  	s19 =	simm.s32 $0x200;
	[sflag:s22] =	ssyncadd.s32 $0xFFFFC000  }
0x2d: {  	[tilespmem:s15], [sflag:$0x1] =	stream.indirect.gather [hbm4b:s4+s14], $0x80, s19, s14, $0xb8;
	[tilespmem:$0x1C000] =	vst v63  }
0x2e: {  	_ =	swait.ge [sflag:s23], $0x4000  }
0x2f: {  	[sflag:s23] =	ssyncset.done $0x0  }
0x30: {  	s30 =	simm.s32 $0x2080;
	[sflag:s23] =	ssyncadd.s32 $0xFFFFC000  }
0x31: {  	[spmem:s1] =	stream.indirect.scatter.add.f32 [tilespmem:s16], [sflag:$0x6], $0x80, s30, s14, $0xb8;
	[tilespmem:$0x1C000] =	vst v63  }
0x32: {  	_ =	swait.ge [sflag:s24], $0x4000  }
0x33: {  	[sflag:s24] =	ssyncset.done $0x0  }
0x34: {  	s19 =	simm.s32 $0x280;
	[sflag:s24] =	ssyncadd.s32 $0xFFFFC000  }
0x35: {  	[tilespmem:s16], [sflag:$0x2] =	stream.indirect.gather [hbm4b:s4+s14], $0x80, s19, s14, $0xb8;
	[tilespmem:$0x1C000] =	vst v63  }
0x36: {  	_ =	swait.ge [sflag:s25], $0x4000  }
0x37: {  	[sflag:s25] =	ssyncset.done $0x0  }
0x38: {  	s30 =	simm.s32 $0x2100;
	[sflag:s25] =	ssyncadd.s32 $0xFFFFC000  }
0x39: {  	[spmem:s1] =	stream.indirect.scatter.add.f32 [tilespmem:s18], [sflag:$0x7], $0x80, s30, s14, $0xb8;
	[tilespmem:$0x1C000] =	vst v63  }
0x3a: {  	_ =	swait.ge [sflag:s26], $0x4000  }
0x3b: {  	[sflag:s26] =	ssyncset.done $0x0  }
0x3c: {  	s19 =	simm.s32 $0x300;
	[sflag:s26] =	ssyncadd.s32 $0xFFFFC000  }
0x3d: {  	[tilespmem:s18], [sflag:$0x3] =	stream.indirect.gather [hbm4b:s4+s14], $0x80, s19, s14, $0xb8;
	[tilespmem:$0x1C000] =	vst v63  }
0x3e: {  	_ =	swait.ge [sflag:s28], $0x4000  }
0x3f: {  	[sflag:s28] =	ssyncset.done $0x0  }
0x40: {  	s30 =	simm.s32 $0x2180;
	[sflag:s28] =	ssyncadd.s32 $0xFFFFC000  }
0x41: {  	[spmem:s1] =	stream.indirect.scatter.add.f32 [tilespmem:s20], [sflag:$0x8], $0x80, s30, s14, $0xb8;
	[tilespmem:$0x1C000] =	vst v63  }
0x42: {  	_ =	swait.ge [sflag:s29], $0x4000  }
0x43: {  	[sflag:s29] =	ssyncset.done $0x0  }
0x44: {  	s17 =	simm.s32 $0x800;
	s19 =	simm.s32 $0x380;
	[sflag:s29] =	ssyncadd.s32 $0xFFFFC000  }
.LBB2_2:
0x45: {  	[tilespmem:s20], [sflag:$0x4] =	stream.indirect.gather [hbm4b:s4+s14], $0x80, s19, s14, $0xb8;
	[tilespmem:$0x1C000] =	vst v63  }
0x46: {  	s19 =	smov.u32 s17  }
0x47: {  	p0 =	sne.s32 s17, $0x7000;
	s17 =	sadd.s32 $0x800, s17;
	_ =	swait.ge [sflag:s21], $0x4000  }
0x48: {  	s19 =	sshra.s32 s19, $0x2;
	[sflag:s21] =	ssyncset.done $0x0  }
0x49: {  	s30 =	sadd.s32 $0x2000, s19;
	[sflag:s21] =	ssyncadd.s32 $0xFFFFC000  }
0x4a: {  	[spmem:s1] =	stream.indirect.scatter.add.f32 [tilespmem:s15], [sflag:$0x5], $0x80, s30, s14, $0xb8;
	[tilespmem:$0x1C000] =	vst v63  }
0x4b: {  	_ =	swait.ge [sflag:s22], $0x4000  }
0x4c: {  	[sflag:s22] =	ssyncset.done $0x0  }
0x4d: {  	s30 =	sadd.s32 $0x200, s19;
	[sflag:s22] =	ssyncadd.s32 $0xFFFFC000  }
0x4e: {  	[tilespmem:s15], [sflag:$0x1] =	stream.indirect.gather [hbm4b:s4+s14], $0x80, s30, s14, $0xb8;
	[tilespmem:$0x1C000] =	vst v63  }
0x4f: {  	_ =	swait.ge [sflag:s23], $0x4000  }
0x50: {  	[sflag:s23] =	ssyncset.done $0x0  }
0x51: {  	s30 =	sadd.s32 $0x2080, s19;
	[sflag:s23] =	ssyncadd.s32 $0xFFFFC000  }
0x52: {  	[spmem:s1] =	stream.indirect.scatter.add.f32 [tilespmem:s16], [sflag:$0x6], $0x80, s30, s14, $0xb8;
	[tilespmem:$0x1C000] =	vst v63  }
0x53: {  	_ =	swait.ge [sflag:s24], $0x4000  }
0x54: {  	[sflag:s24] =	ssyncset.done $0x0  }
0x55: {  	s30 =	sadd.s32 $0x280, s19;
	[sflag:s24] =	ssyncadd.s32 $0xFFFFC000  }
0x56: {  	[tilespmem:s16], [sflag:$0x2] =	stream.indirect.gather [hbm4b:s4+s14], $0x80, s30, s14, $0xb8;
	[tilespmem:$0x1C000] =	vst v63  }
0x57: {  	_ =	swait.ge [sflag:s25], $0x4000  }
0x58: {  	[sflag:s25] =	ssyncset.done $0x0  }
0x59: {  	s30 =	sadd.s32 $0x2100, s19;
	[sflag:s25] =	ssyncadd.s32 $0xFFFFC000  }
0x5a: {  	[spmem:s1] =	stream.indirect.scatter.add.f32 [tilespmem:s18], [sflag:$0x7], $0x80, s30, s14, $0xb8;
	[tilespmem:$0x1C000] =	vst v63  }
0x5b: {  	_ =	swait.ge [sflag:s26], $0x4000  }
0x5c: {  	[sflag:s26] =	ssyncset.done $0x0  }
0x5d: {  	s30 =	sadd.s32 $0x300, s19;
	[sflag:s26] =	ssyncadd.s32 $0xFFFFC000  }
0x5e: {  	[tilespmem:s18], [sflag:$0x3] =	stream.indirect.gather [hbm4b:s4+s14], $0x80, s30, s14, $0xb8;
	[tilespmem:$0x1C000] =	vst v63  }
0x5f: {  	_ =	swait.ge [sflag:s28], $0x4000  }
0x60: {  	[sflag:s28] =	ssyncset.done $0x0  }
.Ltmp0:
0x61: {  	s30 =	sadd.s32 $0x2180, s19;
	[sflag:s28] =	ssyncadd.s32 $0xFFFFC000;
	(pc) =	sbr.rel @p0 .LBB2_2-.Ltmp0, $4  }
0x62: {  	[spmem:s1] =	stream.indirect.scatter.add.f32 [tilespmem:s20], [sflag:$0x8], $0x80, s30, s14, $0xb8;
	[tilespmem:$0x1C000] =	vst v63  }
0x63: {  	_ =	swait.ge [sflag:s29], $0x4000  }
0x64: {  	[sflag:s29] =	ssyncset.done $0x0  }
0x65: {  	s19 =	sadd.s32 $0x380, s19;
	[sflag:s29] =	ssyncadd.s32 $0xFFFFC000  }
0x66: {  	[tilespmem:s20], [sflag:$0x4] =	stream.indirect.gather [hbm4b:s4+s14], $0x80, s19, s14, $0xb8;
	[tilespmem:$0x1C000] =	vst v63  }
0x67: {  	_ =	swait.ge [sflag:s21], $0x4000  }
0x68: {  	[sflag:s21] =	ssyncset.done $0x0  }
0x69: {  	s17 =	simm.s32 $0x3E00;
	[sflag:s21] =	ssyncadd.s32 $0xFFFFC000  }
0x6a: {  	[spmem:s1] =	stream.indirect.scatter.add.f32 [tilespmem:s15], [sflag:$0x5], $0x80, s17, s14, $0xb8;
	[tilespmem:$0x1C000] =	vst v63  }
0x6b: {  	_ =	swait.ge [sflag:s23], $0x4000  }
0x6c: {  	[sflag:s23] =	ssyncset.done $0x0  }
0x6d: {  	[sflag:s23] =	ssyncadd.s32 $0xFFFFC000  }
0x6e: {  	[spmem:s1] =	stream.indirect.scatter.add.f32 [tilespmem:s16], [sflag:$0x6], $0x80, s31, s14, $0xb8;
	[tilespmem:$0x1C000] =	vst v63  }
0x6f: {  	_ =	swait.ge [sflag:s25], $0x4000  }
0x70: {  	[sflag:s25] =	ssyncset.done $0x0  }
0x71: {  	[sflag:s25] =	ssyncadd.s32 $0xFFFFC000  }
0x72: {  	[spmem:s1] =	stream.indirect.scatter.add.f32 [tilespmem:s18], [sflag:$0x7], $0x80, s0, s14, $0xb8;
	[tilespmem:$0x1C000] =	vst v63  }
0x73: {  	_ =	swait.ge [sflag:s28], $0x4000  }
0x74: {  	[sflag:s28] =	ssyncset.done $0x0  }
0x75: {  	[sflag:s28] =	ssyncadd.s32 $0xFFFFC000  }
0x76: {  	[spmem:s1] =	stream.indirect.scatter.add.f32 [tilespmem:s20], [sflag:$0x8], $0x80, s2, s14, $0xb8;
	[tilespmem:$0x1C000] =	vst v63  }
0x77: {  	_ =	swait.ge [sflag:s22], $0x4000  }
0x78: {  	[sflag:s22] =	ssyncset.done $0x0  }
0x79: {  	[sflag:s22] =	ssyncadd.s32 $0xFFFFC000  }
0x7a: {  	_ =	swait.ge [sflag:s24], $0x4000  }
0x7b: {  	[sflag:s24] =	ssyncset.done $0x0  }
0x7c: {  	[sflag:s24] =	ssyncadd.s32 $0xFFFFC000  }
0x7d: {  	_ =	swait.ge [sflag:s26], $0x4000  }
0x7e: {  	[sflag:s26] =	ssyncset.done $0x0  }
0x7f: {  	[sflag:s26] =	ssyncadd.s32 $0xFFFFC000  }
0x80: {  	_ =	swait.ge [sflag:s29], $0x4000  }
0x81: {  	[sflag:s29] =	ssyncset.done $0x0  }
0x82: {  	s11 =	sadd.s32 $0x1, s11;
	[sflag:s29] =	ssyncadd.s32 $0xFFFFC000  }
0x83: {  	p0 =	sne.s32 s11, s9;
	[bflag:$0x0] =	sbarrier.arrive $0xFFFF  }
0x84: {  	[hbm:s8], [sflag:s12] =	dma.local [spmem:s13], $0x1000  }
.Ltmp1:
0x85: {  	_ =	swait.ge [sflag:s10], $0x1000;
	(pc) =	sbr.rel @p0 .LBB2_1-.Ltmp1, $3  }
0x86: {  	[sflag:s10] =	ssyncset.done $0x0  }
0x87: {  	[sflag:s10] =	ssyncadd.s32 $0xFFFFF000  }
0x88: {  	[bflag:$0x0] =	sbarrier.arrive $0xFFFF;
	_ =	sdelay $0x1  }
0x89: {  	_ =	sfence.sel $0x180000  }
0x8a: {  	[bflag:$0x0] =	sbarrier.arrive $0xFFFF  }
0x8b: {  	_ =	strace $0x9000004A  }
0x8c: {  	s0 =	stileid.u32;
	[bflag:$0x2] =	sbarrier.arrive $0xFFFF  }
0x8d: {  	p0 =	sne.s32 s0, $0x0;
	s0 =	rddreg [dreg:$0x2]  }
0x8e: {  	s0 =	sadd.s32 @!p0 $0x100000, s0  }
0x8f: {  	[sflag:s0] =	ssyncadd.tile.s32 @!p0 $0x1;
	_ =	shalt  }
.Lfunc_end2:
_tile_overlayer_lowered:
.L_overlay_start_2:
0x90: {  	(tag) =	ssettag $0x2  }
0x91: {  	s0 =	rddreg [dreg:$0x0];
	s2 =	stileid.u32  }
0x92: {  	s1 =	rddreg [dreg:$0x1];
	p0 =	sne.s32 s2, $0x0  }
0x93: {  	s3 =	rddreg [dreg:$0x2];
	[bflag:$0x3] =	sbarrier.arrive $0xFFFF;
	s2 =	simm.s32 @!p0 $0x1C09  }
0x94: {  	[timem:s3], [sflag:s2] =	dma.local @!p0 [hbm:s0], s1  }
0x95: {  	s0 =	simm.s32 @!p0 $0x9  }
0x96: {  	_ =	swait.ge @!p0 [sflag:s0], s1  }
0x97: {  	s1 =	ssub.s32 @!p0 $0x0, s1;
	[sflag:s0] =	ssyncset.done @!p0 $0x0  }
0x98: {  	[sflag:s0] =	ssyncadd.s32 @!p0 s1  }
0x99: {  	[bflag:$0x3] =	sbarrier.arrive $0xFFFF  }
0x9a: {  	_ =	shalt  }

// kernel: kernel.24.cloned.1.call-start
scs
__scs_entry_jumppad:
0x0: {  	(pc) =	sbr.rel $0x88, $3  }
0x1: {  	(tag) =	ssettag $0x0;
	lr =	simm.s32 $0x1  }
0x2: {  	[smem:$0x3F87] =	sst lr;
	_ =	strace $0xD0000000  }
0x3: {  	_ = 	snop  }
0x4: {  	_ = 	snop  }
0x5: {  	_ = 	snop  }
0x6: {  	_ = 	snop  }
0x7: {  	_ = 	snop  }
__scs_overlays_trampoline_lowered:
0x8: {  	[smem:$0x3F96] =	sst s0  }
0x9: {  	[smem:$0x3F97] =	sst s1  }
0xa: {  	[smem:$0x3F98] =	sst s2  }
0xb: {  	[smem:$0x3F99] =	sst s3  }
0xc: {  	[smem:$0x3F9A] =	sst s4  }
0xd: {  	[smem:$0x3F9B] =	sst s5  }
0xe: {  	[smem:$0x3F9C] =	sst s6  }
0xf: {  	[smem:$0x3F9D] =	sst s7  }
0x10: {  	[smem:$0x3F9E] =	sst s8  }
0x11: {  	[smem:$0x3F9F] =	sst s9;
	s0 =	simm.s32 @!p0 $0x0  }
0x12: {  	s1 =	sld [smem:$0x3F85];
	s0 =	simm.s32 @p0 $0x1  }
0x13: {  	[smem:$0x3FA0] =	sst s0;
	s0 =	simm.s32 @!p1 $0x0  }
0x14: {  	s2 =	sld [smem:$0x3F84];
	s0 =	simm.s32 @p1 $0x1  }
0x15: {  	[smem:$0x3FA1] =	sst s0;
	s0 =	simm.s32 @!p2 $0x0  }
0x16: {  	s3 =	sld [smem:$0x3FDB];
	s0 =	simm.s32 @p2 $0x1  }
0x17: {  	s4 =	simm.s32 $0x1BF5;
	[smem:$0x3FA3] =	sst s0  }
0x18: {  	s0 =	sld [smem:$0x3F86];
	_ =	swait.ge [sflag:s4], $0x0  }
0x19: {  	s7 =	sld [smem:$0x3F87]  }
0x1a: {  	s8 =	sadd.s32 $0xFFFFE003, lr  }
0x1b: {  	s9 =	sadd.s32 $0xFFFFFEF7, lr;
	s5 =	simm.s32 $0xFFFFFFFF;
	p2 =	slt.u32 s8, $0xFFFFF086  }
0x1c: {  	p1 =	slt.u32 s9, $0xF7A;
	s5 =	simm.s32 @!p2 $0x0  }
0x1d: {  	s5 =	simm.s32 @p1 $0x1;
	p0 =	seq.s32 s7, s2  }
0x1e: {  	s7 =	smul.u32 @!p0 $0xF7A, s2;
	p2 =	seq.s32 @!p0 s5, $0x0  }
0x1f: {  	s9 =	smul.u32 $0xF7A, s1;
	s8 =	simm.s32 @!p0 $0x1BF5;
	p2 =	por !p2, p0  }
0x20: {  	[sflag:s8] =	ssyncset.s32 @!p0 $0xFFFFF086;
	s6 =	sadd.s32 @!p0 s3, s7;
	s7 =	simm.s32 @!p0 $0x108  }
0x21: {  	s3 =	sadd.s32 s3, s9;
	s6 =	sadd.s32 @!p0 $0x88, s6;
	s7 =	simm.s32 @p2 $0x1082  }
0x22: {  	[simem:s7], [sflag:s8] =	dma.local @!p0 [hbm:s6], $0xF7A  }
0x23: {  	s9 =	sor.u32 $0xD0000000, s2;
	s6 =	simm.s32 $0x108;
	_ =	swait.ge @!p0 [sflag:s8], $0x0  }
0x24: {  	s3 =	sadd.s32 $0x88, s3;
	s6 =	simm.s32 @!p1 $0x1082;
	[sflag:s4] =	ssyncset.s32 $0xFFFFF086  }
0x25: {  	[simem:s6], [sflag:s4] =	dma.local [hbm:s3], $0xF7A  }
0x26: {  	[smem:$0x3F87] =	sst s1;
	(tag) =	ssettag s2;
	_ =	strace s9  }
0x27: {  	s1 =	sld [smem:$0x3F97]  }
0x28: {  	s2 =	sld [smem:$0x3F98]  }
0x29: {  	s4 =	sld [smem:$0x3F9A]  }
0x2a: {  	p0 =	seq.s32 s5, $0x0;
	s5 =	sld [smem:$0x3F9B]  }
0x2b: {  	s6 =	sld [smem:$0x3F9C]  }
0x2c: {  	s7 =	sld [smem:$0x3F9D]  }
0x2d: {  	s3 =	simm.s32 $0x108;
	s8 =	sld [smem:$0x3F9E]  }
0x2e: {  	s3 =	simm.s32 @!p0 $0x1082;
	s9 =	sld [smem:$0x3F9F]  }
0x2f: {  	lr =	sadd.s32 s0, s3;
	s0 =	sld [smem:$0x3F96]  }
0x30: {  	s3 =	sld [smem:$0x3F99]  }
0x31: {  	[smem:$0x3FA2] =	sst s10  }
0x32: {  	s10 =	sld [smem:$0x3FA0];
	_ =	sdelay $0x3  }
0x33: {  	p0 =	seq.s32 s10, $0x1;
	s10 =	sld [smem:$0x3FA2];
	_ =	sdelay $0x3  }
0x34: {  	[smem:$0x3FA2] =	sst s10  }
0x35: {  	s10 =	sld [smem:$0x3FA1];
	_ =	sdelay $0x3  }
0x36: {  	p1 =	seq.s32 s10, $0x1;
	s10 =	sld [smem:$0x3FA2];
	_ =	sdelay $0x3  }
0x37: {  	[smem:$0x3FA2] =	sst s10  }
0x38: {  	s10 =	sld [smem:$0x3FA3]  }
0x39: {  	_ = 	snop;
	(pc) =	sbr.ind lr, $3  }
0x3a: {  	_ = 	snop  }
0x3b: {  	_ = 	snop  }
0x3c: {  	p2 =	seq.s32 s10, $0x1;
	s10 =	sld [smem:$0x3FA2]  }
0x3d: {  	_ =	shalt  }
0x3e: {  	_ =	shalt  }
0x3f: {  	_ =	shalt  }
0x40: {  	_ =	shalt  }
0x41: {  	_ =	shalt  }
0x42: {  	_ =	shalt  }
0x43: {  	_ =	shalt  }
0x44: {  	_ =	shalt  }
0x45: {  	_ =	shalt  }
0x46: {  	_ =	shalt  }
0x47: {  	_ =	shalt  }
0x48: {  	_ =	shalt  }
0x49: {  	_ =	shalt  }
0x4a: {  	_ =	shalt  }
0x4b: {  	_ =	shalt  }
0x4c: {  	_ =	shalt  }
0x4d: {  	_ =	shalt  }
0x4e: {  	_ =	shalt  }
0x4f: {  	_ =	shalt  }
0x50: {  	_ =	shalt  }
0x51: {  	_ =	shalt  }
0x52: {  	_ =	shalt  }
0x53: {  	_ =	shalt  }
0x54: {  	_ =	shalt  }
0x55: {  	_ =	shalt  }
0x56: {  	_ =	shalt  }
0x57: {  	_ =	shalt  }
0x58: {  	_ =	shalt  }
0x59: {  	_ =	shalt  }
0x5a: {  	_ =	shalt  }
0x5b: {  	_ =	shalt  }
0x5c: {  	_ =	shalt  }
0x5d: {  	_ =	shalt  }
0x5e: {  	_ =	shalt  }
0x5f: {  	_ =	shalt  }
0x60: {  	_ =	shalt  }
0x61: {  	_ =	shalt  }
0x62: {  	_ =	shalt  }
0x63: {  	_ =	shalt  }
0x64: {  	_ =	shalt  }
0x65: {  	_ =	shalt  }
0x66: {  	_ =	shalt  }
0x67: {  	_ =	shalt  }
0x68: {  	_ =	shalt  }
0x69: {  	_ =	shalt  }
0x6a: {  	_ =	shalt  }
0x6b: {  	_ =	shalt  }
0x6c: {  	_ =	shalt  }
0x6d: {  	_ =	shalt  }
0x6e: {  	_ =	shalt  }
0x6f: {  	_ =	shalt  }
0x70: {  	_ =	shalt  }
0x71: {  	_ =	shalt  }
0x72: {  	_ =	shalt  }
0x73: {  	_ =	shalt  }
0x74: {  	_ =	shalt  }
0x75: {  	_ =	shalt  }
0x76: {  	_ =	shalt  }
0x77: {  	_ =	shalt  }
0x78: {  	_ =	shalt  }
0x79: {  	_ =	shalt  }
0x7a: {  	_ =	shalt  }
0x7b: {  	_ =	shalt  }
0x7c: {  	_ =	shalt  }
0x7d: {  	_ =	shalt  }
0x7e: {  	_ =	shalt  }
0x7f: {  	_ =	shalt  }
0x80: {  	_ =	shalt  }
0x81: {  	_ =	shalt  }
0x82: {  	_ =	shalt  }
0x83: {  	_ =	shalt  }
0x84: {  	_ =	shalt  }
0x85: {  	_ =	shalt  }
0x86: {  	_ =	shalt  }
0x87: {  	_ =	shalt  }
.Lfunc_end0:
.L_simem_size_0:
called_computation.3_lowered:
.L_overlay_start_0:
0x88: {  	s2 =	sld [smem:$0x3FD9]  }
0x89: {  	s3 =	sld [smem:$0x3FFE];
	_ =	sdelay $0x1  }
0x8a: {  	s1 =	srdreg.scid  }
0x8b: {  	s0 =	sand.u32 $0x1, s1  }
0x8c: {  	s17 =	sshll.u32 s0, $0xA;
	s2 =	sadd.s32 s3, s2  }
0x8d: {  	s2 =	sadd.s32 s2, s17  }
0x8e: {  	[smem:$0x3FAE] =	sst s2  }
0x8f: {  	_ = 	snop  }
0x90: {  	(tm) =	ssettm $0x1  }
0x91: {  	s18 =	sld [smem:$0x3FFB];
	_ =	sdelay $0x3  }
0x92: {  	_ =	strace s18  }
0x93: {  	s2 =	sld [smem:$0x3FFC];
	_ =	sdelay $0x3  }
0x94: {  	_ =	strace s2  }
0x95: {  	s2 =	sld [smem:$0x3FFD];
	_ =	sdelay $0x3  }
0x96: {  	_ =	strace s2  }
0x97: {  	_ =	strace $0x8FFFFFFF  }
0x98: {  	s19 =	sld [smem:$0x3FDB];
	_ =	sdelay $0x1  }
0x99: {  	s20 =	simm.s32 $_scs_section_size  }
0x9a: {  	s4 =	simm.s32 $_size__tile_overlayer_lowered;
	s5 =	simm.s32 $_tile_overlayer_lowered  }
0x9b: {  	s6 =	simm.s32 $0x1BFF;
	s21 =	sshll.u32 s5, $0x1;
	s3 =	sadd.s32 s20, s19  }
0x9c: {  	s22 =	simm.s32 $0x0;
	s4 =	sshll.u32 s4, $0x1;
	s5 =	sadd.s32 s21, s3  }
0x9d: {  	[timem:s22], [sflag:s6] =	dma.local [hbm:s5], s4  }
0x9e: {  	_ =	swait.ge [sflag:s6], s4  }
0x9f: {  	s4 =	ssub.s32 $0x0, s4;
	[sflag:s6] =	ssyncset.done $0x0  }
0xa0: {  	[sflag:s6] =	ssyncadd.s32 s4;
	_ =	sdelay $0x1  }
0xa1: {  	s23 =	simm.s32 $0x1B8B  }
0xa2: {  	_ =	swait.ge [sflag:s23], $0x1  }
0xa3: {  	[sflag:s23] =	ssyncset.done $0x0  }
0xa4: {  	[sflag:s23] =	ssyncadd.s32 $0xFFFFFFFF  }
0xa5: {  	s4 =	sld [smem:$0x0]  }
0xa6: {  	s5 =	sand.u32 $0xFFFFFFFE, s1  }
0xa7: {  	p0 =	sne.s32 s1, s5  }
0xa8: {  	s5 =	sshll.u32 @p0 s5, $0xE  }
0xa9: {  	s5 =	sadd.s32 @p0 $0x11B8D, s5;
	s6 =	sshll.u32 @p0 s4, $0x11  }
0xaa: {  	s5 =	sor.u32 @p0 s6, s5  }
0xab: {  	[sflag:s5] =	ssyncadd.remote.s32 @p0 $0x1;
	_ =	sdelay $0x1  }
0xac: {  	s5 =	simm.s32 @p0 $0x1B8D  }
0xad: {  	_ =	swait.eq @p0 [sflag:s5], $0x1  }
0xae: {  	[sflag:s5] =	ssyncadd.s32 @p0 $0xFFFFFFFF  }
0xaf: {  	s6 =	sshll.u32 @!p0 s1, $0xE  }
0xb0: {  	s6 =	sor.u32 @!p0 $0x4000, s6;
	s5 =	simm.s32 @!p0 $0x1B8D  }
0xb1: {  	s4 =	sshll.u32 @!p0 s4, $0x11;
	s6 =	sadd.s32 @!p0 $0x11B8D, s6;
	_ =	swait.eq @!p0 [sflag:s5], $0x1  }
0xb2: {  	s4 =	sor.u32 @!p0 s4, s6;
	[sflag:s5] =	ssyncadd.s32 @!p0 $0xFFFFFFFF  }
0xb3: {  	s25 =	simm.s32 $0x1B8E;
	s24 =	sld [smem:$0x3FFE];
	[sflag:s4] =	ssyncadd.remote.s32 @!p0 $0x1  }
0xb4: {  	s26 =	simm.s32 $execute0_lowered;
	[smem:$0x3FD2] =	sst s25  }
0xb5: {  	s5 =	sshll.u32 s26, $0x1;
	_ =	strace $0x80000052;
	[dreg:$0x1] =	wrdreg $0xFFFFFFFF  }
0xb6: {  	s28 =	simm.s32 $_size_execute0_lowered;
	s3 =	sadd.s32 s3, s5;
	[dreg:$0x0] =	wrdreg $0x0  }
0xb7: {  	s5 =	sshll.u32 s28, $0x1;
	[dreg:$0x2] =	wrdreg s3  }
0xb8: {  	[dreg:$0x3] =	wrdreg s5  }
0xb9: {  	[dreg:$0x4] =	wrdreg $0xC0  }
0xba: {  	_ =	task [dreg:s22], $0x5FFFF  }
0xbb: {  	[dreg:$0x1] =	wrdreg $0xFFFFFFFF  }
0xbc: {  	[dreg:$0x0] =	wrdreg $0x60  }
0xbd: {  	[dreg:$0x2] =	wrdreg s24  }
0xbe: {  	[dreg:$0x3] =	wrdreg $0x140000  }
0xbf: {  	[dreg:$0x4] =	wrdreg $0x9  }
0xc0: {  	_ =	task.clear_ibuf [dreg:s22], $0x5FFFF;
	_ =	strace $0x90000052  }
0xc1: {  	s29 =	simm.s32 $0x9;
	_ =	strace $0x80000054  }
0xc2: {  	_ =	swait.ge [sflag:s29], $0x1  }
0xc3: {  	[sflag:s29] =	ssyncadd.s32 $0xFFFFFFFF  }
0xc4: {  	_ =	strace $0x90000054  }
0xc5: {  	_ =	sfence  }
0xc6: {  	s30 =	sld [smem:$0x0];
	_ =	sdelay $0x2  }
0xc7: {  	s31 =	sshll.u32 s1, $0xD;
	s1 =	sshrl.u32 s1, $0x2  }
0xc8: {  	s4 =	sand.u32 $0x4000, s31;
	s1 =	sadd.s32 s1, s30  }
0xc9: {  	s0 =	sor.u32 s4, s0;
	s1 =	sshll.u32 s1, $0x11  }
0xca: {  	s0 =	sor.u32 s1, s0  }
0xcb: {  	s0 =	sadd.s32 $0x8F2B, s0  }
0xcc: {  	[sflag:s0] =	ssyncadd.remote.s32 $0x1  }
0xcd: {  	_ =	sfence.sel $0xFFFF  }
0xce: {  	[dreg:$0x0] =	wrdreg $0xFFFFFFFF;
	(pc) =	sbr.abs _section_cstart, $3  }
0xcf: {  	[dreg:$0x1] =	wrdreg $0xFFFFFFFF  }
0xd0: {  	_ =	task.clear_ibuf [dreg:s22], $0x2FFFF;
	_ =	strace $0x9FFFFFFF  }
0xd1: {  	(tm) =	ssettm $0x7FFFFFFF  }
tec
execute0_lowered:
.L_overlay_start_1:
0x0: {  	(tag) =	ssettag $0x1  }
0x1: {  	s0 =	rddreg [dreg:$0x0]  }
0x2: {  	s1 =	rddreg [dreg:$0x1];
	s3 =	simm.s32 $0x0  }
0x3: {  	s2 =	srdreg.scid;
	s10 =	stileid.u32;
	s14 =	simm.s32 $0x80  }
0x4: {  	s15 =	simm.s32 $0x4000;
	s16 =	simm.s32 $0x8000;
	s18 =	simm.s32 $0xC000  }
0x5: {  	s20 =	simm.s32 $0x10000;
	s21 =	simm.s32 $0x1;
	s22 =	simm.s32 $0x5  }
0x6: {  	s23 =	simm.s32 $0x2;
	s28 =	simm.s32 $0x4;
	s29 =	simm.s32 $0x8  }
0x7: {  	s31 =	simm.s32 $0x3E80;
	[smem:$0x7FF] =	sst s3;
	s2 =	sand.u32 $0x1, s2  }
0x8: {  	s5 =	sshll.u32 s10, $0xB;
	s4 =	sadd.s32 $0x25E00, s0;
	s25 =	sshll.u32 s10, $0xC  }
0x9: {  	s26 =	sshll.u32 s10, $0xF;
	s30 =	sshll.u32 s10, $0x6;
	s10 =	simm.s32 $0x9  }
0xa: {  	_ =	strace $0x80000053;
	s6 =	sshll.u32 s2, $0xA;
	s24 =	ssub.s32 $0x2, s2  }
0xb: {  	s2 =	sshll.u32 s2, $0x10;
	s11 =	sadd.s32 s26, s1;
	s12 =	sor.u32 $0x1C09, s30  }
0xc: {  	s26 =	simm.s32 $0x7;
	s5 =	sor.u32 s6, s5;
	s8 =	sshrl.u32 s24, $0x1  }
0xd: {  	s13 =	sshrl.u32 s11, $0x3;
	s11 =	simm.s32 $0x0;
	s7 =	sadd.s32 s5, s0  }
0xe: {  	s0 =	sadd.s32 s25, s0;
	s9 =	ssub.s32 s24, s8;
	s24 =	simm.s32 $0x6  }
0xf: {  	s25 =	simm.s32 $0x3;
	s5 =	sadd.s32 $0xDE00, s7;
	s6 =	sadd.s32 $0x5E00, s7  }
0x10: {  	s7 =	sadd.s32 $0x35E00, s0;
	s0 =	sadd.s32 s2, s0;
	s9 =	smax.u32 s9, $0x1  }
0x11: {  	s2 =	simm.s32 $0x3F80;
	s8 =	sadd.s32 $0x85E00, s0;
	s0 =	simm.s32 $0x3F00  }
.LBB2_1:
0x12: {  	[tilespmem:s3], [sflag:$0x9] =	stream.linear.gather [hbm4b:s5+s3], $0x2000, $0x38;
	[tilespmem:$0x1C000] =	vst v63  }
0x13: {  	_ =	swait.ge [sflag:s10], $0x2000  }
0x14: {  	[sflag:s10] =	ssyncset.done $0x0  }
0x15: {  	s17 =	simm.s32 $0x2000;
	[sflag:s10] =	ssyncadd.s32 $0xFFFFE000  }
0x16: {  	[tilespmem:s17], [sflag:$0x9] =	stream.linear.gather [hbm4b:s6+s3], $0x2000, $0x38;
	[tilespmem:$0x1C000] =	vst v63  }
0x17: {  	_ =	swait.ge [sflag:s10], $0x2000  }
0x18: {  	[sflag:s10] =	ssyncset.done $0x0  }
0x19: {  	[sflag:s10] =	ssyncadd.s32 $0xFFFFE000  }
0x1a: {  	[spmem:s13], [sflag:s12] =	dma.local [hbm:s7], $0x1000  }
0x1b: {  	_ =	swait.ge [sflag:s10], $0x1000  }
0x1c: {  	[sflag:s10] =	ssyncset.done $0x0  }
0x1d: {  	[sflag:s10] =	ssyncadd.s32 $0xFFFFF000  }
0x1e: {  	[bflag:$0x0] =	sbarrier.arrive $0xFFFF  }
0x1f: {  	[tilespmem:s15], [sflag:$0x1] =	stream.indirect.gather [hbm4b:s4+s14], $0x80, s3, s14, $0xb8;
	[tilespmem:$0x1C000] =	vst v63  }
0x20: {  	_ = 	snop  }
0x21: {  	[tilespmem:s16], [sflag:$0x2] =	stream.indirect.gather [hbm4b:s4+s14], $0x80, s14, s14, $0xb8;
	[tilespmem:$0x1C000] =	vst v63  }
0x22: {  	s30 =	simm.s32 $0x100  }
0x23: {  	[tilespmem:s18], [sflag:$0x3] =	stream.indirect.gather [hbm4b:s4+s14], $0x80, s30, s14, $0xb8;
	[tilespmem:$0x1C000] =	vst v63  }
0x24: {  	s19 =	simm.s32 $0x180  }
0x25: {  	[tilespmem:s20], [sflag:$0x4] =	stream.indirect.gather [hbm4b:s4+s14], $0x80, s19, s14, $0xb8;
	[tilespmem:$0x1C000] =	vst v63  }
0x26: {  	_ =	swait.ge [sflag:s21], $0x4000  }
0x27: {  	[sflag:s21] =	ssyncset.done $0x0  }
0x28: {  	s30 =	simm.s32 $0x2000;
	[sflag:s21] =	ssyncadd.s32 $0xFFFFC000  }
0x29: {  	[spmem:s1] =	stream.indirect.scatter.add.f32 [tilespmem:s15], [sflag:$0x5], $0x80, s30, s14, $0xb8;
	[tilespmem:$0x1C000] =	vst v63  }
0x2a: {  	_ =	swait.ge [sflag:s22], $0x4000  }
0x2b: {  	[sflag:s22] =	ssyncset.done $0x0  }
0x2c: {  	s19 =	simm.s32 $0x200;
	[sflag:s22] =	ssyncadd.s32 $0xFFFFC000  }
0x2d: {  	[tilespmem:s15], [sflag:$0x1] =	stream.indirect.gather [hbm4b:s4+s14], $0x80, s19, s14, $0xb8;
	[tilespmem:$0x1C000] =	vst v63  }
0x2e: {  	_ =	swait.ge [sflag:s23], $0x4000  }
0x2f: {  	[sflag:s23] =	ssyncset.done $0x0  }
0x30: {  	s30 =	simm.s32 $0x2080;
	[sflag:s23] =	ssyncadd.s32 $0xFFFFC000  }
0x31: {  	[spmem:s1] =	stream.indirect.scatter.add.f32 [tilespmem:s16], [sflag:$0x6], $0x80, s30, s14, $0xb8;
	[tilespmem:$0x1C000] =	vst v63  }
0x32: {  	_ =	swait.ge [sflag:s24], $0x4000  }
0x33: {  	[sflag:s24] =	ssyncset.done $0x0  }
0x34: {  	s19 =	simm.s32 $0x280;
	[sflag:s24] =	ssyncadd.s32 $0xFFFFC000  }
0x35: {  	[tilespmem:s16], [sflag:$0x2] =	stream.indirect.gather [hbm4b:s4+s14], $0x80, s19, s14, $0xb8;
	[tilespmem:$0x1C000] =	vst v63  }
0x36: {  	_ =	swait.ge [sflag:s25], $0x4000  }
0x37: {  	[sflag:s25] =	ssyncset.done $0x0  }
0x38: {  	s30 =	simm.s32 $0x2100;
	[sflag:s25] =	ssyncadd.s32 $0xFFFFC000  }
0x39: {  	[spmem:s1] =	stream.indirect.scatter.add.f32 [tilespmem:s18], [sflag:$0x7], $0x80, s30, s14, $0xb8;
	[tilespmem:$0x1C000] =	vst v63  }
0x3a: {  	_ =	swait.ge [sflag:s26], $0x4000  }
0x3b: {  	[sflag:s26] =	ssyncset.done $0x0  }
0x3c: {  	s19 =	simm.s32 $0x300;
	[sflag:s26] =	ssyncadd.s32 $0xFFFFC000  }
0x3d: {  	[tilespmem:s18], [sflag:$0x3] =	stream.indirect.gather [hbm4b:s4+s14], $0x80, s19, s14, $0xb8;
	[tilespmem:$0x1C000] =	vst v63  }
0x3e: {  	_ =	swait.ge [sflag:s28], $0x4000  }
0x3f: {  	[sflag:s28] =	ssyncset.done $0x0  }
0x40: {  	s30 =	simm.s32 $0x2180;
	[sflag:s28] =	ssyncadd.s32 $0xFFFFC000  }
0x41: {  	[spmem:s1] =	stream.indirect.scatter.add.f32 [tilespmem:s20], [sflag:$0x8], $0x80, s30, s14, $0xb8;
	[tilespmem:$0x1C000] =	vst v63  }
0x42: {  	_ =	swait.ge [sflag:s29], $0x4000  }
0x43: {  	[sflag:s29] =	ssyncset.done $0x0  }
0x44: {  	s17 =	simm.s32 $0x800;
	s19 =	simm.s32 $0x380;
	[sflag:s29] =	ssyncadd.s32 $0xFFFFC000  }
.LBB2_2:
0x45: {  	[tilespmem:s20], [sflag:$0x4] =	stream.indirect.gather [hbm4b:s4+s14], $0x80, s19, s14, $0xb8;
	[tilespmem:$0x1C000] =	vst v63  }
0x46: {  	s19 =	smov.u32 s17  }
0x47: {  	p0 =	sne.s32 s17, $0x7000;
	s17 =	sadd.s32 $0x800, s17;
	_ =	swait.ge [sflag:s21], $0x4000  }
0x48: {  	s19 =	sshra.s32 s19, $0x2;
	[sflag:s21] =	ssyncset.done $0x0  }
0x49: {  	s30 =	sadd.s32 $0x2000, s19;
	[sflag:s21] =	ssyncadd.s32 $0xFFFFC000  }
0x4a: {  	[spmem:s1] =	stream.indirect.scatter.add.f32 [tilespmem:s15], [sflag:$0x5], $0x80, s30, s14, $0xb8;
	[tilespmem:$0x1C000] =	vst v63  }
0x4b: {  	_ =	swait.ge [sflag:s22], $0x4000  }
0x4c: {  	[sflag:s22] =	ssyncset.done $0x0  }
0x4d: {  	s30 =	sadd.s32 $0x200, s19;
	[sflag:s22] =	ssyncadd.s32 $0xFFFFC000  }
0x4e: {  	[tilespmem:s15], [sflag:$0x1] =	stream.indirect.gather [hbm4b:s4+s14], $0x80, s30, s14, $0xb8;
	[tilespmem:$0x1C000] =	vst v63  }
0x4f: {  	_ =	swait.ge [sflag:s23], $0x4000  }
0x50: {  	[sflag:s23] =	ssyncset.done $0x0  }
0x51: {  	s30 =	sadd.s32 $0x2080, s19;
	[sflag:s23] =	ssyncadd.s32 $0xFFFFC000  }
0x52: {  	[spmem:s1] =	stream.indirect.scatter.add.f32 [tilespmem:s16], [sflag:$0x6], $0x80, s30, s14, $0xb8;
	[tilespmem:$0x1C000] =	vst v63  }
0x53: {  	_ =	swait.ge [sflag:s24], $0x4000  }
0x54: {  	[sflag:s24] =	ssyncset.done $0x0  }
0x55: {  	s30 =	sadd.s32 $0x280, s19;
	[sflag:s24] =	ssyncadd.s32 $0xFFFFC000  }
0x56: {  	[tilespmem:s16], [sflag:$0x2] =	stream.indirect.gather [hbm4b:s4+s14], $0x80, s30, s14, $0xb8;
	[tilespmem:$0x1C000] =	vst v63  }
0x57: {  	_ =	swait.ge [sflag:s25], $0x4000  }
0x58: {  	[sflag:s25] =	ssyncset.done $0x0  }
0x59: {  	s30 =	sadd.s32 $0x2100, s19;
	[sflag:s25] =	ssyncadd.s32 $0xFFFFC000  }
0x5a: {  	[spmem:s1] =	stream.indirect.scatter.add.f32 [tilespmem:s18], [sflag:$0x7], $0x80, s30, s14, $0xb8;
	[tilespmem:$0x1C000] =	vst v63  }
0x5b: {  	_ =	swait.ge [sflag:s26], $0x4000  }
0x5c: {  	[sflag:s26] =	ssyncset.done $0x0  }
0x5d: {  	s30 =	sadd.s32 $0x300, s19;
	[sflag:s26] =	ssyncadd.s32 $0xFFFFC000  }
0x5e: {  	[tilespmem:s18], [sflag:$0x3] =	stream.indirect.gather [hbm4b:s4+s14], $0x80, s30, s14, $0xb8;
	[tilespmem:$0x1C000] =	vst v63  }
0x5f: {  	_ =	swait.ge [sflag:s28], $0x4000  }
0x60: {  	[sflag:s28] =	ssyncset.done $0x0  }
.Ltmp0:
0x61: {  	s30 =	sadd.s32 $0x2180, s19;
	[sflag:s28] =	ssyncadd.s32 $0xFFFFC000;
	(pc) =	sbr.rel @p0 .LBB2_2-.Ltmp0, $4  }
0x62: {  	[spmem:s1] =	stream.indirect.scatter.add.f32 [tilespmem:s20], [sflag:$0x8], $0x80, s30, s14, $0xb8;
	[tilespmem:$0x1C000] =	vst v63  }
0x63: {  	_ =	swait.ge [sflag:s29], $0x4000  }
0x64: {  	[sflag:s29] =	ssyncset.done $0x0  }
0x65: {  	s19 =	sadd.s32 $0x380, s19;
	[sflag:s29] =	ssyncadd.s32 $0xFFFFC000  }
0x66: {  	[tilespmem:s20], [sflag:$0x4] =	stream.indirect.gather [hbm4b:s4+s14], $0x80, s19, s14, $0xb8;
	[tilespmem:$0x1C000] =	vst v63  }
0x67: {  	_ =	swait.ge [sflag:s21], $0x4000  }
0x68: {  	[sflag:s21] =	ssyncset.done $0x0  }
0x69: {  	s17 =	simm.s32 $0x3E00;
	[sflag:s21] =	ssyncadd.s32 $0xFFFFC000  }
0x6a: {  	[spmem:s1] =	stream.indirect.scatter.add.f32 [tilespmem:s15], [sflag:$0x5], $0x80, s17, s14, $0xb8;
	[tilespmem:$0x1C000] =	vst v63  }
0x6b: {  	_ =	swait.ge [sflag:s23], $0x4000  }
0x6c: {  	[sflag:s23] =	ssyncset.done $0x0  }
0x6d: {  	[sflag:s23] =	ssyncadd.s32 $0xFFFFC000  }
0x6e: {  	[spmem:s1] =	stream.indirect.scatter.add.f32 [tilespmem:s16], [sflag:$0x6], $0x80, s31, s14, $0xb8;
	[tilespmem:$0x1C000] =	vst v63  }
0x6f: {  	_ =	swait.ge [sflag:s25], $0x4000  }
0x70: {  	[sflag:s25] =	ssyncset.done $0x0  }
0x71: {  	[sflag:s25] =	ssyncadd.s32 $0xFFFFC000  }
0x72: {  	[spmem:s1] =	stream.indirect.scatter.add.f32 [tilespmem:s18], [sflag:$0x7], $0x80, s0, s14, $0xb8;
	[tilespmem:$0x1C000] =	vst v63  }
0x73: {  	_ =	swait.ge [sflag:s28], $0x4000  }
0x74: {  	[sflag:s28] =	ssyncset.done $0x0  }
0x75: {  	[sflag:s28] =	ssyncadd.s32 $0xFFFFC000  }
0x76: {  	[spmem:s1] =	stream.indirect.scatter.add.f32 [tilespmem:s20], [sflag:$0x8], $0x80, s2, s14, $0xb8;
	[tilespmem:$0x1C000] =	vst v63  }
0x77: {  	_ =	swait.ge [sflag:s22], $0x4000  }
0x78: {  	[sflag:s22] =	ssyncset.done $0x0  }
0x79: {  	[sflag:s22] =	ssyncadd.s32 $0xFFFFC000  }
0x7a: {  	_ =	swait.ge [sflag:s24], $0x4000  }
0x7b: {  	[sflag:s24] =	ssyncset.done $0x0  }
0x7c: {  	[sflag:s24] =	ssyncadd.s32 $0xFFFFC000  }
0x7d: {  	_ =	swait.ge [sflag:s26], $0x4000  }
0x7e: {  	[sflag:s26] =	ssyncset.done $0x0  }
0x7f: {  	[sflag:s26] =	ssyncadd.s32 $0xFFFFC000  }
0x80: {  	_ =	swait.ge [sflag:s29], $0x4000  }
0x81: {  	[sflag:s29] =	ssyncset.done $0x0  }
0x82: {  	s11 =	sadd.s32 $0x1, s11;
	[sflag:s29] =	ssyncadd.s32 $0xFFFFC000  }
0x83: {  	p0 =	sne.s32 s11, s9;
	[bflag:$0x0] =	sbarrier.arrive $0xFFFF  }
0x84: {  	[hbm:s8], [sflag:s12] =	dma.local [spmem:s13], $0x1000  }
.Ltmp1:
0x85: {  	_ =	swait.ge [sflag:s10], $0x1000;
	(pc) =	sbr.rel @p0 .LBB2_1-.Ltmp1, $3  }
0x86: {  	[sflag:s10] =	ssyncset.done $0x0  }
0x87: {  	[sflag:s10] =	ssyncadd.s32 $0xFFFFF000  }
0x88: {  	[bflag:$0x0] =	sbarrier.arrive $0xFFFF;
	_ =	sdelay $0x1  }
0x89: {  	_ =	sfence.sel $0x180000  }
0x8a: {  	[bflag:$0x0] =	sbarrier.arrive $0xFFFF  }
0x8b: {  	_ =	strace $0x90000053  }
0x8c: {  	s0 =	stileid.u32;
	[bflag:$0x2] =	sbarrier.arrive $0xFFFF  }
0x8d: {  	p0 =	sne.s32 s0, $0x0;
	s0 =	rddreg [dreg:$0x2]  }
0x8e: {  	s0 =	sadd.s32 @!p0 $0x100000, s0  }
0x8f: {  	[sflag:s0] =	ssyncadd.tile.s32 @!p0 $0x1;
	_ =	shalt  }
.Lfunc_end2:
_tile_overlayer_lowered:
.L_overlay_start_2:
0x90: {  	(tag) =	ssettag $0x2  }
0x91: {  	s0 =	rddreg [dreg:$0x0];
	s2 =	stileid.u32  }
0x92: {  	s1 =	rddreg [dreg:$0x1];
	p0 =	sne.s32 s2, $0x0  }
0x93: {  	s3 =	rddreg [dreg:$0x2];
	[bflag:$0x3] =	sbarrier.arrive $0xFFFF;
	s2 =	simm.s32 @!p0 $0x1C09  }
0x94: {  	[timem:s3], [sflag:s2] =	dma.local @!p0 [hbm:s0], s1  }
0x95: {  	s0 =	simm.s32 @!p0 $0x9  }
0x96: {  	_ =	swait.ge @!p0 [sflag:s0], s1  }
0x97: {  	s1 =	ssub.s32 @!p0 $0x0, s1;
	[sflag:s0] =	ssyncset.done @!p0 $0x0  }
0x98: {  	[sflag:s0] =	ssyncadd.s32 @!p0 s1  }
0x99: {  	[bflag:$0x3] =	sbarrier.arrive $0xFFFF  }
0x9a: {  	_ =	shalt  }

// kernel: kernel.27.cloned.1.call-start
scs
__scs_entry_jumppad:
0x0: {  	(pc) =	sbr.rel $0x88, $3  }
0x1: {  	(tag) =	ssettag $0x0;
	lr =	simm.s32 $0x1  }
0x2: {  	[smem:$0x3F87] =	sst lr;
	_ =	strace $0xD0000000  }
0x3: {  	_ = 	snop  }
0x4: {  	_ = 	snop  }
0x5: {  	_ = 	snop  }
0x6: {  	_ = 	snop  }
0x7: {  	_ = 	snop  }
__scs_overlays_trampoline_lowered:
0x8: {  	[smem:$0x3F96] =	sst s0  }
0x9: {  	[smem:$0x3F97] =	sst s1  }
0xa: {  	[smem:$0x3F98] =	sst s2  }
0xb: {  	[smem:$0x3F99] =	sst s3  }
0xc: {  	[smem:$0x3F9A] =	sst s4  }
0xd: {  	[smem:$0x3F9B] =	sst s5  }
0xe: {  	[smem:$0x3F9C] =	sst s6  }
0xf: {  	[smem:$0x3F9D] =	sst s7  }
0x10: {  	[smem:$0x3F9E] =	sst s8  }
0x11: {  	[smem:$0x3F9F] =	sst s9;
	s0 =	simm.s32 @!p0 $0x0  }
0x12: {  	s1 =	sld [smem:$0x3F85];
	s0 =	simm.s32 @p0 $0x1  }
0x13: {  	[smem:$0x3FA0] =	sst s0;
	s0 =	simm.s32 @!p1 $0x0  }
0x14: {  	s2 =	sld [smem:$0x3F84];
	s0 =	simm.s32 @p1 $0x1  }
0x15: {  	[smem:$0x3FA1] =	sst s0;
	s0 =	simm.s32 @!p2 $0x0  }
0x16: {  	s3 =	sld [smem:$0x3FDB];
	s0 =	simm.s32 @p2 $0x1  }
0x17: {  	s4 =	simm.s32 $0x1BF5;
	[smem:$0x3FA3] =	sst s0  }
0x18: {  	s0 =	sld [smem:$0x3F86];
	_ =	swait.ge [sflag:s4], $0x0  }
0x19: {  	s7 =	sld [smem:$0x3F87]  }
0x1a: {  	s8 =	sadd.s32 $0xFFFFE003, lr  }
0x1b: {  	s9 =	sadd.s32 $0xFFFFFEF7, lr;
	s5 =	simm.s32 $0xFFFFFFFF;
	p2 =	slt.u32 s8, $0xFFFFF086  }
0x1c: {  	p1 =	slt.u32 s9, $0xF7A;
	s5 =	simm.s32 @!p2 $0x0  }
0x1d: {  	s5 =	simm.s32 @p1 $0x1;
	p0 =	seq.s32 s7, s2  }
0x1e: {  	s7 =	smul.u32 @!p0 $0xF7A, s2;
	p2 =	seq.s32 @!p0 s5, $0x0  }
0x1f: {  	s9 =	smul.u32 $0xF7A, s1;
	s8 =	simm.s32 @!p0 $0x1BF5;
	p2 =	por !p2, p0  }
0x20: {  	[sflag:s8] =	ssyncset.s32 @!p0 $0xFFFFF086;
	s6 =	sadd.s32 @!p0 s3, s7;
	s7 =	simm.s32 @!p0 $0x108  }
0x21: {  	s3 =	sadd.s32 s3, s9;
	s6 =	sadd.s32 @!p0 $0x88, s6;
	s7 =	simm.s32 @p2 $0x1082  }
0x22: {  	[simem:s7], [sflag:s8] =	dma.local @!p0 [hbm:s6], $0xF7A  }
0x23: {  	s9 =	sor.u32 $0xD0000000, s2;
	s6 =	simm.s32 $0x108;
	_ =	swait.ge @!p0 [sflag:s8], $0x0  }
0x24: {  	s3 =	sadd.s32 $0x88, s3;
	s6 =	simm.s32 @!p1 $0x1082;
	[sflag:s4] =	ssyncset.s32 $0xFFFFF086  }
0x25: {  	[simem:s6], [sflag:s4] =	dma.local [hbm:s3], $0xF7A  }
0x26: {  	[smem:$0x3F87] =	sst s1;
	(tag) =	ssettag s2;
	_ =	strace s9  }
0x27: {  	s1 =	sld [smem:$0x3F97]  }
0x28: {  	s2 =	sld [smem:$0x3F98]  }
0x29: {  	s4 =	sld [smem:$0x3F9A]  }
0x2a: {  	p0 =	seq.s32 s5, $0x0;
	s5 =	sld [smem:$0x3F9B]  }
0x2b: {  	s6 =	sld [smem:$0x3F9C]  }
0x2c: {  	s7 =	sld [smem:$0x3F9D]  }
0x2d: {  	s3 =	simm.s32 $0x108;
	s8 =	sld [smem:$0x3F9E]  }
0x2e: {  	s3 =	simm.s32 @!p0 $0x1082;
	s9 =	sld [smem:$0x3F9F]  }
0x2f: {  	lr =	sadd.s32 s0, s3;
	s0 =	sld [smem:$0x3F96]  }
0x30: {  	s3 =	sld [smem:$0x3F99]  }
0x31: {  	[smem:$0x3FA2] =	sst s10  }
0x32: {  	s10 =	sld [smem:$0x3FA0];
	_ =	sdelay $0x3  }
0x33: {  	p0 =	seq.s32 s10, $0x1;
	s10 =	sld [smem:$0x3FA2];
	_ =	sdelay $0x3  }
0x34: {  	[smem:$0x3FA2] =	sst s10  }
0x35: {  	s10 =	sld [smem:$0x3FA1];
	_ =	sdelay $0x3  }
0x36: {  	p1 =	seq.s32 s10, $0x1;
	s10 =	sld [smem:$0x3FA2];
	_ =	sdelay $0x3  }
0x37: {  	[smem:$0x3FA2] =	sst s10  }
0x38: {  	s10 =	sld [smem:$0x3FA3]  }
0x39: {  	_ = 	snop;
	(pc) =	sbr.ind lr, $3  }
0x3a: {  	_ = 	snop  }
0x3b: {  	_ = 	snop  }
0x3c: {  	p2 =	seq.s32 s10, $0x1;
	s10 =	sld [smem:$0x3FA2]  }
0x3d: {  	_ =	shalt  }
0x3e: {  	_ =	shalt  }
0x3f: {  	_ =	shalt  }
0x40: {  	_ =	shalt  }
0x41: {  	_ =	shalt  }
0x42: {  	_ =	shalt  }
0x43: {  	_ =	shalt  }
0x44: {  	_ =	shalt  }
0x45: {  	_ =	shalt  }
0x46: {  	_ =	shalt  }
0x47: {  	_ =	shalt  }
0x48: {  	_ =	shalt  }
0x49: {  	_ =	shalt  }
0x4a: {  	_ =	shalt  }
0x4b: {  	_ =	shalt  }
0x4c: {  	_ =	shalt  }
0x4d: {  	_ =	shalt  }
0x4e: {  	_ =	shalt  }
0x4f: {  	_ =	shalt  }
0x50: {  	_ =	shalt  }
0x51: {  	_ =	shalt  }
0x52: {  	_ =	shalt  }
0x53: {  	_ =	shalt  }
0x54: {  	_ =	shalt  }
0x55: {  	_ =	shalt  }
0x56: {  	_ =	shalt  }
0x57: {  	_ =	shalt  }
0x58: {  	_ =	shalt  }
0x59: {  	_ =	shalt  }
0x5a: {  	_ =	shalt  }
0x5b: {  	_ =	shalt  }
0x5c: {  	_ =	shalt  }
0x5d: {  	_ =	shalt  }
0x5e: {  	_ =	shalt  }
0x5f: {  	_ =	shalt  }
0x60: {  	_ =	shalt  }
0x61: {  	_ =	shalt  }
0x62: {  	_ =	shalt  }
0x63: {  	_ =	shalt  }
0x64: {  	_ =	shalt  }
0x65: {  	_ =	shalt  }
0x66: {  	_ =	shalt  }
0x67: {  	_ =	shalt  }
0x68: {  	_ =	shalt  }
0x69: {  	_ =	shalt  }
0x6a: {  	_ =	shalt  }
0x6b: {  	_ =	shalt  }
0x6c: {  	_ =	shalt  }
0x6d: {  	_ =	shalt  }
0x6e: {  	_ =	shalt  }
0x6f: {  	_ =	shalt  }
0x70: {  	_ =	shalt  }
0x71: {  	_ =	shalt  }
0x72: {  	_ =	shalt  }
0x73: {  	_ =	shalt  }
0x74: {  	_ =	shalt  }
0x75: {  	_ =	shalt  }
0x76: {  	_ =	shalt  }
0x77: {  	_ =	shalt  }
0x78: {  	_ =	shalt  }
0x79: {  	_ =	shalt  }
0x7a: {  	_ =	shalt  }
0x7b: {  	_ =	shalt  }
0x7c: {  	_ =	shalt  }
0x7d: {  	_ =	shalt  }
0x7e: {  	_ =	shalt  }
0x7f: {  	_ =	shalt  }
0x80: {  	_ =	shalt  }
0x81: {  	_ =	shalt  }
0x82: {  	_ =	shalt  }
0x83: {  	_ =	shalt  }
0x84: {  	_ =	shalt  }
0x85: {  	_ =	shalt  }
0x86: {  	_ =	shalt  }
0x87: {  	_ =	shalt  }
.Lfunc_end0:
.L_simem_size_0:
called_computation.4_lowered:
.L_overlay_start_0:
0x88: {  	s2 =	sld [smem:$0x3FD9]  }
0x89: {  	s3 =	sld [smem:$0x3FFE];
	_ =	sdelay $0x1  }
0x8a: {  	s1 =	srdreg.scid  }
0x8b: {  	s0 =	sand.u32 $0x1, s1  }
0x8c: {  	s16 =	sshll.u32 s0, $0xA;
	s2 =	sadd.s32 s3, s2  }
0x8d: {  	s2 =	sadd.s32 s2, s16  }
0x8e: {  	[smem:$0x3FAE] =	sst s2  }
0x8f: {  	_ = 	snop  }
0x90: {  	(tm) =	ssettm $0x1  }
0x91: {  	s17 =	sld [smem:$0x3FFB];
	_ =	sdelay $0x3  }
0x92: {  	_ =	strace s17  }
0x93: {  	s2 =	sld [smem:$0x3FFC];
	_ =	sdelay $0x3  }
0x94: {  	_ =	strace s2  }
0x95: {  	s2 =	sld [smem:$0x3FFD];
	_ =	sdelay $0x3  }
0x96: {  	_ =	strace s2  }
0x97: {  	_ =	strace $0x8FFFFFFF  }
0x98: {  	s18 =	sld [smem:$0x3FDB];
	_ =	sdelay $0x1  }
0x99: {  	s19 =	simm.s32 $_scs_section_size  }
0x9a: {  	s4 =	simm.s32 $_size__tile_overlayer_lowered;
	s5 =	simm.s32 $_tile_overlayer_lowered  }
0x9b: {  	s22 =	simm.s32 $0x1BFF;
	s21 =	sshll.u32 s5, $0x1;
	s2 =	sadd.s32 s19, s18  }
0x9c: {  	s6 =	simm.s32 $0x0;
	s20 =	sshll.u32 s4, $0x1;
	s4 =	sadd.s32 s21, s2  }
0x9d: {  	[timem:s6], [sflag:s22] =	dma.local [hbm:s4], s20  }
0x9e: {  	_ =	swait.ge [sflag:s22], s20  }
0x9f: {  	s3 =	ssub.s32 $0x0, s20;
	[sflag:s22] =	ssyncset.done $0x0  }
0xa0: {  	[sflag:s22] =	ssyncadd.s32 s3;
	_ =	sdelay $0x1  }
0xa1: {  	s23 =	simm.s32 $0x1B8B  }
0xa2: {  	_ =	swait.ge [sflag:s23], $0x1  }
0xa3: {  	[sflag:s23] =	ssyncset.done $0x0  }
0xa4: {  	s25 =	simm.s32 $0x1B8E;
	s24 =	sld [smem:$0x3FFE];
	[sflag:s23] =	ssyncadd.s32 $0xFFFFFFFF  }
0xa5: {  	s26 =	simm.s32 $execute0_lowered;
	[smem:$0x3FD2] =	sst s25  }
0xa6: {  	s4 =	sshll.u32 s26, $0x1;
	_ =	strace $0x8000004F;
	[dreg:$0x1] =	wrdreg $0xFFFFFFFF  }
0xa7: {  	s28 =	simm.s32 $_size_execute0_lowered;
	s2 =	sadd.s32 s2, s4;
	[dreg:$0x0] =	wrdreg $0x0  }
0xa8: {  	s4 =	sshll.u32 s28, $0x1;
	[dreg:$0x2] =	wrdreg s2  }
0xa9: {  	[dreg:$0x3] =	wrdreg s4  }
0xaa: {  	[dreg:$0x4] =	wrdreg $0xC0  }
0xab: {  	_ =	task [dreg:s6], $0x5FFFF  }
0xac: {  	[dreg:$0x1] =	wrdreg $0xFFFFFFFF  }
0xad: {  	[dreg:$0x0] =	wrdreg $0x60  }
0xae: {  	[dreg:$0x2] =	wrdreg s24  }
0xaf: {  	[dreg:$0x3] =	wrdreg $0x140000  }
0xb0: {  	[dreg:$0x4] =	wrdreg $0xA  }
0xb1: {  	_ =	task.clear_ibuf [dreg:s6], $0x5FFFF;
	_ =	strace $0x9000004F  }
0xb2: {  	s29 =	simm.s32 $0xA;
	_ =	strace $0x80000051  }
0xb3: {  	_ =	swait.ge [sflag:s29], $0x1  }
0xb4: {  	[sflag:s29] =	ssyncadd.s32 $0xFFFFFFFF  }
0xb5: {  	_ =	strace $0x90000051  }
0xb6: {  	_ =	sfence  }
0xb7: {  	s30 =	sld [smem:$0x0];
	_ =	sdelay $0x2  }
0xb8: {  	s31 =	sshll.u32 s1, $0xD;
	s1 =	sshrl.u32 s1, $0x2  }
0xb9: {  	s3 =	sand.u32 $0x4000, s31;
	s1 =	sadd.s32 s1, s30  }
0xba: {  	s0 =	sor.u32 s3, s0;
	s1 =	sshll.u32 s1, $0x11  }
0xbb: {  	s0 =	sor.u32 s1, s0  }
0xbc: {  	s0 =	sadd.s32 $0x8F2B, s0  }
0xbd: {  	[sflag:s0] =	ssyncadd.remote.s32 $0x1  }
0xbe: {  	_ =	sfence.sel $0xFFFF  }
0xbf: {  	[dreg:$0x0] =	wrdreg $0xFFFFFFFF;
	(pc) =	sbr.abs _section_cstart, $3  }
0xc0: {  	[dreg:$0x1] =	wrdreg $0xFFFFFFFF  }
0xc1: {  	_ =	task.clear_ibuf [dreg:s6], $0x2FFFF;
	_ =	strace $0x9FFFFFFF  }
0xc2: {  	(tm) =	ssettm $0x7FFFFFFF  }
0xc3: {  	_ =	shalt  }
tec
execute0_lowered:
.L_overlay_start_1:
0x0: {  	(tag) =	ssettag $0x1  }
0x1: {  	s0 =	rddreg [dreg:$0x0]  }
0x2: {  	s1 =	rddreg [dreg:$0x1];
	s3 =	simm.s32 $0x0  }
0x3: {  	s2 =	srdreg.scid;
	s10 =	stileid.u32;
	s14 =	simm.s32 $0x80  }
0x4: {  	s15 =	simm.s32 $0x4000;
	s16 =	simm.s32 $0x8000;
	s18 =	simm.s32 $0xC000  }
0x5: {  	s20 =	simm.s32 $0x10000;
	s21 =	simm.s32 $0x1;
	s22 =	simm.s32 $0x5  }
0x6: {  	s23 =	simm.s32 $0x2;
	s28 =	simm.s32 $0x4;
	s29 =	simm.s32 $0x8  }
0x7: {  	s31 =	simm.s32 $0x3E80;
	[smem:$0x7FF] =	sst s3;
	s2 =	sand.u32 $0x1, s2  }
0x8: {  	s5 =	sshll.u32 s10, $0xB;
	s4 =	sadd.s32 $0x15E00, s0;
	s25 =	sshll.u32 s10, $0xC  }
0x9: {  	s26 =	sshll.u32 s10, $0xF;
	s30 =	sshll.u32 s10, $0x6;
	s10 =	simm.s32 $0x9  }
0xa: {  	_ =	strace $0x80000050;
	s6 =	sshll.u32 s2, $0xA;
	s24 =	ssub.s32 $0x2, s2  }
0xb: {  	s2 =	sshll.u32 s2, $0x10;
	s11 =	sadd.s32 s26, s1;
	s12 =	sor.u32 $0x1C09, s30  }
0xc: {  	s26 =	simm.s32 $0x7;
	s5 =	sor.u32 s6, s5;
	s8 =	sshrl.u32 s24, $0x1  }
0xd: {  	s13 =	sshrl.u32 s11, $0x3;
	s11 =	simm.s32 $0x0;
	s7 =	sadd.s32 s5, s0  }
0xe: {  	s0 =	sadd.s32 s25, s0;
	s9 =	ssub.s32 s24, s8;
	s24 =	simm.s32 $0x6  }
0xf: {  	s25 =	simm.s32 $0x3;
	s5 =	sadd.s32 $0xDE00, s7;
	s6 =	sadd.s32 $0x5E00, s7  }
0x10: {  	s7 =	sadd.s32 $0x35E00, s0;
	s0 =	sadd.s32 s2, s0;
	s9 =	smax.u32 s9, $0x1  }
0x11: {  	s2 =	simm.s32 $0x3F80;
	s8 =	sadd.s32 $0x65E00, s0;
	s0 =	simm.s32 $0x3F00  }
.LBB2_1:
0x12: {  	[tilespmem:s3], [sflag:$0x9] =	stream.linear.gather [hbm4b:s5+s3], $0x2000, $0x38;
	[tilespmem:$0x1C000] =	vst v63  }
0x13: {  	_ =	swait.ge [sflag:s10], $0x2000  }
0x14: {  	[sflag:s10] =	ssyncset.done $0x0  }
0x15: {  	s17 =	simm.s32 $0x2000;
	[sflag:s10] =	ssyncadd.s32 $0xFFFFE000  }
0x16: {  	[tilespmem:s17], [sflag:$0x9] =	stream.linear.gather [hbm4b:s6+s3], $0x2000, $0x38;
	[tilespmem:$0x1C000] =	vst v63  }
0x17: {  	_ =	swait.ge [sflag:s10], $0x2000  }
0x18: {  	[sflag:s10] =	ssyncset.done $0x0  }
0x19: {  	[sflag:s10] =	ssyncadd.s32 $0xFFFFE000  }
0x1a: {  	[spmem:s13], [sflag:s12] =	dma.local [hbm:s7], $0x1000  }
0x1b: {  	_ =	swait.ge [sflag:s10], $0x1000  }
0x1c: {  	[sflag:s10] =	ssyncset.done $0x0  }
0x1d: {  	[sflag:s10] =	ssyncadd.s32 $0xFFFFF000  }
0x1e: {  	[bflag:$0x0] =	sbarrier.arrive $0xFFFF  }
0x1f: {  	[tilespmem:s15], [sflag:$0x1] =	stream.indirect.gather [hbm4b:s4+s14], $0x80, s3, s14, $0xb8;
	[tilespmem:$0x1C000] =	vst v63  }
0x20: {  	_ = 	snop  }
0x21: {  	[tilespmem:s16], [sflag:$0x2] =	stream.indirect.gather [hbm4b:s4+s14], $0x80, s14, s14, $0xb8;
	[tilespmem:$0x1C000] =	vst v63  }
0x22: {  	s30 =	simm.s32 $0x100  }
0x23: {  	[tilespmem:s18], [sflag:$0x3] =	stream.indirect.gather [hbm4b:s4+s14], $0x80, s30, s14, $0xb8;
	[tilespmem:$0x1C000] =	vst v63  }
0x24: {  	s19 =	simm.s32 $0x180  }
0x25: {  	[tilespmem:s20], [sflag:$0x4] =	stream.indirect.gather [hbm4b:s4+s14], $0x80, s19, s14, $0xb8;
	[tilespmem:$0x1C000] =	vst v63  }
0x26: {  	_ =	swait.ge [sflag:s21], $0x4000  }
0x27: {  	[sflag:s21] =	ssyncset.done $0x0  }
0x28: {  	s30 =	simm.s32 $0x2000;
	[sflag:s21] =	ssyncadd.s32 $0xFFFFC000  }
0x29: {  	[spmem:s1] =	stream.indirect.scatter.add.f32 [tilespmem:s15], [sflag:$0x5], $0x80, s30, s14, $0xb8;
	[tilespmem:$0x1C000] =	vst v63  }
0x2a: {  	_ =	swait.ge [sflag:s22], $0x4000  }
0x2b: {  	[sflag:s22] =	ssyncset.done $0x0  }
0x2c: {  	s19 =	simm.s32 $0x200;
	[sflag:s22] =	ssyncadd.s32 $0xFFFFC000  }
0x2d: {  	[tilespmem:s15], [sflag:$0x1] =	stream.indirect.gather [hbm4b:s4+s14], $0x80, s19, s14, $0xb8;
	[tilespmem:$0x1C000] =	vst v63  }
0x2e: {  	_ =	swait.ge [sflag:s23], $0x4000  }
0x2f: {  	[sflag:s23] =	ssyncset.done $0x0  }
0x30: {  	s30 =	simm.s32 $0x2080;
	[sflag:s23] =	ssyncadd.s32 $0xFFFFC000  }
0x31: {  	[spmem:s1] =	stream.indirect.scatter.add.f32 [tilespmem:s16], [sflag:$0x6], $0x80, s30, s14, $0xb8;
	[tilespmem:$0x1C000] =	vst v63  }
0x32: {  	_ =	swait.ge [sflag:s24], $0x4000  }
0x33: {  	[sflag:s24] =	ssyncset.done $0x0  }
0x34: {  	s19 =	simm.s32 $0x280;
	[sflag:s24] =	ssyncadd.s32 $0xFFFFC000  }
0x35: {  	[tilespmem:s16], [sflag:$0x2] =	stream.indirect.gather [hbm4b:s4+s14], $0x80, s19, s14, $0xb8;
	[tilespmem:$0x1C000] =	vst v63  }
0x36: {  	_ =	swait.ge [sflag:s25], $0x4000  }
0x37: {  	[sflag:s25] =	ssyncset.done $0x0  }
0x38: {  	s30 =	simm.s32 $0x2100;
	[sflag:s25] =	ssyncadd.s32 $0xFFFFC000  }
0x39: {  	[spmem:s1] =	stream.indirect.scatter.add.f32 [tilespmem:s18], [sflag:$0x7], $0x80, s30, s14, $0xb8;
	[tilespmem:$0x1C000] =	vst v63  }
0x3a: {  	_ =	swait.ge [sflag:s26], $0x4000  }
0x3b: {  	[sflag:s26] =	ssyncset.done $0x0  }
0x3c: {  	s19 =	simm.s32 $0x300;
	[sflag:s26] =	ssyncadd.s32 $0xFFFFC000  }
0x3d: {  	[tilespmem:s18], [sflag:$0x3] =	stream.indirect.gather [hbm4b:s4+s14], $0x80, s19, s14, $0xb8;
	[tilespmem:$0x1C000] =	vst v63  }
0x3e: {  	_ =	swait.ge [sflag:s28], $0x4000  }
0x3f: {  	[sflag:s28] =	ssyncset.done $0x0  }
0x40: {  	s30 =	simm.s32 $0x2180;
	[sflag:s28] =	ssyncadd.s32 $0xFFFFC000  }
0x41: {  	[spmem:s1] =	stream.indirect.scatter.add.f32 [tilespmem:s20], [sflag:$0x8], $0x80, s30, s14, $0xb8;
	[tilespmem:$0x1C000] =	vst v63  }
0x42: {  	_ =	swait.ge [sflag:s29], $0x4000  }
0x43: {  	[sflag:s29] =	ssyncset.done $0x0  }
0x44: {  	s17 =	simm.s32 $0x800;
	s19 =	simm.s32 $0x380;
	[sflag:s29] =	ssyncadd.s32 $0xFFFFC000  }
.LBB2_2:
0x45: {  	[tilespmem:s20], [sflag:$0x4] =	stream.indirect.gather [hbm4b:s4+s14], $0x80, s19, s14, $0xb8;
	[tilespmem:$0x1C000] =	vst v63  }
0x46: {  	s19 =	smov.u32 s17  }
0x47: {  	p0 =	sne.s32 s17, $0x7000;
	s17 =	sadd.s32 $0x800, s17;
	_ =	swait.ge [sflag:s21], $0x4000  }
0x48: {  	s19 =	sshra.s32 s19, $0x2;
	[sflag:s21] =	ssyncset.done $0x0  }
0x49: {  	s30 =	sadd.s32 $0x2000, s19;
	[sflag:s21] =	ssyncadd.s32 $0xFFFFC000  }
0x4a: {  	[spmem:s1] =	stream.indirect.scatter.add.f32 [tilespmem:s15], [sflag:$0x5], $0x80, s30, s14, $0xb8;
	[tilespmem:$0x1C000] =	vst v63  }
0x4b: {  	_ =	swait.ge [sflag:s22], $0x4000  }
0x4c: {  	[sflag:s22] =	ssyncset.done $0x0  }
0x4d: {  	s30 =	sadd.s32 $0x200, s19;
	[sflag:s22] =	ssyncadd.s32 $0xFFFFC000  }
0x4e: {  	[tilespmem:s15], [sflag:$0x1] =	stream.indirect.gather [hbm4b:s4+s14], $0x80, s30, s14, $0xb8;
	[tilespmem:$0x1C000] =	vst v63  }
0x4f: {  	_ =	swait.ge [sflag:s23], $0x4000  }
0x50: {  	[sflag:s23] =	ssyncset.done $0x0  }
0x51: {  	s30 =	sadd.s32 $0x2080, s19;
	[sflag:s23] =	ssyncadd.s32 $0xFFFFC000  }
0x52: {  	[spmem:s1] =	stream.indirect.scatter.add.f32 [tilespmem:s16], [sflag:$0x6], $0x80, s30, s14, $0xb8;
	[tilespmem:$0x1C000] =	vst v63  }
0x53: {  	_ =	swait.ge [sflag:s24], $0x4000  }
0x54: {  	[sflag:s24] =	ssyncset.done $0x0  }
0x55: {  	s30 =	sadd.s32 $0x280, s19;
	[sflag:s24] =	ssyncadd.s32 $0xFFFFC000  }
0x56: {  	[tilespmem:s16], [sflag:$0x2] =	stream.indirect.gather [hbm4b:s4+s14], $0x80, s30, s14, $0xb8;
	[tilespmem:$0x1C000] =	vst v63  }
0x57: {  	_ =	swait.ge [sflag:s25], $0x4000  }
0x58: {  	[sflag:s25] =	ssyncset.done $0x0  }
0x59: {  	s30 =	sadd.s32 $0x2100, s19;
	[sflag:s25] =	ssyncadd.s32 $0xFFFFC000  }
0x5a: {  	[spmem:s1] =	stream.indirect.scatter.add.f32 [tilespmem:s18], [sflag:$0x7], $0x80, s30, s14, $0xb8;
	[tilespmem:$0x1C000] =	vst v63  }
0x5b: {  	_ =	swait.ge [sflag:s26], $0x4000  }
0x5c: {  	[sflag:s26] =	ssyncset.done $0x0  }
0x5d: {  	s30 =	sadd.s32 $0x300, s19;
	[sflag:s26] =	ssyncadd.s32 $0xFFFFC000  }
0x5e: {  	[tilespmem:s18], [sflag:$0x3] =	stream.indirect.gather [hbm4b:s4+s14], $0x80, s30, s14, $0xb8;
	[tilespmem:$0x1C000] =	vst v63  }
0x5f: {  	_ =	swait.ge [sflag:s28], $0x4000  }
0x60: {  	[sflag:s28] =	ssyncset.done $0x0  }
.Ltmp0:
0x61: {  	s30 =	sadd.s32 $0x2180, s19;
	[sflag:s28] =	ssyncadd.s32 $0xFFFFC000;
	(pc) =	sbr.rel @p0 .LBB2_2-.Ltmp0, $4  }
0x62: {  	[spmem:s1] =	stream.indirect.scatter.add.f32 [tilespmem:s20], [sflag:$0x8], $0x80, s30, s14, $0xb8;
	[tilespmem:$0x1C000] =	vst v63  }
0x63: {  	_ =	swait.ge [sflag:s29], $0x4000  }
0x64: {  	[sflag:s29] =	ssyncset.done $0x0  }
0x65: {  	s19 =	sadd.s32 $0x380, s19;
	[sflag:s29] =	ssyncadd.s32 $0xFFFFC000  }
0x66: {  	[tilespmem:s20], [sflag:$0x4] =	stream.indirect.gather [hbm4b:s4+s14], $0x80, s19, s14, $0xb8;
	[tilespmem:$0x1C000] =	vst v63  }
0x67: {  	_ =	swait.ge [sflag:s21], $0x4000  }
0x68: {  	[sflag:s21] =	ssyncset.done $0x0  }
0x69: {  	s17 =	simm.s32 $0x3E00;
	[sflag:s21] =	ssyncadd.s32 $0xFFFFC000  }
0x6a: {  	[spmem:s1] =	stream.indirect.scatter.add.f32 [tilespmem:s15], [sflag:$0x5], $0x80, s17, s14, $0xb8;
	[tilespmem:$0x1C000] =	vst v63  }
0x6b: {  	_ =	swait.ge [sflag:s23], $0x4000  }
0x6c: {  	[sflag:s23] =	ssyncset.done $0x0  }
0x6d: {  	[sflag:s23] =	ssyncadd.s32 $0xFFFFC000  }
0x6e: {  	[spmem:s1] =	stream.indirect.scatter.add.f32 [tilespmem:s16], [sflag:$0x6], $0x80, s31, s14, $0xb8;
	[tilespmem:$0x1C000] =	vst v63  }
0x6f: {  	_ =	swait.ge [sflag:s25], $0x4000  }
0x70: {  	[sflag:s25] =	ssyncset.done $0x0  }
0x71: {  	[sflag:s25] =	ssyncadd.s32 $0xFFFFC000  }
0x72: {  	[spmem:s1] =	stream.indirect.scatter.add.f32 [tilespmem:s18], [sflag:$0x7], $0x80, s0, s14, $0xb8;
	[tilespmem:$0x1C000] =	vst v63  }
0x73: {  	_ =	swait.ge [sflag:s28], $0x4000  }
0x74: {  	[sflag:s28] =	ssyncset.done $0x0  }
0x75: {  	[sflag:s28] =	ssyncadd.s32 $0xFFFFC000  }
0x76: {  	[spmem:s1] =	stream.indirect.scatter.add.f32 [tilespmem:s20], [sflag:$0x8], $0x80, s2, s14, $0xb8;
	[tilespmem:$0x1C000] =	vst v63  }
0x77: {  	_ =	swait.ge [sflag:s22], $0x4000  }
0x78: {  	[sflag:s22] =	ssyncset.done $0x0  }
0x79: {  	[sflag:s22] =	ssyncadd.s32 $0xFFFFC000  }
0x7a: {  	_ =	swait.ge [sflag:s24], $0x4000  }
0x7b: {  	[sflag:s24] =	ssyncset.done $0x0  }
0x7c: {  	[sflag:s24] =	ssyncadd.s32 $0xFFFFC000  }
0x7d: {  	_ =	swait.ge [sflag:s26], $0x4000  }
0x7e: {  	[sflag:s26] =	ssyncset.done $0x0  }
0x7f: {  	[sflag:s26] =	ssyncadd.s32 $0xFFFFC000  }
0x80: {  	_ =	swait.ge [sflag:s29], $0x4000  }
0x81: {  	[sflag:s29] =	ssyncset.done $0x0  }
0x82: {  	s11 =	sadd.s32 $0x1, s11;
	[sflag:s29] =	ssyncadd.s32 $0xFFFFC000  }
0x83: {  	p0 =	sne.s32 s11, s9;
	[bflag:$0x0] =	sbarrier.arrive $0xFFFF  }
0x84: {  	[hbm:s8], [sflag:s12] =	dma.local [spmem:s13], $0x1000  }
.Ltmp1:
0x85: {  	_ =	swait.ge [sflag:s10], $0x1000;
	(pc) =	sbr.rel @p0 .LBB2_1-.Ltmp1, $3  }
0x86: {  	[sflag:s10] =	ssyncset.done $0x0  }
0x87: {  	[sflag:s10] =	ssyncadd.s32 $0xFFFFF000  }
0x88: {  	[bflag:$0x0] =	sbarrier.arrive $0xFFFF;
	_ =	sdelay $0x1  }
0x89: {  	_ =	sfence.sel $0x180000  }
0x8a: {  	[bflag:$0x0] =	sbarrier.arrive $0xFFFF  }
0x8b: {  	_ =	strace $0x90000050  }
0x8c: {  	s0 =	stileid.u32;
	[bflag:$0x2] =	sbarrier.arrive $0xFFFF  }
0x8d: {  	p0 =	sne.s32 s0, $0x0;
	s0 =	rddreg [dreg:$0x2]  }
0x8e: {  	s0 =	sadd.s32 @!p0 $0x100000, s0  }
0x8f: {  	[sflag:s0] =	ssyncadd.tile.s32 @!p0 $0x1;
	_ =	shalt  }
.Lfunc_end2:
_tile_overlayer_lowered:
.L_overlay_start_2:
0x90: {  	(tag) =	ssettag $0x2  }
0x91: {  	s0 =	rddreg [dreg:$0x0];
	s2 =	stileid.u32  }
0x92: {  	s1 =	rddreg [dreg:$0x1];
	p0 =	sne.s32 s2, $0x0  }
0x93: {  	s3 =	rddreg [dreg:$0x2];
	[bflag:$0x3] =	sbarrier.arrive $0xFFFF;
	s2 =	simm.s32 @!p0 $0x1C09  }
0x94: {  	[timem:s3], [sflag:s2] =	dma.local @!p0 [hbm:s0], s1  }
0x95: {  	s0 =	simm.s32 @!p0 $0x9  }
0x96: {  	_ =	swait.ge @!p0 [sflag:s0], s1  }
0x97: {  	s1 =	ssub.s32 @!p0 $0x0, s1;
	[sflag:s0] =	ssyncset.done @!p0 $0x0  }
0x98: {  	[sflag:s0] =	ssyncadd.s32 @!p0 s1  }
0x99: {  	[bflag:$0x3] =	sbarrier.arrive $0xFFFF  }
0x9a: {  	_ =	shalt  }

// kernel: kernel.30.cloned.1.call-start
scs
__scs_entry_jumppad:
0x0: {  	(pc) =	sbr.rel $0x88, $3  }
0x1: {  	(tag) =	ssettag $0x0;
	lr =	simm.s32 $0x1  }
0x2: {  	[smem:$0x3F87] =	sst lr;
	_ =	strace $0xD0000000  }
0x3: {  	_ = 	snop  }
0x4: {  	_ = 	snop  }
0x5: {  	_ = 	snop  }
0x6: {  	_ = 	snop  }
0x7: {  	_ = 	snop  }
__scs_overlays_trampoline_lowered:
0x8: {  	[smem:$0x3F96] =	sst s0  }
0x9: {  	[smem:$0x3F97] =	sst s1  }
0xa: {  	[smem:$0x3F98] =	sst s2  }
0xb: {  	[smem:$0x3F99] =	sst s3  }
0xc: {  	[smem:$0x3F9A] =	sst s4  }
0xd: {  	[smem:$0x3F9B] =	sst s5  }
0xe: {  	[smem:$0x3F9C] =	sst s6  }
0xf: {  	[smem:$0x3F9D] =	sst s7  }
0x10: {  	[smem:$0x3F9E] =	sst s8  }
0x11: {  	[smem:$0x3F9F] =	sst s9;
	s0 =	simm.s32 @!p0 $0x0  }
0x12: {  	s1 =	sld [smem:$0x3F85];
	s0 =	simm.s32 @p0 $0x1  }
0x13: {  	[smem:$0x3FA0] =	sst s0;
	s0 =	simm.s32 @!p1 $0x0  }
0x14: {  	s2 =	sld [smem:$0x3F84];
	s0 =	simm.s32 @p1 $0x1  }
0x15: {  	[smem:$0x3FA1] =	sst s0;
	s0 =	simm.s32 @!p2 $0x0  }
0x16: {  	s3 =	sld [smem:$0x3FDB];
	s0 =	simm.s32 @p2 $0x1  }
0x17: {  	s4 =	simm.s32 $0x1BF5;
	[smem:$0x3FA3] =	sst s0  }
0x18: {  	s0 =	sld [smem:$0x3F86];
	_ =	swait.ge [sflag:s4], $0x0  }
0x19: {  	s7 =	sld [smem:$0x3F87]  }
0x1a: {  	s8 =	sadd.s32 $0xFFFFE003, lr  }
0x1b: {  	s9 =	sadd.s32 $0xFFFFFEF7, lr;
	s5 =	simm.s32 $0xFFFFFFFF;
	p2 =	slt.u32 s8, $0xFFFFF086  }
0x1c: {  	p1 =	slt.u32 s9, $0xF7A;
	s5 =	simm.s32 @!p2 $0x0  }
0x1d: {  	s5 =	simm.s32 @p1 $0x1;
	p0 =	seq.s32 s7, s2  }
0x1e: {  	s7 =	smul.u32 @!p0 $0xF7A, s2;
	p2 =	seq.s32 @!p0 s5, $0x0  }
0x1f: {  	s9 =	smul.u32 $0xF7A, s1;
	s8 =	simm.s32 @!p0 $0x1BF5;
	p2 =	por !p2, p0  }
0x20: {  	[sflag:s8] =	ssyncset.s32 @!p0 $0xFFFFF086;
	s6 =	sadd.s32 @!p0 s3, s7;
	s7 =	simm.s32 @!p0 $0x108  }
0x21: {  	s3 =	sadd.s32 s3, s9;
	s6 =	sadd.s32 @!p0 $0x88, s6;
	s7 =	simm.s32 @p2 $0x1082  }
0x22: {  	[simem:s7], [sflag:s8] =	dma.local @!p0 [hbm:s6], $0xF7A  }
0x23: {  	s9 =	sor.u32 $0xD0000000, s2;
	s6 =	simm.s32 $0x108;
	_ =	swait.ge @!p0 [sflag:s8], $0x0  }
0x24: {  	s3 =	sadd.s32 $0x88, s3;
	s6 =	simm.s32 @!p1 $0x1082;
	[sflag:s4] =	ssyncset.s32 $0xFFFFF086  }
0x25: {  	[simem:s6], [sflag:s4] =	dma.local [hbm:s3], $0xF7A  }
0x26: {  	[smem:$0x3F87] =	sst s1;
	(tag) =	ssettag s2;
	_ =	strace s9  }
0x27: {  	s1 =	sld [smem:$0x3F97]  }
0x28: {  	s2 =	sld [smem:$0x3F98]  }
0x29: {  	s4 =	sld [smem:$0x3F9A]  }
0x2a: {  	p0 =	seq.s32 s5, $0x0;
	s5 =	sld [smem:$0x3F9B]  }
0x2b: {  	s6 =	sld [smem:$0x3F9C]  }
0x2c: {  	s7 =	sld [smem:$0x3F9D]  }
0x2d: {  	s3 =	simm.s32 $0x108;
	s8 =	sld [smem:$0x3F9E]  }
0x2e: {  	s3 =	simm.s32 @!p0 $0x1082;
	s9 =	sld [smem:$0x3F9F]  }
0x2f: {  	lr =	sadd.s32 s0, s3;
	s0 =	sld [smem:$0x3F96]  }
0x30: {  	s3 =	sld [smem:$0x3F99]  }
0x31: {  	[smem:$0x3FA2] =	sst s10  }
0x32: {  	s10 =	sld [smem:$0x3FA0];
	_ =	sdelay $0x3  }
0x33: {  	p0 =	seq.s32 s10, $0x1;
	s10 =	sld [smem:$0x3FA2];
	_ =	sdelay $0x3  }
0x34: {  	[smem:$0x3FA2] =	sst s10  }
0x35: {  	s10 =	sld [smem:$0x3FA1];
	_ =	sdelay $0x3  }
0x36: {  	p1 =	seq.s32 s10, $0x1;
	s10 =	sld [smem:$0x3FA2];
	_ =	sdelay $0x3  }
0x37: {  	[smem:$0x3FA2] =	sst s10  }
0x38: {  	s10 =	sld [smem:$0x3FA3]  }
0x39: {  	_ = 	snop;
	(pc) =	sbr.ind lr, $3  }
0x3a: {  	_ = 	snop  }
0x3b: {  	_ = 	snop  }
0x3c: {  	p2 =	seq.s32 s10, $0x1;
	s10 =	sld [smem:$0x3FA2]  }
0x3d: {  	_ =	shalt  }
0x3e: {  	_ =	shalt  }
0x3f: {  	_ =	shalt  }
0x40: {  	_ =	shalt  }
0x41: {  	_ =	shalt  }
0x42: {  	_ =	shalt  }
0x43: {  	_ =	shalt  }
0x44: {  	_ =	shalt  }
0x45: {  	_ =	shalt  }
0x46: {  	_ =	shalt  }
0x47: {  	_ =	shalt  }
0x48: {  	_ =	shalt  }
0x49: {  	_ =	shalt  }
0x4a: {  	_ =	shalt  }
0x4b: {  	_ =	shalt  }
0x4c: {  	_ =	shalt  }
0x4d: {  	_ =	shalt  }
0x4e: {  	_ =	shalt  }
0x4f: {  	_ =	shalt  }
0x50: {  	_ =	shalt  }
0x51: {  	_ =	shalt  }
0x52: {  	_ =	shalt  }
0x53: {  	_ =	shalt  }
0x54: {  	_ =	shalt  }
0x55: {  	_ =	shalt  }
0x56: {  	_ =	shalt  }
0x57: {  	_ =	shalt  }
0x58: {  	_ =	shalt  }
0x59: {  	_ =	shalt  }
0x5a: {  	_ =	shalt  }
0x5b: {  	_ =	shalt  }
0x5c: {  	_ =	shalt  }
0x5d: {  	_ =	shalt  }
0x5e: {  	_ =	shalt  }
0x5f: {  	_ =	shalt  }
0x60: {  	_ =	shalt  }
0x61: {  	_ =	shalt  }
0x62: {  	_ =	shalt  }
0x63: {  	_ =	shalt  }
0x64: {  	_ =	shalt  }
0x65: {  	_ =	shalt  }
0x66: {  	_ =	shalt  }
0x67: {  	_ =	shalt  }
0x68: {  	_ =	shalt  }
0x69: {  	_ =	shalt  }
0x6a: {  	_ =	shalt  }
0x6b: {  	_ =	shalt  }
0x6c: {  	_ =	shalt  }
0x6d: {  	_ =	shalt  }
0x6e: {  	_ =	shalt  }
0x6f: {  	_ =	shalt  }
0x70: {  	_ =	shalt  }
0x71: {  	_ =	shalt  }
0x72: {  	_ =	shalt  }
0x73: {  	_ =	shalt  }
0x74: {  	_ =	shalt  }
0x75: {  	_ =	shalt  }
0x76: {  	_ =	shalt  }
0x77: {  	_ =	shalt  }
0x78: {  	_ =	shalt  }
0x79: {  	_ =	shalt  }
0x7a: {  	_ =	shalt  }
0x7b: {  	_ =	shalt  }
0x7c: {  	_ =	shalt  }
0x7d: {  	_ =	shalt  }
0x7e: {  	_ =	shalt  }
0x7f: {  	_ =	shalt  }
0x80: {  	_ =	shalt  }
0x81: {  	_ =	shalt  }
0x82: {  	_ =	shalt  }
0x83: {  	_ =	shalt  }
0x84: {  	_ =	shalt  }
0x85: {  	_ =	shalt  }
0x86: {  	_ =	shalt  }
0x87: {  	_ =	shalt  }
.Lfunc_end0:
.L_simem_size_0:
called_computation.5_lowered:
.L_overlay_start_0:
0x88: {  	s2 =	sld [smem:$0x3FD9]  }
0x89: {  	s3 =	sld [smem:$0x3FFE];
	_ =	sdelay $0x1  }
0x8a: {  	s1 =	srdreg.scid  }
0x8b: {  	s0 =	sand.u32 $0x1, s1  }
0x8c: {  	s17 =	sshll.u32 s0, $0xA;
	s2 =	sadd.s32 s3, s2  }
0x8d: {  	s2 =	sadd.s32 s2, s17  }
0x8e: {  	[smem:$0x3FAE] =	sst s2  }
0x8f: {  	_ = 	snop  }
0x90: {  	(tm) =	ssettm $0x1  }
0x91: {  	s18 =	sld [smem:$0x3FFB];
	_ =	sdelay $0x3  }
0x92: {  	_ =	strace s18  }
0x93: {  	s2 =	sld [smem:$0x3FFC];
	_ =	sdelay $0x3  }
0x94: {  	_ =	strace s2  }
0x95: {  	s2 =	sld [smem:$0x3FFD];
	_ =	sdelay $0x3  }
0x96: {  	_ =	strace s2  }
0x97: {  	_ =	strace $0x8FFFFFFF  }
0x98: {  	s19 =	sld [smem:$0x3FDB];
	_ =	sdelay $0x1  }
0x99: {  	s20 =	simm.s32 $_scs_section_size  }
0x9a: {  	s4 =	simm.s32 $_size__tile_overlayer_lowered;
	s5 =	simm.s32 $_tile_overlayer_lowered  }
0x9b: {  	s6 =	simm.s32 $0x1BFF;
	s21 =	sshll.u32 s5, $0x1;
	s3 =	sadd.s32 s20, s19  }
0x9c: {  	s22 =	simm.s32 $0x0;
	s4 =	sshll.u32 s4, $0x1;
	s5 =	sadd.s32 s21, s3  }
0x9d: {  	[timem:s22], [sflag:s6] =	dma.local [hbm:s5], s4  }
0x9e: {  	_ =	swait.ge [sflag:s6], s4  }
0x9f: {  	s4 =	ssub.s32 $0x0, s4;
	[sflag:s6] =	ssyncset.done $0x0  }
0xa0: {  	[sflag:s6] =	ssyncadd.s32 s4;
	_ =	sdelay $0x1  }
0xa1: {  	s23 =	simm.s32 $0x1B8B  }
0xa2: {  	_ =	swait.ge [sflag:s23], $0x1  }
0xa3: {  	[sflag:s23] =	ssyncset.done $0x0  }
0xa4: {  	[sflag:s23] =	ssyncadd.s32 $0xFFFFFFFF  }
0xa5: {  	s4 =	sld [smem:$0x0]  }
0xa6: {  	s5 =	sand.u32 $0xFFFFFFFE, s1  }
0xa7: {  	p0 =	sne.s32 s1, s5  }
0xa8: {  	s5 =	sshll.u32 @p0 s5, $0xE  }
0xa9: {  	s5 =	sadd.s32 @p0 $0x11B8D, s5;
	s6 =	sshll.u32 @p0 s4, $0x11  }
0xaa: {  	s5 =	sor.u32 @p0 s6, s5  }
0xab: {  	[sflag:s5] =	ssyncadd.remote.s32 @p0 $0x1;
	_ =	sdelay $0x1  }
0xac: {  	s5 =	simm.s32 @p0 $0x1B8D  }
0xad: {  	_ =	swait.eq @p0 [sflag:s5], $0x1  }
0xae: {  	[sflag:s5] =	ssyncadd.s32 @p0 $0xFFFFFFFF  }
0xaf: {  	s6 =	sshll.u32 @!p0 s1, $0xE  }
0xb0: {  	s6 =	sor.u32 @!p0 $0x4000, s6;
	s5 =	simm.s32 @!p0 $0x1B8D  }
0xb1: {  	s4 =	sshll.u32 @!p0 s4, $0x11;
	s6 =	sadd.s32 @!p0 $0x11B8D, s6;
	_ =	swait.eq @!p0 [sflag:s5], $0x1  }
0xb2: {  	s4 =	sor.u32 @!p0 s4, s6;
	[sflag:s5] =	ssyncadd.s32 @!p0 $0xFFFFFFFF  }
0xb3: {  	s25 =	simm.s32 $0x1B8E;
	s24 =	sld [smem:$0x3FFE];
	[sflag:s4] =	ssyncadd.remote.s32 @!p0 $0x1  }
0xb4: {  	s26 =	simm.s32 $execute0_lowered;
	[smem:$0x3FD2] =	sst s25  }
0xb5: {  	s5 =	sshll.u32 s26, $0x1;
	_ =	strace $0x80000055;
	[dreg:$0x1] =	wrdreg $0xFFFFFFFF  }
0xb6: {  	s28 =	simm.s32 $_size_execute0_lowered;
	s3 =	sadd.s32 s3, s5;
	[dreg:$0x0] =	wrdreg $0x0  }
0xb7: {  	s5 =	sshll.u32 s28, $0x1;
	[dreg:$0x2] =	wrdreg s3  }
0xb8: {  	[dreg:$0x3] =	wrdreg s5  }
0xb9: {  	[dreg:$0x4] =	wrdreg $0xC0  }
0xba: {  	_ =	task [dreg:s22], $0x5FFFF  }
0xbb: {  	[dreg:$0x1] =	wrdreg $0xFFFFFFFF  }
0xbc: {  	[dreg:$0x0] =	wrdreg $0x60  }
0xbd: {  	[dreg:$0x2] =	wrdreg s24  }
0xbe: {  	[dreg:$0x3] =	wrdreg $0x140000  }
0xbf: {  	[dreg:$0x4] =	wrdreg $0xB  }
0xc0: {  	_ =	task.clear_ibuf [dreg:s22], $0x5FFFF;
	_ =	strace $0x90000055  }
0xc1: {  	s29 =	simm.s32 $0xB;
	_ =	strace $0x80000057  }
0xc2: {  	_ =	swait.ge [sflag:s29], $0x1  }
0xc3: {  	[sflag:s29] =	ssyncadd.s32 $0xFFFFFFFF  }
0xc4: {  	_ =	strace $0x90000057  }
0xc5: {  	_ =	sfence  }
0xc6: {  	s30 =	sld [smem:$0x0];
	_ =	sdelay $0x2  }
0xc7: {  	s31 =	sshll.u32 s1, $0xD;
	s1 =	sshrl.u32 s1, $0x2  }
0xc8: {  	s4 =	sand.u32 $0x4000, s31;
	s1 =	sadd.s32 s1, s30  }
0xc9: {  	s0 =	sor.u32 s4, s0;
	s1 =	sshll.u32 s1, $0x11  }
0xca: {  	s0 =	sor.u32 s1, s0  }
0xcb: {  	s0 =	sadd.s32 $0x8F2B, s0  }
0xcc: {  	[sflag:s0] =	ssyncadd.remote.s32 $0x1  }
0xcd: {  	_ =	sfence.sel $0xFFFF  }
0xce: {  	[dreg:$0x0] =	wrdreg $0xFFFFFFFF;
	(pc) =	sbr.abs _section_cstart, $3  }
0xcf: {  	[dreg:$0x1] =	wrdreg $0xFFFFFFFF  }
0xd0: {  	_ =	task.clear_ibuf [dreg:s22], $0x2FFFF;
	_ =	strace $0x9FFFFFFF  }
0xd1: {  	(tm) =	ssettm $0x7FFFFFFF  }
tec
execute0_lowered:
.L_overlay_start_1:
0x0: {  	(tag) =	ssettag $0x1  }
0x1: {  	s0 =	rddreg [dreg:$0x0]  }
0x2: {  	s1 =	rddreg [dreg:$0x1];
	s3 =	simm.s32 $0x0  }
0x3: {  	s2 =	srdreg.scid;
	s10 =	stileid.u32;
	s14 =	simm.s32 $0x80  }
0x4: {  	s15 =	simm.s32 $0x4000;
	s16 =	simm.s32 $0x8000;
	s18 =	simm.s32 $0xC000  }
0x5: {  	s20 =	simm.s32 $0x10000;
	s21 =	simm.s32 $0x1;
	s22 =	simm.s32 $0x5  }
0x6: {  	s23 =	simm.s32 $0x2;
	s28 =	simm.s32 $0x4;
	s29 =	simm.s32 $0x8  }
0x7: {  	s31 =	simm.s32 $0x3E80;
	[smem:$0x7FF] =	sst s3;
	s2 =	sand.u32 $0x1, s2  }
0x8: {  	s5 =	sshll.u32 s10, $0xB;
	s4 =	sadd.s32 $0x45E00, s0;
	s25 =	sshll.u32 s10, $0xC  }
0x9: {  	s26 =	sshll.u32 s10, $0xF;
	s30 =	sshll.u32 s10, $0x6;
	s10 =	simm.s32 $0x9  }
0xa: {  	_ =	strace $0x80000056;
	s6 =	sshll.u32 s2, $0xA;
	s24 =	ssub.s32 $0x2, s2  }
0xb: {  	s2 =	sshll.u32 s2, $0x10;
	s11 =	sadd.s32 s26, s1;
	s12 =	sor.u32 $0x1C09, s30  }
0xc: {  	s26 =	simm.s32 $0x7;
	s5 =	sor.u32 s6, s5;
	s8 =	sshrl.u32 s24, $0x1  }
0xd: {  	s13 =	sshrl.u32 s11, $0x3;
	s11 =	simm.s32 $0x0;
	s7 =	sadd.s32 s5, s0  }
0xe: {  	s0 =	sadd.s32 s25, s0;
	s9 =	ssub.s32 s24, s8;
	s24 =	simm.s32 $0x6  }
0xf: {  	s25 =	simm.s32 $0x3;
	s5 =	sadd.s32 $0xDE00, s7;
	s6 =	sadd.s32 $0x5E00, s7  }
0x10: {  	s7 =	sadd.s32 $0x35E00, s0;
	s0 =	sadd.s32 s2, s0;
	s9 =	smax.u32 s9, $0x1  }
0x11: {  	s2 =	simm.s32 $0x3F80;
	s8 =	sadd.s32 $0xA5E00, s0;
	s0 =	simm.s32 $0x3F00  }
.LBB2_1:
0x12: {  	[tilespmem:s3], [sflag:$0x9] =	stream.linear.gather [hbm4b:s5+s3], $0x2000, $0x38;
	[tilespmem:$0x1C000] =	vst v63  }
0x13: {  	_ =	swait.ge [sflag:s10], $0x2000  }
0x14: {  	[sflag:s10] =	ssyncset.done $0x0  }
0x15: {  	s17 =	simm.s32 $0x2000;
	[sflag:s10] =	ssyncadd.s32 $0xFFFFE000  }
0x16: {  	[tilespmem:s17], [sflag:$0x9] =	stream.linear.gather [hbm4b:s6+s3], $0x2000, $0x38;
	[tilespmem:$0x1C000] =	vst v63  }
0x17: {  	_ =	swait.ge [sflag:s10], $0x2000  }
0x18: {  	[sflag:s10] =	ssyncset.done $0x0  }
0x19: {  	[sflag:s10] =	ssyncadd.s32 $0xFFFFE000  }
0x1a: {  	[spmem:s13], [sflag:s12] =	dma.local [hbm:s7], $0x1000  }
0x1b: {  	_ =	swait.ge [sflag:s10], $0x1000  }
0x1c: {  	[sflag:s10] =	ssyncset.done $0x0  }
0x1d: {  	[sflag:s10] =	ssyncadd.s32 $0xFFFFF000  }
0x1e: {  	[bflag:$0x0] =	sbarrier.arrive $0xFFFF  }
0x1f: {  	[tilespmem:s15], [sflag:$0x1] =	stream.indirect.gather [hbm4b:s4+s14], $0x80, s3, s14, $0xb8;
	[tilespmem:$0x1C000] =	vst v63  }
0x20: {  	_ = 	snop  }
0x21: {  	[tilespmem:s16], [sflag:$0x2] =	stream.indirect.gather [hbm4b:s4+s14], $0x80, s14, s14, $0xb8;
	[tilespmem:$0x1C000] =	vst v63  }
0x22: {  	s30 =	simm.s32 $0x100  }
0x23: {  	[tilespmem:s18], [sflag:$0x3] =	stream.indirect.gather [hbm4b:s4+s14], $0x80, s30, s14, $0xb8;
	[tilespmem:$0x1C000] =	vst v63  }
0x24: {  	s19 =	simm.s32 $0x180  }
0x25: {  	[tilespmem:s20], [sflag:$0x4] =	stream.indirect.gather [hbm4b:s4+s14], $0x80, s19, s14, $0xb8;
	[tilespmem:$0x1C000] =	vst v63  }
0x26: {  	_ =	swait.ge [sflag:s21], $0x4000  }
0x27: {  	[sflag:s21] =	ssyncset.done $0x0  }
0x28: {  	s30 =	simm.s32 $0x2000;
	[sflag:s21] =	ssyncadd.s32 $0xFFFFC000  }
0x29: {  	[spmem:s1] =	stream.indirect.scatter.add.f32 [tilespmem:s15], [sflag:$0x5], $0x80, s30, s14, $0xb8;
	[tilespmem:$0x1C000] =	vst v63  }
0x2a: {  	_ =	swait.ge [sflag:s22], $0x4000  }
0x2b: {  	[sflag:s22] =	ssyncset.done $0x0  }
0x2c: {  	s19 =	simm.s32 $0x200;
	[sflag:s22] =	ssyncadd.s32 $0xFFFFC000  }
0x2d: {  	[tilespmem:s15], [sflag:$0x1] =	stream.indirect.gather [hbm4b:s4+s14], $0x80, s19, s14, $0xb8;
	[tilespmem:$0x1C000] =	vst v63  }
0x2e: {  	_ =	swait.ge [sflag:s23], $0x4000  }
0x2f: {  	[sflag:s23] =	ssyncset.done $0x0  }
0x30: {  	s30 =	simm.s32 $0x2080;
	[sflag:s23] =	ssyncadd.s32 $0xFFFFC000  }
0x31: {  	[spmem:s1] =	stream.indirect.scatter.add.f32 [tilespmem:s16], [sflag:$0x6], $0x80, s30, s14, $0xb8;
	[tilespmem:$0x1C000] =	vst v63  }
0x32: {  	_ =	swait.ge [sflag:s24], $0x4000  }
0x33: {  	[sflag:s24] =	ssyncset.done $0x0  }
0x34: {  	s19 =	simm.s32 $0x280;
	[sflag:s24] =	ssyncadd.s32 $0xFFFFC000  }
0x35: {  	[tilespmem:s16], [sflag:$0x2] =	stream.indirect.gather [hbm4b:s4+s14], $0x80, s19, s14, $0xb8;
	[tilespmem:$0x1C000] =	vst v63  }
0x36: {  	_ =	swait.ge [sflag:s25], $0x4000  }
0x37: {  	[sflag:s25] =	ssyncset.done $0x0  }
0x38: {  	s30 =	simm.s32 $0x2100;
	[sflag:s25] =	ssyncadd.s32 $0xFFFFC000  }
0x39: {  	[spmem:s1] =	stream.indirect.scatter.add.f32 [tilespmem:s18], [sflag:$0x7], $0x80, s30, s14, $0xb8;
	[tilespmem:$0x1C000] =	vst v63  }
0x3a: {  	_ =	swait.ge [sflag:s26], $0x4000  }
0x3b: {  	[sflag:s26] =	ssyncset.done $0x0  }
0x3c: {  	s19 =	simm.s32 $0x300;
	[sflag:s26] =	ssyncadd.s32 $0xFFFFC000  }
0x3d: {  	[tilespmem:s18], [sflag:$0x3] =	stream.indirect.gather [hbm4b:s4+s14], $0x80, s19, s14, $0xb8;
	[tilespmem:$0x1C000] =	vst v63  }
0x3e: {  	_ =	swait.ge [sflag:s28], $0x4000  }
0x3f: {  	[sflag:s28] =	ssyncset.done $0x0  }
0x40: {  	s30 =	simm.s32 $0x2180;
	[sflag:s28] =	ssyncadd.s32 $0xFFFFC000  }
0x41: {  	[spmem:s1] =	stream.indirect.scatter.add.f32 [tilespmem:s20], [sflag:$0x8], $0x80, s30, s14, $0xb8;
	[tilespmem:$0x1C000] =	vst v63  }
0x42: {  	_ =	swait.ge [sflag:s29], $0x4000  }
0x43: {  	[sflag:s29] =	ssyncset.done $0x0  }
0x44: {  	s17 =	simm.s32 $0x800;
	s19 =	simm.s32 $0x380;
	[sflag:s29] =	ssyncadd.s32 $0xFFFFC000  }
.LBB2_2:
0x45: {  	[tilespmem:s20], [sflag:$0x4] =	stream.indirect.gather [hbm4b:s4+s14], $0x80, s19, s14, $0xb8;
	[tilespmem:$0x1C000] =	vst v63  }
0x46: {  	s19 =	smov.u32 s17  }
0x47: {  	p0 =	sne.s32 s17, $0x7000;
	s17 =	sadd.s32 $0x800, s17;
	_ =	swait.ge [sflag:s21], $0x4000  }
0x48: {  	s19 =	sshra.s32 s19, $0x2;
	[sflag:s21] =	ssyncset.done $0x0  }
0x49: {  	s30 =	sadd.s32 $0x2000, s19;
	[sflag:s21] =	ssyncadd.s32 $0xFFFFC000  }
0x4a: {  	[spmem:s1] =	stream.indirect.scatter.add.f32 [tilespmem:s15], [sflag:$0x5], $0x80, s30, s14, $0xb8;
	[tilespmem:$0x1C000] =	vst v63  }
0x4b: {  	_ =	swait.ge [sflag:s22], $0x4000  }
0x4c: {  	[sflag:s22] =	ssyncset.done $0x0  }
0x4d: {  	s30 =	sadd.s32 $0x200, s19;
	[sflag:s22] =	ssyncadd.s32 $0xFFFFC000  }
0x4e: {  	[tilespmem:s15], [sflag:$0x1] =	stream.indirect.gather [hbm4b:s4+s14], $0x80, s30, s14, $0xb8;
	[tilespmem:$0x1C000] =	vst v63  }
0x4f: {  	_ =	swait.ge [sflag:s23], $0x4000  }
0x50: {  	[sflag:s23] =	ssyncset.done $0x0  }
0x51: {  	s30 =	sadd.s32 $0x2080, s19;
	[sflag:s23] =	ssyncadd.s32 $0xFFFFC000  }
0x52: {  	[spmem:s1] =	stream.indirect.scatter.add.f32 [tilespmem:s16], [sflag:$0x6], $0x80, s30, s14, $0xb8;
	[tilespmem:$0x1C000] =	vst v63  }
0x53: {  	_ =	swait.ge [sflag:s24], $0x4000  }
0x54: {  	[sflag:s24] =	ssyncset.done $0x0  }
0x55: {  	s30 =	sadd.s32 $0x280, s19;
	[sflag:s24] =	ssyncadd.s32 $0xFFFFC000  }
0x56: {  	[tilespmem:s16], [sflag:$0x2] =	stream.indirect.gather [hbm4b:s4+s14], $0x80, s30, s14, $0xb8;
	[tilespmem:$0x1C000] =	vst v63  }
0x57: {  	_ =	swait.ge [sflag:s25], $0x4000  }
0x58: {  	[sflag:s25] =	ssyncset.done $0x0  }
0x59: {  	s30 =	sadd.s32 $0x2100, s19;
	[sflag:s25] =	ssyncadd.s32 $0xFFFFC000  }
0x5a: {  	[spmem:s1] =	stream.indirect.scatter.add.f32 [tilespmem:s18], [sflag:$0x7], $0x80, s30, s14, $0xb8;
	[tilespmem:$0x1C000] =	vst v63  }
0x5b: {  	_ =	swait.ge [sflag:s26], $0x4000  }
0x5c: {  	[sflag:s26] =	ssyncset.done $0x0  }
0x5d: {  	s30 =	sadd.s32 $0x300, s19;
	[sflag:s26] =	ssyncadd.s32 $0xFFFFC000  }
0x5e: {  	[tilespmem:s18], [sflag:$0x3] =	stream.indirect.gather [hbm4b:s4+s14], $0x80, s30, s14, $0xb8;
	[tilespmem:$0x1C000] =	vst v63  }
0x5f: {  	_ =	swait.ge [sflag:s28], $0x4000  }
0x60: {  	[sflag:s28] =	ssyncset.done $0x0  }
.Ltmp0:
0x61: {  	s30 =	sadd.s32 $0x2180, s19;
	[sflag:s28] =	ssyncadd.s32 $0xFFFFC000;
	(pc) =	sbr.rel @p0 .LBB2_2-.Ltmp0, $4  }
0x62: {  	[spmem:s1] =	stream.indirect.scatter.add.f32 [tilespmem:s20], [sflag:$0x8], $0x80, s30, s14, $0xb8;
	[tilespmem:$0x1C000] =	vst v63  }
0x63: {  	_ =	swait.ge [sflag:s29], $0x4000  }
0x64: {  	[sflag:s29] =	ssyncset.done $0x0  }
0x65: {  	s19 =	sadd.s32 $0x380, s19;
	[sflag:s29] =	ssyncadd.s32 $0xFFFFC000  }
0x66: {  	[tilespmem:s20], [sflag:$0x4] =	stream.indirect.gather [hbm4b:s4+s14], $0x80, s19, s14, $0xb8;
	[tilespmem:$0x1C000] =	vst v63  }
0x67: {  	_ =	swait.ge [sflag:s21], $0x4000  }
0x68: {  	[sflag:s21] =	ssyncset.done $0x0  }
0x69: {  	s17 =	simm.s32 $0x3E00;
	[sflag:s21] =	ssyncadd.s32 $0xFFFFC000  }
0x6a: {  	[spmem:s1] =	stream.indirect.scatter.add.f32 [tilespmem:s15], [sflag:$0x5], $0x80, s17, s14, $0xb8;
	[tilespmem:$0x1C000] =	vst v63  }
0x6b: {  	_ =	swait.ge [sflag:s23], $0x4000  }
0x6c: {  	[sflag:s23] =	ssyncset.done $0x0  }
0x6d: {  	[sflag:s23] =	ssyncadd.s32 $0xFFFFC000  }
0x6e: {  	[spmem:s1] =	stream.indirect.scatter.add.f32 [tilespmem:s16], [sflag:$0x6], $0x80, s31, s14, $0xb8;
	[tilespmem:$0x1C000] =	vst v63  }
0x6f: {  	_ =	swait.ge [sflag:s25], $0x4000  }
0x70: {  	[sflag:s25] =	ssyncset.done $0x0  }
0x71: {  	[sflag:s25] =	ssyncadd.s32 $0xFFFFC000  }
0x72: {  	[spmem:s1] =	stream.indirect.scatter.add.f32 [tilespmem:s18], [sflag:$0x7], $0x80, s0, s14, $0xb8;
	[tilespmem:$0x1C000] =	vst v63  }
0x73: {  	_ =	swait.ge [sflag:s28], $0x4000  }
0x74: {  	[sflag:s28] =	ssyncset.done $0x0  }
0x75: {  	[sflag:s28] =	ssyncadd.s32 $0xFFFFC000  }
0x76: {  	[spmem:s1] =	stream.indirect.scatter.add.f32 [tilespmem:s20], [sflag:$0x8], $0x80, s2, s14, $0xb8;
	[tilespmem:$0x1C000] =	vst v63  }
0x77: {  	_ =	swait.ge [sflag:s22], $0x4000  }
0x78: {  	[sflag:s22] =	ssyncset.done $0x0  }
0x79: {  	[sflag:s22] =	ssyncadd.s32 $0xFFFFC000  }
0x7a: {  	_ =	swait.ge [sflag:s24], $0x4000  }
0x7b: {  	[sflag:s24] =	ssyncset.done $0x0  }
0x7c: {  	[sflag:s24] =	ssyncadd.s32 $0xFFFFC000  }
0x7d: {  	_ =	swait.ge [sflag:s26], $0x4000  }
0x7e: {  	[sflag:s26] =	ssyncset.done $0x0  }
0x7f: {  	[sflag:s26] =	ssyncadd.s32 $0xFFFFC000  }
0x80: {  	_ =	swait.ge [sflag:s29], $0x4000  }
0x81: {  	[sflag:s29] =	ssyncset.done $0x0  }
0x82: {  	s11 =	sadd.s32 $0x1, s11;
	[sflag:s29] =	ssyncadd.s32 $0xFFFFC000  }
0x83: {  	p0 =	sne.s32 s11, s9;
	[bflag:$0x0] =	sbarrier.arrive $0xFFFF  }
0x84: {  	[hbm:s8], [sflag:s12] =	dma.local [spmem:s13], $0x1000  }
.Ltmp1:
0x85: {  	_ =	swait.ge [sflag:s10], $0x1000;
	(pc) =	sbr.rel @p0 .LBB2_1-.Ltmp1, $3  }
0x86: {  	[sflag:s10] =	ssyncset.done $0x0  }
0x87: {  	[sflag:s10] =	ssyncadd.s32 $0xFFFFF000  }
0x88: {  	[bflag:$0x0] =	sbarrier.arrive $0xFFFF;
	_ =	sdelay $0x1  }
0x89: {  	_ =	sfence.sel $0x180000  }
0x8a: {  	[bflag:$0x0] =	sbarrier.arrive $0xFFFF  }
0x8b: {  	_ =	strace $0x90000056  }
0x8c: {  	s0 =	stileid.u32;
	[bflag:$0x2] =	sbarrier.arrive $0xFFFF  }
0x8d: {  	p0 =	sne.s32 s0, $0x0;
	s0 =	rddreg [dreg:$0x2]  }
0x8e: {  	s0 =	sadd.s32 @!p0 $0x100000, s0  }
0x8f: {  	[sflag:s0] =	ssyncadd.tile.s32 @!p0 $0x1;
	_ =	shalt  }
.Lfunc_end2:
_tile_overlayer_lowered:
.L_overlay_start_2:
0x90: {  	(tag) =	ssettag $0x2  }
0x91: {  	s0 =	rddreg [dreg:$0x0];
	s2 =	stileid.u32  }
0x92: {  	s1 =	rddreg [dreg:$0x1];
	p0 =	sne.s32 s2, $0x0  }
0x93: {  	s3 =	rddreg [dreg:$0x2];
	[bflag:$0x3] =	sbarrier.arrive $0xFFFF;
	s2 =	simm.s32 @!p0 $0x1C09  }
0x94: {  	[timem:s3], [sflag:s2] =	dma.local @!p0 [hbm:s0], s1  }
0x95: {  	s0 =	simm.s32 @!p0 $0x9  }
0x96: {  	_ =	swait.ge @!p0 [sflag:s0], s1  }
0x97: {  	s1 =	ssub.s32 @!p0 $0x0, s1;
	[sflag:s0] =	ssyncset.done @!p0 $0x0  }
0x98: {  	[sflag:s0] =	ssyncadd.s32 @!p0 s1  }
0x99: {  	[bflag:$0x3] =	sbarrier.arrive $0xFFFF  }
0x9a: {  	_ =	shalt  }

// kernel: kernel.33.cloned.1.call-start
scs
__scs_entry_jumppad:
0x0: {  	(pc) =	sbr.rel $0x88, $3  }
0x1: {  	(tag) =	ssettag $0x0;
	lr =	simm.s32 $0x1  }
0x2: {  	[smem:$0x3F87] =	sst lr;
	_ =	strace $0xD0000000  }
0x3: {  	_ = 	snop  }
0x4: {  	_ = 	snop  }
0x5: {  	_ = 	snop  }
0x6: {  	_ = 	snop  }
0x7: {  	_ = 	snop  }
__scs_overlays_trampoline_lowered:
0x8: {  	[smem:$0x3F96] =	sst s0  }
0x9: {  	[smem:$0x3F97] =	sst s1  }
0xa: {  	[smem:$0x3F98] =	sst s2  }
0xb: {  	[smem:$0x3F99] =	sst s3  }
0xc: {  	[smem:$0x3F9A] =	sst s4  }
0xd: {  	[smem:$0x3F9B] =	sst s5  }
0xe: {  	[smem:$0x3F9C] =	sst s6  }
0xf: {  	[smem:$0x3F9D] =	sst s7  }
0x10: {  	[smem:$0x3F9E] =	sst s8  }
0x11: {  	[smem:$0x3F9F] =	sst s9;
	s0 =	simm.s32 @!p0 $0x0  }
0x12: {  	s1 =	sld [smem:$0x3F85];
	s0 =	simm.s32 @p0 $0x1  }
0x13: {  	[smem:$0x3FA0] =	sst s0;
	s0 =	simm.s32 @!p1 $0x0  }
0x14: {  	s2 =	sld [smem:$0x3F84];
	s0 =	simm.s32 @p1 $0x1  }
0x15: {  	[smem:$0x3FA1] =	sst s0;
	s0 =	simm.s32 @!p2 $0x0  }
0x16: {  	s3 =	sld [smem:$0x3FDB];
	s0 =	simm.s32 @p2 $0x1  }
0x17: {  	s4 =	simm.s32 $0x1BF5;
	[smem:$0x3FA3] =	sst s0  }
0x18: {  	s0 =	sld [smem:$0x3F86];
	_ =	swait.ge [sflag:s4], $0x0  }
0x19: {  	s7 =	sld [smem:$0x3F87]  }
0x1a: {  	s8 =	sadd.s32 $0xFFFFE003, lr  }
0x1b: {  	s9 =	sadd.s32 $0xFFFFFEF7, lr;
	s5 =	simm.s32 $0xFFFFFFFF;
	p2 =	slt.u32 s8, $0xFFFFF086  }
0x1c: {  	p1 =	slt.u32 s9, $0xF7A;
	s5 =	simm.s32 @!p2 $0x0  }
0x1d: {  	s5 =	simm.s32 @p1 $0x1;
	p0 =	seq.s32 s7, s2  }
0x1e: {  	s7 =	smul.u32 @!p0 $0xF7A, s2;
	p2 =	seq.s32 @!p0 s5, $0x0  }
0x1f: {  	s9 =	smul.u32 $0xF7A, s1;
	s8 =	simm.s32 @!p0 $0x1BF5;
	p2 =	por !p2, p0  }
0x20: {  	[sflag:s8] =	ssyncset.s32 @!p0 $0xFFFFF086;
	s6 =	sadd.s32 @!p0 s3, s7;
	s7 =	simm.s32 @!p0 $0x108  }
0x21: {  	s3 =	sadd.s32 s3, s9;
	s6 =	sadd.s32 @!p0 $0x88, s6;
	s7 =	simm.s32 @p2 $0x1082  }
0x22: {  	[simem:s7], [sflag:s8] =	dma.local @!p0 [hbm:s6], $0xF7A  }
0x23: {  	s9 =	sor.u32 $0xD0000000, s2;
	s6 =	simm.s32 $0x108;
	_ =	swait.ge @!p0 [sflag:s8], $0x0  }
0x24: {  	s3 =	sadd.s32 $0x88, s3;
	s6 =	simm.s32 @!p1 $0x1082;
	[sflag:s4] =	ssyncset.s32 $0xFFFFF086  }
0x25: {  	[simem:s6], [sflag:s4] =	dma.local [hbm:s3], $0xF7A  }
0x26: {  	[smem:$0x3F87] =	sst s1;
	(tag) =	ssettag s2;
	_ =	strace s9  }
0x27: {  	s1 =	sld [smem:$0x3F97]  }
0x28: {  	s2 =	sld [smem:$0x3F98]  }
0x29: {  	s4 =	sld [smem:$0x3F9A]  }
0x2a: {  	p0 =	seq.s32 s5, $0x0;
	s5 =	sld [smem:$0x3F9B]  }
0x2b: {  	s6 =	sld [smem:$0x3F9C]  }
0x2c: {  	s7 =	sld [smem:$0x3F9D]  }
0x2d: {  	s3 =	simm.s32 $0x108;
	s8 =	sld [smem:$0x3F9E]  }
0x2e: {  	s3 =	simm.s32 @!p0 $0x1082;
	s9 =	sld [smem:$0x3F9F]  }
0x2f: {  	lr =	sadd.s32 s0, s3;
	s0 =	sld [smem:$0x3F96]  }
0x30: {  	s3 =	sld [smem:$0x3F99]  }
0x31: {  	[smem:$0x3FA2] =	sst s10  }
0x32: {  	s10 =	sld [smem:$0x3FA0];
	_ =	sdelay $0x3  }
0x33: {  	p0 =	seq.s32 s10, $0x1;
	s10 =	sld [smem:$0x3FA2];
	_ =	sdelay $0x3  }
0x34: {  	[smem:$0x3FA2] =	sst s10  }
0x35: {  	s10 =	sld [smem:$0x3FA1];
	_ =	sdelay $0x3  }
0x36: {  	p1 =	seq.s32 s10, $0x1;
	s10 =	sld [smem:$0x3FA2];
	_ =	sdelay $0x3  }
0x37: {  	[smem:$0x3FA2] =	sst s10  }
0x38: {  	s10 =	sld [smem:$0x3FA3]  }
0x39: {  	_ = 	snop;
	(pc) =	sbr.ind lr, $3  }
0x3a: {  	_ = 	snop  }
0x3b: {  	_ = 	snop  }
0x3c: {  	p2 =	seq.s32 s10, $0x1;
	s10 =	sld [smem:$0x3FA2]  }
0x3d: {  	_ =	shalt  }
0x3e: {  	_ =	shalt  }
0x3f: {  	_ =	shalt  }
0x40: {  	_ =	shalt  }
0x41: {  	_ =	shalt  }
0x42: {  	_ =	shalt  }
0x43: {  	_ =	shalt  }
0x44: {  	_ =	shalt  }
0x45: {  	_ =	shalt  }
0x46: {  	_ =	shalt  }
0x47: {  	_ =	shalt  }
0x48: {  	_ =	shalt  }
0x49: {  	_ =	shalt  }
0x4a: {  	_ =	shalt  }
0x4b: {  	_ =	shalt  }
0x4c: {  	_ =	shalt  }
0x4d: {  	_ =	shalt  }
0x4e: {  	_ =	shalt  }
0x4f: {  	_ =	shalt  }
0x50: {  	_ =	shalt  }
0x51: {  	_ =	shalt  }
0x52: {  	_ =	shalt  }
0x53: {  	_ =	shalt  }
0x54: {  	_ =	shalt  }
0x55: {  	_ =	shalt  }
0x56: {  	_ =	shalt  }
0x57: {  	_ =	shalt  }
0x58: {  	_ =	shalt  }
0x59: {  	_ =	shalt  }
0x5a: {  	_ =	shalt  }
0x5b: {  	_ =	shalt  }
0x5c: {  	_ =	shalt  }
0x5d: {  	_ =	shalt  }
0x5e: {  	_ =	shalt  }
0x5f: {  	_ =	shalt  }
0x60: {  	_ =	shalt  }
0x61: {  	_ =	shalt  }
0x62: {  	_ =	shalt  }
0x63: {  	_ =	shalt  }
0x64: {  	_ =	shalt  }
0x65: {  	_ =	shalt  }
0x66: {  	_ =	shalt  }
0x67: {  	_ =	shalt  }
0x68: {  	_ =	shalt  }
0x69: {  	_ =	shalt  }
0x6a: {  	_ =	shalt  }
0x6b: {  	_ =	shalt  }
0x6c: {  	_ =	shalt  }
0x6d: {  	_ =	shalt  }
0x6e: {  	_ =	shalt  }
0x6f: {  	_ =	shalt  }
0x70: {  	_ =	shalt  }
0x71: {  	_ =	shalt  }
0x72: {  	_ =	shalt  }
0x73: {  	_ =	shalt  }
0x74: {  	_ =	shalt  }
0x75: {  	_ =	shalt  }
0x76: {  	_ =	shalt  }
0x77: {  	_ =	shalt  }
0x78: {  	_ =	shalt  }
0x79: {  	_ =	shalt  }
0x7a: {  	_ =	shalt  }
0x7b: {  	_ =	shalt  }
0x7c: {  	_ =	shalt  }
0x7d: {  	_ =	shalt  }
0x7e: {  	_ =	shalt  }
0x7f: {  	_ =	shalt  }
0x80: {  	_ =	shalt  }
0x81: {  	_ =	shalt  }
0x82: {  	_ =	shalt  }
0x83: {  	_ =	shalt  }
0x84: {  	_ =	shalt  }
0x85: {  	_ =	shalt  }
0x86: {  	_ =	shalt  }
0x87: {  	_ =	shalt  }
.Lfunc_end0:
.L_simem_size_0:
called_computation.6_lowered:
.L_overlay_start_0:
0x88: {  	s2 =	sld [smem:$0x3FD9]  }
0x89: {  	s3 =	sld [smem:$0x3FFE];
	_ =	sdelay $0x1  }
0x8a: {  	s1 =	srdreg.scid  }
0x8b: {  	s0 =	sand.u32 $0x1, s1  }
0x8c: {  	s17 =	sshll.u32 s0, $0xA;
	s2 =	sadd.s32 s3, s2  }
0x8d: {  	s2 =	sadd.s32 s2, s17  }
0x8e: {  	[smem:$0x3FAE] =	sst s2  }
0x8f: {  	_ = 	snop  }
0x90: {  	(tm) =	ssettm $0x1  }
0x91: {  	s18 =	sld [smem:$0x3FFB];
	_ =	sdelay $0x3  }
0x92: {  	_ =	strace s18  }
0x93: {  	s2 =	sld [smem:$0x3FFC];
	_ =	sdelay $0x3  }
0x94: {  	_ =	strace s2  }
0x95: {  	s2 =	sld [smem:$0x3FFD];
	_ =	sdelay $0x3  }
0x96: {  	_ =	strace s2  }
0x97: {  	_ =	strace $0x8FFFFFFF  }
0x98: {  	s19 =	sld [smem:$0x3FDB];
	_ =	sdelay $0x1  }
0x99: {  	s20 =	simm.s32 $_scs_section_size  }
0x9a: {  	s4 =	simm.s32 $_size__tile_overlayer_lowered;
	s5 =	simm.s32 $_tile_overlayer_lowered  }
0x9b: {  	s6 =	simm.s32 $0x1BFF;
	s21 =	sshll.u32 s5, $0x1;
	s3 =	sadd.s32 s20, s19  }
0x9c: {  	s22 =	simm.s32 $0x0;
	s4 =	sshll.u32 s4, $0x1;
	s5 =	sadd.s32 s21, s3  }
0x9d: {  	[timem:s22], [sflag:s6] =	dma.local [hbm:s5], s4  }
0x9e: {  	_ =	swait.ge [sflag:s6], s4  }
0x9f: {  	s4 =	ssub.s32 $0x0, s4;
	[sflag:s6] =	ssyncset.done $0x0  }
0xa0: {  	[sflag:s6] =	ssyncadd.s32 s4;
	_ =	sdelay $0x1  }
0xa1: {  	s23 =	simm.s32 $0x1B8B  }
0xa2: {  	_ =	swait.ge [sflag:s23], $0x1  }
0xa3: {  	[sflag:s23] =	ssyncset.done $0x0  }
0xa4: {  	[sflag:s23] =	ssyncadd.s32 $0xFFFFFFFF  }
0xa5: {  	s4 =	sld [smem:$0x0]  }
0xa6: {  	s5 =	sand.u32 $0xFFFFFFFE, s1  }
0xa7: {  	p0 =	sne.s32 s1, s5  }
0xa8: {  	s5 =	sshll.u32 @p0 s5, $0xE  }
0xa9: {  	s5 =	sadd.s32 @p0 $0x11B8D, s5;
	s6 =	sshll.u32 @p0 s4, $0x11  }
0xaa: {  	s5 =	sor.u32 @p0 s6, s5  }
0xab: {  	[sflag:s5] =	ssyncadd.remote.s32 @p0 $0x1;
	_ =	sdelay $0x1  }
0xac: {  	s5 =	simm.s32 @p0 $0x1B8D  }
0xad: {  	_ =	swait.eq @p0 [sflag:s5], $0x1  }
0xae: {  	[sflag:s5] =	ssyncadd.s32 @p0 $0xFFFFFFFF  }
0xaf: {  	s6 =	sshll.u32 @!p0 s1, $0xE  }
0xb0: {  	s6 =	sor.u32 @!p0 $0x4000, s6;
	s5 =	simm.s32 @!p0 $0x1B8D  }
0xb1: {  	s4 =	sshll.u32 @!p0 s4, $0x11;
	s6 =	sadd.s32 @!p0 $0x11B8D, s6;
	_ =	swait.eq @!p0 [sflag:s5], $0x1  }
0xb2: {  	s4 =	sor.u32 @!p0 s4, s6;
	[sflag:s5] =	ssyncadd.s32 @!p0 $0xFFFFFFFF  }
0xb3: {  	s25 =	simm.s32 $0x1B8E;
	s24 =	sld [smem:$0x3FFE];
	[sflag:s4] =	ssyncadd.remote.s32 @!p0 $0x1  }
0xb4: {  	s26 =	simm.s32 $execute0_lowered;
	[smem:$0x3FD2] =	sst s25  }
0xb5: {  	s5 =	sshll.u32 s26, $0x1;
	_ =	strace $0x80000058;
	[dreg:$0x1] =	wrdreg $0xFFFFFFFF  }
0xb6: {  	s28 =	simm.s32 $_size_execute0_lowered;
	s3 =	sadd.s32 s3, s5;
	[dreg:$0x0] =	wrdreg $0x0  }
0xb7: {  	s5 =	sshll.u32 s28, $0x1;
	[dreg:$0x2] =	wrdreg s3  }
0xb8: {  	[dreg:$0x3] =	wrdreg s5  }
0xb9: {  	[dreg:$0x4] =	wrdreg $0xC0  }
0xba: {  	_ =	task [dreg:s22], $0x5FFFF  }
0xbb: {  	[dreg:$0x1] =	wrdreg $0xFFFFFFFF  }
0xbc: {  	[dreg:$0x0] =	wrdreg $0x60  }
0xbd: {  	[dreg:$0x2] =	wrdreg s24  }
0xbe: {  	[dreg:$0x3] =	wrdreg $0x140000  }
0xbf: {  	[dreg:$0x4] =	wrdreg $0xC  }
0xc0: {  	_ =	task.clear_ibuf [dreg:s22], $0x5FFFF;
	_ =	strace $0x90000058  }
0xc1: {  	s29 =	simm.s32 $0xC;
	_ =	strace $0x8000005A  }
0xc2: {  	_ =	swait.ge [sflag:s29], $0x1  }
0xc3: {  	[sflag:s29] =	ssyncadd.s32 $0xFFFFFFFF  }
0xc4: {  	_ =	strace $0x9000005A  }
0xc5: {  	_ =	sfence  }
0xc6: {  	s30 =	sld [smem:$0x0];
	_ =	sdelay $0x2  }
0xc7: {  	s31 =	sshll.u32 s1, $0xD;
	s1 =	sshrl.u32 s1, $0x2  }
0xc8: {  	s4 =	sand.u32 $0x4000, s31;
	s1 =	sadd.s32 s1, s30  }
0xc9: {  	s0 =	sor.u32 s4, s0;
	s1 =	sshll.u32 s1, $0x11  }
0xca: {  	s0 =	sor.u32 s1, s0  }
0xcb: {  	s0 =	sadd.s32 $0x8F2B, s0  }
0xcc: {  	[sflag:s0] =	ssyncadd.remote.s32 $0x1  }
0xcd: {  	_ =	sfence.sel $0xFFFF  }
0xce: {  	[dreg:$0x0] =	wrdreg $0xFFFFFFFF;
	(pc) =	sbr.abs _section_cstart, $3  }
0xcf: {  	[dreg:$0x1] =	wrdreg $0xFFFFFFFF  }
0xd0: {  	_ =	task.clear_ibuf [dreg:s22], $0x2FFFF;
	_ =	strace $0x9FFFFFFF  }
0xd1: {  	(tm) =	ssettm $0x7FFFFFFF  }
tec
execute0_lowered:
.L_overlay_start_1:
0x0: {  	(tag) =	ssettag $0x1  }
0x1: {  	s0 =	rddreg [dreg:$0x0]  }
0x2: {  	s1 =	rddreg [dreg:$0x1];
	s3 =	simm.s32 $0x0  }
0x3: {  	s2 =	srdreg.scid;
	s10 =	stileid.u32;
	s14 =	simm.s32 $0x80  }
0x4: {  	s15 =	simm.s32 $0x4000;
	s16 =	simm.s32 $0x8000;
	s18 =	simm.s32 $0xC000  }
0x5: {  	s20 =	simm.s32 $0x10000;
	s21 =	simm.s32 $0x1;
	s22 =	simm.s32 $0x5  }
0x6: {  	s23 =	simm.s32 $0x2;
	s28 =	simm.s32 $0x4;
	s29 =	simm.s32 $0x8  }
0x7: {  	s31 =	simm.s32 $0x3E80;
	[smem:$0x7FF] =	sst s3;
	s2 =	sand.u32 $0x1, s2  }
0x8: {  	s5 =	sshll.u32 s10, $0xB;
	s4 =	sadd.s32 $0x55E00, s0;
	s25 =	sshll.u32 s10, $0xC  }
0x9: {  	s26 =	sshll.u32 s10, $0xF;
	s30 =	sshll.u32 s10, $0x6;
	s10 =	simm.s32 $0x9  }
0xa: {  	_ =	strace $0x80000059;
	s6 =	sshll.u32 s2, $0xA;
	s24 =	ssub.s32 $0x2, s2  }
0xb: {  	s2 =	sshll.u32 s2, $0x10;
	s11 =	sadd.s32 s26, s1;
	s12 =	sor.u32 $0x1C09, s30  }
0xc: {  	s26 =	simm.s32 $0x7;
	s5 =	sor.u32 s6, s5;
	s8 =	sshrl.u32 s24, $0x1  }
0xd: {  	s13 =	sshrl.u32 s11, $0x3;
	s11 =	simm.s32 $0x0;
	s7 =	sadd.s32 s5, s0  }
0xe: {  	s0 =	sadd.s32 s25, s0;
	s9 =	ssub.s32 s24, s8;
	s24 =	simm.s32 $0x6  }
0xf: {  	s25 =	simm.s32 $0x3;
	s5 =	sadd.s32 $0xDE00, s7;
	s6 =	sadd.s32 $0x5E00, s7  }
0x10: {  	s7 =	sadd.s32 $0x35E00, s0;
	s0 =	sadd.s32 s2, s0;
	s9 =	smax.u32 s9, $0x1  }
0x11: {  	s2 =	simm.s32 $0x3F80;
	s8 =	sadd.s32 $0xC5E00, s0;
	s0 =	simm.s32 $0x3F00  }
.LBB2_1:
0x12: {  	[tilespmem:s3], [sflag:$0x9] =	stream.linear.gather [hbm4b:s5+s3], $0x2000, $0x38;
	[tilespmem:$0x1C000] =	vst v63  }
0x13: {  	_ =	swait.ge [sflag:s10], $0x2000  }
0x14: {  	[sflag:s10] =	ssyncset.done $0x0  }
0x15: {  	s17 =	simm.s32 $0x2000;
	[sflag:s10] =	ssyncadd.s32 $0xFFFFE000  }
0x16: {  	[tilespmem:s17], [sflag:$0x9] =	stream.linear.gather [hbm4b:s6+s3], $0x2000, $0x38;
	[tilespmem:$0x1C000] =	vst v63  }
0x17: {  	_ =	swait.ge [sflag:s10], $0x2000  }
0x18: {  	[sflag:s10] =	ssyncset.done $0x0  }
0x19: {  	[sflag:s10] =	ssyncadd.s32 $0xFFFFE000  }
0x1a: {  	[spmem:s13], [sflag:s12] =	dma.local [hbm:s7], $0x1000  }
0x1b: {  	_ =	swait.ge [sflag:s10], $0x1000  }
0x1c: {  	[sflag:s10] =	ssyncset.done $0x0  }
0x1d: {  	[sflag:s10] =	ssyncadd.s32 $0xFFFFF000  }
0x1e: {  	[bflag:$0x0] =	sbarrier.arrive $0xFFFF  }
0x1f: {  	[tilespmem:s15], [sflag:$0x1] =	stream.indirect.gather [hbm4b:s4+s14], $0x80, s3, s14, $0xb8;
	[tilespmem:$0x1C000] =	vst v63  }
0x20: {  	_ = 	snop  }
0x21: {  	[tilespmem:s16], [sflag:$0x2] =	stream.indirect.gather [hbm4b:s4+s14], $0x80, s14, s14, $0xb8;
	[tilespmem:$0x1C000] =	vst v63  }
0x22: {  	s30 =	simm.s32 $0x100  }
0x23: {  	[tilespmem:s18], [sflag:$0x3] =	stream.indirect.gather [hbm4b:s4+s14], $0x80, s30, s14, $0xb8;
	[tilespmem:$0x1C000] =	vst v63  }
0x24: {  	s19 =	simm.s32 $0x180  }
0x25: {  	[tilespmem:s20], [sflag:$0x4] =	stream.indirect.gather [hbm4b:s4+s14], $0x80, s19, s14, $0xb8;
	[tilespmem:$0x1C000] =	vst v63  }
0x26: {  	_ =	swait.ge [sflag:s21], $0x4000  }
0x27: {  	[sflag:s21] =	ssyncset.done $0x0  }
0x28: {  	s30 =	simm.s32 $0x2000;
	[sflag:s21] =	ssyncadd.s32 $0xFFFFC000  }
0x29: {  	[spmem:s1] =	stream.indirect.scatter.add.f32 [tilespmem:s15], [sflag:$0x5], $0x80, s30, s14, $0xb8;
	[tilespmem:$0x1C000] =	vst v63  }
0x2a: {  	_ =	swait.ge [sflag:s22], $0x4000  }
0x2b: {  	[sflag:s22] =	ssyncset.done $0x0  }
0x2c: {  	s19 =	simm.s32 $0x200;
	[sflag:s22] =	ssyncadd.s32 $0xFFFFC000  }
0x2d: {  	[tilespmem:s15], [sflag:$0x1] =	stream.indirect.gather [hbm4b:s4+s14], $0x80, s19, s14, $0xb8;
	[tilespmem:$0x1C000] =	vst v63  }
0x2e: {  	_ =	swait.ge [sflag:s23], $0x4000  }
0x2f: {  	[sflag:s23] =	ssyncset.done $0x0  }
0x30: {  	s30 =	simm.s32 $0x2080;
	[sflag:s23] =	ssyncadd.s32 $0xFFFFC000  }
0x31: {  	[spmem:s1] =	stream.indirect.scatter.add.f32 [tilespmem:s16], [sflag:$0x6], $0x80, s30, s14, $0xb8;
	[tilespmem:$0x1C000] =	vst v63  }
0x32: {  	_ =	swait.ge [sflag:s24], $0x4000  }
0x33: {  	[sflag:s24] =	ssyncset.done $0x0  }
0x34: {  	s19 =	simm.s32 $0x280;
	[sflag:s24] =	ssyncadd.s32 $0xFFFFC000  }
0x35: {  	[tilespmem:s16], [sflag:$0x2] =	stream.indirect.gather [hbm4b:s4+s14], $0x80, s19, s14, $0xb8;
	[tilespmem:$0x1C000] =	vst v63  }
0x36: {  	_ =	swait.ge [sflag:s25], $0x4000  }
0x37: {  	[sflag:s25] =	ssyncset.done $0x0  }
0x38: {  	s30 =	simm.s32 $0x2100;
	[sflag:s25] =	ssyncadd.s32 $0xFFFFC000  }
0x39: {  	[spmem:s1] =	stream.indirect.scatter.add.f32 [tilespmem:s18], [sflag:$0x7], $0x80, s30, s14, $0xb8;
	[tilespmem:$0x1C000] =	vst v63  }
0x3a: {  	_ =	swait.ge [sflag:s26], $0x4000  }
0x3b: {  	[sflag:s26] =	ssyncset.done $0x0  }
0x3c: {  	s19 =	simm.s32 $0x300;
	[sflag:s26] =	ssyncadd.s32 $0xFFFFC000  }
0x3d: {  	[tilespmem:s18], [sflag:$0x3] =	stream.indirect.gather [hbm4b:s4+s14], $0x80, s19, s14, $0xb8;
	[tilespmem:$0x1C000] =	vst v63  }
0x3e: {  	_ =	swait.ge [sflag:s28], $0x4000  }
0x3f: {  	[sflag:s28] =	ssyncset.done $0x0  }
0x40: {  	s30 =	simm.s32 $0x2180;
	[sflag:s28] =	ssyncadd.s32 $0xFFFFC000  }
0x41: {  	[spmem:s1] =	stream.indirect.scatter.add.f32 [tilespmem:s20], [sflag:$0x8], $0x80, s30, s14, $0xb8;
	[tilespmem:$0x1C000] =	vst v63  }
0x42: {  	_ =	swait.ge [sflag:s29], $0x4000  }
0x43: {  	[sflag:s29] =	ssyncset.done $0x0  }
0x44: {  	s17 =	simm.s32 $0x800;
	s19 =	simm.s32 $0x380;
	[sflag:s29] =	ssyncadd.s32 $0xFFFFC000  }
.LBB2_2:
0x45: {  	[tilespmem:s20], [sflag:$0x4] =	stream.indirect.gather [hbm4b:s4+s14], $0x80, s19, s14, $0xb8;
	[tilespmem:$0x1C000] =	vst v63  }
0x46: {  	s19 =	smov.u32 s17  }
0x47: {  	p0 =	sne.s32 s17, $0x7000;
	s17 =	sadd.s32 $0x800, s17;
	_ =	swait.ge [sflag:s21], $0x4000  }
0x48: {  	s19 =	sshra.s32 s19, $0x2;
	[sflag:s21] =	ssyncset.done $0x0  }
0x49: {  	s30 =	sadd.s32 $0x2000, s19;
	[sflag:s21] =	ssyncadd.s32 $0xFFFFC000  }
0x4a: {  	[spmem:s1] =	stream.indirect.scatter.add.f32 [tilespmem:s15], [sflag:$0x5], $0x80, s30, s14, $0xb8;
	[tilespmem:$0x1C000] =	vst v63  }
0x4b: {  	_ =	swait.ge [sflag:s22], $0x4000  }
0x4c: {  	[sflag:s22] =	ssyncset.done $0x0  }
0x4d: {  	s30 =	sadd.s32 $0x200, s19;
	[sflag:s22] =	ssyncadd.s32 $0xFFFFC000  }
0x4e: {  	[tilespmem:s15], [sflag:$0x1] =	stream.indirect.gather [hbm4b:s4+s14], $0x80, s30, s14, $0xb8;
	[tilespmem:$0x1C000] =	vst v63  }
0x4f: {  	_ =	swait.ge [sflag:s23], $0x4000  }
0x50: {  	[sflag:s23] =	ssyncset.done $0x0  }
0x51: {  	s30 =	sadd.s32 $0x2080, s19;
	[sflag:s23] =	ssyncadd.s32 $0xFFFFC000  }
0x52: {  	[spmem:s1] =	stream.indirect.scatter.add.f32 [tilespmem:s16], [sflag:$0x6], $0x80, s30, s14, $0xb8;
	[tilespmem:$0x1C000] =	vst v63  }
0x53: {  	_ =	swait.ge [sflag:s24], $0x4000  }
0x54: {  	[sflag:s24] =	ssyncset.done $0x0  }
0x55: {  	s30 =	sadd.s32 $0x280, s19;
	[sflag:s24] =	ssyncadd.s32 $0xFFFFC000  }
0x56: {  	[tilespmem:s16], [sflag:$0x2] =	stream.indirect.gather [hbm4b:s4+s14], $0x80, s30, s14, $0xb8;
	[tilespmem:$0x1C000] =	vst v63  }
0x57: {  	_ =	swait.ge [sflag:s25], $0x4000  }
0x58: {  	[sflag:s25] =	ssyncset.done $0x0  }
0x59: {  	s30 =	sadd.s32 $0x2100, s19;
	[sflag:s25] =	ssyncadd.s32 $0xFFFFC000  }
0x5a: {  	[spmem:s1] =	stream.indirect.scatter.add.f32 [tilespmem:s18], [sflag:$0x7], $0x80, s30, s14, $0xb8;
	[tilespmem:$0x1C000] =	vst v63  }
0x5b: {  	_ =	swait.ge [sflag:s26], $0x4000  }
0x5c: {  	[sflag:s26] =	ssyncset.done $0x0  }
0x5d: {  	s30 =	sadd.s32 $0x300, s19;
	[sflag:s26] =	ssyncadd.s32 $0xFFFFC000  }
0x5e: {  	[tilespmem:s18], [sflag:$0x3] =	stream.indirect.gather [hbm4b:s4+s14], $0x80, s30, s14, $0xb8;
	[tilespmem:$0x1C000] =	vst v63  }
0x5f: {  	_ =	swait.ge [sflag:s28], $0x4000  }
0x60: {  	[sflag:s28] =	ssyncset.done $0x0  }
.Ltmp0:
0x61: {  	s30 =	sadd.s32 $0x2180, s19;
	[sflag:s28] =	ssyncadd.s32 $0xFFFFC000;
	(pc) =	sbr.rel @p0 .LBB2_2-.Ltmp0, $4  }
0x62: {  	[spmem:s1] =	stream.indirect.scatter.add.f32 [tilespmem:s20], [sflag:$0x8], $0x80, s30, s14, $0xb8;
	[tilespmem:$0x1C000] =	vst v63  }
0x63: {  	_ =	swait.ge [sflag:s29], $0x4000  }
0x64: {  	[sflag:s29] =	ssyncset.done $0x0  }
0x65: {  	s19 =	sadd.s32 $0x380, s19;
	[sflag:s29] =	ssyncadd.s32 $0xFFFFC000  }
0x66: {  	[tilespmem:s20], [sflag:$0x4] =	stream.indirect.gather [hbm4b:s4+s14], $0x80, s19, s14, $0xb8;
	[tilespmem:$0x1C000] =	vst v63  }
0x67: {  	_ =	swait.ge [sflag:s21], $0x4000  }
0x68: {  	[sflag:s21] =	ssyncset.done $0x0  }
0x69: {  	s17 =	simm.s32 $0x3E00;
	[sflag:s21] =	ssyncadd.s32 $0xFFFFC000  }
0x6a: {  	[spmem:s1] =	stream.indirect.scatter.add.f32 [tilespmem:s15], [sflag:$0x5], $0x80, s17, s14, $0xb8;
	[tilespmem:$0x1C000] =	vst v63  }
0x6b: {  	_ =	swait.ge [sflag:s23], $0x4000  }
0x6c: {  	[sflag:s23] =	ssyncset.done $0x0  }
0x6d: {  	[sflag:s23] =	ssyncadd.s32 $0xFFFFC000  }
0x6e: {  	[spmem:s1] =	stream.indirect.scatter.add.f32 [tilespmem:s16], [sflag:$0x6], $0x80, s31, s14, $0xb8;
	[tilespmem:$0x1C000] =	vst v63  }
0x6f: {  	_ =	swait.ge [sflag:s25], $0x4000  }
0x70: {  	[sflag:s25] =	ssyncset.done $0x0  }
0x71: {  	[sflag:s25] =	ssyncadd.s32 $0xFFFFC000  }
0x72: {  	[spmem:s1] =	stream.indirect.scatter.add.f32 [tilespmem:s18], [sflag:$0x7], $0x80, s0, s14, $0xb8;
	[tilespmem:$0x1C000] =	vst v63  }
0x73: {  	_ =	swait.ge [sflag:s28], $0x4000  }
0x74: {  	[sflag:s28] =	ssyncset.done $0x0  }
0x75: {  	[sflag:s28] =	ssyncadd.s32 $0xFFFFC000  }
0x76: {  	[spmem:s1] =	stream.indirect.scatter.add.f32 [tilespmem:s20], [sflag:$0x8], $0x80, s2, s14, $0xb8;
	[tilespmem:$0x1C000] =	vst v63  }
0x77: {  	_ =	swait.ge [sflag:s22], $0x4000  }
0x78: {  	[sflag:s22] =	ssyncset.done $0x0  }
0x79: {  	[sflag:s22] =	ssyncadd.s32 $0xFFFFC000  }
0x7a: {  	_ =	swait.ge [sflag:s24], $0x4000  }
0x7b: {  	[sflag:s24] =	ssyncset.done $0x0  }
0x7c: {  	[sflag:s24] =	ssyncadd.s32 $0xFFFFC000  }
0x7d: {  	_ =	swait.ge [sflag:s26], $0x4000  }
0x7e: {  	[sflag:s26] =	ssyncset.done $0x0  }
0x7f: {  	[sflag:s26] =	ssyncadd.s32 $0xFFFFC000  }
0x80: {  	_ =	swait.ge [sflag:s29], $0x4000  }
0x81: {  	[sflag:s29] =	ssyncset.done $0x0  }
0x82: {  	s11 =	sadd.s32 $0x1, s11;
	[sflag:s29] =	ssyncadd.s32 $0xFFFFC000  }
0x83: {  	p0 =	sne.s32 s11, s9;
	[bflag:$0x0] =	sbarrier.arrive $0xFFFF  }
0x84: {  	[hbm:s8], [sflag:s12] =	dma.local [spmem:s13], $0x1000  }
.Ltmp1:
0x85: {  	_ =	swait.ge [sflag:s10], $0x1000;
	(pc) =	sbr.rel @p0 .LBB2_1-.Ltmp1, $3  }
0x86: {  	[sflag:s10] =	ssyncset.done $0x0  }
0x87: {  	[sflag:s10] =	ssyncadd.s32 $0xFFFFF000  }
0x88: {  	[bflag:$0x0] =	sbarrier.arrive $0xFFFF;
	_ =	sdelay $0x1  }
0x89: {  	_ =	sfence.sel $0x180000  }
0x8a: {  	[bflag:$0x0] =	sbarrier.arrive $0xFFFF  }
0x8b: {  	_ =	strace $0x90000059  }
0x8c: {  	s0 =	stileid.u32;
	[bflag:$0x2] =	sbarrier.arrive $0xFFFF  }
0x8d: {  	p0 =	sne.s32 s0, $0x0;
	s0 =	rddreg [dreg:$0x2]  }
0x8e: {  	s0 =	sadd.s32 @!p0 $0x100000, s0  }
0x8f: {  	[sflag:s0] =	ssyncadd.tile.s32 @!p0 $0x1;
	_ =	shalt  }
.Lfunc_end2:
_tile_overlayer_lowered:
.L_overlay_start_2:
0x90: {  	(tag) =	ssettag $0x2  }
0x91: {  	s0 =	rddreg [dreg:$0x0];
	s2 =	stileid.u32  }
0x92: {  	s1 =	rddreg [dreg:$0x1];
	p0 =	sne.s32 s2, $0x0  }
0x93: {  	s3 =	rddreg [dreg:$0x2];
	[bflag:$0x3] =	sbarrier.arrive $0xFFFF;
	s2 =	simm.s32 @!p0 $0x1C09  }
0x94: {  	[timem:s3], [sflag:s2] =	dma.local @!p0 [hbm:s0], s1  }
0x95: {  	s0 =	simm.s32 @!p0 $0x9  }
0x96: {  	_ =	swait.ge @!p0 [sflag:s0], s1  }
0x97: {  	s1 =	ssub.s32 @!p0 $0x0, s1;
	[sflag:s0] =	ssyncset.done @!p0 $0x0  }
0x98: {  	[sflag:s0] =	ssyncadd.s32 @!p0 s1  }
0x99: {  	[bflag:$0x3] =	sbarrier.arrive $0xFFFF  }
0x9a: {  	_ =	shalt  }

</sc_bundles>
